<compile_context>
chip_gen: v7x
topology: tpu7x:2x2x1
jax: 0.10.2.dev20260603
libtpu: 0.0.44.dev20260713+nightly
codegen_flags: <defaults>
</compile_context>

<pallas_src>
import jax
import jax.numpy as jnp
from jax import lax
from jax.experimental import pallas as pl
from jax.experimental.pallas import tpu as pltpu
from jax.experimental.pallas import tpu_sc as plsc

N = 10000
E = 320000
K = 8
D = 16
KD = K * D
W_EXT = 256
NEG = 0.2

NC = 2
NS = 16
EPT = E // NS
C = 80
NCHUNK = EPT // C
HALF = 5120
RPT = HALF // NS
DR = 64
NDR = RPT // DR
DROW = HALF + 8
NDROW = HALF // 8 + 24
ACC_ROWS = DROW + NDROW


def _sel_matrices():
    j = lax.broadcasted_iota(jnp.int32, (KD, K), 0)
    k = lax.broadcasted_iota(jnp.int32, (KD, K), 1)
    S = (j // D == k).astype(jnp.float32)
    k2 = lax.broadcasted_iota(jnp.int32, (K, KD), 0)
    j2 = lax.broadcasted_iota(jnp.int32, (K, KD), 1)
    St = (j2 // D == k2).astype(jnp.float32)
    return S, St


def _attn_perms():
    i = lax.broadcasted_iota(jnp.int32, (2 * KD, KD), 0)
    j = lax.broadcasted_iota(jnp.int32, (2 * KD, KD), 1)
    tgt = (j // D) * (2 * D) + (j % D)
    Pl = (i == tgt).astype(jnp.float32)
    Pr = (i == tgt + D).astype(jnp.float32)
    return Pl, Pr


def _tc1_body(f1_ref, f2_ref, wn_ref, re1_ref, wr1_ref, re2_ref, wr2_ref,
              wu1_ref, bu1_ref, wu2_ref, bu2_ref,
              fs1_ref, er1_ref, fs2_ref, er2_ref, rn1_ref, rn2_ref):
    g1 = jnp.dot(f1_ref[...], wn_ref[...], preferred_element_type=jnp.float32)
    g2 = jnp.dot(f2_ref[...], wn_ref[...], preferred_element_type=jnp.float32)
    Pl, Pr = _attn_perms()
    S, _ = _sel_matrices()
    a1 = jnp.dot(re1_ref[...], wr1_ref[...], preferred_element_type=jnp.float32)
    a2 = jnp.dot(re2_ref[...], wr2_ref[...], preferred_element_type=jnp.float32)
    a1l = jnp.dot(a1, Pl, preferred_element_type=jnp.float32)
    a1r = jnp.dot(a1, Pr, preferred_element_type=jnp.float32)
    a2l = jnp.dot(a2, Pl, preferred_element_type=jnp.float32)
    a2r = jnp.dot(a2, Pr, preferred_element_type=jnp.float32)
    B = g1.shape[0]
    z120 = jnp.zeros((B, W_EXT - KD - K), jnp.float32)
    zer = jnp.zeros((B, KD - K), jnp.float32)
    el1 = jnp.dot(g2 * a1l, S, preferred_element_type=jnp.float32)
    er1 = jnp.dot(g1 * a1r, S, preferred_element_type=jnp.float32)
    fs1_ref[...] = jnp.concatenate([g2, el1, z120], axis=1)
    er1_ref[...] = jnp.concatenate([er1, zer], axis=1)
    el2 = jnp.dot(g1 * a2l, S, preferred_element_type=jnp.float32)
    er2 = jnp.dot(g2 * a2r, S, preferred_element_type=jnp.float32)
    fs2_ref[...] = jnp.concatenate([g1, el2, z120], axis=1)
    er2_ref[...] = jnp.concatenate([er2, zer], axis=1)

    @pl.when(pl.program_id(0) == 0)
    def _():
        rn1_ref[...] = jnp.dot(re1_ref[...], wu1_ref[...],
                               preferred_element_type=jnp.float32) + bu1_ref[...]
        rn2_ref[...] = jnp.dot(re2_ref[...], wu2_ref[...],
                               preferred_element_type=jnp.float32) + bu2_ref[...]


def _tc1(f1, f2, wn, re1, wr1, re2, wr2, wu1, bu1, wu2, bu2):
    B = 1000
    grid = N // B
    full = lambda shape: pl.BlockSpec(shape, lambda i: tuple(0 for _ in shape))
    row = lambda w: pl.BlockSpec((B, w), lambda i: (i, 0))
    return pl.pallas_call(
        _tc1_body,
        grid=(grid,),
        in_specs=[row(KD), row(KD), full((KD, KD)),
                  full((1, 64)), full((64, 256)), full((1, 64)), full((64, 256)),
                  full((64, 64)), full((1, 64)), full((64, 64)), full((1, 64))],
        out_specs=[row(W_EXT), row(KD), row(W_EXT), row(KD),
                   full((1, 64)), full((1, 64))],
        out_shape=[jax.ShapeDtypeStruct((N, W_EXT), jnp.float32),
                   jax.ShapeDtypeStruct((N, KD), jnp.float32),
                   jax.ShapeDtypeStruct((N, W_EXT), jnp.float32),
                   jax.ShapeDtypeStruct((N, KD), jnp.float32),
                   jax.ShapeDtypeStruct((1, 64), jnp.float32),
                   jax.ShapeDtypeStruct((1, 64), jnp.float32)],
    )(f1, f2, wn, re1, wr1, re2, wr2, wu1, bu1, wu2, bu2)


def _sc_body(fs_hbm, er_hbm, src_hbm, dst_hbm, out_hbm, outw_hbm, outd_hbm,
             srcv, dstv, rowv, rowsv, erv, mv, mden, wbuf, dbuf, accsh, sem):
    cid = lax.axis_index("c")
    sid = lax.axis_index("s")
    nbase = cid * HALF
    lanes = lax.iota(jnp.int32, 16)

    def zrow(r, carry):
        for cc in range(KD // 16):
            dbuf[r, pl.ds(cc * 16, 16)] = jnp.zeros((16,), jnp.float32)
        return carry

    lax.fori_loop(0, DR, zrow, 0)

    def zden(i, carry):
        for cc in range(KD // 16):
            mden[i, pl.ds(cc * 16, 16)] = jnp.zeros((16,), jnp.float32)
        return carry

    lax.fori_loop(0, C, zden, 0)

    def init_acc():
        for t in range(NDR):
            pltpu.sync_copy(dbuf, accsh.at[pl.ds(sid * RPT + t * DR, DR)])

        @pl.when(sid == 0)
        def _():
            pltpu.sync_copy(dbuf.at[pl.ds(0, 8)], accsh.at[pl.ds(HALF, 8)])

    def load_indices(c):
        base = pl.multiple_of(sid * EPT + c * C, 8)
        pltpu.sync_copy(src_hbm.at[pl.ds(base, C)], srcv)
        pltpu.sync_copy(dst_hbm.at[pl.ds(base, C)], dstv)

        def rmap(g, rcarry):
            dl = dstv[pl.ds(g * 16, 16)] - nbase
            ok = (dl >= 0) & (dl < HALF)
            rowv[pl.ds(g * 16, 16)] = jnp.where(ok, dl, HALF)
            return rcarry

        lax.fori_loop(0, C // 16, rmap, 0)
        return base

    init_acc()
    plsc.subcore_barrier()

    def chunk_a(c, carry):
        base = load_indices(c)
        pltpu.async_copy(fs_hbm.at[srcv], rowsv, sem).wait()
        pltpu.async_copy(er_hbm.at[dstv], erv, sem).wait()

        def edge(i, ecarry):
            el = rowsv[i, pl.ds(KD, 16)]
            er = erv[i, pl.ds(0, 16)]
            e = el + er
            w = jnp.exp(jnp.where(e >= 0.0, e, e * NEG))
            wbuf[i, pl.ds(0, 16)] = jnp.where(lanes < K, w, 0.0)
            for k in range(K):
                wk = w[k]
                mv[i, pl.ds(k * D, 16)] = rowsv[i, pl.ds(k * D, 16)] * wk
            return ecarry

        lax.fori_loop(0, C, edge, 0)
        pltpu.sync_copy(mv, accsh.at[rowv], add=True)
        pltpu.sync_copy(wbuf, outw_hbm.at[cid, pl.ds(base, C)])
        return carry

    lax.fori_loop(0, NCHUNK, chunk_a, 0)
    plsc.subcore_barrier()
    for t in range(NDR):
        pltpu.sync_copy(accsh.at[pl.ds(sid * RPT + t * DR, DR)], dbuf)
        pltpu.sync_copy(dbuf, out_hbm.at[cid, pl.ds(sid * RPT + t * DR, DR)])
    plsc.subcore_barrier()

    lax.fori_loop(0, DR, zrow, 0)
    init_acc()
    plsc.subcore_barrier()

    def chunk_b(c, carry):
        base = load_indices(c)
        pltpu.sync_copy(outw_hbm.at[cid, pl.ds(base, C)], wbuf)

        def edge(i, ecarry):
            mden[i, pl.ds(0, 16)] = wbuf[i, pl.ds(0, 16)]
            return ecarry

        lax.fori_loop(0, C, edge, 0)
        pltpu.sync_copy(mden, accsh.at[rowv], add=True)
        return carry

    lax.fori_loop(0, NCHUNK, chunk_b, 0)
    plsc.subcore_barrier()
    for t in range(NDR):
        pltpu.sync_copy(accsh.at[pl.ds(sid * RPT + t * DR, DR)], dbuf)
        pltpu.sync_copy(dbuf, outd_hbm.at[cid, pl.ds(sid * RPT + t * DR, DR)])


_sc_edge_pass = pl.kernel(
    _sc_body,
    mesh=plsc.VectorSubcoreMesh(core_axis_name="c", subcore_axis_name="s"),
    out_type=[jax.ShapeDtypeStruct((NC, HALF, KD), jnp.float32),
              jax.ShapeDtypeStruct((NC, E, 16), jnp.float32),
              jax.ShapeDtypeStruct((NC, HALF, KD), jnp.float32)],
    scratch_types=[
        pltpu.VMEM((C,), jnp.int32),
        pltpu.VMEM((C,), jnp.int32),
        pltpu.VMEM((C,), jnp.int32),
        pltpu.VMEM((C, W_EXT), jnp.float32),
        pltpu.VMEM((C, KD), jnp.float32),
        pltpu.VMEM((C, KD), jnp.float32),
        pltpu.VMEM((C, KD), jnp.float32),
        pltpu.VMEM((C, 16), jnp.float32),
        pltpu.VMEM((DR, KD), jnp.float32),
        pltpu.VMEM_SHARED((HALF + 8, KD), jnp.float32),
        pltpu.SemaphoreType.DMA,
    ],
)


def _tc2_body(x1_ref, x2_ref, d1_ref, d2_ref, f1_ref, f2_ref, wres_ref,
              bres_ref, resw_ref, ra1_ref, ra2_ref, out1_ref, out2_ref):
    S, St = _sel_matrices()
    alpha = jax.nn.sigmoid(resw_ref[0, 0])

    def finish(x_ref, d_ref, f_ref):
        num = x_ref[...]
        den = d_ref[...]
        dfull = jnp.dot(den, St, preferred_element_type=jnp.float32)
        h = jnp.maximum(num / (dfull + 1e-16), 0.0)
        res = jnp.dot(f_ref[...], wres_ref[...],
                      preferred_element_type=jnp.float32) + bres_ref[...]
        return h * alpha + res * (1.0 - alpha)

    h1 = finish(x1_ref, d1_ref, f1_ref)
    h2 = finish(x2_ref, d2_ref, f2_ref)

    def crossing(ra_ref):
        ra = ra_ref[...]
        l1 = jnp.dot(h1 * ra, S, preferred_element_type=jnp.float32)
        l2 = jnp.dot(h2 * ra, S, preferred_element_type=jnp.float32)
        l1 = jnp.where(l1 >= 0.0, l1, l1 * NEG)
        l2 = jnp.where(l2 >= 0.0, l2, l2 * NEG)
        e1 = jnp.exp(l1)
        e2 = jnp.exp(l2)
        s = e1 + e2
        w1 = jnp.dot(e1 / s, St, preferred_element_type=jnp.float32)
        w2 = jnp.dot(e2 / s, St, preferred_element_type=jnp.float32)
        return h1 * w1 + h2 * w2

    out1_ref[...] = crossing(ra1_ref)
    out2_ref[...] = crossing(ra2_ref)


def _tc2(x1, x2, d1, d2, f1, f2, wres, bres, resw, ra1, ra2):
    B = 512
    npb = HALF // B
    grid = (NC * HALF) // B
    full = lambda shape: pl.BlockSpec(shape, lambda i: tuple(0 for _ in shape))
    row = lambda w: pl.BlockSpec((B, w), lambda i: (i, 0))
    dspec = pl.BlockSpec((B, K), lambda i: (i, 0))
    return pl.pallas_call(
        _tc2_body,
        grid=(grid,),
        in_specs=[row(KD), row(KD), dspec, dspec, row(KD), row(KD),
                  full((KD, KD)), full((1, KD)), full((1, 1)),
                  full((1, KD)), full((1, KD))],
        out_specs=[row(KD), row(KD)],
        out_shape=[jax.ShapeDtypeStruct((NC * HALF, KD), jnp.float32),
                   jax.ShapeDtypeStruct((NC * HALF, KD), jnp.float32)],
    )(x1, x2, d1, d2, f1, f2, wres, bres, resw, ra1, ra2)


def kernel(feat_r1, feat_r2, edge_index_r1, edge_index_r2, rel_emb_r1,
           rel_emb_r2, W_node, W_rel_r1, W_rel_r2, W_res, b_res, res_w,
           W_upd_r1, b_upd_r1, W_upd_r2, b_upd_r2, rel_attn_r1, rel_attn_r2):
    fs1, er1, fs2, er2, rn1, rn2 = _tc1(
        feat_r1, feat_r2, W_node,
        rel_emb_r1.reshape(1, 64), W_rel_r1,
        rel_emb_r2.reshape(1, 64), W_rel_r2,
        W_upd_r1, b_upd_r1.reshape(1, 64),
        W_upd_r2, b_upd_r2.reshape(1, 64))
    acc1, _, dac1 = _sc_edge_pass(fs1, er1, edge_index_r1[0], edge_index_r1[1])
    acc2, _, dac2 = _sc_edge_pass(fs2, er2, edge_index_r2[0], edge_index_r2[1])

    def unpack(acc, dac):
        x = jnp.concatenate([acc[0, :HALF], acc[1, :HALF]], axis=0)
        d = jnp.concatenate([dac[0, :HALF, :K], dac[1, :HALF, :K]], axis=0)
        return x, d

    x1, d1 = unpack(acc1, dac1)
    x2, d2 = unpack(acc2, dac2)
    zf = jnp.zeros((NC * HALF - N, KD), jnp.float32)
    f1p = jnp.concatenate([feat_r1, zf], axis=0)
    f2p = jnp.concatenate([feat_r2, zf], axis=0)
    out1, out2 = _tc2(x1, x2, d1, d2, f1p, f2p, W_res,
                      b_res.reshape(1, KD), res_w.reshape(1, 1),
                      rel_attn_r1.reshape(1, KD), rel_attn_r2.reshape(1, KD))
    return out1[:N], out2[:N], rn1.reshape(64), rn2.reshape(64)

# --- scband reference (transcript-rebuilt; emitter-appended) ---
"""Pipeline reference for scband-rhgnnlayer-70025146794671 (READ-ONLY COPY).

The authoritative reference and input builder live on the scoring server;
editing this copy changes nothing except your own understanding.
"""

import jax, jax.numpy as jnp
import numpy as np

N = 10000
E = 320000
D_IN = 128
D_OUT = 16
K = 8
R_IN = 64
R_OUT = 8
NEG = 0.2


def setup_inputs(seed: int = 0) -> dict:
    key = jax.random.key(seed)
    ks = jax.random.split(key, 18)
    inp = {}
    inp['feat_r1'] = jax.random.normal(ks[0], (N, D_IN), dtype=jnp.float32)
    inp['feat_r2'] = jax.random.normal(ks[1], (N, D_IN), dtype=jnp.float32)
    inp['edge_index_r1'] = jax.random.randint(ks[2], (2, E), 0, N, dtype=jnp.int32)
    inp['edge_index_r2'] = jax.random.randint(ks[3], (2, E), 0, N, dtype=jnp.int32)
    inp['rel_emb_r1'] = jax.random.normal(ks[4], (R_IN,), dtype=jnp.float32)
    inp['rel_emb_r2'] = jax.random.normal(ks[5], (R_IN,), dtype=jnp.float32)
    inp['W_node'] = jax.random.normal(ks[6], (D_IN, K * D_OUT), dtype=jnp.float32) / np.sqrt(D_IN)
    inp['W_rel_r1'] = jax.random.normal(ks[7], (R_IN, 2 * K * D_OUT), dtype=jnp.float32) / np.sqrt(R_IN)
    inp['W_rel_r2'] = jax.random.normal(ks[8], (R_IN, 2 * K * D_OUT), dtype=jnp.float32) / np.sqrt(R_IN)
    inp['W_res'] = jax.random.normal(ks[9], (D_IN, K * D_OUT), dtype=jnp.float32) / np.sqrt(D_IN)
    inp['b_res'] = jnp.zeros((K * D_OUT,), dtype=jnp.float32)
    inp['res_w'] = jax.random.uniform(ks[10], (1,), dtype=jnp.float32)
    inp['W_upd_r1'] = jax.random.normal(ks[11], (R_IN, K * R_OUT), dtype=jnp.float32) / np.sqrt(R_IN)
    inp['b_upd_r1'] = jnp.zeros((K * R_OUT,), dtype=jnp.float32)
    inp['W_upd_r2'] = jax.random.normal(ks[12], (R_IN, K * R_OUT), dtype=jnp.float32) / np.sqrt(R_IN)
    inp['b_upd_r2'] = jnp.zeros((K * R_OUT,), dtype=jnp.float32)
    inp['rel_attn_r1'] = jax.random.normal(ks[13], (K, D_OUT), dtype=jnp.float32) / np.sqrt(D_OUT)
    inp['rel_attn_r2'] = jax.random.normal(ks[14], (K, D_OUT), dtype=jnp.float32) / np.sqrt(D_OUT)
    return inp


def _rel_conv(feat_src_in, feat_dst_in, edge_index, rel_emb, W_node, W_rel):
    # RelationGraphConv: GAT-style attention with relation-derived attention vector
    fs = (feat_src_in @ W_node).reshape(-1, K, D_OUT)
    fd = (feat_dst_in @ W_node).reshape(-1, K, D_OUT)
    attn = (rel_emb @ W_rel).reshape(K, 2 * D_OUT)
    el = (fs * attn[:, :D_OUT]).sum(axis=-1, keepdims=True)
    er = (fd * attn[:, D_OUT:]).sum(axis=-1, keepdims=True)
    src, dst = edge_index[0], edge_index[1]
    e = jax.nn.leaky_relu(el[src] + er[dst], NEG)
    emax = jax.lax.stop_gradient(jax.ops.segment_max(e, dst, num_segments=N))
    emax = jnp.where(jnp.isfinite(emax), emax, 0.0)
    a = jnp.exp(e - emax[dst])
    denom = jax.ops.segment_sum(a, dst, num_segments=N)
    a = a / (denom[dst] + 1e-16)
    m = fs[src] * a
    ft = jax.ops.segment_sum(m, dst, num_segments=N)
    return jax.nn.relu(ft.reshape(-1, K * D_OUT))


def _crossing(stacked, rel_attn):
    # RelationCrossing: attention over the relation axis (axis 0)
    f = stacked.reshape(stacked.shape[0], -1, K, D_OUT)
    s = (rel_attn * f).sum(axis=-1, keepdims=True)
    s = jax.nn.softmax(jax.nn.leaky_relu(s, NEG), axis=0)
    return (s * f).sum(axis=0).reshape(-1, K * D_OUT)


def reference(feat_r1, feat_r2, edge_index_r1, edge_index_r2, rel_emb_r1, rel_emb_r2, W_node, W_rel_r1, W_rel_r2, W_res, b_res, res_w, W_upd_r1, b_upd_r1, W_upd_r2, b_upd_r2, rel_attn_r1, rel_attn_r2):
    # per-relation conv; src features come from the reverse relation's dst features
    h_r1 = _rel_conv(feat_r2, feat_r1, edge_index_r1, rel_emb_r1, W_node, W_rel_r1)
    h_r2 = _rel_conv(feat_r1, feat_r2, edge_index_r2, rel_emb_r2, W_node, W_rel_r2)
    # residual connection with learned gate
    alpha = jax.nn.sigmoid(res_w)
    h_r1 = h_r1 * alpha + (feat_r1 @ W_res + b_res) * (1.0 - alpha)
    h_r2 = h_r2 * alpha + (feat_r2 @ W_res + b_res) * (1.0 - alpha)
    # cross-relation message passing (both relations share dtype 'node')
    stacked = jnp.stack([h_r1, h_r2], axis=0)
    out_r1 = _crossing(stacked, rel_attn_r1)
    out_r2 = _crossing(stacked, rel_attn_r2)
    # relation representation update
    rel_new_r1 = rel_emb_r1 @ W_upd_r1 + b_upd_r1
    rel_new_r2 = rel_emb_r2 @ W_upd_r2 + b_upd_r2
    return out_r1, out_r2, rel_new_r1, rel_new_r2

if __name__ == "__main__":
    import jax
    _d = setup_inputs()
    print(jax.jit(kernel)(*tuple(_d.values())))

</pallas_src>

<mosaic_0001>
#map = affine_map<(d0, d1) -> (0, 0)>
#map1 = affine_map<(d0, d1) -> (0)>
#map2 = affine_map<(d0, d1) -> (0, 0, 0)>
module attributes {stable_mosaic.version = 14 : i64} {
  func.func @_sc_body(%arg0: i32, %arg1: i32, %arg2: memref<10000x256xf32, #tpu.memory_space<hbm>>, %arg3: memref<10000x128xf32, #tpu.memory_space<hbm>>, %arg4: memref<320000xi32, #tpu.memory_space<hbm>>, %arg5: memref<320000xi32, #tpu.memory_space<hbm>>, %arg6: memref<2x5120x128xf32, #tpu.memory_space<hbm>>, %arg7: memref<2x320000x16xf32, #tpu.memory_space<hbm>>, %arg8: memref<2x5120x128xf32, #tpu.memory_space<hbm>>, %arg9: memref<80xi32, #tpu.memory_space<vmem>>, %arg10: memref<80xi32, #tpu.memory_space<vmem>>, %arg11: memref<80xi32, #tpu.memory_space<vmem>>, %arg12: memref<80x256xf32, #tpu.memory_space<vmem>>, %arg13: memref<80x128xf32, #tpu.memory_space<vmem>>, %arg14: memref<80x128xf32, #tpu.memory_space<vmem>>, %arg15: memref<80x128xf32, #tpu.memory_space<vmem>>, %arg16: memref<80x16xf32, #tpu.memory_space<vmem>>, %arg17: memref<64x128xf32, #tpu.memory_space<vmem>>, %arg18: memref<5128x128xf32, #tpu.memory_space<vmem_shared>>, %arg19: memref<!tpu.dma_semaphore, #tpu.memory_space<semaphore_mem>>) attributes {dimension_semantics = [#tpu.dimension_semantics<core_parallel>, #tpu.dimension_semantics<subcore_parallel>], iteration_bounds = array<i64: 2, 16>, scalar_prefetch = 0 : i64, scratch_operands = 11 : i64, tpu.core_type = #tpu.core_type<sc_vector_subcore>, window_params = [{transform_indices = #map}, {transform_indices = #map}, {transform_indices = #map1}, {transform_indices = #map1}, {transform_indices = #map2}, {transform_indices = #map2}, {transform_indices = #map2}]} {
    %mul3A = arith.constant 5120 : i32
    %mul3A_0 = arith.muli %arg0, %mul3A : i32
    %iota3A = tpu.iota {dimensions = array<i32: 0>} : vector<16xi32>
    %scan3A = arith.constant 0 : i32
    %scan3A_1 = arith.constant 0 : i32
    %scan3A_2 = arith.constant 64 : i32
    %scan3A_3 = arith.addi %scan3A_1, %scan3A_2 : i32
    %scan3A_4 = arith.constant 1 : i32
    scf.for %scan3A_160 = %scan3A_1 to %scan3A_3 step %scan3A_4  : i32 {
      %broadcast_in_dim3A = arith.constant 0.000000e+00 : f32
      %broadcast_in_dim3A_161 = vector.broadcast %broadcast_in_dim3A : f32 to vector<16xf32>
      %swap3A = arith.index_cast %scan3A_160 : i32 to index
      %swap3A_162 = arith.constant 0 : index
      %swap3A_163 = tpu.vector_load %arg17[%swap3A, %swap3A_162] {strides = array<i32>} : memref<64x128xf32, #tpu.memory_space<vmem>>, vector<1x16xf32>,
      %swap3A_164 = vector.shape_cast %swap3A_163 : vector<1x16xf32> to vector<16xf32>
      %swap3A_165 = vector.shape_cast %broadcast_in_dim3A_161 : vector<16xf32> to vector<1x16xf32>
      tpu.vector_store %arg17[%swap3A, %swap3A_162], %swap3A_165 {strides = array<i32>} : memref<64x128xf32, #tpu.memory_space<vmem>>, vector<1x16xf32>,
      %broadcast_in_dim3A_166 = arith.constant 0.000000e+00 : f32
      %broadcast_in_dim3A_167 = vector.broadcast %broadcast_in_dim3A_166 : f32 to vector<16xf32>
      %swap3A_168 = arith.index_cast %scan3A_160 : i32 to index
      %swap3A_169 = arith.constant 16 : index
      %swap3A_170 = tpu.vector_load %arg17[%swap3A_168, %swap3A_169] {strides = array<i32>} : memref<64x128xf32, #tpu.memory_space<vmem>>, vector<1x16xf32>,
      %swap3A_171 = vector.shape_cast %swap3A_170 : vector<1x16xf32> to vector<16xf32>
      %swap3A_172 = vector.shape_cast %broadcast_in_dim3A_167 : vector<16xf32> to vector<1x16xf32>
      tpu.vector_store %arg17[%swap3A_168, %swap3A_169], %swap3A_172 {strides = array<i32>} : memref<64x128xf32, #tpu.memory_space<vmem>>, vector<1x16xf32>,
      %broadcast_in_dim3A_173 = arith.constant 0.000000e+00 : f32
      %broadcast_in_dim3A_174 = vector.broadcast %broadcast_in_dim3A_173 : f32 to vector<16xf32>
      %swap3A_175 = arith.index_cast %scan3A_160 : i32 to index
      %swap3A_176 = arith.constant 32 : index
      %swap3A_177 = tpu.vector_load %arg17[%swap3A_175, %swap3A_176] {strides = array<i32>} : memref<64x128xf32, #tpu.memory_space<vmem>>, vector<1x16xf32>,
      %swap3A_178 = vector.shape_cast %swap3A_177 : vector<1x16xf32> to vector<16xf32>
      %swap3A_179 = vector.shape_cast %broadcast_in_dim3A_174 : vector<16xf32> to vector<1x16xf32>
      tpu.vector_store %arg17[%swap3A_175, %swap3A_176], %swap3A_179 {strides = array<i32>} : memref<64x128xf32, #tpu.memory_space<vmem>>, vector<1x16xf32>,
      %broadcast_in_dim3A_180 = arith.constant 0.000000e+00 : f32
      %broadcast_in_dim3A_181 = vector.broadcast %broadcast_in_dim3A_180 : f32 to vector<16xf32>
      %swap3A_182 = arith.index_cast %scan3A_160 : i32 to index
      %swap3A_183 = arith.constant 48 : index
      %swap3A_184 = tpu.vector_load %arg17[%swap3A_182, %swap3A_183] {strides = array<i32>} : memref<64x128xf32, #tpu.memory_space<vmem>>, vector<1x16xf32>,
      %swap3A_185 = vector.shape_cast %swap3A_184 : vector<1x16xf32> to vector<16xf32>
      %swap3A_186 = vector.shape_cast %broadcast_in_dim3A_181 : vector<16xf32> to vector<1x16xf32>
      tpu.vector_store %arg17[%swap3A_182, %swap3A_183], %swap3A_186 {strides = array<i32>} : memref<64x128xf32, #tpu.memory_space<vmem>>, vector<1x16xf32>,
      %broadcast_in_dim3A_187 = arith.constant 0.000000e+00 : f32
      %broadcast_in_dim3A_188 = vector.broadcast %broadcast_in_dim3A_187 : f32 to vector<16xf32>
      %swap3A_189 = arith.index_cast %scan3A_160 : i32 to index
      %swap3A_190 = arith.constant 64 : index
      %swap3A_191 = tpu.vector_load %arg17[%swap3A_189, %swap3A_190] {strides = array<i32>} : memref<64x128xf32, #tpu.memory_space<vmem>>, vector<1x16xf32>,
      %swap3A_192 = vector.shape_cast %swap3A_191 : vector<1x16xf32> to vector<16xf32>
      %swap3A_193 = vector.shape_cast %broadcast_in_dim3A_188 : vector<16xf32> to vector<1x16xf32>
      tpu.vector_store %arg17[%swap3A_189, %swap3A_190], %swap3A_193 {strides = array<i32>} : memref<64x128xf32, #tpu.memory_space<vmem>>, vector<1x16xf32>,
      %broadcast_in_dim3A_194 = arith.constant 0.000000e+00 : f32
      %broadcast_in_dim3A_195 = vector.broadcast %broadcast_in_dim3A_194 : f32 to vector<16xf32>
      %swap3A_196 = arith.index_cast %scan3A_160 : i32 to index
      %swap3A_197 = arith.constant 80 : index
      %swap3A_198 = tpu.vector_load %arg17[%swap3A_196, %swap3A_197] {strides = array<i32>} : memref<64x128xf32, #tpu.memory_space<vmem>>, vector<1x16xf32>,
      %swap3A_199 = vector.shape_cast %swap3A_198 : vector<1x16xf32> to vector<16xf32>
      %swap3A_200 = vector.shape_cast %broadcast_in_dim3A_195 : vector<16xf32> to vector<1x16xf32>
      tpu.vector_store %arg17[%swap3A_196, %swap3A_197], %swap3A_200 {strides = array<i32>} : memref<64x128xf32, #tpu.memory_space<vmem>>, vector<1x16xf32>,
      %broadcast_in_dim3A_201 = arith.constant 0.000000e+00 : f32
      %broadcast_in_dim3A_202 = vector.broadcast %broadcast_in_dim3A_201 : f32 to vector<16xf32>
      %swap3A_203 = arith.index_cast %scan3A_160 : i32 to index
      %swap3A_204 = arith.constant 96 : index
      %swap3A_205 = tpu.vector_load %arg17[%swap3A_203, %swap3A_204] {strides = array<i32>} : memref<64x128xf32, #tpu.memory_space<vmem>>, vector<1x16xf32>,
      %swap3A_206 = vector.shape_cast %swap3A_205 : vector<1x16xf32> to vector<16xf32>
      %swap3A_207 = vector.shape_cast %broadcast_in_dim3A_202 : vector<16xf32> to vector<1x16xf32>
      tpu.vector_store %arg17[%swap3A_203, %swap3A_204], %swap3A_207 {strides = array<i32>} : memref<64x128xf32, #tpu.memory_space<vmem>>, vector<1x16xf32>,
      %broadcast_in_dim3A_208 = arith.constant 0.000000e+00 : f32
      %broadcast_in_dim3A_209 = vector.broadcast %broadcast_in_dim3A_208 : f32 to vector<16xf32>
      %swap3A_210 = arith.index_cast %scan3A_160 : i32 to index
      %swap3A_211 = arith.constant 112 : index
      %swap3A_212 = tpu.vector_load %arg17[%swap3A_210, %swap3A_211] {strides = array<i32>} : memref<64x128xf32, #tpu.memory_space<vmem>>, vector<1x16xf32>,
      %swap3A_213 = vector.shape_cast %swap3A_212 : vector<1x16xf32> to vector<16xf32>
      %swap3A_214 = vector.shape_cast %broadcast_in_dim3A_209 : vector<16xf32> to vector<1x16xf32>
      tpu.vector_store %arg17[%swap3A_210, %swap3A_211], %swap3A_214 {strides = array<i32>} : memref<64x128xf32, #tpu.memory_space<vmem>>, vector<1x16xf32>,
    }
    %scan3A_5 = arith.constant 64 : i32
    %scan3A_6 = arith.constant 0 : i32
    %scan3A_7 = arith.constant 0 : i32
    %scan3A_8 = arith.constant 80 : i32
    %scan3A_9 = arith.addi %scan3A_7, %scan3A_8 : i32
    %scan3A_10 = arith.constant 1 : i32
    scf.for %scan3A_160 = %scan3A_7 to %scan3A_9 step %scan3A_10  : i32 {
      %broadcast_in_dim3A = arith.constant 0.000000e+00 : f32
      %broadcast_in_dim3A_161 = vector.broadcast %broadcast_in_dim3A : f32 to vector<16xf32>
      %swap3A = arith.index_cast %scan3A_160 : i32 to index
      %swap3A_162 = arith.constant 0 : index
      %swap3A_163 = tpu.vector_load %arg15[%swap3A, %swap3A_162] {strides = array<i32>} : memref<80x128xf32, #tpu.memory_space<vmem>>, vector<1x16xf32>,
      %swap3A_164 = vector.shape_cast %swap3A_163 : vector<1x16xf32> to vector<16xf32>
      %swap3A_165 = vector.shape_cast %broadcast_in_dim3A_161 : vector<16xf32> to vector<1x16xf32>
      tpu.vector_store %arg15[%swap3A, %swap3A_162], %swap3A_165 {strides = array<i32>} : memref<80x128xf32, #tpu.memory_space<vmem>>, vector<1x16xf32>,
      %broadcast_in_dim3A_166 = arith.constant 0.000000e+00 : f32
      %broadcast_in_dim3A_167 = vector.broadcast %broadcast_in_dim3A_166 : f32 to vector<16xf32>
      %swap3A_168 = arith.index_cast %scan3A_160 : i32 to index
      %swap3A_169 = arith.constant 16 : index
      %swap3A_170 = tpu.vector_load %arg15[%swap3A_168, %swap3A_169] {strides = array<i32>} : memref<80x128xf32, #tpu.memory_space<vmem>>, vector<1x16xf32>,
      %swap3A_171 = vector.shape_cast %swap3A_170 : vector<1x16xf32> to vector<16xf32>
      %swap3A_172 = vector.shape_cast %broadcast_in_dim3A_167 : vector<16xf32> to vector<1x16xf32>
      tpu.vector_store %arg15[%swap3A_168, %swap3A_169], %swap3A_172 {strides = array<i32>} : memref<80x128xf32, #tpu.memory_space<vmem>>, vector<1x16xf32>,
      %broadcast_in_dim3A_173 = arith.constant 0.000000e+00 : f32
      %broadcast_in_dim3A_174 = vector.broadcast %broadcast_in_dim3A_173 : f32 to vector<16xf32>
      %swap3A_175 = arith.index_cast %scan3A_160 : i32 to index
      %swap3A_176 = arith.constant 32 : index
      %swap3A_177 = tpu.vector_load %arg15[%swap3A_175, %swap3A_176] {strides = array<i32>} : memref<80x128xf32, #tpu.memory_space<vmem>>, vector<1x16xf32>,
      %swap3A_178 = vector.shape_cast %swap3A_177 : vector<1x16xf32> to vector<16xf32>
      %swap3A_179 = vector.shape_cast %broadcast_in_dim3A_174 : vector<16xf32> to vector<1x16xf32>
      tpu.vector_store %arg15[%swap3A_175, %swap3A_176], %swap3A_179 {strides = array<i32>} : memref<80x128xf32, #tpu.memory_space<vmem>>, vector<1x16xf32>,
      %broadcast_in_dim3A_180 = arith.constant 0.000000e+00 : f32
      %broadcast_in_dim3A_181 = vector.broadcast %broadcast_in_dim3A_180 : f32 to vector<16xf32>
      %swap3A_182 = arith.index_cast %scan3A_160 : i32 to index
      %swap3A_183 = arith.constant 48 : index
      %swap3A_184 = tpu.vector_load %arg15[%swap3A_182, %swap3A_183] {strides = array<i32>} : memref<80x128xf32, #tpu.memory_space<vmem>>, vector<1x16xf32>,
      %swap3A_185 = vector.shape_cast %swap3A_184 : vector<1x16xf32> to vector<16xf32>
      %swap3A_186 = vector.shape_cast %broadcast_in_dim3A_181 : vector<16xf32> to vector<1x16xf32>
      tpu.vector_store %arg15[%swap3A_182, %swap3A_183], %swap3A_186 {strides = array<i32>} : memref<80x128xf32, #tpu.memory_space<vmem>>, vector<1x16xf32>,
      %broadcast_in_dim3A_187 = arith.constant 0.000000e+00 : f32
      %broadcast_in_dim3A_188 = vector.broadcast %broadcast_in_dim3A_187 : f32 to vector<16xf32>
      %swap3A_189 = arith.index_cast %scan3A_160 : i32 to index
      %swap3A_190 = arith.constant 64 : index
      %swap3A_191 = tpu.vector_load %arg15[%swap3A_189, %swap3A_190] {strides = array<i32>} : memref<80x128xf32, #tpu.memory_space<vmem>>, vector<1x16xf32>,
      %swap3A_192 = vector.shape_cast %swap3A_191 : vector<1x16xf32> to vector<16xf32>
      %swap3A_193 = vector.shape_cast %broadcast_in_dim3A_188 : vector<16xf32> to vector<1x16xf32>
      tpu.vector_store %arg15[%swap3A_189, %swap3A_190], %swap3A_193 {strides = array<i32>} : memref<80x128xf32, #tpu.memory_space<vmem>>, vector<1x16xf32>,
      %broadcast_in_dim3A_194 = arith.constant 0.000000e+00 : f32
      %broadcast_in_dim3A_195 = vector.broadcast %broadcast_in_dim3A_194 : f32 to vector<16xf32>
      %swap3A_196 = arith.index_cast %scan3A_160 : i32 to index
      %swap3A_197 = arith.constant 80 : index
      %swap3A_198 = tpu.vector_load %arg15[%swap3A_196, %swap3A_197] {strides = array<i32>} : memref<80x128xf32, #tpu.memory_space<vmem>>, vector<1x16xf32>,
      %swap3A_199 = vector.shape_cast %swap3A_198 : vector<1x16xf32> to vector<16xf32>
      %swap3A_200 = vector.shape_cast %broadcast_in_dim3A_195 : vector<16xf32> to vector<1x16xf32>
      tpu.vector_store %arg15[%swap3A_196, %swap3A_197], %swap3A_200 {strides = array<i32>} : memref<80x128xf32, #tpu.memory_space<vmem>>, vector<1x16xf32>,
      %broadcast_in_dim3A_201 = arith.constant 0.000000e+00 : f32
      %broadcast_in_dim3A_202 = vector.broadcast %broadcast_in_dim3A_201 : f32 to vector<16xf32>
      %swap3A_203 = arith.index_cast %scan3A_160 : i32 to index
      %swap3A_204 = arith.constant 96 : index
      %swap3A_205 = tpu.vector_load %arg15[%swap3A_203, %swap3A_204] {strides = array<i32>} : memref<80x128xf32, #tpu.memory_space<vmem>>, vector<1x16xf32>,
      %swap3A_206 = vector.shape_cast %swap3A_205 : vector<1x16xf32> to vector<16xf32>
      %swap3A_207 = vector.shape_cast %broadcast_in_dim3A_202 : vector<16xf32> to vector<1x16xf32>
      tpu.vector_store %arg15[%swap3A_203, %swap3A_204], %swap3A_207 {strides = array<i32>} : memref<80x128xf32, #tpu.memory_space<vmem>>, vector<1x16xf32>,
      %broadcast_in_dim3A_208 = arith.constant 0.000000e+00 : f32
      %broadcast_in_dim3A_209 = vector.broadcast %broadcast_in_dim3A_208 : f32 to vector<16xf32>
      %swap3A_210 = arith.index_cast %scan3A_160 : i32 to index
      %swap3A_211 = arith.constant 112 : index
      %swap3A_212 = tpu.vector_load %arg15[%swap3A_210, %swap3A_211] {strides = array<i32>} : memref<80x128xf32, #tpu.memory_space<vmem>>, vector<1x16xf32>,
      %swap3A_213 = vector.shape_cast %swap3A_212 : vector<1x16xf32> to vector<16xf32>
      %swap3A_214 = vector.shape_cast %broadcast_in_dim3A_209 : vector<16xf32> to vector<1x16xf32>
      tpu.vector_store %arg15[%swap3A_210, %swap3A_211], %swap3A_214 {strides = array<i32>} : memref<80x128xf32, #tpu.memory_space<vmem>>, vector<1x16xf32>,
    }
    %scan3A_11 = arith.constant 80 : i32
    %mul3A_12 = arith.constant 320 : i32
    %mul3A_13 = arith.muli %arg1, %mul3A_12 : i32
    %add3A = arith.constant 0 : i32
    %add3A_14 = arith.addi %mul3A_13, %add3A : i32
    "tpu.region"() ({
      %run_scoped3A = tpu.sem_alloc : memref<!tpu.dma_semaphore, #tpu.memory_space<semaphore_mem>>
      %dma_start3A = arith.constant 0 : i32
      %dma_start3A_160 = tpu.memref_slice %arg18[%add3A_14, %dma_start3A] : memref<5128x128xf32, #tpu.memory_space<vmem_shared>> -> memref<64x128xf32, #tpu.memory_space<vmem_shared>>
      %dma_start3A_161 = arith.constant 0 : i32
      %dma_start3A_162 = tpu.memref_slice %arg18[%add3A_14, %dma_start3A_161] : memref<5128x128xf32, #tpu.memory_space<vmem_shared>> -> memref<64x128xf32, #tpu.memory_space<vmem_shared>>
      tpu.enqueue_dma source(%arg17 : memref<64x128xf32, #tpu.memory_space<vmem>>) target(%dma_start3A_162 : memref<64x128xf32, #tpu.memory_space<vmem_shared>>) target_semaphore(%run_scoped3A : memref<!tpu.dma_semaphore, #tpu.memory_space<semaphore_mem>>)
      %dma_wait3A = arith.constant 0 : i32
      %dma_wait3A_163 = tpu.memref_slice %arg18[%add3A_14, %dma_wait3A] : memref<5128x128xf32, #tpu.memory_space<vmem_shared>> -> memref<64x128xf32, #tpu.memory_space<vmem_shared>>
      %dma_wait3A_164 = arith.constant 0 : i32
      %dma_wait3A_165 = tpu.memref_slice %arg18[%add3A_14, %dma_wait3A_164] : memref<5128x128xf32, #tpu.memory_space<vmem_shared>> -> memref<64x128xf32, #tpu.memory_space<vmem_shared>>
      tpu.wait_dma2 semaphore(%run_scoped3A : memref<!tpu.dma_semaphore, #tpu.memory_space<semaphore_mem>>) src(%arg17 : memref<64x128xf32, #tpu.memory_space<vmem>>) dst(%dma_wait3A_165 : memref<64x128xf32, #tpu.memory_space<vmem_shared>>)
      tpu.yield
    }) : () -> ()
    %mul3A_15 = arith.constant 320 : i32
    %mul3A_16 = arith.muli %arg1, %mul3A_15 : i32
    %add3A_17 = arith.constant 64 : i32
    %add3A_18 = arith.addi %mul3A_16, %add3A_17 : i32
    "tpu.region"() ({
      %run_scoped3A = tpu.sem_alloc : memref<!tpu.dma_semaphore, #tpu.memory_space<semaphore_mem>>
      %dma_start3A = arith.constant 0 : i32
      %dma_start3A_160 = tpu.memref_slice %arg18[%add3A_18, %dma_start3A] : memref<5128x128xf32, #tpu.memory_space<vmem_shared>> -> memref<64x128xf32, #tpu.memory_space<vmem_shared>>
      %dma_start3A_161 = arith.constant 0 : i32
      %dma_start3A_162 = tpu.memref_slice %arg18[%add3A_18, %dma_start3A_161] : memref<5128x128xf32, #tpu.memory_space<vmem_shared>> -> memref<64x128xf32, #tpu.memory_space<vmem_shared>>
      tpu.enqueue_dma source(%arg17 : memref<64x128xf32, #tpu.memory_space<vmem>>) target(%dma_start3A_162 : memref<64x128xf32, #tpu.memory_space<vmem_shared>>) target_semaphore(%run_scoped3A : memref<!tpu.dma_semaphore, #tpu.memory_space<semaphore_mem>>)
      %dma_wait3A = arith.constant 0 : i32
      %dma_wait3A_163 = tpu.memref_slice %arg18[%add3A_18, %dma_wait3A] : memref<5128x128xf32, #tpu.memory_space<vmem_shared>> -> memref<64x128xf32, #tpu.memory_space<vmem_shared>>
      %dma_wait3A_164 = arith.constant 0 : i32
      %dma_wait3A_165 = tpu.memref_slice %arg18[%add3A_18, %dma_wait3A_164] : memref<5128x128xf32, #tpu.memory_space<vmem_shared>> -> memref<64x128xf32, #tpu.memory_space<vmem_shared>>
      tpu.wait_dma2 semaphore(%run_scoped3A : memref<!tpu.dma_semaphore, #tpu.memory_space<semaphore_mem>>) src(%arg17 : memref<64x128xf32, #tpu.memory_space<vmem>>) dst(%dma_wait3A_165 : memref<64x128xf32, #tpu.memory_space<vmem_shared>>)
      tpu.yield
    }) : () -> ()
    %mul3A_19 = arith.constant 320 : i32
    %mul3A_20 = arith.muli %arg1, %mul3A_19 : i32
    %add3A_21 = arith.constant 128 : i32
    %add3A_22 = arith.addi %mul3A_20, %add3A_21 : i32
    "tpu.region"() ({
      %run_scoped3A = tpu.sem_alloc : memref<!tpu.dma_semaphore, #tpu.memory_space<semaphore_mem>>
      %dma_start3A = arith.constant 0 : i32
      %dma_start3A_160 = tpu.memref_slice %arg18[%add3A_22, %dma_start3A] : memref<5128x128xf32, #tpu.memory_space<vmem_shared>> -> memref<64x128xf32, #tpu.memory_space<vmem_shared>>
      %dma_start3A_161 = arith.constant 0 : i32
      %dma_start3A_162 = tpu.memref_slice %arg18[%add3A_22, %dma_start3A_161] : memref<5128x128xf32, #tpu.memory_space<vmem_shared>> -> memref<64x128xf32, #tpu.memory_space<vmem_shared>>
      tpu.enqueue_dma source(%arg17 : memref<64x128xf32, #tpu.memory_space<vmem>>) target(%dma_start3A_162 : memref<64x128xf32, #tpu.memory_space<vmem_shared>>) target_semaphore(%run_scoped3A : memref<!tpu.dma_semaphore, #tpu.memory_space<semaphore_mem>>)
      %dma_wait3A = arith.constant 0 : i32
      %dma_wait3A_163 = tpu.memref_slice %arg18[%add3A_22, %dma_wait3A] : memref<5128x128xf32, #tpu.memory_space<vmem_shared>> -> memref<64x128xf32, #tpu.memory_space<vmem_shared>>
      %dma_wait3A_164 = arith.constant 0 : i32
      %dma_wait3A_165 = tpu.memref_slice %arg18[%add3A_22, %dma_wait3A_164] : memref<5128x128xf32, #tpu.memory_space<vmem_shared>> -> memref<64x128xf32, #tpu.memory_space<vmem_shared>>
      tpu.wait_dma2 semaphore(%run_scoped3A : memref<!tpu.dma_semaphore, #tpu.memory_space<semaphore_mem>>) src(%arg17 : memref<64x128xf32, #tpu.memory_space<vmem>>) dst(%dma_wait3A_165 : memref<64x128xf32, #tpu.memory_space<vmem_shared>>)
      tpu.yield
    }) : () -> ()
    %mul3A_23 = arith.constant 320 : i32
    %mul3A_24 = arith.muli %arg1, %mul3A_23 : i32
    %add3A_25 = arith.constant 192 : i32
    %add3A_26 = arith.addi %mul3A_24, %add3A_25 : i32
    "tpu.region"() ({
      %run_scoped3A = tpu.sem_alloc : memref<!tpu.dma_semaphore, #tpu.memory_space<semaphore_mem>>
      %dma_start3A = arith.constant 0 : i32
      %dma_start3A_160 = tpu.memref_slice %arg18[%add3A_26, %dma_start3A] : memref<5128x128xf32, #tpu.memory_space<vmem_shared>> -> memref<64x128xf32, #tpu.memory_space<vmem_shared>>
      %dma_start3A_161 = arith.constant 0 : i32
      %dma_start3A_162 = tpu.memref_slice %arg18[%add3A_26, %dma_start3A_161] : memref<5128x128xf32, #tpu.memory_space<vmem_shared>> -> memref<64x128xf32, #tpu.memory_space<vmem_shared>>
      tpu.enqueue_dma source(%arg17 : memref<64x128xf32, #tpu.memory_space<vmem>>) target(%dma_start3A_162 : memref<64x128xf32, #tpu.memory_space<vmem_shared>>) target_semaphore(%run_scoped3A : memref<!tpu.dma_semaphore, #tpu.memory_space<semaphore_mem>>)
      %dma_wait3A = arith.constant 0 : i32
      %dma_wait3A_163 = tpu.memref_slice %arg18[%add3A_26, %dma_wait3A] : memref<5128x128xf32, #tpu.memory_space<vmem_shared>> -> memref<64x128xf32, #tpu.memory_space<vmem_shared>>
      %dma_wait3A_164 = arith.constant 0 : i32
      %dma_wait3A_165 = tpu.memref_slice %arg18[%add3A_26, %dma_wait3A_164] : memref<5128x128xf32, #tpu.memory_space<vmem_shared>> -> memref<64x128xf32, #tpu.memory_space<vmem_shared>>
      tpu.wait_dma2 semaphore(%run_scoped3A : memref<!tpu.dma_semaphore, #tpu.memory_space<semaphore_mem>>) src(%arg17 : memref<64x128xf32, #tpu.memory_space<vmem>>) dst(%dma_wait3A_165 : memref<64x128xf32, #tpu.memory_space<vmem_shared>>)
      tpu.yield
    }) : () -> ()
    %mul3A_27 = arith.constant 320 : i32
    %mul3A_28 = arith.muli %arg1, %mul3A_27 : i32
    %add3A_29 = arith.constant 256 : i32
    %add3A_30 = arith.addi %mul3A_28, %add3A_29 : i32
    "tpu.region"() ({
      %run_scoped3A = tpu.sem_alloc : memref<!tpu.dma_semaphore, #tpu.memory_space<semaphore_mem>>
      %dma_start3A = arith.constant 0 : i32
      %dma_start3A_160 = tpu.memref_slice %arg18[%add3A_30, %dma_start3A] : memref<5128x128xf32, #tpu.memory_space<vmem_shared>> -> memref<64x128xf32, #tpu.memory_space<vmem_shared>>
      %dma_start3A_161 = arith.constant 0 : i32
      %dma_start3A_162 = tpu.memref_slice %arg18[%add3A_30, %dma_start3A_161] : memref<5128x128xf32, #tpu.memory_space<vmem_shared>> -> memref<64x128xf32, #tpu.memory_space<vmem_shared>>
      tpu.enqueue_dma source(%arg17 : memref<64x128xf32, #tpu.memory_space<vmem>>) target(%dma_start3A_162 : memref<64x128xf32, #tpu.memory_space<vmem_shared>>) target_semaphore(%run_scoped3A : memref<!tpu.dma_semaphore, #tpu.memory_space<semaphore_mem>>)
      %dma_wait3A = arith.constant 0 : i32
      %dma_wait3A_163 = tpu.memref_slice %arg18[%add3A_30, %dma_wait3A] : memref<5128x128xf32, #tpu.memory_space<vmem_shared>> -> memref<64x128xf32, #tpu.memory_space<vmem_shared>>
      %dma_wait3A_164 = arith.constant 0 : i32
      %dma_wait3A_165 = tpu.memref_slice %arg18[%add3A_30, %dma_wait3A_164] : memref<5128x128xf32, #tpu.memory_space<vmem_shared>> -> memref<64x128xf32, #tpu.memory_space<vmem_shared>>
      tpu.wait_dma2 semaphore(%run_scoped3A : memref<!tpu.dma_semaphore, #tpu.memory_space<semaphore_mem>>) src(%arg17 : memref<64x128xf32, #tpu.memory_space<vmem>>) dst(%dma_wait3A_165 : memref<64x128xf32, #tpu.memory_space<vmem_shared>>)
      tpu.yield
    }) : () -> ()
    %eq3A = arith.constant 0 : i32
    %eq3A_31 = arith.cmpi eq, %arg1, %eq3A : i32
    %convert_element_type3A = arith.extui %eq3A_31 : i1 to i32
    %cond3A = arith.constant 0 : i32
    %cond3A_32 = arith.cmpi ne, %convert_element_type3A, %cond3A : i32
    scf.if %cond3A_32 {
      "tpu.region"() ({
        %run_scoped3A = tpu.sem_alloc : memref<!tpu.dma_semaphore, #tpu.memory_space<semaphore_mem>>
        %dma_start3A = arith.constant 0 : i32
        %dma_start3A_160 = arith.constant 0 : i32
        %dma_start3A_161 = tpu.memref_slice %arg17[%dma_start3A, %dma_start3A_160] : memref<64x128xf32, #tpu.memory_space<vmem>> -> memref<8x128xf32, #tpu.memory_space<vmem>>
        %dma_start3A_162 = arith.constant 5120 : i32
        %dma_start3A_163 = arith.constant 0 : i32
        %dma_start3A_164 = tpu.memref_slice %arg18[%dma_start3A_162, %dma_start3A_163] : memref<5128x128xf32, #tpu.memory_space<vmem_shared>> -> memref<8x128xf32, #tpu.memory_space<vmem_shared>>
        %dma_start3A_165 = arith.constant 5120 : i32
        %dma_start3A_166 = arith.constant 0 : i32
        %dma_start3A_167 = tpu.memref_slice %arg18[%dma_start3A_165, %dma_start3A_166] : memref<5128x128xf32, #tpu.memory_space<vmem_shared>> -> memref<8x128xf32, #tpu.memory_space<vmem_shared>>
        %dma_start3A_168 = arith.constant 0 : i32
        %dma_start3A_169 = arith.constant 0 : i32
        %dma_start3A_170 = tpu.memref_slice %arg17[%dma_start3A_168, %dma_start3A_169] : memref<64x128xf32, #tpu.memory_space<vmem>> -> memref<8x128xf32, #tpu.memory_space<vmem>>
        tpu.enqueue_dma source(%dma_start3A_170 : memref<8x128xf32, #tpu.memory_space<vmem>>) target(%dma_start3A_167 : memref<8x128xf32, #tpu.memory_space<vmem_shared>>) target_semaphore(%run_scoped3A : memref<!tpu.dma_semaphore, #tpu.memory_space<semaphore_mem>>)
        %dma_wait3A = arith.constant 0 : i32
        %dma_wait3A_171 = arith.constant 0 : i32
        %dma_wait3A_172 = tpu.memref_slice %arg17[%dma_wait3A, %dma_wait3A_171] : memref<64x128xf32, #tpu.memory_space<vmem>> -> memref<8x128xf32, #tpu.memory_space<vmem>>
        %dma_wait3A_173 = arith.constant 5120 : i32
        %dma_wait3A_174 = arith.constant 0 : i32
        %dma_wait3A_175 = tpu.memref_slice %arg18[%dma_wait3A_173, %dma_wait3A_174] : memref<5128x128xf32, #tpu.memory_space<vmem_shared>> -> memref<8x128xf32, #tpu.memory_space<vmem_shared>>
        %dma_wait3A_176 = arith.constant 5120 : i32
        %dma_wait3A_177 = arith.constant 0 : i32
        %dma_wait3A_178 = tpu.memref_slice %arg18[%dma_wait3A_176, %dma_wait3A_177] : memref<5128x128xf32, #tpu.memory_space<vmem_shared>> -> memref<8x128xf32, #tpu.memory_space<vmem_shared>>
        %dma_wait3A_179 = arith.constant 0 : i32
        %dma_wait3A_180 = arith.constant 0 : i32
        %dma_wait3A_181 = tpu.memref_slice %arg17[%dma_wait3A_179, %dma_wait3A_180] : memref<64x128xf32, #tpu.memory_space<vmem>> -> memref<8x128xf32, #tpu.memory_space<vmem>>
        tpu.wait_dma2 semaphore(%run_scoped3A : memref<!tpu.dma_semaphore, #tpu.memory_space<semaphore_mem>>) src(%dma_wait3A_181 : memref<8x128xf32, #tpu.memory_space<vmem>>) dst(%dma_wait3A_178 : memref<8x128xf32, #tpu.memory_space<vmem_shared>>)
        tpu.yield
      }) : () -> ()
    } else {
    }
    %barrier3A = arith.constant 0 : index
    tpu.barrier barrier_id(%barrier3A)
    %scan3A_33 = arith.constant 0 : i32
    %scan3A_34 = arith.constant 0 : i32
    %scan3A_35 = arith.constant 250 : i32
    %scan3A_36 = arith.addi %scan3A_34, %scan3A_35 : i32
    %scan3A_37 = arith.constant 1 : i32
    scf.for %scan3A_160 = %scan3A_34 to %scan3A_36 step %scan3A_37  : i32 {
      %mul3A_161 = arith.constant 20000 : i32
      %mul3A_162 = arith.muli %arg1, %mul3A_161 : i32
      %mul3A_163 = arith.constant 80 : i32
      %mul3A_164 = arith.muli %scan3A_160, %mul3A_163 : i32
      %add3A_165 = arith.addi %mul3A_162, %mul3A_164 : i32
      %multiple_of3A = tpu.assume_multiple %add3A_165, 8 : i32
      "tpu.region"() ({
        %run_scoped3A = tpu.sem_alloc : memref<!tpu.dma_semaphore, #tpu.memory_space<semaphore_mem>>
        %dma_start3A_188 = tpu.memref_slice %arg4[%multiple_of3A] : memref<320000xi32, #tpu.memory_space<hbm>> -> memref<80xi32, #tpu.memory_space<hbm>>
        %dma_start3A_189 = tpu.memref_slice %arg4[%multiple_of3A] : memref<320000xi32, #tpu.memory_space<hbm>> -> memref<80xi32, #tpu.memory_space<hbm>>
        tpu.enqueue_dma source(%dma_start3A_189 : memref<80xi32, #tpu.memory_space<hbm>>) target(%arg9 : memref<80xi32, #tpu.memory_space<vmem>>) target_semaphore(%run_scoped3A : memref<!tpu.dma_semaphore, #tpu.memory_space<semaphore_mem>>)
        %dma_wait3A_190 = tpu.memref_slice %arg4[%multiple_of3A] : memref<320000xi32, #tpu.memory_space<hbm>> -> memref<80xi32, #tpu.memory_space<hbm>>
        %dma_wait3A_191 = tpu.memref_slice %arg4[%multiple_of3A] : memref<320000xi32, #tpu.memory_space<hbm>> -> memref<80xi32, #tpu.memory_space<hbm>>
        tpu.wait_dma2 semaphore(%run_scoped3A : memref<!tpu.dma_semaphore, #tpu.memory_space<semaphore_mem>>) src(%dma_wait3A_191 : memref<80xi32, #tpu.memory_space<hbm>>) dst(%arg9 : memref<80xi32, #tpu.memory_space<vmem>>)
        tpu.yield
      }) : () -> ()
      "tpu.region"() ({
        %run_scoped3A = tpu.sem_alloc : memref<!tpu.dma_semaphore, #tpu.memory_space<semaphore_mem>>
        %dma_start3A_188 = tpu.memref_slice %arg5[%multiple_of3A] : memref<320000xi32, #tpu.memory_space<hbm>> -> memref<80xi32, #tpu.memory_space<hbm>>
        %dma_start3A_189 = tpu.memref_slice %arg5[%multiple_of3A] : memref<320000xi32, #tpu.memory_space<hbm>> -> memref<80xi32, #tpu.memory_space<hbm>>
        tpu.enqueue_dma source(%dma_start3A_189 : memref<80xi32, #tpu.memory_space<hbm>>) target(%arg10 : memref<80xi32, #tpu.memory_space<vmem>>) target_semaphore(%run_scoped3A : memref<!tpu.dma_semaphore, #tpu.memory_space<semaphore_mem>>)
        %dma_wait3A_190 = tpu.memref_slice %arg5[%multiple_of3A] : memref<320000xi32, #tpu.memory_space<hbm>> -> memref<80xi32, #tpu.memory_space<hbm>>
        %dma_wait3A_191 = tpu.memref_slice %arg5[%multiple_of3A] : memref<320000xi32, #tpu.memory_space<hbm>> -> memref<80xi32, #tpu.memory_space<hbm>>
        tpu.wait_dma2 semaphore(%run_scoped3A : memref<!tpu.dma_semaphore, #tpu.memory_space<semaphore_mem>>) src(%dma_wait3A_191 : memref<80xi32, #tpu.memory_space<hbm>>) dst(%arg10 : memref<80xi32, #tpu.memory_space<vmem>>)
        tpu.yield
      }) : () -> ()
      %scan3A_166 = arith.constant 0 : i32
      %scan3A_167 = arith.constant 0 : i32
      %scan3A_168 = arith.constant 5 : i32
      %scan3A_169 = arith.addi %scan3A_167, %scan3A_168 : i32
      %scan3A_170 = arith.constant 1 : i32
      scf.for %scan3A_188 = %scan3A_167 to %scan3A_169 step %scan3A_170  : i32 {
        %mul3A_189 = arith.constant 16 : i32
        %mul3A_190 = arith.muli %scan3A_188, %mul3A_189 : i32
        %get3A = arith.index_cast %mul3A_190 : i32 to index
        %get3A_191 = tpu.vector_load %arg10[%get3A] {strides = array<i32>} : memref<80xi32, #tpu.memory_space<vmem>>, vector<16xi32>,
        %get3A_192 = vector.shape_cast %get3A_191 : vector<16xi32> to vector<16xi32>
        %sub3A = vector.broadcast %mul3A_0 : i32 to vector<16xi32>
        %sub3A_193 = arith.subi %get3A_192, %sub3A : vector<16xi32>
        %ge3A = arith.constant 0 : i32
        %ge3A_194 = vector.broadcast %ge3A : i32 to vector<16xi32>
        %ge3A_195 = arith.cmpi sge, %sub3A_193, %ge3A_194 : vector<16xi32>
        %lt3A = arith.constant 5120 : i32
        %lt3A_196 = vector.broadcast %lt3A : i32 to vector<16xi32>
        %lt3A_197 = arith.cmpi slt, %sub3A_193, %lt3A_196 : vector<16xi32>
        %and3A = arith.andi %ge3A_195, %lt3A_197 : vector<16xi1>
        %jit3A = arith.constant 5120 : i32
        %broadcast_in_dim3A = vector.broadcast %jit3A : i32 to vector<16xi32>
        %select_n3A = arith.select %and3A, %sub3A_193, %broadcast_in_dim3A : vector<16xi1>, vector<16xi32>
        %mul3A_198 = arith.constant 16 : i32
        %mul3A_199 = arith.muli %scan3A_188, %mul3A_198 : i32
        %swap3A = arith.index_cast %mul3A_199 : i32 to index
        %swap3A_200 = tpu.vector_load %arg11[%swap3A] {strides = array<i32>} : memref<80xi32, #tpu.memory_space<vmem>>, vector<16xi32>,
        %swap3A_201 = vector.shape_cast %swap3A_200 : vector<16xi32> to vector<16xi32>
        %swap3A_202 = vector.shape_cast %select_n3A : vector<16xi32> to vector<16xi32>
        tpu.vector_store %arg11[%swap3A], %swap3A_202 {strides = array<i32>} : memref<80xi32, #tpu.memory_space<vmem>>, vector<16xi32>,
      }
      %scan3A_171 = arith.constant 5 : i32
      %dma_start3A = arith.constant 0 : i32
      %dma_start3A_172 = arith.constant 0 : i32
      %dma_start3A_173 = tpu.memref_slice %arg2[%dma_start3A, %dma_start3A_172] : memref<10000x256xf32, #tpu.memory_space<hbm>> -> memref<10000x256xf32, #tpu.memory_space<hbm>>
      tpu.enqueue_indirect_dma source(%dma_start3A_173 : memref<10000x256xf32, #tpu.memory_space<hbm>>) target(%arg12 : memref<80x256xf32, #tpu.memory_space<vmem>>) offsets(%arg9 : memref<80xi32, #tpu.memory_space<vmem>>) semaphore(%arg19 : memref<!tpu.dma_semaphore, #tpu.memory_space<semaphore_mem>>)
      %dma_wait3A = arith.constant 0 : i32
      %dma_wait3A_174 = arith.constant 0 : i32
      %dma_wait3A_175 = tpu.memref_slice %arg2[%dma_wait3A, %dma_wait3A_174] : memref<10000x256xf32, #tpu.memory_space<hbm>> -> memref<10000x256xf32, #tpu.memory_space<hbm>>
      tpu.wait_indirect_dma semaphore(%arg19 : memref<!tpu.dma_semaphore, #tpu.memory_space<semaphore_mem>>) src(%dma_wait3A_175 : memref<10000x256xf32, #tpu.memory_space<hbm>>) dst(%arg12 : memref<80x256xf32, #tpu.memory_space<vmem>>)
      %dma_start3A_176 = arith.constant 0 : i32
      %dma_start3A_177 = arith.constant 0 : i32
      %dma_start3A_178 = tpu.memref_slice %arg3[%dma_start3A_176, %dma_start3A_177] : memref<10000x128xf32, #tpu.memory_space<hbm>> -> memref<10000x128xf32, #tpu.memory_space<hbm>>
      tpu.enqueue_indirect_dma source(%dma_start3A_178 : memref<10000x128xf32, #tpu.memory_space<hbm>>) target(%arg13 : memref<80x128xf32, #tpu.memory_space<vmem>>) offsets(%arg10 : memref<80xi32, #tpu.memory_space<vmem>>) semaphore(%arg19 : memref<!tpu.dma_semaphore, #tpu.memory_space<semaphore_mem>>)
      %dma_wait3A_179 = arith.constant 0 : i32
      %dma_wait3A_180 = arith.constant 0 : i32
      %dma_wait3A_181 = tpu.memref_slice %arg3[%dma_wait3A_179, %dma_wait3A_180] : memref<10000x128xf32, #tpu.memory_space<hbm>> -> memref<10000x128xf32, #tpu.memory_space<hbm>>
      tpu.wait_indirect_dma semaphore(%arg19 : memref<!tpu.dma_semaphore, #tpu.memory_space<semaphore_mem>>) src(%dma_wait3A_181 : memref<10000x128xf32, #tpu.memory_space<hbm>>) dst(%arg13 : memref<80x128xf32, #tpu.memory_space<vmem>>)
      %scan3A_182 = arith.constant 0 : i32
      %scan3A_183 = arith.constant 0 : i32
      %scan3A_184 = arith.constant 80 : i32
      %scan3A_185 = arith.addi %scan3A_183, %scan3A_184 : i32
      %scan3A_186 = arith.constant 1 : i32
      scf.for %scan3A_188 = %scan3A_183 to %scan3A_185 step %scan3A_186  : i32 {
        %get3A = arith.index_cast %scan3A_188 : i32 to index
        %get3A_189 = arith.constant 128 : index
        %get3A_190 = tpu.vector_load %arg12[%get3A, %get3A_189] {strides = array<i32>} : memref<80x256xf32, #tpu.memory_space<vmem>>, vector<1x16xf32>,
        %get3A_191 = vector.shape_cast %get3A_190 : vector<1x16xf32> to vector<16xf32>
        %get3A_192 = arith.index_cast %scan3A_188 : i32 to index
        %get3A_193 = arith.constant 0 : index
        %get3A_194 = tpu.vector_load %arg13[%get3A_192, %get3A_193] {strides = array<i32>} : memref<80x128xf32, #tpu.memory_space<vmem>>, vector<1x16xf32>,
        %get3A_195 = vector.shape_cast %get3A_194 : vector<1x16xf32> to vector<16xf32>
        %add3A_196 = arith.addf %get3A_191, %get3A_195 : vector<16xf32>
        %ge3A = arith.constant 0.000000e+00 : f32
        %ge3A_197 = vector.broadcast %ge3A : f32 to vector<16xf32>
        %ge3A_198 = arith.cmpf oge, %add3A_196, %ge3A_197 : vector<16xf32>
        %mul3A_199 = arith.constant 2.000000e-01 : f32
        %mul3A_200 = vector.broadcast %mul3A_199 : f32 to vector<16xf32>
        %mul3A_201 = arith.mulf %add3A_196, %mul3A_200 : vector<16xf32>
        %select_n3A = arith.select %ge3A_198, %add3A_196, %mul3A_201 : vector<16xi1>, vector<16xf32>
        %exp3A = math.exp %select_n3A : vector<16xf32>
        %lt3A = arith.constant 8 : i32
        %lt3A_202 = vector.broadcast %lt3A : i32 to vector<16xi32>
        %lt3A_203 = arith.cmpi slt, %iota3A, %lt3A_202 : vector<16xi32>
        %jit3A = arith.constant 0.000000e+00 : f32
        %broadcast_in_dim3A = vector.broadcast %jit3A : f32 to vector<16xf32>
        %select_n3A_204 = arith.select %lt3A_203, %exp3A, %broadcast_in_dim3A : vector<16xi1>, vector<16xf32>
        %swap3A = arith.index_cast %scan3A_188 : i32 to index
        %swap3A_205 = arith.constant 0 : index
        %swap3A_206 = tpu.vector_load %arg16[%swap3A, %swap3A_205] {strides = array<i32>} : memref<80x16xf32, #tpu.memory_space<vmem>>, vector<1x16xf32>,
        %swap3A_207 = vector.shape_cast %swap3A_206 : vector<1x16xf32> to vector<16xf32>
        %swap3A_208 = vector.shape_cast %select_n3A_204 : vector<16xf32> to vector<1x16xf32>
        tpu.vector_store %arg16[%swap3A, %swap3A_205], %swap3A_208 {strides = array<i32>} : memref<80x16xf32, #tpu.memory_space<vmem>>, vector<1x16xf32>,
        %slice3A = vector.extract_strided_slice %exp3A {offsets = [0], sizes = [1], strides = [1]} : vector<16xf32> to vector<1xf32>
        %squeeze3A = vector.extract %slice3A[0] : f32 from vector<1xf32>
        %get3A_209 = arith.index_cast %scan3A_188 : i32 to index
        %get3A_210 = arith.constant 0 : index
        %get3A_211 = tpu.vector_load %arg12[%get3A_209, %get3A_210] {strides = array<i32>} : memref<80x256xf32, #tpu.memory_space<vmem>>, vector<1x16xf32>,
        %get3A_212 = vector.shape_cast %get3A_211 : vector<1x16xf32> to vector<16xf32>
        %mul3A_213 = vector.broadcast %squeeze3A : f32 to vector<16xf32>
        %mul3A_214 = arith.mulf %get3A_212, %mul3A_213 : vector<16xf32>
        %swap3A_215 = arith.index_cast %scan3A_188 : i32 to index
        %swap3A_216 = arith.constant 0 : index
        %swap3A_217 = tpu.vector_load %arg14[%swap3A_215, %swap3A_216] {strides = array<i32>} : memref<80x128xf32, #tpu.memory_space<vmem>>, vector<1x16xf32>,
        %swap3A_218 = vector.shape_cast %swap3A_217 : vector<1x16xf32> to vector<16xf32>
        %swap3A_219 = vector.shape_cast %mul3A_214 : vector<16xf32> to vector<1x16xf32>
        tpu.vector_store %arg14[%swap3A_215, %swap3A_216], %swap3A_219 {strides = array<i32>} : memref<80x128xf32, #tpu.memory_space<vmem>>, vector<1x16xf32>,
        %slice3A_220 = vector.extract_strided_slice %exp3A {offsets = [1], sizes = [1], strides = [1]} : vector<16xf32> to vector<1xf32>
        %squeeze3A_221 = vector.extract %slice3A_220[0] : f32 from vector<1xf32>
        %get3A_222 = arith.index_cast %scan3A_188 : i32 to index
        %get3A_223 = arith.constant 16 : index
        %get3A_224 = tpu.vector_load %arg12[%get3A_222, %get3A_223] {strides = array<i32>} : memref<80x256xf32, #tpu.memory_space<vmem>>, vector<1x16xf32>,
        %get3A_225 = vector.shape_cast %get3A_224 : vector<1x16xf32> to vector<16xf32>
        %mul3A_226 = vector.broadcast %squeeze3A_221 : f32 to vector<16xf32>
        %mul3A_227 = arith.mulf %get3A_225, %mul3A_226 : vector<16xf32>
        %swap3A_228 = arith.index_cast %scan3A_188 : i32 to index
        %swap3A_229 = arith.constant 16 : index
        %swap3A_230 = tpu.vector_load %arg14[%swap3A_228, %swap3A_229] {strides = array<i32>} : memref<80x128xf32, #tpu.memory_space<vmem>>, vector<1x16xf32>,
        %swap3A_231 = vector.shape_cast %swap3A_230 : vector<1x16xf32> to vector<16xf32>
        %swap3A_232 = vector.shape_cast %mul3A_227 : vector<16xf32> to vector<1x16xf32>
        tpu.vector_store %arg14[%swap3A_228, %swap3A_229], %swap3A_232 {strides = array<i32>} : memref<80x128xf32, #tpu.memory_space<vmem>>, vector<1x16xf32>,
        %slice3A_233 = vector.extract_strided_slice %exp3A {offsets = [2], sizes = [1], strides = [1]} : vector<16xf32> to vector<1xf32>
        %squeeze3A_234 = vector.extract %slice3A_233[0] : f32 from vector<1xf32>
        %get3A_235 = arith.index_cast %scan3A_188 : i32 to index
        %get3A_236 = arith.constant 32 : index
        %get3A_237 = tpu.vector_load %arg12[%get3A_235, %get3A_236] {strides = array<i32>} : memref<80x256xf32, #tpu.memory_space<vmem>>, vector<1x16xf32>,
        %get3A_238 = vector.shape_cast %get3A_237 : vector<1x16xf32> to vector<16xf32>
        %mul3A_239 = vector.broadcast %squeeze3A_234 : f32 to vector<16xf32>
        %mul3A_240 = arith.mulf %get3A_238, %mul3A_239 : vector<16xf32>
        %swap3A_241 = arith.index_cast %scan3A_188 : i32 to index
        %swap3A_242 = arith.constant 32 : index
        %swap3A_243 = tpu.vector_load %arg14[%swap3A_241, %swap3A_242] {strides = array<i32>} : memref<80x128xf32, #tpu.memory_space<vmem>>, vector<1x16xf32>,
        %swap3A_244 = vector.shape_cast %swap3A_243 : vector<1x16xf32> to vector<16xf32>
        %swap3A_245 = vector.shape_cast %mul3A_240 : vector<16xf32> to vector<1x16xf32>
        tpu.vector_store %arg14[%swap3A_241, %swap3A_242], %swap3A_245 {strides = array<i32>} : memref<80x128xf32, #tpu.memory_space<vmem>>, vector<1x16xf32>,
        %slice3A_246 = vector.extract_strided_slice %exp3A {offsets = [3], sizes = [1], strides = [1]} : vector<16xf32> to vector<1xf32>
        %squeeze3A_247 = vector.extract %slice3A_246[0] : f32 from vector<1xf32>
        %get3A_248 = arith.index_cast %scan3A_188 : i32 to index
        %get3A_249 = arith.constant 48 : index
        %get3A_250 = tpu.vector_load %arg12[%get3A_248, %get3A_249] {strides = array<i32>} : memref<80x256xf32, #tpu.memory_space<vmem>>, vector<1x16xf32>,
        %get3A_251 = vector.shape_cast %get3A_250 : vector<1x16xf32> to vector<16xf32>
        %mul3A_252 = vector.broadcast %squeeze3A_247 : f32 to vector<16xf32>
        %mul3A_253 = arith.mulf %get3A_251, %mul3A_252 : vector<16xf32>
        %swap3A_254 = arith.index_cast %scan3A_188 : i32 to index
        %swap3A_255 = arith.constant 48 : index
        %swap3A_256 = tpu.vector_load %arg14[%swap3A_254, %swap3A_255] {strides = array<i32>} : memref<80x128xf32, #tpu.memory_space<vmem>>, vector<1x16xf32>,
        %swap3A_257 = vector.shape_cast %swap3A_256 : vector<1x16xf32> to vector<16xf32>
        %swap3A_258 = vector.shape_cast %mul3A_253 : vector<16xf32> to vector<1x16xf32>
        tpu.vector_store %arg14[%swap3A_254, %swap3A_255], %swap3A_258 {strides = array<i32>} : memref<80x128xf32, #tpu.memory_space<vmem>>, vector<1x16xf32>,
        %slice3A_259 = vector.extract_strided_slice %exp3A {offsets = [4], sizes = [1], strides = [1]} : vector<16xf32> to vector<1xf32>
        %squeeze3A_260 = vector.extract %slice3A_259[0] : f32 from vector<1xf32>
        %get3A_261 = arith.index_cast %scan3A_188 : i32 to index
        %get3A_262 = arith.constant 64 : index
        %get3A_263 = tpu.vector_load %arg12[%get3A_261, %get3A_262] {strides = array<i32>} : memref<80x256xf32, #tpu.memory_space<vmem>>, vector<1x16xf32>,
        %get3A_264 = vector.shape_cast %get3A_263 : vector<1x16xf32> to vector<16xf32>
        %mul3A_265 = vector.broadcast %squeeze3A_260 : f32 to vector<16xf32>
        %mul3A_266 = arith.mulf %get3A_264, %mul3A_265 : vector<16xf32>
        %swap3A_267 = arith.index_cast %scan3A_188 : i32 to index
        %swap3A_268 = arith.constant 64 : index
        %swap3A_269 = tpu.vector_load %arg14[%swap3A_267, %swap3A_268] {strides = array<i32>} : memref<80x128xf32, #tpu.memory_space<vmem>>, vector<1x16xf32>,
        %swap3A_270 = vector.shape_cast %swap3A_269 : vector<1x16xf32> to vector<16xf32>
        %swap3A_271 = vector.shape_cast %mul3A_266 : vector<16xf32> to vector<1x16xf32>
        tpu.vector_store %arg14[%swap3A_267, %swap3A_268], %swap3A_271 {strides = array<i32>} : memref<80x128xf32, #tpu.memory_space<vmem>>, vector<1x16xf32>,
        %slice3A_272 = vector.extract_strided_slice %exp3A {offsets = [5], sizes = [1], strides = [1]} : vector<16xf32> to vector<1xf32>
        %squeeze3A_273 = vector.extract %slice3A_272[0] : f32 from vector<1xf32>
        %get3A_274 = arith.index_cast %scan3A_188 : i32 to index
        %get3A_275 = arith.constant 80 : index
        %get3A_276 = tpu.vector_load %arg12[%get3A_274, %get3A_275] {strides = array<i32>} : memref<80x256xf32, #tpu.memory_space<vmem>>, vector<1x16xf32>,
        %get3A_277 = vector.shape_cast %get3A_276 : vector<1x16xf32> to vector<16xf32>
        %mul3A_278 = vector.broadcast %squeeze3A_273 : f32 to vector<16xf32>
        %mul3A_279 = arith.mulf %get3A_277, %mul3A_278 : vector<16xf32>
        %swap3A_280 = arith.index_cast %scan3A_188 : i32 to index
        %swap3A_281 = arith.constant 80 : index
        %swap3A_282 = tpu.vector_load %arg14[%swap3A_280, %swap3A_281] {strides = array<i32>} : memref<80x128xf32, #tpu.memory_space<vmem>>, vector<1x16xf32>,
        %swap3A_283 = vector.shape_cast %swap3A_282 : vector<1x16xf32> to vector<16xf32>
        %swap3A_284 = vector.shape_cast %mul3A_279 : vector<16xf32> to vector<1x16xf32>
        tpu.vector_store %arg14[%swap3A_280, %swap3A_281], %swap3A_284 {strides = array<i32>} : memref<80x128xf32, #tpu.memory_space<vmem>>, vector<1x16xf32>,
        %slice3A_285 = vector.extract_strided_slice %exp3A {offsets = [6], sizes = [1], strides = [1]} : vector<16xf32> to vector<1xf32>
        %squeeze3A_286 = vector.extract %slice3A_285[0] : f32 from vector<1xf32>
        %get3A_287 = arith.index_cast %scan3A_188 : i32 to index
        %get3A_288 = arith.constant 96 : index
        %get3A_289 = tpu.vector_load %arg12[%get3A_287, %get3A_288] {strides = array<i32>} : memref<80x256xf32, #tpu.memory_space<vmem>>, vector<1x16xf32>,
        %get3A_290 = vector.shape_cast %get3A_289 : vector<1x16xf32> to vector<16xf32>
        %mul3A_291 = vector.broadcast %squeeze3A_286 : f32 to vector<16xf32>
        %mul3A_292 = arith.mulf %get3A_290, %mul3A_291 : vector<16xf32>
        %swap3A_293 = arith.index_cast %scan3A_188 : i32 to index
        %swap3A_294 = arith.constant 96 : index
        %swap3A_295 = tpu.vector_load %arg14[%swap3A_293, %swap3A_294] {strides = array<i32>} : memref<80x128xf32, #tpu.memory_space<vmem>>, vector<1x16xf32>,
        %swap3A_296 = vector.shape_cast %swap3A_295 : vector<1x16xf32> to vector<16xf32>
        %swap3A_297 = vector.shape_cast %mul3A_292 : vector<16xf32> to vector<1x16xf32>
        tpu.vector_store %arg14[%swap3A_293, %swap3A_294], %swap3A_297 {strides = array<i32>} : memref<80x128xf32, #tpu.memory_space<vmem>>, vector<1x16xf32>,
        %slice3A_298 = vector.extract_strided_slice %exp3A {offsets = [7], sizes = [1], strides = [1]} : vector<16xf32> to vector<1xf32>
        %squeeze3A_299 = vector.extract %slice3A_298[0] : f32 from vector<1xf32>
        %get3A_300 = arith.index_cast %scan3A_188 : i32 to index
        %get3A_301 = arith.constant 112 : index
        %get3A_302 = tpu.vector_load %arg12[%get3A_300, %get3A_301] {strides = array<i32>} : memref<80x256xf32, #tpu.memory_space<vmem>>, vector<1x16xf32>,
        %get3A_303 = vector.shape_cast %get3A_302 : vector<1x16xf32> to vector<16xf32>
        %mul3A_304 = vector.broadcast %squeeze3A_299 : f32 to vector<16xf32>
        %mul3A_305 = arith.mulf %get3A_303, %mul3A_304 : vector<16xf32>
        %swap3A_306 = arith.index_cast %scan3A_188 : i32 to index
        %swap3A_307 = arith.constant 112 : index
        %swap3A_308 = tpu.vector_load %arg14[%swap3A_306, %swap3A_307] {strides = array<i32>} : memref<80x128xf32, #tpu.memory_space<vmem>>, vector<1x16xf32>,
        %swap3A_309 = vector.shape_cast %swap3A_308 : vector<1x16xf32> to vector<16xf32>
        %swap3A_310 = vector.shape_cast %mul3A_305 : vector<16xf32> to vector<1x16xf32>
        tpu.vector_store %arg14[%swap3A_306, %swap3A_307], %swap3A_310 {strides = array<i32>} : memref<80x128xf32, #tpu.memory_space<vmem>>, vector<1x16xf32>,
      }
      %scan3A_187 = arith.constant 80 : i32
      "tpu.region"() ({
        %run_scoped3A = tpu.sem_alloc : memref<!tpu.dma_semaphore, #tpu.memory_space<semaphore_mem>>
        %dma_start3A_188 = arith.constant 0 : i32
        %dma_start3A_189 = arith.constant 0 : i32
        %dma_start3A_190 = tpu.memref_slice %arg18[%dma_start3A_188, %dma_start3A_189] : memref<5128x128xf32, #tpu.memory_space<vmem_shared>> -> memref<5128x128xf32, #tpu.memory_space<vmem_shared>>
        tpu.enqueue_indirect_dma source(%arg14 : memref<80x128xf32, #tpu.memory_space<vmem>>) target(%dma_start3A_190 : memref<5128x128xf32, #tpu.memory_space<vmem_shared>>) offsets(%arg11 : memref<80xi32, #tpu.memory_space<vmem>>) semaphore(%run_scoped3A : memref<!tpu.dma_semaphore, #tpu.memory_space<semaphore_mem>>) {add = true}
        %dma_wait3A_191 = arith.constant 0 : i32
        %dma_wait3A_192 = arith.constant 0 : i32
        %dma_wait3A_193 = tpu.memref_slice %arg18[%dma_wait3A_191, %dma_wait3A_192] : memref<5128x128xf32, #tpu.memory_space<vmem_shared>> -> memref<5128x128xf32, #tpu.memory_space<vmem_shared>>
        tpu.wait_indirect_dma semaphore(%run_scoped3A : memref<!tpu.dma_semaphore, #tpu.memory_space<semaphore_mem>>) src(%arg14 : memref<80x128xf32, #tpu.memory_space<vmem>>) dst(%dma_wait3A_193 : memref<5128x128xf32, #tpu.memory_space<vmem_shared>>)
        tpu.yield
      }) : () -> ()
      "tpu.region"() ({
        %run_scoped3A = tpu.sem_alloc : memref<!tpu.dma_semaphore, #tpu.memory_space<semaphore_mem>>
        %dma_start3A_188 = arith.constant 0 : i32
        %dma_start3A_189 = tpu.memref_slice %arg7[%arg0, %multiple_of3A, %dma_start3A_188] : memref<2x320000x16xf32, #tpu.memory_space<hbm>> -> memref<1x80x16xf32, #tpu.memory_space<hbm>>
        %dma_start3A_190 = tpu.memref_squeeze %dma_start3A_189 : memref<1x80x16xf32, #tpu.memory_space<hbm>> -> memref<80x16xf32, #tpu.memory_space<hbm>>
        %dma_start3A_191 = arith.constant 0 : i32
        %dma_start3A_192 = tpu.memref_slice %arg7[%arg0, %multiple_of3A, %dma_start3A_191] : memref<2x320000x16xf32, #tpu.memory_space<hbm>> -> memref<1x80x16xf32, #tpu.memory_space<hbm>>
        %dma_start3A_193 = tpu.memref_squeeze %dma_start3A_192 : memref<1x80x16xf32, #tpu.memory_space<hbm>> -> memref<80x16xf32, #tpu.memory_space<hbm>>
        tpu.enqueue_dma source(%arg16 : memref<80x16xf32, #tpu.memory_space<vmem>>) target(%dma_start3A_193 : memref<80x16xf32, #tpu.memory_space<hbm>>) target_semaphore(%run_scoped3A : memref<!tpu.dma_semaphore, #tpu.memory_space<semaphore_mem>>)
        %dma_wait3A_194 = arith.constant 0 : i32
        %dma_wait3A_195 = tpu.memref_slice %arg7[%arg0, %multiple_of3A, %dma_wait3A_194] : memref<2x320000x16xf32, #tpu.memory_space<hbm>> -> memref<1x80x16xf32, #tpu.memory_space<hbm>>
        %dma_wait3A_196 = tpu.memref_squeeze %dma_wait3A_195 : memref<1x80x16xf32, #tpu.memory_space<hbm>> -> memref<80x16xf32, #tpu.memory_space<hbm>>
        %dma_wait3A_197 = arith.constant 0 : i32
        %dma_wait3A_198 = tpu.memref_slice %arg7[%arg0, %multiple_of3A, %dma_wait3A_197] : memref<2x320000x16xf32, #tpu.memory_space<hbm>> -> memref<1x80x16xf32, #tpu.memory_space<hbm>>
        %dma_wait3A_199 = tpu.memref_squeeze %dma_wait3A_198 : memref<1x80x16xf32, #tpu.memory_space<hbm>> -> memref<80x16xf32, #tpu.memory_space<hbm>>
        tpu.wait_dma2 semaphore(%run_scoped3A : memref<!tpu.dma_semaphore, #tpu.memory_space<semaphore_mem>>) src(%arg16 : memref<80x16xf32, #tpu.memory_space<vmem>>) dst(%dma_wait3A_199 : memref<80x16xf32, #tpu.memory_space<hbm>>)
        tpu.yield
      }) : () -> ()
    }
    %scan3A_38 = arith.constant 250 : i32
    %barrier3A_39 = arith.constant 0 : index
    tpu.barrier barrier_id(%barrier3A_39)
    %mul3A_40 = arith.constant 320 : i32
    %mul3A_41 = arith.muli %arg1, %mul3A_40 : i32
    %add3A_42 = arith.constant 0 : i32
    %add3A_43 = arith.addi %mul3A_41, %add3A_42 : i32
    "tpu.region"() ({
      %run_scoped3A = tpu.sem_alloc : memref<!tpu.dma_semaphore, #tpu.memory_space<semaphore_mem>>
      %dma_start3A = arith.constant 0 : i32
      %dma_start3A_160 = tpu.memref_slice %arg18[%add3A_43, %dma_start3A] : memref<5128x128xf32, #tpu.memory_space<vmem_shared>> -> memref<64x128xf32, #tpu.memory_space<vmem_shared>>
      %dma_start3A_161 = arith.constant 0 : i32
      %dma_start3A_162 = tpu.memref_slice %arg18[%add3A_43, %dma_start3A_161] : memref<5128x128xf32, #tpu.memory_space<vmem_shared>> -> memref<64x128xf32, #tpu.memory_space<vmem_shared>>
      tpu.enqueue_dma source(%dma_start3A_162 : memref<64x128xf32, #tpu.memory_space<vmem_shared>>) target(%arg17 : memref<64x128xf32, #tpu.memory_space<vmem>>) target_semaphore(%run_scoped3A : memref<!tpu.dma_semaphore, #tpu.memory_space<semaphore_mem>>)
      %dma_wait3A = arith.constant 0 : i32
      %dma_wait3A_163 = tpu.memref_slice %arg18[%add3A_43, %dma_wait3A] : memref<5128x128xf32, #tpu.memory_space<vmem_shared>> -> memref<64x128xf32, #tpu.memory_space<vmem_shared>>
      %dma_wait3A_164 = arith.constant 0 : i32
      %dma_wait3A_165 = tpu.memref_slice %arg18[%add3A_43, %dma_wait3A_164] : memref<5128x128xf32, #tpu.memory_space<vmem_shared>> -> memref<64x128xf32, #tpu.memory_space<vmem_shared>>
      tpu.wait_dma2 semaphore(%run_scoped3A : memref<!tpu.dma_semaphore, #tpu.memory_space<semaphore_mem>>) src(%dma_wait3A_165 : memref<64x128xf32, #tpu.memory_space<vmem_shared>>) dst(%arg17 : memref<64x128xf32, #tpu.memory_space<vmem>>)
      tpu.yield
    }) : () -> ()
    %mul3A_44 = arith.constant 320 : i32
    %mul3A_45 = arith.muli %arg1, %mul3A_44 : i32
    %add3A_46 = arith.constant 0 : i32
    %add3A_47 = arith.addi %mul3A_45, %add3A_46 : i32
    "tpu.region"() ({
      %run_scoped3A = tpu.sem_alloc : memref<!tpu.dma_semaphore, #tpu.memory_space<semaphore_mem>>
      %dma_start3A = arith.constant 0 : i32
      %dma_start3A_160 = tpu.memref_slice %arg6[%arg0, %add3A_47, %dma_start3A] : memref<2x5120x128xf32, #tpu.memory_space<hbm>> -> memref<1x64x128xf32, #tpu.memory_space<hbm>>
      %dma_start3A_161 = tpu.memref_squeeze %dma_start3A_160 : memref<1x64x128xf32, #tpu.memory_space<hbm>> -> memref<64x128xf32, #tpu.memory_space<hbm>>
      %dma_start3A_162 = arith.constant 0 : i32
      %dma_start3A_163 = tpu.memref_slice %arg6[%arg0, %add3A_47, %dma_start3A_162] : memref<2x5120x128xf32, #tpu.memory_space<hbm>> -> memref<1x64x128xf32, #tpu.memory_space<hbm>>
      %dma_start3A_164 = tpu.memref_squeeze %dma_start3A_163 : memref<1x64x128xf32, #tpu.memory_space<hbm>> -> memref<64x128xf32, #tpu.memory_space<hbm>>
      tpu.enqueue_dma source(%arg17 : memref<64x128xf32, #tpu.memory_space<vmem>>) target(%dma_start3A_164 : memref<64x128xf32, #tpu.memory_space<hbm>>) target_semaphore(%run_scoped3A : memref<!tpu.dma_semaphore, #tpu.memory_space<semaphore_mem>>)
      %dma_wait3A = arith.constant 0 : i32
      %dma_wait3A_165 = tpu.memref_slice %arg6[%arg0, %add3A_47, %dma_wait3A] : memref<2x5120x128xf32, #tpu.memory_space<hbm>> -> memref<1x64x128xf32, #tpu.memory_space<hbm>>
      %dma_wait3A_166 = tpu.memref_squeeze %dma_wait3A_165 : memref<1x64x128xf32, #tpu.memory_space<hbm>> -> memref<64x128xf32, #tpu.memory_space<hbm>>
      %dma_wait3A_167 = arith.constant 0 : i32
      %dma_wait3A_168 = tpu.memref_slice %arg6[%arg0, %add3A_47, %dma_wait3A_167] : memref<2x5120x128xf32, #tpu.memory_space<hbm>> -> memref<1x64x128xf32, #tpu.memory_space<hbm>>
      %dma_wait3A_169 = tpu.memref_squeeze %dma_wait3A_168 : memref<1x64x128xf32, #tpu.memory_space<hbm>> -> memref<64x128xf32, #tpu.memory_space<hbm>>
      tpu.wait_dma2 semaphore(%run_scoped3A : memref<!tpu.dma_semaphore, #tpu.memory_space<semaphore_mem>>) src(%arg17 : memref<64x128xf32, #tpu.memory_space<vmem>>) dst(%dma_wait3A_169 : memref<64x128xf32, #tpu.memory_space<hbm>>)
      tpu.yield
    }) : () -> ()
    %mul3A_48 = arith.constant 320 : i32
    %mul3A_49 = arith.muli %arg1, %mul3A_48 : i32
    %add3A_50 = arith.constant 64 : i32
    %add3A_51 = arith.addi %mul3A_49, %add3A_50 : i32
    "tpu.region"() ({
      %run_scoped3A = tpu.sem_alloc : memref<!tpu.dma_semaphore, #tpu.memory_space<semaphore_mem>>
      %dma_start3A = arith.constant 0 : i32
      %dma_start3A_160 = tpu.memref_slice %arg18[%add3A_51, %dma_start3A] : memref<5128x128xf32, #tpu.memory_space<vmem_shared>> -> memref<64x128xf32, #tpu.memory_space<vmem_shared>>
      %dma_start3A_161 = arith.constant 0 : i32
      %dma_start3A_162 = tpu.memref_slice %arg18[%add3A_51, %dma_start3A_161] : memref<5128x128xf32, #tpu.memory_space<vmem_shared>> -> memref<64x128xf32, #tpu.memory_space<vmem_shared>>
      tpu.enqueue_dma source(%dma_start3A_162 : memref<64x128xf32, #tpu.memory_space<vmem_shared>>) target(%arg17 : memref<64x128xf32, #tpu.memory_space<vmem>>) target_semaphore(%run_scoped3A : memref<!tpu.dma_semaphore, #tpu.memory_space<semaphore_mem>>)
      %dma_wait3A = arith.constant 0 : i32
      %dma_wait3A_163 = tpu.memref_slice %arg18[%add3A_51, %dma_wait3A] : memref<5128x128xf32, #tpu.memory_space<vmem_shared>> -> memref<64x128xf32, #tpu.memory_space<vmem_shared>>
      %dma_wait3A_164 = arith.constant 0 : i32
      %dma_wait3A_165 = tpu.memref_slice %arg18[%add3A_51, %dma_wait3A_164] : memref<5128x128xf32, #tpu.memory_space<vmem_shared>> -> memref<64x128xf32, #tpu.memory_space<vmem_shared>>
      tpu.wait_dma2 semaphore(%run_scoped3A : memref<!tpu.dma_semaphore, #tpu.memory_space<semaphore_mem>>) src(%dma_wait3A_165 : memref<64x128xf32, #tpu.memory_space<vmem_shared>>) dst(%arg17 : memref<64x128xf32, #tpu.memory_space<vmem>>)
      tpu.yield
    }) : () -> ()
    %mul3A_52 = arith.constant 320 : i32
    %mul3A_53 = arith.muli %arg1, %mul3A_52 : i32
    %add3A_54 = arith.constant 64 : i32
    %add3A_55 = arith.addi %mul3A_53, %add3A_54 : i32
    "tpu.region"() ({
      %run_scoped3A = tpu.sem_alloc : memref<!tpu.dma_semaphore, #tpu.memory_space<semaphore_mem>>
      %dma_start3A = arith.constant 0 : i32
      %dma_start3A_160 = tpu.memref_slice %arg6[%arg0, %add3A_55, %dma_start3A] : memref<2x5120x128xf32, #tpu.memory_space<hbm>> -> memref<1x64x128xf32, #tpu.memory_space<hbm>>
      %dma_start3A_161 = tpu.memref_squeeze %dma_start3A_160 : memref<1x64x128xf32, #tpu.memory_space<hbm>> -> memref<64x128xf32, #tpu.memory_space<hbm>>
      %dma_start3A_162 = arith.constant 0 : i32
      %dma_start3A_163 = tpu.memref_slice %arg6[%arg0, %add3A_55, %dma_start3A_162] : memref<2x5120x128xf32, #tpu.memory_space<hbm>> -> memref<1x64x128xf32, #tpu.memory_space<hbm>>
      %dma_start3A_164 = tpu.memref_squeeze %dma_start3A_163 : memref<1x64x128xf32, #tpu.memory_space<hbm>> -> memref<64x128xf32, #tpu.memory_space<hbm>>
      tpu.enqueue_dma source(%arg17 : memref<64x128xf32, #tpu.memory_space<vmem>>) target(%dma_start3A_164 : memref<64x128xf32, #tpu.memory_space<hbm>>) target_semaphore(%run_scoped3A : memref<!tpu.dma_semaphore, #tpu.memory_space<semaphore_mem>>)
      %dma_wait3A = arith.constant 0 : i32
      %dma_wait3A_165 = tpu.memref_slice %arg6[%arg0, %add3A_55, %dma_wait3A] : memref<2x5120x128xf32, #tpu.memory_space<hbm>> -> memref<1x64x128xf32, #tpu.memory_space<hbm>>
      %dma_wait3A_166 = tpu.memref_squeeze %dma_wait3A_165 : memref<1x64x128xf32, #tpu.memory_space<hbm>> -> memref<64x128xf32, #tpu.memory_space<hbm>>
      %dma_wait3A_167 = arith.constant 0 : i32
      %dma_wait3A_168 = tpu.memref_slice %arg6[%arg0, %add3A_55, %dma_wait3A_167] : memref<2x5120x128xf32, #tpu.memory_space<hbm>> -> memref<1x64x128xf32, #tpu.memory_space<hbm>>
      %dma_wait3A_169 = tpu.memref_squeeze %dma_wait3A_168 : memref<1x64x128xf32, #tpu.memory_space<hbm>> -> memref<64x128xf32, #tpu.memory_space<hbm>>
      tpu.wait_dma2 semaphore(%run_scoped3A : memref<!tpu.dma_semaphore, #tpu.memory_space<semaphore_mem>>) src(%arg17 : memref<64x128xf32, #tpu.memory_space<vmem>>) dst(%dma_wait3A_169 : memref<64x128xf32, #tpu.memory_space<hbm>>)
      tpu.yield
    }) : () -> ()
    %mul3A_56 = arith.constant 320 : i32
    %mul3A_57 = arith.muli %arg1, %mul3A_56 : i32
    %add3A_58 = arith.constant 128 : i32
    %add3A_59 = arith.addi %mul3A_57, %add3A_58 : i32
    "tpu.region"() ({
      %run_scoped3A = tpu.sem_alloc : memref<!tpu.dma_semaphore, #tpu.memory_space<semaphore_mem>>
      %dma_start3A = arith.constant 0 : i32
      %dma_start3A_160 = tpu.memref_slice %arg18[%add3A_59, %dma_start3A] : memref<5128x128xf32, #tpu.memory_space<vmem_shared>> -> memref<64x128xf32, #tpu.memory_space<vmem_shared>>
      %dma_start3A_161 = arith.constant 0 : i32
      %dma_start3A_162 = tpu.memref_slice %arg18[%add3A_59, %dma_start3A_161] : memref<5128x128xf32, #tpu.memory_space<vmem_shared>> -> memref<64x128xf32, #tpu.memory_space<vmem_shared>>
      tpu.enqueue_dma source(%dma_start3A_162 : memref<64x128xf32, #tpu.memory_space<vmem_shared>>) target(%arg17 : memref<64x128xf32, #tpu.memory_space<vmem>>) target_semaphore(%run_scoped3A : memref<!tpu.dma_semaphore, #tpu.memory_space<semaphore_mem>>)
      %dma_wait3A = arith.constant 0 : i32
      %dma_wait3A_163 = tpu.memref_slice %arg18[%add3A_59, %dma_wait3A] : memref<5128x128xf32, #tpu.memory_space<vmem_shared>> -> memref<64x128xf32, #tpu.memory_space<vmem_shared>>
      %dma_wait3A_164 = arith.constant 0 : i32
      %dma_wait3A_165 = tpu.memref_slice %arg18[%add3A_59, %dma_wait3A_164] : memref<5128x128xf32, #tpu.memory_space<vmem_shared>> -> memref<64x128xf32, #tpu.memory_space<vmem_shared>>
      tpu.wait_dma2 semaphore(%run_scoped3A : memref<!tpu.dma_semaphore, #tpu.memory_space<semaphore_mem>>) src(%dma_wait3A_165 : memref<64x128xf32, #tpu.memory_space<vmem_shared>>) dst(%arg17 : memref<64x128xf32, #tpu.memory_space<vmem>>)
      tpu.yield
    }) : () -> ()
    %mul3A_60 = arith.constant 320 : i32
    %mul3A_61 = arith.muli %arg1, %mul3A_60 : i32
    %add3A_62 = arith.constant 128 : i32
    %add3A_63 = arith.addi %mul3A_61, %add3A_62 : i32
    "tpu.region"() ({
      %run_scoped3A = tpu.sem_alloc : memref<!tpu.dma_semaphore, #tpu.memory_space<semaphore_mem>>
      %dma_start3A = arith.constant 0 : i32
      %dma_start3A_160 = tpu.memref_slice %arg6[%arg0, %add3A_63, %dma_start3A] : memref<2x5120x128xf32, #tpu.memory_space<hbm>> -> memref<1x64x128xf32, #tpu.memory_space<hbm>>
      %dma_start3A_161 = tpu.memref_squeeze %dma_start3A_160 : memref<1x64x128xf32, #tpu.memory_space<hbm>> -> memref<64x128xf32, #tpu.memory_space<hbm>>
      %dma_start3A_162 = arith.constant 0 : i32
      %dma_start3A_163 = tpu.memref_slice %arg6[%arg0, %add3A_63, %dma_start3A_162] : memref<2x5120x128xf32, #tpu.memory_space<hbm>> -> memref<1x64x128xf32, #tpu.memory_space<hbm>>
      %dma_start3A_164 = tpu.memref_squeeze %dma_start3A_163 : memref<1x64x128xf32, #tpu.memory_space<hbm>> -> memref<64x128xf32, #tpu.memory_space<hbm>>
      tpu.enqueue_dma source(%arg17 : memref<64x128xf32, #tpu.memory_space<vmem>>) target(%dma_start3A_164 : memref<64x128xf32, #tpu.memory_space<hbm>>) target_semaphore(%run_scoped3A : memref<!tpu.dma_semaphore, #tpu.memory_space<semaphore_mem>>)
      %dma_wait3A = arith.constant 0 : i32
      %dma_wait3A_165 = tpu.memref_slice %arg6[%arg0, %add3A_63, %dma_wait3A] : memref<2x5120x128xf32, #tpu.memory_space<hbm>> -> memref<1x64x128xf32, #tpu.memory_space<hbm>>
      %dma_wait3A_166 = tpu.memref_squeeze %dma_wait3A_165 : memref<1x64x128xf32, #tpu.memory_space<hbm>> -> memref<64x128xf32, #tpu.memory_space<hbm>>
      %dma_wait3A_167 = arith.constant 0 : i32
      %dma_wait3A_168 = tpu.memref_slice %arg6[%arg0, %add3A_63, %dma_wait3A_167] : memref<2x5120x128xf32, #tpu.memory_space<hbm>> -> memref<1x64x128xf32, #tpu.memory_space<hbm>>
      %dma_wait3A_169 = tpu.memref_squeeze %dma_wait3A_168 : memref<1x64x128xf32, #tpu.memory_space<hbm>> -> memref<64x128xf32, #tpu.memory_space<hbm>>
      tpu.wait_dma2 semaphore(%run_scoped3A : memref<!tpu.dma_semaphore, #tpu.memory_space<semaphore_mem>>) src(%arg17 : memref<64x128xf32, #tpu.memory_space<vmem>>) dst(%dma_wait3A_169 : memref<64x128xf32, #tpu.memory_space<hbm>>)
      tpu.yield
    }) : () -> ()
    %mul3A_64 = arith.constant 320 : i32
    %mul3A_65 = arith.muli %arg1, %mul3A_64 : i32
    %add3A_66 = arith.constant 192 : i32
    %add3A_67 = arith.addi %mul3A_65, %add3A_66 : i32
    "tpu.region"() ({
      %run_scoped3A = tpu.sem_alloc : memref<!tpu.dma_semaphore, #tpu.memory_space<semaphore_mem>>
      %dma_start3A = arith.constant 0 : i32
      %dma_start3A_160 = tpu.memref_slice %arg18[%add3A_67, %dma_start3A] : memref<5128x128xf32, #tpu.memory_space<vmem_shared>> -> memref<64x128xf32, #tpu.memory_space<vmem_shared>>
      %dma_start3A_161 = arith.constant 0 : i32
      %dma_start3A_162 = tpu.memref_slice %arg18[%add3A_67, %dma_start3A_161] : memref<5128x128xf32, #tpu.memory_space<vmem_shared>> -> memref<64x128xf32, #tpu.memory_space<vmem_shared>>
      tpu.enqueue_dma source(%dma_start3A_162 : memref<64x128xf32, #tpu.memory_space<vmem_shared>>) target(%arg17 : memref<64x128xf32, #tpu.memory_space<vmem>>) target_semaphore(%run_scoped3A : memref<!tpu.dma_semaphore, #tpu.memory_space<semaphore_mem>>)
      %dma_wait3A = arith.constant 0 : i32
      %dma_wait3A_163 = tpu.memref_slice %arg18[%add3A_67, %dma_wait3A] : memref<5128x128xf32, #tpu.memory_space<vmem_shared>> -> memref<64x128xf32, #tpu.memory_space<vmem_shared>>
      %dma_wait3A_164 = arith.constant 0 : i32
      %dma_wait3A_165 = tpu.memref_slice %arg18[%add3A_67, %dma_wait3A_164] : memref<5128x128xf32, #tpu.memory_space<vmem_shared>> -> memref<64x128xf32, #tpu.memory_space<vmem_shared>>
      tpu.wait_dma2 semaphore(%run_scoped3A : memref<!tpu.dma_semaphore, #tpu.memory_space<semaphore_mem>>) src(%dma_wait3A_165 : memref<64x128xf32, #tpu.memory_space<vmem_shared>>) dst(%arg17 : memref<64x128xf32, #tpu.memory_space<vmem>>)
      tpu.yield
    }) : () -> ()
    %mul3A_68 = arith.constant 320 : i32
    %mul3A_69 = arith.muli %arg1, %mul3A_68 : i32
    %add3A_70 = arith.constant 192 : i32
    %add3A_71 = arith.addi %mul3A_69, %add3A_70 : i32
    "tpu.region"() ({
      %run_scoped3A = tpu.sem_alloc : memref<!tpu.dma_semaphore, #tpu.memory_space<semaphore_mem>>
      %dma_start3A = arith.constant 0 : i32
      %dma_start3A_160 = tpu.memref_slice %arg6[%arg0, %add3A_71, %dma_start3A] : memref<2x5120x128xf32, #tpu.memory_space<hbm>> -> memref<1x64x128xf32, #tpu.memory_space<hbm>>
      %dma_start3A_161 = tpu.memref_squeeze %dma_start3A_160 : memref<1x64x128xf32, #tpu.memory_space<hbm>> -> memref<64x128xf32, #tpu.memory_space<hbm>>
      %dma_start3A_162 = arith.constant 0 : i32
      %dma_start3A_163 = tpu.memref_slice %arg6[%arg0, %add3A_71, %dma_start3A_162] : memref<2x5120x128xf32, #tpu.memory_space<hbm>> -> memref<1x64x128xf32, #tpu.memory_space<hbm>>
      %dma_start3A_164 = tpu.memref_squeeze %dma_start3A_163 : memref<1x64x128xf32, #tpu.memory_space<hbm>> -> memref<64x128xf32, #tpu.memory_space<hbm>>
      tpu.enqueue_dma source(%arg17 : memref<64x128xf32, #tpu.memory_space<vmem>>) target(%dma_start3A_164 : memref<64x128xf32, #tpu.memory_space<hbm>>) target_semaphore(%run_scoped3A : memref<!tpu.dma_semaphore, #tpu.memory_space<semaphore_mem>>)
      %dma_wait3A = arith.constant 0 : i32
      %dma_wait3A_165 = tpu.memref_slice %arg6[%arg0, %add3A_71, %dma_wait3A] : memref<2x5120x128xf32, #tpu.memory_space<hbm>> -> memref<1x64x128xf32, #tpu.memory_space<hbm>>
      %dma_wait3A_166 = tpu.memref_squeeze %dma_wait3A_165 : memref<1x64x128xf32, #tpu.memory_space<hbm>> -> memref<64x128xf32, #tpu.memory_space<hbm>>
      %dma_wait3A_167 = arith.constant 0 : i32
      %dma_wait3A_168 = tpu.memref_slice %arg6[%arg0, %add3A_71, %dma_wait3A_167] : memref<2x5120x128xf32, #tpu.memory_space<hbm>> -> memref<1x64x128xf32, #tpu.memory_space<hbm>>
      %dma_wait3A_169 = tpu.memref_squeeze %dma_wait3A_168 : memref<1x64x128xf32, #tpu.memory_space<hbm>> -> memref<64x128xf32, #tpu.memory_space<hbm>>
      tpu.wait_dma2 semaphore(%run_scoped3A : memref<!tpu.dma_semaphore, #tpu.memory_space<semaphore_mem>>) src(%arg17 : memref<64x128xf32, #tpu.memory_space<vmem>>) dst(%dma_wait3A_169 : memref<64x128xf32, #tpu.memory_space<hbm>>)
      tpu.yield
    }) : () -> ()
    %mul3A_72 = arith.constant 320 : i32
    %mul3A_73 = arith.muli %arg1, %mul3A_72 : i32
    %add3A_74 = arith.constant 256 : i32
    %add3A_75 = arith.addi %mul3A_73, %add3A_74 : i32
    "tpu.region"() ({
      %run_scoped3A = tpu.sem_alloc : memref<!tpu.dma_semaphore, #tpu.memory_space<semaphore_mem>>
      %dma_start3A = arith.constant 0 : i32
      %dma_start3A_160 = tpu.memref_slice %arg18[%add3A_75, %dma_start3A] : memref<5128x128xf32, #tpu.memory_space<vmem_shared>> -> memref<64x128xf32, #tpu.memory_space<vmem_shared>>
      %dma_start3A_161 = arith.constant 0 : i32
      %dma_start3A_162 = tpu.memref_slice %arg18[%add3A_75, %dma_start3A_161] : memref<5128x128xf32, #tpu.memory_space<vmem_shared>> -> memref<64x128xf32, #tpu.memory_space<vmem_shared>>
      tpu.enqueue_dma source(%dma_start3A_162 : memref<64x128xf32, #tpu.memory_space<vmem_shared>>) target(%arg17 : memref<64x128xf32, #tpu.memory_space<vmem>>) target_semaphore(%run_scoped3A : memref<!tpu.dma_semaphore, #tpu.memory_space<semaphore_mem>>)
      %dma_wait3A = arith.constant 0 : i32
      %dma_wait3A_163 = tpu.memref_slice %arg18[%add3A_75, %dma_wait3A] : memref<5128x128xf32, #tpu.memory_space<vmem_shared>> -> memref<64x128xf32, #tpu.memory_space<vmem_shared>>
      %dma_wait3A_164 = arith.constant 0 : i32
      %dma_wait3A_165 = tpu.memref_slice %arg18[%add3A_75, %dma_wait3A_164] : memref<5128x128xf32, #tpu.memory_space<vmem_shared>> -> memref<64x128xf32, #tpu.memory_space<vmem_shared>>
      tpu.wait_dma2 semaphore(%run_scoped3A : memref<!tpu.dma_semaphore, #tpu.memory_space<semaphore_mem>>) src(%dma_wait3A_165 : memref<64x128xf32, #tpu.memory_space<vmem_shared>>) dst(%arg17 : memref<64x128xf32, #tpu.memory_space<vmem>>)
      tpu.yield
    }) : () -> ()
    %mul3A_76 = arith.constant 320 : i32
    %mul3A_77 = arith.muli %arg1, %mul3A_76 : i32
    %add3A_78 = arith.constant 256 : i32
    %add3A_79 = arith.addi %mul3A_77, %add3A_78 : i32
    "tpu.region"() ({
      %run_scoped3A = tpu.sem_alloc : memref<!tpu.dma_semaphore, #tpu.memory_space<semaphore_mem>>
      %dma_start3A = arith.constant 0 : i32
      %dma_start3A_160 = tpu.memref_slice %arg6[%arg0, %add3A_79, %dma_start3A] : memref<2x5120x128xf32, #tpu.memory_space<hbm>> -> memref<1x64x128xf32, #tpu.memory_space<hbm>>
      %dma_start3A_161 = tpu.memref_squeeze %dma_start3A_160 : memref<1x64x128xf32, #tpu.memory_space<hbm>> -> memref<64x128xf32, #tpu.memory_space<hbm>>
      %dma_start3A_162 = arith.constant 0 : i32
      %dma_start3A_163 = tpu.memref_slice %arg6[%arg0, %add3A_79, %dma_start3A_162] : memref<2x5120x128xf32, #tpu.memory_space<hbm>> -> memref<1x64x128xf32, #tpu.memory_space<hbm>>
      %dma_start3A_164 = tpu.memref_squeeze %dma_start3A_163 : memref<1x64x128xf32, #tpu.memory_space<hbm>> -> memref<64x128xf32, #tpu.memory_space<hbm>>
      tpu.enqueue_dma source(%arg17 : memref<64x128xf32, #tpu.memory_space<vmem>>) target(%dma_start3A_164 : memref<64x128xf32, #tpu.memory_space<hbm>>) target_semaphore(%run_scoped3A : memref<!tpu.dma_semaphore, #tpu.memory_space<semaphore_mem>>)
      %dma_wait3A = arith.constant 0 : i32
      %dma_wait3A_165 = tpu.memref_slice %arg6[%arg0, %add3A_79, %dma_wait3A] : memref<2x5120x128xf32, #tpu.memory_space<hbm>> -> memref<1x64x128xf32, #tpu.memory_space<hbm>>
      %dma_wait3A_166 = tpu.memref_squeeze %dma_wait3A_165 : memref<1x64x128xf32, #tpu.memory_space<hbm>> -> memref<64x128xf32, #tpu.memory_space<hbm>>
      %dma_wait3A_167 = arith.constant 0 : i32
      %dma_wait3A_168 = tpu.memref_slice %arg6[%arg0, %add3A_79, %dma_wait3A_167] : memref<2x5120x128xf32, #tpu.memory_space<hbm>> -> memref<1x64x128xf32, #tpu.memory_space<hbm>>
      %dma_wait3A_169 = tpu.memref_squeeze %dma_wait3A_168 : memref<1x64x128xf32, #tpu.memory_space<hbm>> -> memref<64x128xf32, #tpu.memory_space<hbm>>
      tpu.wait_dma2 semaphore(%run_scoped3A : memref<!tpu.dma_semaphore, #tpu.memory_space<semaphore_mem>>) src(%arg17 : memref<64x128xf32, #tpu.memory_space<vmem>>) dst(%dma_wait3A_169 : memref<64x128xf32, #tpu.memory_space<hbm>>)
      tpu.yield
    }) : () -> ()
    %barrier3A_80 = arith.constant 0 : index
    tpu.barrier barrier_id(%barrier3A_80)
    %scan3A_81 = arith.constant 0 : i32
    %scan3A_82 = arith.constant 0 : i32
    %scan3A_83 = arith.constant 64 : i32
    %scan3A_84 = arith.addi %scan3A_82, %scan3A_83 : i32
    %scan3A_85 = arith.constant 1 : i32
    scf.for %scan3A_160 = %scan3A_82 to %scan3A_84 step %scan3A_85  : i32 {
      %broadcast_in_dim3A = arith.constant 0.000000e+00 : f32
      %broadcast_in_dim3A_161 = vector.broadcast %broadcast_in_dim3A : f32 to vector<16xf32>
      %swap3A = arith.index_cast %scan3A_160 : i32 to index
      %swap3A_162 = arith.constant 0 : index
      %swap3A_163 = tpu.vector_load %arg17[%swap3A, %swap3A_162] {strides = array<i32>} : memref<64x128xf32, #tpu.memory_space<vmem>>, vector<1x16xf32>,
      %swap3A_164 = vector.shape_cast %swap3A_163 : vector<1x16xf32> to vector<16xf32>
      %swap3A_165 = vector.shape_cast %broadcast_in_dim3A_161 : vector<16xf32> to vector<1x16xf32>
      tpu.vector_store %arg17[%swap3A, %swap3A_162], %swap3A_165 {strides = array<i32>} : memref<64x128xf32, #tpu.memory_space<vmem>>, vector<1x16xf32>,
      %broadcast_in_dim3A_166 = arith.constant 0.000000e+00 : f32
      %broadcast_in_dim3A_167 = vector.broadcast %broadcast_in_dim3A_166 : f32 to vector<16xf32>
      %swap3A_168 = arith.index_cast %scan3A_160 : i32 to index
      %swap3A_169 = arith.constant 16 : index
      %swap3A_170 = tpu.vector_load %arg17[%swap3A_168, %swap3A_169] {strides = array<i32>} : memref<64x128xf32, #tpu.memory_space<vmem>>, vector<1x16xf32>,
      %swap3A_171 = vector.shape_cast %swap3A_170 : vector<1x16xf32> to vector<16xf32>
      %swap3A_172 = vector.shape_cast %broadcast_in_dim3A_167 : vector<16xf32> to vector<1x16xf32>
      tpu.vector_store %arg17[%swap3A_168, %swap3A_169], %swap3A_172 {strides = array<i32>} : memref<64x128xf32, #tpu.memory_space<vmem>>, vector<1x16xf32>,
      %broadcast_in_dim3A_173 = arith.constant 0.000000e+00 : f32
      %broadcast_in_dim3A_174 = vector.broadcast %broadcast_in_dim3A_173 : f32 to vector<16xf32>
      %swap3A_175 = arith.index_cast %scan3A_160 : i32 to index
      %swap3A_176 = arith.constant 32 : index
      %swap3A_177 = tpu.vector_load %arg17[%swap3A_175, %swap3A_176] {strides = array<i32>} : memref<64x128xf32, #tpu.memory_space<vmem>>, vector<1x16xf32>,
      %swap3A_178 = vector.shape_cast %swap3A_177 : vector<1x16xf32> to vector<16xf32>
      %swap3A_179 = vector.shape_cast %broadcast_in_dim3A_174 : vector<16xf32> to vector<1x16xf32>
      tpu.vector_store %arg17[%swap3A_175, %swap3A_176], %swap3A_179 {strides = array<i32>} : memref<64x128xf32, #tpu.memory_space<vmem>>, vector<1x16xf32>,
      %broadcast_in_dim3A_180 = arith.constant 0.000000e+00 : f32
      %broadcast_in_dim3A_181 = vector.broadcast %broadcast_in_dim3A_180 : f32 to vector<16xf32>
      %swap3A_182 = arith.index_cast %scan3A_160 : i32 to index
      %swap3A_183 = arith.constant 48 : index
      %swap3A_184 = tpu.vector_load %arg17[%swap3A_182, %swap3A_183] {strides = array<i32>} : memref<64x128xf32, #tpu.memory_space<vmem>>, vector<1x16xf32>,
      %swap3A_185 = vector.shape_cast %swap3A_184 : vector<1x16xf32> to vector<16xf32>
      %swap3A_186 = vector.shape_cast %broadcast_in_dim3A_181 : vector<16xf32> to vector<1x16xf32>
      tpu.vector_store %arg17[%swap3A_182, %swap3A_183], %swap3A_186 {strides = array<i32>} : memref<64x128xf32, #tpu.memory_space<vmem>>, vector<1x16xf32>,
      %broadcast_in_dim3A_187 = arith.constant 0.000000e+00 : f32
      %broadcast_in_dim3A_188 = vector.broadcast %broadcast_in_dim3A_187 : f32 to vector<16xf32>
      %swap3A_189 = arith.index_cast %scan3A_160 : i32 to index
      %swap3A_190 = arith.constant 64 : index
      %swap3A_191 = tpu.vector_load %arg17[%swap3A_189, %swap3A_190] {strides = array<i32>} : memref<64x128xf32, #tpu.memory_space<vmem>>, vector<1x16xf32>,
      %swap3A_192 = vector.shape_cast %swap3A_191 : vector<1x16xf32> to vector<16xf32>
      %swap3A_193 = vector.shape_cast %broadcast_in_dim3A_188 : vector<16xf32> to vector<1x16xf32>
      tpu.vector_store %arg17[%swap3A_189, %swap3A_190], %swap3A_193 {strides = array<i32>} : memref<64x128xf32, #tpu.memory_space<vmem>>, vector<1x16xf32>,
      %broadcast_in_dim3A_194 = arith.constant 0.000000e+00 : f32
      %broadcast_in_dim3A_195 = vector.broadcast %broadcast_in_dim3A_194 : f32 to vector<16xf32>
      %swap3A_196 = arith.index_cast %scan3A_160 : i32 to index
      %swap3A_197 = arith.constant 80 : index
      %swap3A_198 = tpu.vector_load %arg17[%swap3A_196, %swap3A_197] {strides = array<i32>} : memref<64x128xf32, #tpu.memory_space<vmem>>, vector<1x16xf32>,
      %swap3A_199 = vector.shape_cast %swap3A_198 : vector<1x16xf32> to vector<16xf32>
      %swap3A_200 = vector.shape_cast %broadcast_in_dim3A_195 : vector<16xf32> to vector<1x16xf32>
      tpu.vector_store %arg17[%swap3A_196, %swap3A_197], %swap3A_200 {strides = array<i32>} : memref<64x128xf32, #tpu.memory_space<vmem>>, vector<1x16xf32>,
      %broadcast_in_dim3A_201 = arith.constant 0.000000e+00 : f32
      %broadcast_in_dim3A_202 = vector.broadcast %broadcast_in_dim3A_201 : f32 to vector<16xf32>
      %swap3A_203 = arith.index_cast %scan3A_160 : i32 to index
      %swap3A_204 = arith.constant 96 : index
      %swap3A_205 = tpu.vector_load %arg17[%swap3A_203, %swap3A_204] {strides = array<i32>} : memref<64x128xf32, #tpu.memory_space<vmem>>, vector<1x16xf32>,
      %swap3A_206 = vector.shape_cast %swap3A_205 : vector<1x16xf32> to vector<16xf32>
      %swap3A_207 = vector.shape_cast %broadcast_in_dim3A_202 : vector<16xf32> to vector<1x16xf32>
      tpu.vector_store %arg17[%swap3A_203, %swap3A_204], %swap3A_207 {strides = array<i32>} : memref<64x128xf32, #tpu.memory_space<vmem>>, vector<1x16xf32>,
      %broadcast_in_dim3A_208 = arith.constant 0.000000e+00 : f32
      %broadcast_in_dim3A_209 = vector.broadcast %broadcast_in_dim3A_208 : f32 to vector<16xf32>
      %swap3A_210 = arith.index_cast %scan3A_160 : i32 to index
      %swap3A_211 = arith.constant 112 : index
      %swap3A_212 = tpu.vector_load %arg17[%swap3A_210, %swap3A_211] {strides = array<i32>} : memref<64x128xf32, #tpu.memory_space<vmem>>, vector<1x16xf32>,
      %swap3A_213 = vector.shape_cast %swap3A_212 : vector<1x16xf32> to vector<16xf32>
      %swap3A_214 = vector.shape_cast %broadcast_in_dim3A_209 : vector<16xf32> to vector<1x16xf32>
      tpu.vector_store %arg17[%swap3A_210, %swap3A_211], %swap3A_214 {strides = array<i32>} : memref<64x128xf32, #tpu.memory_space<vmem>>, vector<1x16xf32>,
    }
    %scan3A_86 = arith.constant 64 : i32
    %mul3A_87 = arith.constant 320 : i32
    %mul3A_88 = arith.muli %arg1, %mul3A_87 : i32
    %add3A_89 = arith.constant 0 : i32
    %add3A_90 = arith.addi %mul3A_88, %add3A_89 : i32
    "tpu.region"() ({
      %run_scoped3A = tpu.sem_alloc : memref<!tpu.dma_semaphore, #tpu.memory_space<semaphore_mem>>
      %dma_start3A = arith.constant 0 : i32
      %dma_start3A_160 = tpu.memref_slice %arg18[%add3A_90, %dma_start3A] : memref<5128x128xf32, #tpu.memory_space<vmem_shared>> -> memref<64x128xf32, #tpu.memory_space<vmem_shared>>
      %dma_start3A_161 = arith.constant 0 : i32
      %dma_start3A_162 = tpu.memref_slice %arg18[%add3A_90, %dma_start3A_161] : memref<5128x128xf32, #tpu.memory_space<vmem_shared>> -> memref<64x128xf32, #tpu.memory_space<vmem_shared>>
      tpu.enqueue_dma source(%arg17 : memref<64x128xf32, #tpu.memory_space<vmem>>) target(%dma_start3A_162 : memref<64x128xf32, #tpu.memory_space<vmem_shared>>) target_semaphore(%run_scoped3A : memref<!tpu.dma_semaphore, #tpu.memory_space<semaphore_mem>>)
      %dma_wait3A = arith.constant 0 : i32
      %dma_wait3A_163 = tpu.memref_slice %arg18[%add3A_90, %dma_wait3A] : memref<5128x128xf32, #tpu.memory_space<vmem_shared>> -> memref<64x128xf32, #tpu.memory_space<vmem_shared>>
      %dma_wait3A_164 = arith.constant 0 : i32
      %dma_wait3A_165 = tpu.memref_slice %arg18[%add3A_90, %dma_wait3A_164] : memref<5128x128xf32, #tpu.memory_space<vmem_shared>> -> memref<64x128xf32, #tpu.memory_space<vmem_shared>>
      tpu.wait_dma2 semaphore(%run_scoped3A : memref<!tpu.dma_semaphore, #tpu.memory_space<semaphore_mem>>) src(%arg17 : memref<64x128xf32, #tpu.memory_space<vmem>>) dst(%dma_wait3A_165 : memref<64x128xf32, #tpu.memory_space<vmem_shared>>)
      tpu.yield
    }) : () -> ()
    %mul3A_91 = arith.constant 320 : i32
    %mul3A_92 = arith.muli %arg1, %mul3A_91 : i32
    %add3A_93 = arith.constant 64 : i32
    %add3A_94 = arith.addi %mul3A_92, %add3A_93 : i32
    "tpu.region"() ({
      %run_scoped3A = tpu.sem_alloc : memref<!tpu.dma_semaphore, #tpu.memory_space<semaphore_mem>>
      %dma_start3A = arith.constant 0 : i32
      %dma_start3A_160 = tpu.memref_slice %arg18[%add3A_94, %dma_start3A] : memref<5128x128xf32, #tpu.memory_space<vmem_shared>> -> memref<64x128xf32, #tpu.memory_space<vmem_shared>>
      %dma_start3A_161 = arith.constant 0 : i32
      %dma_start3A_162 = tpu.memref_slice %arg18[%add3A_94, %dma_start3A_161] : memref<5128x128xf32, #tpu.memory_space<vmem_shared>> -> memref<64x128xf32, #tpu.memory_space<vmem_shared>>
      tpu.enqueue_dma source(%arg17 : memref<64x128xf32, #tpu.memory_space<vmem>>) target(%dma_start3A_162 : memref<64x128xf32, #tpu.memory_space<vmem_shared>>) target_semaphore(%run_scoped3A : memref<!tpu.dma_semaphore, #tpu.memory_space<semaphore_mem>>)
      %dma_wait3A = arith.constant 0 : i32
      %dma_wait3A_163 = tpu.memref_slice %arg18[%add3A_94, %dma_wait3A] : memref<5128x128xf32, #tpu.memory_space<vmem_shared>> -> memref<64x128xf32, #tpu.memory_space<vmem_shared>>
      %dma_wait3A_164 = arith.constant 0 : i32
      %dma_wait3A_165 = tpu.memref_slice %arg18[%add3A_94, %dma_wait3A_164] : memref<5128x128xf32, #tpu.memory_space<vmem_shared>> -> memref<64x128xf32, #tpu.memory_space<vmem_shared>>
      tpu.wait_dma2 semaphore(%run_scoped3A : memref<!tpu.dma_semaphore, #tpu.memory_space<semaphore_mem>>) src(%arg17 : memref<64x128xf32, #tpu.memory_space<vmem>>) dst(%dma_wait3A_165 : memref<64x128xf32, #tpu.memory_space<vmem_shared>>)
      tpu.yield
    }) : () -> ()
    %mul3A_95 = arith.constant 320 : i32
    %mul3A_96 = arith.muli %arg1, %mul3A_95 : i32
    %add3A_97 = arith.constant 128 : i32
    %add3A_98 = arith.addi %mul3A_96, %add3A_97 : i32
    "tpu.region"() ({
      %run_scoped3A = tpu.sem_alloc : memref<!tpu.dma_semaphore, #tpu.memory_space<semaphore_mem>>
      %dma_start3A = arith.constant 0 : i32
      %dma_start3A_160 = tpu.memref_slice %arg18[%add3A_98, %dma_start3A] : memref<5128x128xf32, #tpu.memory_space<vmem_shared>> -> memref<64x128xf32, #tpu.memory_space<vmem_shared>>
      %dma_start3A_161 = arith.constant 0 : i32
      %dma_start3A_162 = tpu.memref_slice %arg18[%add3A_98, %dma_start3A_161] : memref<5128x128xf32, #tpu.memory_space<vmem_shared>> -> memref<64x128xf32, #tpu.memory_space<vmem_shared>>
      tpu.enqueue_dma source(%arg17 : memref<64x128xf32, #tpu.memory_space<vmem>>) target(%dma_start3A_162 : memref<64x128xf32, #tpu.memory_space<vmem_shared>>) target_semaphore(%run_scoped3A : memref<!tpu.dma_semaphore, #tpu.memory_space<semaphore_mem>>)
      %dma_wait3A = arith.constant 0 : i32
      %dma_wait3A_163 = tpu.memref_slice %arg18[%add3A_98, %dma_wait3A] : memref<5128x128xf32, #tpu.memory_space<vmem_shared>> -> memref<64x128xf32, #tpu.memory_space<vmem_shared>>
      %dma_wait3A_164 = arith.constant 0 : i32
      %dma_wait3A_165 = tpu.memref_slice %arg18[%add3A_98, %dma_wait3A_164] : memref<5128x128xf32, #tpu.memory_space<vmem_shared>> -> memref<64x128xf32, #tpu.memory_space<vmem_shared>>
      tpu.wait_dma2 semaphore(%run_scoped3A : memref<!tpu.dma_semaphore, #tpu.memory_space<semaphore_mem>>) src(%arg17 : memref<64x128xf32, #tpu.memory_space<vmem>>) dst(%dma_wait3A_165 : memref<64x128xf32, #tpu.memory_space<vmem_shared>>)
      tpu.yield
    }) : () -> ()
    %mul3A_99 = arith.constant 320 : i32
    %mul3A_100 = arith.muli %arg1, %mul3A_99 : i32
    %add3A_101 = arith.constant 192 : i32
    %add3A_102 = arith.addi %mul3A_100, %add3A_101 : i32
    "tpu.region"() ({
      %run_scoped3A = tpu.sem_alloc : memref<!tpu.dma_semaphore, #tpu.memory_space<semaphore_mem>>
      %dma_start3A = arith.constant 0 : i32
      %dma_start3A_160 = tpu.memref_slice %arg18[%add3A_102, %dma_start3A] : memref<5128x128xf32, #tpu.memory_space<vmem_shared>> -> memref<64x128xf32, #tpu.memory_space<vmem_shared>>
      %dma_start3A_161 = arith.constant 0 : i32
      %dma_start3A_162 = tpu.memref_slice %arg18[%add3A_102, %dma_start3A_161] : memref<5128x128xf32, #tpu.memory_space<vmem_shared>> -> memref<64x128xf32, #tpu.memory_space<vmem_shared>>
      tpu.enqueue_dma source(%arg17 : memref<64x128xf32, #tpu.memory_space<vmem>>) target(%dma_start3A_162 : memref<64x128xf32, #tpu.memory_space<vmem_shared>>) target_semaphore(%run_scoped3A : memref<!tpu.dma_semaphore, #tpu.memory_space<semaphore_mem>>)
      %dma_wait3A = arith.constant 0 : i32
      %dma_wait3A_163 = tpu.memref_slice %arg18[%add3A_102, %dma_wait3A] : memref<5128x128xf32, #tpu.memory_space<vmem_shared>> -> memref<64x128xf32, #tpu.memory_space<vmem_shared>>
      %dma_wait3A_164 = arith.constant 0 : i32
      %dma_wait3A_165 = tpu.memref_slice %arg18[%add3A_102, %dma_wait3A_164] : memref<5128x128xf32, #tpu.memory_space<vmem_shared>> -> memref<64x128xf32, #tpu.memory_space<vmem_shared>>
      tpu.wait_dma2 semaphore(%run_scoped3A : memref<!tpu.dma_semaphore, #tpu.memory_space<semaphore_mem>>) src(%arg17 : memref<64x128xf32, #tpu.memory_space<vmem>>) dst(%dma_wait3A_165 : memref<64x128xf32, #tpu.memory_space<vmem_shared>>)
      tpu.yield
    }) : () -> ()
    %mul3A_103 = arith.constant 320 : i32
    %mul3A_104 = arith.muli %arg1, %mul3A_103 : i32
    %add3A_105 = arith.constant 256 : i32
    %add3A_106 = arith.addi %mul3A_104, %add3A_105 : i32
    "tpu.region"() ({
      %run_scoped3A = tpu.sem_alloc : memref<!tpu.dma_semaphore, #tpu.memory_space<semaphore_mem>>
      %dma_start3A = arith.constant 0 : i32
      %dma_start3A_160 = tpu.memref_slice %arg18[%add3A_106, %dma_start3A] : memref<5128x128xf32, #tpu.memory_space<vmem_shared>> -> memref<64x128xf32, #tpu.memory_space<vmem_shared>>
      %dma_start3A_161 = arith.constant 0 : i32
      %dma_start3A_162 = tpu.memref_slice %arg18[%add3A_106, %dma_start3A_161] : memref<5128x128xf32, #tpu.memory_space<vmem_shared>> -> memref<64x128xf32, #tpu.memory_space<vmem_shared>>
      tpu.enqueue_dma source(%arg17 : memref<64x128xf32, #tpu.memory_space<vmem>>) target(%dma_start3A_162 : memref<64x128xf32, #tpu.memory_space<vmem_shared>>) target_semaphore(%run_scoped3A : memref<!tpu.dma_semaphore, #tpu.memory_space<semaphore_mem>>)
      %dma_wait3A = arith.constant 0 : i32
      %dma_wait3A_163 = tpu.memref_slice %arg18[%add3A_106, %dma_wait3A] : memref<5128x128xf32, #tpu.memory_space<vmem_shared>> -> memref<64x128xf32, #tpu.memory_space<vmem_shared>>
      %dma_wait3A_164 = arith.constant 0 : i32
      %dma_wait3A_165 = tpu.memref_slice %arg18[%add3A_106, %dma_wait3A_164] : memref<5128x128xf32, #tpu.memory_space<vmem_shared>> -> memref<64x128xf32, #tpu.memory_space<vmem_shared>>
      tpu.wait_dma2 semaphore(%run_scoped3A : memref<!tpu.dma_semaphore, #tpu.memory_space<semaphore_mem>>) src(%arg17 : memref<64x128xf32, #tpu.memory_space<vmem>>) dst(%dma_wait3A_165 : memref<64x128xf32, #tpu.memory_space<vmem_shared>>)
      tpu.yield
    }) : () -> ()
    %eq3A_107 = arith.constant 0 : i32
    %eq3A_108 = arith.cmpi eq, %arg1, %eq3A_107 : i32
    %convert_element_type3A_109 = arith.extui %eq3A_108 : i1 to i32
    %cond3A_110 = arith.constant 0 : i32
    %cond3A_111 = arith.cmpi ne, %convert_element_type3A_109, %cond3A_110 : i32
    scf.if %cond3A_111 {
      "tpu.region"() ({
        %run_scoped3A = tpu.sem_alloc : memref<!tpu.dma_semaphore, #tpu.memory_space<semaphore_mem>>
        %dma_start3A = arith.constant 0 : i32
        %dma_start3A_160 = arith.constant 0 : i32
        %dma_start3A_161 = tpu.memref_slice %arg17[%dma_start3A, %dma_start3A_160] : memref<64x128xf32, #tpu.memory_space<vmem>> -> memref<8x128xf32, #tpu.memory_space<vmem>>
        %dma_start3A_162 = arith.constant 5120 : i32
        %dma_start3A_163 = arith.constant 0 : i32
        %dma_start3A_164 = tpu.memref_slice %arg18[%dma_start3A_162, %dma_start3A_163] : memref<5128x128xf32, #tpu.memory_space<vmem_shared>> -> memref<8x128xf32, #tpu.memory_space<vmem_shared>>
        %dma_start3A_165 = arith.constant 5120 : i32
        %dma_start3A_166 = arith.constant 0 : i32
        %dma_start3A_167 = tpu.memref_slice %arg18[%dma_start3A_165, %dma_start3A_166] : memref<5128x128xf32, #tpu.memory_space<vmem_shared>> -> memref<8x128xf32, #tpu.memory_space<vmem_shared>>
        %dma_start3A_168 = arith.constant 0 : i32
        %dma_start3A_169 = arith.constant 0 : i32
        %dma_start3A_170 = tpu.memref_slice %arg17[%dma_start3A_168, %dma_start3A_169] : memref<64x128xf32, #tpu.memory_space<vmem>> -> memref<8x128xf32, #tpu.memory_space<vmem>>
        tpu.enqueue_dma source(%dma_start3A_170 : memref<8x128xf32, #tpu.memory_space<vmem>>) target(%dma_start3A_167 : memref<8x128xf32, #tpu.memory_space<vmem_shared>>) target_semaphore(%run_scoped3A : memref<!tpu.dma_semaphore, #tpu.memory_space<semaphore_mem>>)
        %dma_wait3A = arith.constant 0 : i32
        %dma_wait3A_171 = arith.constant 0 : i32
        %dma_wait3A_172 = tpu.memref_slice %arg17[%dma_wait3A, %dma_wait3A_171] : memref<64x128xf32, #tpu.memory_space<vmem>> -> memref<8x128xf32, #tpu.memory_space<vmem>>
        %dma_wait3A_173 = arith.constant 5120 : i32
        %dma_wait3A_174 = arith.constant 0 : i32
        %dma_wait3A_175 = tpu.memref_slice %arg18[%dma_wait3A_173, %dma_wait3A_174] : memref<5128x128xf32, #tpu.memory_space<vmem_shared>> -> memref<8x128xf32, #tpu.memory_space<vmem_shared>>
        %dma_wait3A_176 = arith.constant 5120 : i32
        %dma_wait3A_177 = arith.constant 0 : i32
        %dma_wait3A_178 = tpu.memref_slice %arg18[%dma_wait3A_176, %dma_wait3A_177] : memref<5128x128xf32, #tpu.memory_space<vmem_shared>> -> memref<8x128xf32, #tpu.memory_space<vmem_shared>>
        %dma_wait3A_179 = arith.constant 0 : i32
        %dma_wait3A_180 = arith.constant 0 : i32
        %dma_wait3A_181 = tpu.memref_slice %arg17[%dma_wait3A_179, %dma_wait3A_180] : memref<64x128xf32, #tpu.memory_space<vmem>> -> memref<8x128xf32, #tpu.memory_space<vmem>>
        tpu.wait_dma2 semaphore(%run_scoped3A : memref<!tpu.dma_semaphore, #tpu.memory_space<semaphore_mem>>) src(%dma_wait3A_181 : memref<8x128xf32, #tpu.memory_space<vmem>>) dst(%dma_wait3A_178 : memref<8x128xf32, #tpu.memory_space<vmem_shared>>)
        tpu.yield
      }) : () -> ()
    } else {
    }
    %barrier3A_112 = arith.constant 0 : index
    tpu.barrier barrier_id(%barrier3A_112)
    %scan3A_113 = arith.constant 0 : i32
    %scan3A_114 = arith.constant 0 : i32
    %scan3A_115 = arith.constant 250 : i32
    %scan3A_116 = arith.addi %scan3A_114, %scan3A_115 : i32
    %scan3A_117 = arith.constant 1 : i32
    scf.for %scan3A_160 = %scan3A_114 to %scan3A_116 step %scan3A_117  : i32 {
      %mul3A_161 = arith.constant 20000 : i32
      %mul3A_162 = arith.muli %arg1, %mul3A_161 : i32
      %mul3A_163 = arith.constant 80 : i32
      %mul3A_164 = arith.muli %scan3A_160, %mul3A_163 : i32
      %add3A_165 = arith.addi %mul3A_162, %mul3A_164 : i32
      %multiple_of3A = tpu.assume_multiple %add3A_165, 8 : i32
      "tpu.region"() ({
        %run_scoped3A = tpu.sem_alloc : memref<!tpu.dma_semaphore, #tpu.memory_space<semaphore_mem>>
        %dma_start3A = tpu.memref_slice %arg4[%multiple_of3A] : memref<320000xi32, #tpu.memory_space<hbm>> -> memref<80xi32, #tpu.memory_space<hbm>>
        %dma_start3A_178 = tpu.memref_slice %arg4[%multiple_of3A] : memref<320000xi32, #tpu.memory_space<hbm>> -> memref<80xi32, #tpu.memory_space<hbm>>
        tpu.enqueue_dma source(%dma_start3A_178 : memref<80xi32, #tpu.memory_space<hbm>>) target(%arg9 : memref<80xi32, #tpu.memory_space<vmem>>) target_semaphore(%run_scoped3A : memref<!tpu.dma_semaphore, #tpu.memory_space<semaphore_mem>>)
        %dma_wait3A = tpu.memref_slice %arg4[%multiple_of3A] : memref<320000xi32, #tpu.memory_space<hbm>> -> memref<80xi32, #tpu.memory_space<hbm>>
        %dma_wait3A_179 = tpu.memref_slice %arg4[%multiple_of3A] : memref<320000xi32, #tpu.memory_space<hbm>> -> memref<80xi32, #tpu.memory_space<hbm>>
        tpu.wait_dma2 semaphore(%run_scoped3A : memref<!tpu.dma_semaphore, #tpu.memory_space<semaphore_mem>>) src(%dma_wait3A_179 : memref<80xi32, #tpu.memory_space<hbm>>) dst(%arg9 : memref<80xi32, #tpu.memory_space<vmem>>)
        tpu.yield
      }) : () -> ()
      "tpu.region"() ({
        %run_scoped3A = tpu.sem_alloc : memref<!tpu.dma_semaphore, #tpu.memory_space<semaphore_mem>>
        %dma_start3A = tpu.memref_slice %arg5[%multiple_of3A] : memref<320000xi32, #tpu.memory_space<hbm>> -> memref<80xi32, #tpu.memory_space<hbm>>
        %dma_start3A_178 = tpu.memref_slice %arg5[%multiple_of3A] : memref<320000xi32, #tpu.memory_space<hbm>> -> memref<80xi32, #tpu.memory_space<hbm>>
        tpu.enqueue_dma source(%dma_start3A_178 : memref<80xi32, #tpu.memory_space<hbm>>) target(%arg10 : memref<80xi32, #tpu.memory_space<vmem>>) target_semaphore(%run_scoped3A : memref<!tpu.dma_semaphore, #tpu.memory_space<semaphore_mem>>)
        %dma_wait3A = tpu.memref_slice %arg5[%multiple_of3A] : memref<320000xi32, #tpu.memory_space<hbm>> -> memref<80xi32, #tpu.memory_space<hbm>>
        %dma_wait3A_179 = tpu.memref_slice %arg5[%multiple_of3A] : memref<320000xi32, #tpu.memory_space<hbm>> -> memref<80xi32, #tpu.memory_space<hbm>>
        tpu.wait_dma2 semaphore(%run_scoped3A : memref<!tpu.dma_semaphore, #tpu.memory_space<semaphore_mem>>) src(%dma_wait3A_179 : memref<80xi32, #tpu.memory_space<hbm>>) dst(%arg10 : memref<80xi32, #tpu.memory_space<vmem>>)
        tpu.yield
      }) : () -> ()
      %scan3A_166 = arith.constant 0 : i32
      %scan3A_167 = arith.constant 0 : i32
      %scan3A_168 = arith.constant 5 : i32
      %scan3A_169 = arith.addi %scan3A_167, %scan3A_168 : i32
      %scan3A_170 = arith.constant 1 : i32
      scf.for %scan3A_178 = %scan3A_167 to %scan3A_169 step %scan3A_170  : i32 {
        %mul3A_179 = arith.constant 16 : i32
        %mul3A_180 = arith.muli %scan3A_178, %mul3A_179 : i32
        %get3A = arith.index_cast %mul3A_180 : i32 to index
        %get3A_181 = tpu.vector_load %arg10[%get3A] {strides = array<i32>} : memref<80xi32, #tpu.memory_space<vmem>>, vector<16xi32>,
        %get3A_182 = vector.shape_cast %get3A_181 : vector<16xi32> to vector<16xi32>
        %sub3A = vector.broadcast %mul3A_0 : i32 to vector<16xi32>
        %sub3A_183 = arith.subi %get3A_182, %sub3A : vector<16xi32>
        %ge3A = arith.constant 0 : i32
        %ge3A_184 = vector.broadcast %ge3A : i32 to vector<16xi32>
        %ge3A_185 = arith.cmpi sge, %sub3A_183, %ge3A_184 : vector<16xi32>
        %lt3A = arith.constant 5120 : i32
        %lt3A_186 = vector.broadcast %lt3A : i32 to vector<16xi32>
        %lt3A_187 = arith.cmpi slt, %sub3A_183, %lt3A_186 : vector<16xi32>
        %and3A = arith.andi %ge3A_185, %lt3A_187 : vector<16xi1>
        %jit3A = arith.constant 5120 : i32
        %broadcast_in_dim3A = vector.broadcast %jit3A : i32 to vector<16xi32>
        %select_n3A = arith.select %and3A, %sub3A_183, %broadcast_in_dim3A : vector<16xi1>, vector<16xi32>
        %mul3A_188 = arith.constant 16 : i32
        %mul3A_189 = arith.muli %scan3A_178, %mul3A_188 : i32
        %swap3A = arith.index_cast %mul3A_189 : i32 to index
        %swap3A_190 = tpu.vector_load %arg11[%swap3A] {strides = array<i32>} : memref<80xi32, #tpu.memory_space<vmem>>, vector<16xi32>,
        %swap3A_191 = vector.shape_cast %swap3A_190 : vector<16xi32> to vector<16xi32>
        %swap3A_192 = vector.shape_cast %select_n3A : vector<16xi32> to vector<16xi32>
        tpu.vector_store %arg11[%swap3A], %swap3A_192 {strides = array<i32>} : memref<80xi32, #tpu.memory_space<vmem>>, vector<16xi32>,
      }
      %scan3A_171 = arith.constant 5 : i32
      "tpu.region"() ({
        %run_scoped3A = tpu.sem_alloc : memref<!tpu.dma_semaphore, #tpu.memory_space<semaphore_mem>>
        %dma_start3A = arith.constant 0 : i32
        %dma_start3A_178 = tpu.memref_slice %arg7[%arg0, %multiple_of3A, %dma_start3A] : memref<2x320000x16xf32, #tpu.memory_space<hbm>> -> memref<1x80x16xf32, #tpu.memory_space<hbm>>
        %dma_start3A_179 = tpu.memref_squeeze %dma_start3A_178 : memref<1x80x16xf32, #tpu.memory_space<hbm>> -> memref<80x16xf32, #tpu.memory_space<hbm>>
        %dma_start3A_180 = arith.constant 0 : i32
        %dma_start3A_181 = tpu.memref_slice %arg7[%arg0, %multiple_of3A, %dma_start3A_180] : memref<2x320000x16xf32, #tpu.memory_space<hbm>> -> memref<1x80x16xf32, #tpu.memory_space<hbm>>
        %dma_start3A_182 = tpu.memref_squeeze %dma_start3A_181 : memref<1x80x16xf32, #tpu.memory_space<hbm>> -> memref<80x16xf32, #tpu.memory_space<hbm>>
        tpu.enqueue_dma source(%dma_start3A_182 : memref<80x16xf32, #tpu.memory_space<hbm>>) target(%arg16 : memref<80x16xf32, #tpu.memory_space<vmem>>) target_semaphore(%run_scoped3A : memref<!tpu.dma_semaphore, #tpu.memory_space<semaphore_mem>>)
        %dma_wait3A = arith.constant 0 : i32
        %dma_wait3A_183 = tpu.memref_slice %arg7[%arg0, %multiple_of3A, %dma_wait3A] : memref<2x320000x16xf32, #tpu.memory_space<hbm>> -> memref<1x80x16xf32, #tpu.memory_space<hbm>>
        %dma_wait3A_184 = tpu.memref_squeeze %dma_wait3A_183 : memref<1x80x16xf32, #tpu.memory_space<hbm>> -> memref<80x16xf32, #tpu.memory_space<hbm>>
        %dma_wait3A_185 = arith.constant 0 : i32
        %dma_wait3A_186 = tpu.memref_slice %arg7[%arg0, %multiple_of3A, %dma_wait3A_185] : memref<2x320000x16xf32, #tpu.memory_space<hbm>> -> memref<1x80x16xf32, #tpu.memory_space<hbm>>
        %dma_wait3A_187 = tpu.memref_squeeze %dma_wait3A_186 : memref<1x80x16xf32, #tpu.memory_space<hbm>> -> memref<80x16xf32, #tpu.memory_space<hbm>>
        tpu.wait_dma2 semaphore(%run_scoped3A : memref<!tpu.dma_semaphore, #tpu.memory_space<semaphore_mem>>) src(%dma_wait3A_187 : memref<80x16xf32, #tpu.memory_space<hbm>>) dst(%arg16 : memref<80x16xf32, #tpu.memory_space<vmem>>)
        tpu.yield
      }) : () -> ()
      %scan3A_172 = arith.constant 0 : i32
      %scan3A_173 = arith.constant 0 : i32
      %scan3A_174 = arith.constant 80 : i32
      %scan3A_175 = arith.addi %scan3A_173, %scan3A_174 : i32
      %scan3A_176 = arith.constant 1 : i32
      scf.for %scan3A_178 = %scan3A_173 to %scan3A_175 step %scan3A_176  : i32 {
        %get3A = arith.index_cast %scan3A_178 : i32 to index
        %get3A_179 = arith.constant 0 : index
        %get3A_180 = tpu.vector_load %arg16[%get3A, %get3A_179] {strides = array<i32>} : memref<80x16xf32, #tpu.memory_space<vmem>>, vector<1x16xf32>,
        %get3A_181 = vector.shape_cast %get3A_180 : vector<1x16xf32> to vector<16xf32>
        %swap3A = arith.index_cast %scan3A_178 : i32 to index
        %swap3A_182 = arith.constant 0 : index
        %swap3A_183 = tpu.vector_load %arg15[%swap3A, %swap3A_182] {strides = array<i32>} : memref<80x128xf32, #tpu.memory_space<vmem>>, vector<1x16xf32>,
        %swap3A_184 = vector.shape_cast %swap3A_183 : vector<1x16xf32> to vector<16xf32>
        %swap3A_185 = vector.shape_cast %get3A_181 : vector<16xf32> to vector<1x16xf32>
        tpu.vector_store %arg15[%swap3A, %swap3A_182], %swap3A_185 {strides = array<i32>} : memref<80x128xf32, #tpu.memory_space<vmem>>, vector<1x16xf32>,
      }
      %scan3A_177 = arith.constant 80 : i32
      "tpu.region"() ({
        %run_scoped3A = tpu.sem_alloc : memref<!tpu.dma_semaphore, #tpu.memory_space<semaphore_mem>>
        %dma_start3A = arith.constant 0 : i32
        %dma_start3A_178 = arith.constant 0 : i32
        %dma_start3A_179 = tpu.memref_slice %arg18[%dma_start3A, %dma_start3A_178] : memref<5128x128xf32, #tpu.memory_space<vmem_shared>> -> memref<5128x128xf32, #tpu.memory_space<vmem_shared>>
        tpu.enqueue_indirect_dma source(%arg15 : memref<80x128xf32, #tpu.memory_space<vmem>>) target(%dma_start3A_179 : memref<5128x128xf32, #tpu.memory_space<vmem_shared>>) offsets(%arg11 : memref<80xi32, #tpu.memory_space<vmem>>) semaphore(%run_scoped3A : memref<!tpu.dma_semaphore, #tpu.memory_space<semaphore_mem>>) {add = true}
        %dma_wait3A = arith.constant 0 : i32
        %dma_wait3A_180 = arith.constant 0 : i32
        %dma_wait3A_181 = tpu.memref_slice %arg18[%dma_wait3A, %dma_wait3A_180] : memref<5128x128xf32, #tpu.memory_space<vmem_shared>> -> memref<5128x128xf32, #tpu.memory_space<vmem_shared>>
        tpu.wait_indirect_dma semaphore(%run_scoped3A : memref<!tpu.dma_semaphore, #tpu.memory_space<semaphore_mem>>) src(%arg15 : memref<80x128xf32, #tpu.memory_space<vmem>>) dst(%dma_wait3A_181 : memref<5128x128xf32, #tpu.memory_space<vmem_shared>>)
        tpu.yield
      }) : () -> ()
    }
    %scan3A_118 = arith.constant 250 : i32
    %barrier3A_119 = arith.constant 0 : index
    tpu.barrier barrier_id(%barrier3A_119)
    %mul3A_120 = arith.constant 320 : i32
    %mul3A_121 = arith.muli %arg1, %mul3A_120 : i32
    %add3A_122 = arith.constant 0 : i32
    %add3A_123 = arith.addi %mul3A_121, %add3A_122 : i32
    "tpu.region"() ({
      %run_scoped3A = tpu.sem_alloc : memref<!tpu.dma_semaphore, #tpu.memory_space<semaphore_mem>>
      %dma_start3A = arith.constant 0 : i32
      %dma_start3A_160 = tpu.memref_slice %arg18[%add3A_123, %dma_start3A] : memref<5128x128xf32, #tpu.memory_space<vmem_shared>> -> memref<64x128xf32, #tpu.memory_space<vmem_shared>>
      %dma_start3A_161 = arith.constant 0 : i32
      %dma_start3A_162 = tpu.memref_slice %arg18[%add3A_123, %dma_start3A_161] : memref<5128x128xf32, #tpu.memory_space<vmem_shared>> -> memref<64x128xf32, #tpu.memory_space<vmem_shared>>
      tpu.enqueue_dma source(%dma_start3A_162 : memref<64x128xf32, #tpu.memory_space<vmem_shared>>) target(%arg17 : memref<64x128xf32, #tpu.memory_space<vmem>>) target_semaphore(%run_scoped3A : memref<!tpu.dma_semaphore, #tpu.memory_space<semaphore_mem>>)
      %dma_wait3A = arith.constant 0 : i32
      %dma_wait3A_163 = tpu.memref_slice %arg18[%add3A_123, %dma_wait3A] : memref<5128x128xf32, #tpu.memory_space<vmem_shared>> -> memref<64x128xf32, #tpu.memory_space<vmem_shared>>
      %dma_wait3A_164 = arith.constant 0 : i32
      %dma_wait3A_165 = tpu.memref_slice %arg18[%add3A_123, %dma_wait3A_164] : memref<5128x128xf32, #tpu.memory_space<vmem_shared>> -> memref<64x128xf32, #tpu.memory_space<vmem_shared>>
      tpu.wait_dma2 semaphore(%run_scoped3A : memref<!tpu.dma_semaphore, #tpu.memory_space<semaphore_mem>>) src(%dma_wait3A_165 : memref<64x128xf32, #tpu.memory_space<vmem_shared>>) dst(%arg17 : memref<64x128xf32, #tpu.memory_space<vmem>>)
      tpu.yield
    }) : () -> ()
    %mul3A_124 = arith.constant 320 : i32
    %mul3A_125 = arith.muli %arg1, %mul3A_124 : i32
    %add3A_126 = arith.constant 0 : i32
    %add3A_127 = arith.addi %mul3A_125, %add3A_126 : i32
    "tpu.region"() ({
      %run_scoped3A = tpu.sem_alloc : memref<!tpu.dma_semaphore, #tpu.memory_space<semaphore_mem>>
      %dma_start3A = arith.constant 0 : i32
      %dma_start3A_160 = tpu.memref_slice %arg8[%arg0, %add3A_127, %dma_start3A] : memref<2x5120x128xf32, #tpu.memory_space<hbm>> -> memref<1x64x128xf32, #tpu.memory_space<hbm>>
      %dma_start3A_161 = tpu.memref_squeeze %dma_start3A_160 : memref<1x64x128xf32, #tpu.memory_space<hbm>> -> memref<64x128xf32, #tpu.memory_space<hbm>>
      %dma_start3A_162 = arith.constant 0 : i32
      %dma_start3A_163 = tpu.memref_slice %arg8[%arg0, %add3A_127, %dma_start3A_162] : memref<2x5120x128xf32, #tpu.memory_space<hbm>> -> memref<1x64x128xf32, #tpu.memory_space<hbm>>
      %dma_start3A_164 = tpu.memref_squeeze %dma_start3A_163 : memref<1x64x128xf32, #tpu.memory_space<hbm>> -> memref<64x128xf32, #tpu.memory_space<hbm>>
      tpu.enqueue_dma source(%arg17 : memref<64x128xf32, #tpu.memory_space<vmem>>) target(%dma_start3A_164 : memref<64x128xf32, #tpu.memory_space<hbm>>) target_semaphore(%run_scoped3A : memref<!tpu.dma_semaphore, #tpu.memory_space<semaphore_mem>>)
      %dma_wait3A = arith.constant 0 : i32
      %dma_wait3A_165 = tpu.memref_slice %arg8[%arg0, %add3A_127, %dma_wait3A] : memref<2x5120x128xf32, #tpu.memory_space<hbm>> -> memref<1x64x128xf32, #tpu.memory_space<hbm>>
      %dma_wait3A_166 = tpu.memref_squeeze %dma_wait3A_165 : memref<1x64x128xf32, #tpu.memory_space<hbm>> -> memref<64x128xf32, #tpu.memory_space<hbm>>
      %dma_wait3A_167 = arith.constant 0 : i32
      %dma_wait3A_168 = tpu.memref_slice %arg8[%arg0, %add3A_127, %dma_wait3A_167] : memref<2x5120x128xf32, #tpu.memory_space<hbm>> -> memref<1x64x128xf32, #tpu.memory_space<hbm>>
      %dma_wait3A_169 = tpu.memref_squeeze %dma_wait3A_168 : memref<1x64x128xf32, #tpu.memory_space<hbm>> -> memref<64x128xf32, #tpu.memory_space<hbm>>
      tpu.wait_dma2 semaphore(%run_scoped3A : memref<!tpu.dma_semaphore, #tpu.memory_space<semaphore_mem>>) src(%arg17 : memref<64x128xf32, #tpu.memory_space<vmem>>) dst(%dma_wait3A_169 : memref<64x128xf32, #tpu.memory_space<hbm>>)
      tpu.yield
    }) : () -> ()
    %mul3A_128 = arith.constant 320 : i32
    %mul3A_129 = arith.muli %arg1, %mul3A_128 : i32
    %add3A_130 = arith.constant 64 : i32
    %add3A_131 = arith.addi %mul3A_129, %add3A_130 : i32
    "tpu.region"() ({
      %run_scoped3A = tpu.sem_alloc : memref<!tpu.dma_semaphore, #tpu.memory_space<semaphore_mem>>
      %dma_start3A = arith.constant 0 : i32
      %dma_start3A_160 = tpu.memref_slice %arg18[%add3A_131, %dma_start3A] : memref<5128x128xf32, #tpu.memory_space<vmem_shared>> -> memref<64x128xf32, #tpu.memory_space<vmem_shared>>
      %dma_start3A_161 = arith.constant 0 : i32
      %dma_start3A_162 = tpu.memref_slice %arg18[%add3A_131, %dma_start3A_161] : memref<5128x128xf32, #tpu.memory_space<vmem_shared>> -> memref<64x128xf32, #tpu.memory_space<vmem_shared>>
      tpu.enqueue_dma source(%dma_start3A_162 : memref<64x128xf32, #tpu.memory_space<vmem_shared>>) target(%arg17 : memref<64x128xf32, #tpu.memory_space<vmem>>) target_semaphore(%run_scoped3A : memref<!tpu.dma_semaphore, #tpu.memory_space<semaphore_mem>>)
      %dma_wait3A = arith.constant 0 : i32
      %dma_wait3A_163 = tpu.memref_slice %arg18[%add3A_131, %dma_wait3A] : memref<5128x128xf32, #tpu.memory_space<vmem_shared>> -> memref<64x128xf32, #tpu.memory_space<vmem_shared>>
      %dma_wait3A_164 = arith.constant 0 : i32
      %dma_wait3A_165 = tpu.memref_slice %arg18[%add3A_131, %dma_wait3A_164] : memref<5128x128xf32, #tpu.memory_space<vmem_shared>> -> memref<64x128xf32, #tpu.memory_space<vmem_shared>>
      tpu.wait_dma2 semaphore(%run_scoped3A : memref<!tpu.dma_semaphore, #tpu.memory_space<semaphore_mem>>) src(%dma_wait3A_165 : memref<64x128xf32, #tpu.memory_space<vmem_shared>>) dst(%arg17 : memref<64x128xf32, #tpu.memory_space<vmem>>)
      tpu.yield
    }) : () -> ()
    %mul3A_132 = arith.constant 320 : i32
    %mul3A_133 = arith.muli %arg1, %mul3A_132 : i32
    %add3A_134 = arith.constant 64 : i32
    %add3A_135 = arith.addi %mul3A_133, %add3A_134 : i32
    "tpu.region"() ({
      %run_scoped3A = tpu.sem_alloc : memref<!tpu.dma_semaphore, #tpu.memory_space<semaphore_mem>>
      %dma_start3A = arith.constant 0 : i32
      %dma_start3A_160 = tpu.memref_slice %arg8[%arg0, %add3A_135, %dma_start3A] : memref<2x5120x128xf32, #tpu.memory_space<hbm>> -> memref<1x64x128xf32, #tpu.memory_space<hbm>>
      %dma_start3A_161 = tpu.memref_squeeze %dma_start3A_160 : memref<1x64x128xf32, #tpu.memory_space<hbm>> -> memref<64x128xf32, #tpu.memory_space<hbm>>
      %dma_start3A_162 = arith.constant 0 : i32
      %dma_start3A_163 = tpu.memref_slice %arg8[%arg0, %add3A_135, %dma_start3A_162] : memref<2x5120x128xf32, #tpu.memory_space<hbm>> -> memref<1x64x128xf32, #tpu.memory_space<hbm>>
      %dma_start3A_164 = tpu.memref_squeeze %dma_start3A_163 : memref<1x64x128xf32, #tpu.memory_space<hbm>> -> memref<64x128xf32, #tpu.memory_space<hbm>>
      tpu.enqueue_dma source(%arg17 : memref<64x128xf32, #tpu.memory_space<vmem>>) target(%dma_start3A_164 : memref<64x128xf32, #tpu.memory_space<hbm>>) target_semaphore(%run_scoped3A : memref<!tpu.dma_semaphore, #tpu.memory_space<semaphore_mem>>)
      %dma_wait3A = arith.constant 0 : i32
      %dma_wait3A_165 = tpu.memref_slice %arg8[%arg0, %add3A_135, %dma_wait3A] : memref<2x5120x128xf32, #tpu.memory_space<hbm>> -> memref<1x64x128xf32, #tpu.memory_space<hbm>>
      %dma_wait3A_166 = tpu.memref_squeeze %dma_wait3A_165 : memref<1x64x128xf32, #tpu.memory_space<hbm>> -> memref<64x128xf32, #tpu.memory_space<hbm>>
      %dma_wait3A_167 = arith.constant 0 : i32
      %dma_wait3A_168 = tpu.memref_slice %arg8[%arg0, %add3A_135, %dma_wait3A_167] : memref<2x5120x128xf32, #tpu.memory_space<hbm>> -> memref<1x64x128xf32, #tpu.memory_space<hbm>>
      %dma_wait3A_169 = tpu.memref_squeeze %dma_wait3A_168 : memref<1x64x128xf32, #tpu.memory_space<hbm>> -> memref<64x128xf32, #tpu.memory_space<hbm>>
      tpu.wait_dma2 semaphore(%run_scoped3A : memref<!tpu.dma_semaphore, #tpu.memory_space<semaphore_mem>>) src(%arg17 : memref<64x128xf32, #tpu.memory_space<vmem>>) dst(%dma_wait3A_169 : memref<64x128xf32, #tpu.memory_space<hbm>>)
      tpu.yield
    }) : () -> ()
    %mul3A_136 = arith.constant 320 : i32
    %mul3A_137 = arith.muli %arg1, %mul3A_136 : i32
    %add3A_138 = arith.constant 128 : i32
    %add3A_139 = arith.addi %mul3A_137, %add3A_138 : i32
    "tpu.region"() ({
      %run_scoped3A = tpu.sem_alloc : memref<!tpu.dma_semaphore, #tpu.memory_space<semaphore_mem>>
      %dma_start3A = arith.constant 0 : i32
      %dma_start3A_160 = tpu.memref_slice %arg18[%add3A_139, %dma_start3A] : memref<5128x128xf32, #tpu.memory_space<vmem_shared>> -> memref<64x128xf32, #tpu.memory_space<vmem_shared>>
      %dma_start3A_161 = arith.constant 0 : i32
      %dma_start3A_162 = tpu.memref_slice %arg18[%add3A_139, %dma_start3A_161] : memref<5128x128xf32, #tpu.memory_space<vmem_shared>> -> memref<64x128xf32, #tpu.memory_space<vmem_shared>>
      tpu.enqueue_dma source(%dma_start3A_162 : memref<64x128xf32, #tpu.memory_space<vmem_shared>>) target(%arg17 : memref<64x128xf32, #tpu.memory_space<vmem>>) target_semaphore(%run_scoped3A : memref<!tpu.dma_semaphore, #tpu.memory_space<semaphore_mem>>)
      %dma_wait3A = arith.constant 0 : i32
      %dma_wait3A_163 = tpu.memref_slice %arg18[%add3A_139, %dma_wait3A] : memref<5128x128xf32, #tpu.memory_space<vmem_shared>> -> memref<64x128xf32, #tpu.memory_space<vmem_shared>>
      %dma_wait3A_164 = arith.constant 0 : i32
      %dma_wait3A_165 = tpu.memref_slice %arg18[%add3A_139, %dma_wait3A_164] : memref<5128x128xf32, #tpu.memory_space<vmem_shared>> -> memref<64x128xf32, #tpu.memory_space<vmem_shared>>
      tpu.wait_dma2 semaphore(%run_scoped3A : memref<!tpu.dma_semaphore, #tpu.memory_space<semaphore_mem>>) src(%dma_wait3A_165 : memref<64x128xf32, #tpu.memory_space<vmem_shared>>) dst(%arg17 : memref<64x128xf32, #tpu.memory_space<vmem>>)
      tpu.yield
    }) : () -> ()
    %mul3A_140 = arith.constant 320 : i32
    %mul3A_141 = arith.muli %arg1, %mul3A_140 : i32
    %add3A_142 = arith.constant 128 : i32
    %add3A_143 = arith.addi %mul3A_141, %add3A_142 : i32
    "tpu.region"() ({
      %run_scoped3A = tpu.sem_alloc : memref<!tpu.dma_semaphore, #tpu.memory_space<semaphore_mem>>
      %dma_start3A = arith.constant 0 : i32
      %dma_start3A_160 = tpu.memref_slice %arg8[%arg0, %add3A_143, %dma_start3A] : memref<2x5120x128xf32, #tpu.memory_space<hbm>> -> memref<1x64x128xf32, #tpu.memory_space<hbm>>
      %dma_start3A_161 = tpu.memref_squeeze %dma_start3A_160 : memref<1x64x128xf32, #tpu.memory_space<hbm>> -> memref<64x128xf32, #tpu.memory_space<hbm>>
      %dma_start3A_162 = arith.constant 0 : i32
      %dma_start3A_163 = tpu.memref_slice %arg8[%arg0, %add3A_143, %dma_start3A_162] : memref<2x5120x128xf32, #tpu.memory_space<hbm>> -> memref<1x64x128xf32, #tpu.memory_space<hbm>>
      %dma_start3A_164 = tpu.memref_squeeze %dma_start3A_163 : memref<1x64x128xf32, #tpu.memory_space<hbm>> -> memref<64x128xf32, #tpu.memory_space<hbm>>
      tpu.enqueue_dma source(%arg17 : memref<64x128xf32, #tpu.memory_space<vmem>>) target(%dma_start3A_164 : memref<64x128xf32, #tpu.memory_space<hbm>>) target_semaphore(%run_scoped3A : memref<!tpu.dma_semaphore, #tpu.memory_space<semaphore_mem>>)
      %dma_wait3A = arith.constant 0 : i32
      %dma_wait3A_165 = tpu.memref_slice %arg8[%arg0, %add3A_143, %dma_wait3A] : memref<2x5120x128xf32, #tpu.memory_space<hbm>> -> memref<1x64x128xf32, #tpu.memory_space<hbm>>
      %dma_wait3A_166 = tpu.memref_squeeze %dma_wait3A_165 : memref<1x64x128xf32, #tpu.memory_space<hbm>> -> memref<64x128xf32, #tpu.memory_space<hbm>>
      %dma_wait3A_167 = arith.constant 0 : i32
      %dma_wait3A_168 = tpu.memref_slice %arg8[%arg0, %add3A_143, %dma_wait3A_167] : memref<2x5120x128xf32, #tpu.memory_space<hbm>> -> memref<1x64x128xf32, #tpu.memory_space<hbm>>
      %dma_wait3A_169 = tpu.memref_squeeze %dma_wait3A_168 : memref<1x64x128xf32, #tpu.memory_space<hbm>> -> memref<64x128xf32, #tpu.memory_space<hbm>>
      tpu.wait_dma2 semaphore(%run_scoped3A : memref<!tpu.dma_semaphore, #tpu.memory_space<semaphore_mem>>) src(%arg17 : memref<64x128xf32, #tpu.memory_space<vmem>>) dst(%dma_wait3A_169 : memref<64x128xf32, #tpu.memory_space<hbm>>)
      tpu.yield
    }) : () -> ()
    %mul3A_144 = arith.constant 320 : i32
    %mul3A_145 = arith.muli %arg1, %mul3A_144 : i32
    %add3A_146 = arith.constant 192 : i32
    %add3A_147 = arith.addi %mul3A_145, %add3A_146 : i32
    "tpu.region"() ({
      %run_scoped3A = tpu.sem_alloc : memref<!tpu.dma_semaphore, #tpu.memory_space<semaphore_mem>>
      %dma_start3A = arith.constant 0 : i32
      %dma_start3A_160 = tpu.memref_slice %arg18[%add3A_147, %dma_start3A] : memref<5128x128xf32, #tpu.memory_space<vmem_shared>> -> memref<64x128xf32, #tpu.memory_space<vmem_shared>>
      %dma_start3A_161 = arith.constant 0 : i32
      %dma_start3A_162 = tpu.memref_slice %arg18[%add3A_147, %dma_start3A_161] : memref<5128x128xf32, #tpu.memory_space<vmem_shared>> -> memref<64x128xf32, #tpu.memory_space<vmem_shared>>
      tpu.enqueue_dma source(%dma_start3A_162 : memref<64x128xf32, #tpu.memory_space<vmem_shared>>) target(%arg17 : memref<64x128xf32, #tpu.memory_space<vmem>>) target_semaphore(%run_scoped3A : memref<!tpu.dma_semaphore, #tpu.memory_space<semaphore_mem>>)
      %dma_wait3A = arith.constant 0 : i32
      %dma_wait3A_163 = tpu.memref_slice %arg18[%add3A_147, %dma_wait3A] : memref<5128x128xf32, #tpu.memory_space<vmem_shared>> -> memref<64x128xf32, #tpu.memory_space<vmem_shared>>
      %dma_wait3A_164 = arith.constant 0 : i32
      %dma_wait3A_165 = tpu.memref_slice %arg18[%add3A_147, %dma_wait3A_164] : memref<5128x128xf32, #tpu.memory_space<vmem_shared>> -> memref<64x128xf32, #tpu.memory_space<vmem_shared>>
      tpu.wait_dma2 semaphore(%run_scoped3A : memref<!tpu.dma_semaphore, #tpu.memory_space<semaphore_mem>>) src(%dma_wait3A_165 : memref<64x128xf32, #tpu.memory_space<vmem_shared>>) dst(%arg17 : memref<64x128xf32, #tpu.memory_space<vmem>>)
      tpu.yield
    }) : () -> ()
    %mul3A_148 = arith.constant 320 : i32
    %mul3A_149 = arith.muli %arg1, %mul3A_148 : i32
    %add3A_150 = arith.constant 192 : i32
    %add3A_151 = arith.addi %mul3A_149, %add3A_150 : i32
    "tpu.region"() ({
      %run_scoped3A = tpu.sem_alloc : memref<!tpu.dma_semaphore, #tpu.memory_space<semaphore_mem>>
      %dma_start3A = arith.constant 0 : i32
      %dma_start3A_160 = tpu.memref_slice %arg8[%arg0, %add3A_151, %dma_start3A] : memref<2x5120x128xf32, #tpu.memory_space<hbm>> -> memref<1x64x128xf32, #tpu.memory_space<hbm>>
      %dma_start3A_161 = tpu.memref_squeeze %dma_start3A_160 : memref<1x64x128xf32, #tpu.memory_space<hbm>> -> memref<64x128xf32, #tpu.memory_space<hbm>>
      %dma_start3A_162 = arith.constant 0 : i32
      %dma_start3A_163 = tpu.memref_slice %arg8[%arg0, %add3A_151, %dma_start3A_162] : memref<2x5120x128xf32, #tpu.memory_space<hbm>> -> memref<1x64x128xf32, #tpu.memory_space<hbm>>
      %dma_start3A_164 = tpu.memref_squeeze %dma_start3A_163 : memref<1x64x128xf32, #tpu.memory_space<hbm>> -> memref<64x128xf32, #tpu.memory_space<hbm>>
      tpu.enqueue_dma source(%arg17 : memref<64x128xf32, #tpu.memory_space<vmem>>) target(%dma_start3A_164 : memref<64x128xf32, #tpu.memory_space<hbm>>) target_semaphore(%run_scoped3A : memref<!tpu.dma_semaphore, #tpu.memory_space<semaphore_mem>>)
      %dma_wait3A = arith.constant 0 : i32
      %dma_wait3A_165 = tpu.memref_slice %arg8[%arg0, %add3A_151, %dma_wait3A] : memref<2x5120x128xf32, #tpu.memory_space<hbm>> -> memref<1x64x128xf32, #tpu.memory_space<hbm>>
      %dma_wait3A_166 = tpu.memref_squeeze %dma_wait3A_165 : memref<1x64x128xf32, #tpu.memory_space<hbm>> -> memref<64x128xf32, #tpu.memory_space<hbm>>
      %dma_wait3A_167 = arith.constant 0 : i32
      %dma_wait3A_168 = tpu.memref_slice %arg8[%arg0, %add3A_151, %dma_wait3A_167] : memref<2x5120x128xf32, #tpu.memory_space<hbm>> -> memref<1x64x128xf32, #tpu.memory_space<hbm>>
      %dma_wait3A_169 = tpu.memref_squeeze %dma_wait3A_168 : memref<1x64x128xf32, #tpu.memory_space<hbm>> -> memref<64x128xf32, #tpu.memory_space<hbm>>
      tpu.wait_dma2 semaphore(%run_scoped3A : memref<!tpu.dma_semaphore, #tpu.memory_space<semaphore_mem>>) src(%arg17 : memref<64x128xf32, #tpu.memory_space<vmem>>) dst(%dma_wait3A_169 : memref<64x128xf32, #tpu.memory_space<hbm>>)
      tpu.yield
    }) : () -> ()
    %mul3A_152 = arith.constant 320 : i32
    %mul3A_153 = arith.muli %arg1, %mul3A_152 : i32
    %add3A_154 = arith.constant 256 : i32
    %add3A_155 = arith.addi %mul3A_153, %add3A_154 : i32
    "tpu.region"() ({
      %run_scoped3A = tpu.sem_alloc : memref<!tpu.dma_semaphore, #tpu.memory_space<semaphore_mem>>
      %dma_start3A = arith.constant 0 : i32
      %dma_start3A_160 = tpu.memref_slice %arg18[%add3A_155, %dma_start3A] : memref<5128x128xf32, #tpu.memory_space<vmem_shared>> -> memref<64x128xf32, #tpu.memory_space<vmem_shared>>
      %dma_start3A_161 = arith.constant 0 : i32
      %dma_start3A_162 = tpu.memref_slice %arg18[%add3A_155, %dma_start3A_161] : memref<5128x128xf32, #tpu.memory_space<vmem_shared>> -> memref<64x128xf32, #tpu.memory_space<vmem_shared>>
      tpu.enqueue_dma source(%dma_start3A_162 : memref<64x128xf32, #tpu.memory_space<vmem_shared>>) target(%arg17 : memref<64x128xf32, #tpu.memory_space<vmem>>) target_semaphore(%run_scoped3A : memref<!tpu.dma_semaphore, #tpu.memory_space<semaphore_mem>>)
      %dma_wait3A = arith.constant 0 : i32
      %dma_wait3A_163 = tpu.memref_slice %arg18[%add3A_155, %dma_wait3A] : memref<5128x128xf32, #tpu.memory_space<vmem_shared>> -> memref<64x128xf32, #tpu.memory_space<vmem_shared>>
      %dma_wait3A_164 = arith.constant 0 : i32
      %dma_wait3A_165 = tpu.memref_slice %arg18[%add3A_155, %dma_wait3A_164] : memref<5128x128xf32, #tpu.memory_space<vmem_shared>> -> memref<64x128xf32, #tpu.memory_space<vmem_shared>>
      tpu.wait_dma2 semaphore(%run_scoped3A : memref<!tpu.dma_semaphore, #tpu.memory_space<semaphore_mem>>) src(%dma_wait3A_165 : memref<64x128xf32, #tpu.memory_space<vmem_shared>>) dst(%arg17 : memref<64x128xf32, #tpu.memory_space<vmem>>)
      tpu.yield
    }) : () -> ()
    %mul3A_156 = arith.constant 320 : i32
    %mul3A_157 = arith.muli %arg1, %mul3A_156 : i32
    %add3A_158 = arith.constant 256 : i32
    %add3A_159 = arith.addi %mul3A_157, %add3A_158 : i32
    "tpu.region"() ({
      %run_scoped3A = tpu.sem_alloc : memref<!tpu.dma_semaphore, #tpu.memory_space<semaphore_mem>>
      %dma_start3A = arith.constant 0 : i32
      %dma_start3A_160 = tpu.memref_slice %arg8[%arg0, %add3A_159, %dma_start3A] : memref<2x5120x128xf32, #tpu.memory_space<hbm>> -> memref<1x64x128xf32, #tpu.memory_space<hbm>>
      %dma_start3A_161 = tpu.memref_squeeze %dma_start3A_160 : memref<1x64x128xf32, #tpu.memory_space<hbm>> -> memref<64x128xf32, #tpu.memory_space<hbm>>
      %dma_start3A_162 = arith.constant 0 : i32
      %dma_start3A_163 = tpu.memref_slice %arg8[%arg0, %add3A_159, %dma_start3A_162] : memref<2x5120x128xf32, #tpu.memory_space<hbm>> -> memref<1x64x128xf32, #tpu.memory_space<hbm>>
      %dma_start3A_164 = tpu.memref_squeeze %dma_start3A_163 : memref<1x64x128xf32, #tpu.memory_space<hbm>> -> memref<64x128xf32, #tpu.memory_space<hbm>>
      tpu.enqueue_dma source(%arg17 : memref<64x128xf32, #tpu.memory_space<vmem>>) target(%dma_start3A_164 : memref<64x128xf32, #tpu.memory_space<hbm>>) target_semaphore(%run_scoped3A : memref<!tpu.dma_semaphore, #tpu.memory_space<semaphore_mem>>)
      %dma_wait3A = arith.constant 0 : i32
      %dma_wait3A_165 = tpu.memref_slice %arg8[%arg0, %add3A_159, %dma_wait3A] : memref<2x5120x128xf32, #tpu.memory_space<hbm>> -> memref<1x64x128xf32, #tpu.memory_space<hbm>>
      %dma_wait3A_166 = tpu.memref_squeeze %dma_wait3A_165 : memref<1x64x128xf32, #tpu.memory_space<hbm>> -> memref<64x128xf32, #tpu.memory_space<hbm>>
      %dma_wait3A_167 = arith.constant 0 : i32
      %dma_wait3A_168 = tpu.memref_slice %arg8[%arg0, %add3A_159, %dma_wait3A_167] : memref<2x5120x128xf32, #tpu.memory_space<hbm>> -> memref<1x64x128xf32, #tpu.memory_space<hbm>>
      %dma_wait3A_169 = tpu.memref_squeeze %dma_wait3A_168 : memref<1x64x128xf32, #tpu.memory_space<hbm>> -> memref<64x128xf32, #tpu.memory_space<hbm>>
      tpu.wait_dma2 semaphore(%run_scoped3A : memref<!tpu.dma_semaphore, #tpu.memory_space<semaphore_mem>>) src(%arg17 : memref<64x128xf32, #tpu.memory_space<vmem>>) dst(%dma_wait3A_169 : memref<64x128xf32, #tpu.memory_space<hbm>>)
      tpu.yield
    }) : () -> ()
    return
  }
}

#map = affine_map<(d0, d1) -> (0, 0)>
#map1 = affine_map<(d0, d1) -> (0)>
#map2 = affine_map<(d0, d1) -> (0, 0, 0)>
module attributes {stable_mosaic.version = 14 : i64} {
  func.func @_sc_body(%arg0: i32, %arg1: i32, %arg2: memref<10000x256xf32, #tpu.memory_space<hbm>>, %arg3: memref<10000x128xf32, #tpu.memory_space<hbm>>, %arg4: memref<320000xi32, #tpu.memory_space<hbm>>, %arg5: memref<320000xi32, #tpu.memory_space<hbm>>, %arg6: memref<2x5120x128xf32, #tpu.memory_space<hbm>>, %arg7: memref<2x320000x16xf32, #tpu.memory_space<hbm>>, %arg8: memref<2x5120x128xf32, #tpu.memory_space<hbm>>, %arg9: memref<80xi32, #tpu.memory_space<vmem>>, %arg10: memref<80xi32, #tpu.memory_space<vmem>>, %arg11: memref<80xi32, #tpu.memory_space<vmem>>, %arg12: memref<80x256xf32, #tpu.memory_space<vmem>>, %arg13: memref<80x128xf32, #tpu.memory_space<vmem>>, %arg14: memref<80x128xf32, #tpu.memory_space<vmem>>, %arg15: memref<80x128xf32, #tpu.memory_space<vmem>>, %arg16: memref<80x16xf32, #tpu.memory_space<vmem>>, %arg17: memref<64x128xf32, #tpu.memory_space<vmem>>, %arg18: memref<5128x128xf32, #tpu.memory_space<vmem_shared>>, %arg19: memref<!tpu.dma_semaphore, #tpu.memory_space<semaphore_mem>>) attributes {dimension_semantics = [#tpu.dimension_semantics<core_parallel>, #tpu.dimension_semantics<subcore_parallel>], iteration_bounds = array<i64: 2, 16>, scalar_prefetch = 0 : i64, scratch_operands = 11 : i64, tpu.core_type = #tpu.core_type<sc_vector_subcore>, window_params = [{transform_indices = #map}, {transform_indices = #map}, {transform_indices = #map1}, {transform_indices = #map1}, {transform_indices = #map2}, {transform_indices = #map2}, {transform_indices = #map2}]} {
    %mul3A = arith.constant 5120 : i32
    %mul3A_0 = arith.muli %arg0, %mul3A : i32
    %iota3A = tpu.iota {dimensions = array<i32: 0>} : vector<16xi32>
    %scan3A = arith.constant 0 : i32
    %scan3A_1 = arith.constant 0 : i32
    %scan3A_2 = arith.constant 64 : i32
    %scan3A_3 = arith.addi %scan3A_1, %scan3A_2 : i32
    %scan3A_4 = arith.constant 1 : i32
    scf.for %scan3A_160 = %scan3A_1 to %scan3A_3 step %scan3A_4  : i32 {
      %broadcast_in_dim3A = arith.constant 0.000000e+00 : f32
      %broadcast_in_dim3A_161 = vector.broadcast %broadcast_in_dim3A : f32 to vector<16xf32>
      %swap3A = arith.index_cast %scan3A_160 : i32 to index
      %swap3A_162 = arith.constant 0 : index
      %swap3A_163 = tpu.vector_load %arg17[%swap3A, %swap3A_162] {strides = array<i32>} : memref<64x128xf32, #tpu.memory_space<vmem>>, vector<1x16xf32>,
      %swap3A_164 = vector.shape_cast %swap3A_163 : vector<1x16xf32> to vector<16xf32>
      %swap3A_165 = vector.shape_cast %broadcast_in_dim3A_161 : vector<16xf32> to vector<1x16xf32>
      tpu.vector_store %arg17[%swap3A, %swap3A_162], %swap3A_165 {strides = array<i32>} : memref<64x128xf32, #tpu.memory_space<vmem>>, vector<1x16xf32>,
      %broadcast_in_dim3A_166 = arith.constant 0.000000e+00 : f32
      %broadcast_in_dim3A_167 = vector.broadcast %broadcast_in_dim3A_166 : f32 to vector<16xf32>
      %swap3A_168 = arith.index_cast %scan3A_160 : i32 to index
      %swap3A_169 = arith.constant 16 : index
      %swap3A_170 = tpu.vector_load %arg17[%swap3A_168, %swap3A_169] {strides = array<i32>} : memref<64x128xf32, #tpu.memory_space<vmem>>, vector<1x16xf32>,
      %swap3A_171 = vector.shape_cast %swap3A_170 : vector<1x16xf32> to vector<16xf32>
      %swap3A_172 = vector.shape_cast %broadcast_in_dim3A_167 : vector<16xf32> to vector<1x16xf32>
      tpu.vector_store %arg17[%swap3A_168, %swap3A_169], %swap3A_172 {strides = array<i32>} : memref<64x128xf32, #tpu.memory_space<vmem>>, vector<1x16xf32>,
      %broadcast_in_dim3A_173 = arith.constant 0.000000e+00 : f32
      %broadcast_in_dim3A_174 = vector.broadcast %broadcast_in_dim3A_173 : f32 to vector<16xf32>
      %swap3A_175 = arith.index_cast %scan3A_160 : i32 to index
      %swap3A_176 = arith.constant 32 : index
      %swap3A_177 = tpu.vector_load %arg17[%swap3A_175, %swap3A_176] {strides = array<i32>} : memref<64x128xf32, #tpu.memory_space<vmem>>, vector<1x16xf32>,
      %swap3A_178 = vector.shape_cast %swap3A_177 : vector<1x16xf32> to vector<16xf32>
      %swap3A_179 = vector.shape_cast %broadcast_in_dim3A_174 : vector<16xf32> to vector<1x16xf32>
      tpu.vector_store %arg17[%swap3A_175, %swap3A_176], %swap3A_179 {strides = array<i32>} : memref<64x128xf32, #tpu.memory_space<vmem>>, vector<1x16xf32>,
      %broadcast_in_dim3A_180 = arith.constant 0.000000e+00 : f32
      %broadcast_in_dim3A_181 = vector.broadcast %broadcast_in_dim3A_180 : f32 to vector<16xf32>
      %swap3A_182 = arith.index_cast %scan3A_160 : i32 to index
      %swap3A_183 = arith.constant 48 : index
      %swap3A_184 = tpu.vector_load %arg17[%swap3A_182, %swap3A_183] {strides = array<i32>} : memref<64x128xf32, #tpu.memory_space<vmem>>, vector<1x16xf32>,
      %swap3A_185 = vector.shape_cast %swap3A_184 : vector<1x16xf32> to vector<16xf32>
      %swap3A_186 = vector.shape_cast %broadcast_in_dim3A_181 : vector<16xf32> to vector<1x16xf32>
      tpu.vector_store %arg17[%swap3A_182, %swap3A_183], %swap3A_186 {strides = array<i32>} : memref<64x128xf32, #tpu.memory_space<vmem>>, vector<1x16xf32>,
      %broadcast_in_dim3A_187 = arith.constant 0.000000e+00 : f32
      %broadcast_in_dim3A_188 = vector.broadcast %broadcast_in_dim3A_187 : f32 to vector<16xf32>
      %swap3A_189 = arith.index_cast %scan3A_160 : i32 to index
      %swap3A_190 = arith.constant 64 : index
      %swap3A_191 = tpu.vector_load %arg17[%swap3A_189, %swap3A_190] {strides = array<i32>} : memref<64x128xf32, #tpu.memory_space<vmem>>, vector<1x16xf32>,
      %swap3A_192 = vector.shape_cast %swap3A_191 : vector<1x16xf32> to vector<16xf32>
      %swap3A_193 = vector.shape_cast %broadcast_in_dim3A_188 : vector<16xf32> to vector<1x16xf32>
      tpu.vector_store %arg17[%swap3A_189, %swap3A_190], %swap3A_193 {strides = array<i32>} : memref<64x128xf32, #tpu.memory_space<vmem>>, vector<1x16xf32>,
      %broadcast_in_dim3A_194 = arith.constant 0.000000e+00 : f32
      %broadcast_in_dim3A_195 = vector.broadcast %broadcast_in_dim3A_194 : f32 to vector<16xf32>
      %swap3A_196 = arith.index_cast %scan3A_160 : i32 to index
      %swap3A_197 = arith.constant 80 : index
      %swap3A_198 = tpu.vector_load %arg17[%swap3A_196, %swap3A_197] {strides = array<i32>} : memref<64x128xf32, #tpu.memory_space<vmem>>, vector<1x16xf32>,
      %swap3A_199 = vector.shape_cast %swap3A_198 : vector<1x16xf32> to vector<16xf32>
      %swap3A_200 = vector.shape_cast %broadcast_in_dim3A_195 : vector<16xf32> to vector<1x16xf32>
      tpu.vector_store %arg17[%swap3A_196, %swap3A_197], %swap3A_200 {strides = array<i32>} : memref<64x128xf32, #tpu.memory_space<vmem>>, vector<1x16xf32>,
      %broadcast_in_dim3A_201 = arith.constant 0.000000e+00 : f32
      %broadcast_in_dim3A_202 = vector.broadcast %broadcast_in_dim3A_201 : f32 to vector<16xf32>
      %swap3A_203 = arith.index_cast %scan3A_160 : i32 to index
      %swap3A_204 = arith.constant 96 : index
      %swap3A_205 = tpu.vector_load %arg17[%swap3A_203, %swap3A_204] {strides = array<i32>} : memref<64x128xf32, #tpu.memory_space<vmem>>, vector<1x16xf32>,
      %swap3A_206 = vector.shape_cast %swap3A_205 : vector<1x16xf32> to vector<16xf32>
      %swap3A_207 = vector.shape_cast %broadcast_in_dim3A_202 : vector<16xf32> to vector<1x16xf32>
      tpu.vector_store %arg17[%swap3A_203, %swap3A_204], %swap3A_207 {strides = array<i32>} : memref<64x128xf32, #tpu.memory_space<vmem>>, vector<1x16xf32>,
      %broadcast_in_dim3A_208 = arith.constant 0.000000e+00 : f32
      %broadcast_in_dim3A_209 = vector.broadcast %broadcast_in_dim3A_208 : f32 to vector<16xf32>
      %swap3A_210 = arith.index_cast %scan3A_160 : i32 to index
      %swap3A_211 = arith.constant 112 : index
      %swap3A_212 = tpu.vector_load %arg17[%swap3A_210, %swap3A_211] {strides = array<i32>} : memref<64x128xf32, #tpu.memory_space<vmem>>, vector<1x16xf32>,
      %swap3A_213 = vector.shape_cast %swap3A_212 : vector<1x16xf32> to vector<16xf32>
      %swap3A_214 = vector.shape_cast %broadcast_in_dim3A_209 : vector<16xf32> to vector<1x16xf32>
      tpu.vector_store %arg17[%swap3A_210, %swap3A_211], %swap3A_214 {strides = array<i32>} : memref<64x128xf32, #tpu.memory_space<vmem>>, vector<1x16xf32>,
    }
    %scan3A_5 = arith.constant 64 : i32
    %scan3A_6 = arith.constant 0 : i32
    %scan3A_7 = arith.constant 0 : i32
    %scan3A_8 = arith.constant 80 : i32
    %scan3A_9 = arith.addi %scan3A_7, %scan3A_8 : i32
    %scan3A_10 = arith.constant 1 : i32
    scf.for %scan3A_160 = %scan3A_7 to %scan3A_9 step %scan3A_10  : i32 {
      %broadcast_in_dim3A = arith.constant 0.000000e+00 : f32
      %broadcast_in_dim3A_161 = vector.broadcast %broadcast_in_dim3A : f32 to vector<16xf32>
      %swap3A = arith.index_cast %scan3A_160 : i32 to index
      %swap3A_162 = arith.constant 0 : index
      %swap3A_163 = tpu.vector_load %arg15[%swap3A, %swap3A_162] {strides = array<i32>} : memref<80x128xf32, #tpu.memory_space<vmem>>, vector<1x16xf32>,
      %swap3A_164 = vector.shape_cast %swap3A_163 : vector<1x16xf32> to vector<16xf32>
      %swap3A_165 = vector.shape_cast %broadcast_in_dim3A_161 : vector<16xf32> to vector<1x16xf32>
      tpu.vector_store %arg15[%swap3A, %swap3A_162], %swap3A_165 {strides = array<i32>} : memref<80x128xf32, #tpu.memory_space<vmem>>, vector<1x16xf32>,
      %broadcast_in_dim3A_166 = arith.constant 0.000000e+00 : f32
      %broadcast_in_dim3A_167 = vector.broadcast %broadcast_in_dim3A_166 : f32 to vector<16xf32>
      %swap3A_168 = arith.index_cast %scan3A_160 : i32 to index
      %swap3A_169 = arith.constant 16 : index
      %swap3A_170 = tpu.vector_load %arg15[%swap3A_168, %swap3A_169] {strides = array<i32>} : memref<80x128xf32, #tpu.memory_space<vmem>>, vector<1x16xf32>,
      %swap3A_171 = vector.shape_cast %swap3A_170 : vector<1x16xf32> to vector<16xf32>
      %swap3A_172 = vector.shape_cast %broadcast_in_dim3A_167 : vector<16xf32> to vector<1x16xf32>
      tpu.vector_store %arg15[%swap3A_168, %swap3A_169], %swap3A_172 {strides = array<i32>} : memref<80x128xf32, #tpu.memory_space<vmem>>, vector<1x16xf32>,
      %broadcast_in_dim3A_173 = arith.constant 0.000000e+00 : f32
      %broadcast_in_dim3A_174 = vector.broadcast %broadcast_in_dim3A_173 : f32 to vector<16xf32>
      %swap3A_175 = arith.index_cast %scan3A_160 : i32 to index
      %swap3A_176 = arith.constant 32 : index
      %swap3A_177 = tpu.vector_load %arg15[%swap3A_175, %swap3A_176] {strides = array<i32>} : memref<80x128xf32, #tpu.memory_space<vmem>>, vector<1x16xf32>,
      %swap3A_178 = vector.shape_cast %swap3A_177 : vector<1x16xf32> to vector<16xf32>
      %swap3A_179 = vector.shape_cast %broadcast_in_dim3A_174 : vector<16xf32> to vector<1x16xf32>
      tpu.vector_store %arg15[%swap3A_175, %swap3A_176], %swap3A_179 {strides = array<i32>} : memref<80x128xf32, #tpu.memory_space<vmem>>, vector<1x16xf32>,
      %broadcast_in_dim3A_180 = arith.constant 0.000000e+00 : f32
      %broadcast_in_dim3A_181 = vector.broadcast %broadcast_in_dim3A_180 : f32 to vector<16xf32>
      %swap3A_182 = arith.index_cast %scan3A_160 : i32 to index
      %swap3A_183 = arith.constant 48 : index
      %swap3A_184 = tpu.vector_load %arg15[%swap3A_182, %swap3A_183] {strides = array<i32>} : memref<80x128xf32, #tpu.memory_space<vmem>>, vector<1x16xf32>,
      %swap3A_185 = vector.shape_cast %swap3A_184 : vector<1x16xf32> to vector<16xf32>
      %swap3A_186 = vector.shape_cast %broadcast_in_dim3A_181 : vector<16xf32> to vector<1x16xf32>
      tpu.vector_store %arg15[%swap3A_182, %swap3A_183], %swap3A_186 {strides = array<i32>} : memref<80x128xf32, #tpu.memory_space<vmem>>, vector<1x16xf32>,
      %broadcast_in_dim3A_187 = arith.constant 0.000000e+00 : f32
      %broadcast_in_dim3A_188 = vector.broadcast %broadcast_in_dim3A_187 : f32 to vector<16xf32>
      %swap3A_189 = arith.index_cast %scan3A_160 : i32 to index
      %swap3A_190 = arith.constant 64 : index
      %swap3A_191 = tpu.vector_load %arg15[%swap3A_189, %swap3A_190] {strides = array<i32>} : memref<80x128xf32, #tpu.memory_space<vmem>>, vector<1x16xf32>,
      %swap3A_192 = vector.shape_cast %swap3A_191 : vector<1x16xf32> to vector<16xf32>
      %swap3A_193 = vector.shape_cast %broadcast_in_dim3A_188 : vector<16xf32> to vector<1x16xf32>
      tpu.vector_store %arg15[%swap3A_189, %swap3A_190], %swap3A_193 {strides = array<i32>} : memref<80x128xf32, #tpu.memory_space<vmem>>, vector<1x16xf32>,
      %broadcast_in_dim3A_194 = arith.constant 0.000000e+00 : f32
      %broadcast_in_dim3A_195 = vector.broadcast %broadcast_in_dim3A_194 : f32 to vector<16xf32>
      %swap3A_196 = arith.index_cast %scan3A_160 : i32 to index
      %swap3A_197 = arith.constant 80 : index
      %swap3A_198 = tpu.vector_load %arg15[%swap3A_196, %swap3A_197] {strides = array<i32>} : memref<80x128xf32, #tpu.memory_space<vmem>>, vector<1x16xf32>,
      %swap3A_199 = vector.shape_cast %swap3A_198 : vector<1x16xf32> to vector<16xf32>
      %swap3A_200 = vector.shape_cast %broadcast_in_dim3A_195 : vector<16xf32> to vector<1x16xf32>
      tpu.vector_store %arg15[%swap3A_196, %swap3A_197], %swap3A_200 {strides = array<i32>} : memref<80x128xf32, #tpu.memory_space<vmem>>, vector<1x16xf32>,
      %broadcast_in_dim3A_201 = arith.constant 0.000000e+00 : f32
      %broadcast_in_dim3A_202 = vector.broadcast %broadcast_in_dim3A_201 : f32 to vector<16xf32>
      %swap3A_203 = arith.index_cast %scan3A_160 : i32 to index
      %swap3A_204 = arith.constant 96 : index
      %swap3A_205 = tpu.vector_load %arg15[%swap3A_203, %swap3A_204] {strides = array<i32>} : memref<80x128xf32, #tpu.memory_space<vmem>>, vector<1x16xf32>,
      %swap3A_206 = vector.shape_cast %swap3A_205 : vector<1x16xf32> to vector<16xf32>
      %swap3A_207 = vector.shape_cast %broadcast_in_dim3A_202 : vector<16xf32> to vector<1x16xf32>
      tpu.vector_store %arg15[%swap3A_203, %swap3A_204], %swap3A_207 {strides = array<i32>} : memref<80x128xf32, #tpu.memory_space<vmem>>, vector<1x16xf32>,
      %broadcast_in_dim3A_208 = arith.constant 0.000000e+00 : f32
      %broadcast_in_dim3A_209 = vector.broadcast %broadcast_in_dim3A_208 : f32 to vector<16xf32>
      %swap3A_210 = arith.index_cast %scan3A_160 : i32 to index
      %swap3A_211 = arith.constant 112 : index
      %swap3A_212 = tpu.vector_load %arg15[%swap3A_210, %swap3A_211] {strides = array<i32>} : memref<80x128xf32, #tpu.memory_space<vmem>>, vector<1x16xf32>,
      %swap3A_213 = vector.shape_cast %swap3A_212 : vector<1x16xf32> to vector<16xf32>
      %swap3A_214 = vector.shape_cast %broadcast_in_dim3A_209 : vector<16xf32> to vector<1x16xf32>
      tpu.vector_store %arg15[%swap3A_210, %swap3A_211], %swap3A_214 {strides = array<i32>} : memref<80x128xf32, #tpu.memory_space<vmem>>, vector<1x16xf32>,
    }
    %scan3A_11 = arith.constant 80 : i32
    %mul3A_12 = arith.constant 320 : i32
    %mul3A_13 = arith.muli %arg1, %mul3A_12 : i32
    %add3A = arith.constant 0 : i32
    %add3A_14 = arith.addi %mul3A_13, %add3A : i32
    "tpu.region"() ({
      %run_scoped3A = tpu.sem_alloc : memref<!tpu.dma_semaphore, #tpu.memory_space<semaphore_mem>>
      %dma_start3A = arith.constant 0 : i32
      %dma_start3A_160 = tpu.memref_slice %arg18[%add3A_14, %dma_start3A] : memref<5128x128xf32, #tpu.memory_space<vmem_shared>> -> memref<64x128xf32, #tpu.memory_space<vmem_shared>>
      %dma_start3A_161 = arith.constant 0 : i32
      %dma_start3A_162 = tpu.memref_slice %arg18[%add3A_14, %dma_start3A_161] : memref<5128x128xf32, #tpu.memory_space<vmem_shared>> -> memref<64x128xf32, #tpu.memory_space<vmem_shared>>
      tpu.enqueue_dma source(%arg17 : memref<64x128xf32, #tpu.memory_space<vmem>>) target(%dma_start3A_162 : memref<64x128xf32, #tpu.memory_space<vmem_shared>>) target_semaphore(%run_scoped3A : memref<!tpu.dma_semaphore, #tpu.memory_space<semaphore_mem>>)
      %dma_wait3A = arith.constant 0 : i32
      %dma_wait3A_163 = tpu.memref_slice %arg18[%add3A_14, %dma_wait3A] : memref<5128x128xf32, #tpu.memory_space<vmem_shared>> -> memref<64x128xf32, #tpu.memory_space<vmem_shared>>
      %dma_wait3A_164 = arith.constant 0 : i32
      %dma_wait3A_165 = tpu.memref_slice %arg18[%add3A_14, %dma_wait3A_164] : memref<5128x128xf32, #tpu.memory_space<vmem_shared>> -> memref<64x128xf32, #tpu.memory_space<vmem_shared>>
      tpu.wait_dma2 semaphore(%run_scoped3A : memref<!tpu.dma_semaphore, #tpu.memory_space<semaphore_mem>>) src(%arg17 : memref<64x128xf32, #tpu.memory_space<vmem>>) dst(%dma_wait3A_165 : memref<64x128xf32, #tpu.memory_space<vmem_shared>>)
      tpu.yield
    }) : () -> ()
    %mul3A_15 = arith.constant 320 : i32
    %mul3A_16 = arith.muli %arg1, %mul3A_15 : i32
    %add3A_17 = arith.constant 64 : i32
    %add3A_18 = arith.addi %mul3A_16, %add3A_17 : i32
    "tpu.region"() ({
      %run_scoped3A = tpu.sem_alloc : memref<!tpu.dma_semaphore, #tpu.memory_space<semaphore_mem>>
      %dma_start3A = arith.constant 0 : i32
      %dma_start3A_160 = tpu.memref_slice %arg18[%add3A_18, %dma_start3A] : memref<5128x128xf32, #tpu.memory_space<vmem_shared>> -> memref<64x128xf32, #tpu.memory_space<vmem_shared>>
      %dma_start3A_161 = arith.constant 0 : i32
      %dma_start3A_162 = tpu.memref_slice %arg18[%add3A_18, %dma_start3A_161] : memref<5128x128xf32, #tpu.memory_space<vmem_shared>> -> memref<64x128xf32, #tpu.memory_space<vmem_shared>>
      tpu.enqueue_dma source(%arg17 : memref<64x128xf32, #tpu.memory_space<vmem>>) target(%dma_start3A_162 : memref<64x128xf32, #tpu.memory_space<vmem_shared>>) target_semaphore(%run_scoped3A : memref<!tpu.dma_semaphore, #tpu.memory_space<semaphore_mem>>)
      %dma_wait3A = arith.constant 0 : i32
      %dma_wait3A_163 = tpu.memref_slice %arg18[%add3A_18, %dma_wait3A] : memref<5128x128xf32, #tpu.memory_space<vmem_shared>> -> memref<64x128xf32, #tpu.memory_space<vmem_shared>>
      %dma_wait3A_164 = arith.constant 0 : i32
      %dma_wait3A_165 = tpu.memref_slice %arg18[%add3A_18, %dma_wait3A_164] : memref<5128x128xf32, #tpu.memory_space<vmem_shared>> -> memref<64x128xf32, #tpu.memory_space<vmem_shared>>
      tpu.wait_dma2 semaphore(%run_scoped3A : memref<!tpu.dma_semaphore, #tpu.memory_space<semaphore_mem>>) src(%arg17 : memref<64x128xf32, #tpu.memory_space<vmem>>) dst(%dma_wait3A_165 : memref<64x128xf32, #tpu.memory_space<vmem_shared>>)
      tpu.yield
    }) : () -> ()
    %mul3A_19 = arith.constant 320 : i32
    %mul3A_20 = arith.muli %arg1, %mul3A_19 : i32
    %add3A_21 = arith.constant 128 : i32
    %add3A_22 = arith.addi %mul3A_20, %add3A_21 : i32
    "tpu.region"() ({
      %run_scoped3A = tpu.sem_alloc : memref<!tpu.dma_semaphore, #tpu.memory_space<semaphore_mem>>
      %dma_start3A = arith.constant 0 : i32
      %dma_start3A_160 = tpu.memref_slice %arg18[%add3A_22, %dma_start3A] : memref<5128x128xf32, #tpu.memory_space<vmem_shared>> -> memref<64x128xf32, #tpu.memory_space<vmem_shared>>
      %dma_start3A_161 = arith.constant 0 : i32
      %dma_start3A_162 = tpu.memref_slice %arg18[%add3A_22, %dma_start3A_161] : memref<5128x128xf32, #tpu.memory_space<vmem_shared>> -> memref<64x128xf32, #tpu.memory_space<vmem_shared>>
      tpu.enqueue_dma source(%arg17 : memref<64x128xf32, #tpu.memory_space<vmem>>) target(%dma_start3A_162 : memref<64x128xf32, #tpu.memory_space<vmem_shared>>) target_semaphore(%run_scoped3A : memref<!tpu.dma_semaphore, #tpu.memory_space<semaphore_mem>>)
      %dma_wait3A = arith.constant 0 : i32
      %dma_wait3A_163 = tpu.memref_slice %arg18[%add3A_22, %dma_wait3A] : memref<5128x128xf32, #tpu.memory_space<vmem_shared>> -> memref<64x128xf32, #tpu.memory_space<vmem_shared>>
      %dma_wait3A_164 = arith.constant 0 : i32
      %dma_wait3A_165 = tpu.memref_slice %arg18[%add3A_22, %dma_wait3A_164] : memref<5128x128xf32, #tpu.memory_space<vmem_shared>> -> memref<64x128xf32, #tpu.memory_space<vmem_shared>>
      tpu.wait_dma2 semaphore(%run_scoped3A : memref<!tpu.dma_semaphore, #tpu.memory_space<semaphore_mem>>) src(%arg17 : memref<64x128xf32, #tpu.memory_space<vmem>>) dst(%dma_wait3A_165 : memref<64x128xf32, #tpu.memory_space<vmem_shared>>)
      tpu.yield
    }) : () -> ()
    %mul3A_23 = arith.constant 320 : i32
    %mul3A_24 = arith.muli %arg1, %mul3A_23 : i32
    %add3A_25 = arith.constant 192 : i32
    %add3A_26 = arith.addi %mul3A_24, %add3A_25 : i32
    "tpu.region"() ({
      %run_scoped3A = tpu.sem_alloc : memref<!tpu.dma_semaphore, #tpu.memory_space<semaphore_mem>>
      %dma_start3A = arith.constant 0 : i32
      %dma_start3A_160 = tpu.memref_slice %arg18[%add3A_26, %dma_start3A] : memref<5128x128xf32, #tpu.memory_space<vmem_shared>> -> memref<64x128xf32, #tpu.memory_space<vmem_shared>>
      %dma_start3A_161 = arith.constant 0 : i32
      %dma_start3A_162 = tpu.memref_slice %arg18[%add3A_26, %dma_start3A_161] : memref<5128x128xf32, #tpu.memory_space<vmem_shared>> -> memref<64x128xf32, #tpu.memory_space<vmem_shared>>
      tpu.enqueue_dma source(%arg17 : memref<64x128xf32, #tpu.memory_space<vmem>>) target(%dma_start3A_162 : memref<64x128xf32, #tpu.memory_space<vmem_shared>>) target_semaphore(%run_scoped3A : memref<!tpu.dma_semaphore, #tpu.memory_space<semaphore_mem>>)
      %dma_wait3A = arith.constant 0 : i32
      %dma_wait3A_163 = tpu.memref_slice %arg18[%add3A_26, %dma_wait3A] : memref<5128x128xf32, #tpu.memory_space<vmem_shared>> -> memref<64x128xf32, #tpu.memory_space<vmem_shared>>
      %dma_wait3A_164 = arith.constant 0 : i32
      %dma_wait3A_165 = tpu.memref_slice %arg18[%add3A_26, %dma_wait3A_164] : memref<5128x128xf32, #tpu.memory_space<vmem_shared>> -> memref<64x128xf32, #tpu.memory_space<vmem_shared>>
      tpu.wait_dma2 semaphore(%run_scoped3A : memref<!tpu.dma_semaphore, #tpu.memory_space<semaphore_mem>>) src(%arg17 : memref<64x128xf32, #tpu.memory_space<vmem>>) dst(%dma_wait3A_165 : memref<64x128xf32, #tpu.memory_space<vmem_shared>>)
      tpu.yield
    }) : () -> ()
    %mul3A_27 = arith.constant 320 : i32
    %mul3A_28 = arith.muli %arg1, %mul3A_27 : i32
    %add3A_29 = arith.constant 256 : i32
    %add3A_30 = arith.addi %mul3A_28, %add3A_29 : i32
    "tpu.region"() ({
      %run_scoped3A = tpu.sem_alloc : memref<!tpu.dma_semaphore, #tpu.memory_space<semaphore_mem>>
      %dma_start3A = arith.constant 0 : i32
      %dma_start3A_160 = tpu.memref_slice %arg18[%add3A_30, %dma_start3A] : memref<5128x128xf32, #tpu.memory_space<vmem_shared>> -> memref<64x128xf32, #tpu.memory_space<vmem_shared>>
      %dma_start3A_161 = arith.constant 0 : i32
      %dma_start3A_162 = tpu.memref_slice %arg18[%add3A_30, %dma_start3A_161] : memref<5128x128xf32, #tpu.memory_space<vmem_shared>> -> memref<64x128xf32, #tpu.memory_space<vmem_shared>>
      tpu.enqueue_dma source(%arg17 : memref<64x128xf32, #tpu.memory_space<vmem>>) target(%dma_start3A_162 : memref<64x128xf32, #tpu.memory_space<vmem_shared>>) target_semaphore(%run_scoped3A : memref<!tpu.dma_semaphore, #tpu.memory_space<semaphore_mem>>)
      %dma_wait3A = arith.constant 0 : i32
      %dma_wait3A_163 = tpu.memref_slice %arg18[%add3A_30, %dma_wait3A] : memref<5128x128xf32, #tpu.memory_space<vmem_shared>> -> memref<64x128xf32, #tpu.memory_space<vmem_shared>>
      %dma_wait3A_164 = arith.constant 0 : i32
      %dma_wait3A_165 = tpu.memref_slice %arg18[%add3A_30, %dma_wait3A_164] : memref<5128x128xf32, #tpu.memory_space<vmem_shared>> -> memref<64x128xf32, #tpu.memory_space<vmem_shared>>
      tpu.wait_dma2 semaphore(%run_scoped3A : memref<!tpu.dma_semaphore, #tpu.memory_space<semaphore_mem>>) src(%arg17 : memref<64x128xf32, #tpu.memory_space<vmem>>) dst(%dma_wait3A_165 : memref<64x128xf32, #tpu.memory_space<vmem_shared>>)
      tpu.yield
    }) : () -> ()
    %eq3A = arith.constant 0 : i32
    %eq3A_31 = arith.cmpi eq, %arg1, %eq3A : i32
    %convert_element_type3A = arith.extui %eq3A_31 : i1 to i32
    %cond3A = arith.constant 0 : i32
    %cond3A_32 = arith.cmpi ne, %convert_element_type3A, %cond3A : i32
    scf.if %cond3A_32 {
      "tpu.region"() ({
        %run_scoped3A = tpu.sem_alloc : memref<!tpu.dma_semaphore, #tpu.memory_space<semaphore_mem>>
        %dma_start3A = arith.constant 0 : i32
        %dma_start3A_160 = arith.constant 0 : i32
        %dma_start3A_161 = tpu.memref_slice %arg17[%dma_start3A, %dma_start3A_160] : memref<64x128xf32, #tpu.memory_space<vmem>> -> memref<8x128xf32, #tpu.memory_space<vmem>>
        %dma_start3A_162 = arith.constant 5120 : i32
        %dma_start3A_163 = arith.constant 0 : i32
        %dma_start3A_164 = tpu.memref_slice %arg18[%dma_start3A_162, %dma_start3A_163] : memref<5128x128xf32, #tpu.memory_space<vmem_shared>> -> memref<8x128xf32, #tpu.memory_space<vmem_shared>>
        %dma_start3A_165 = arith.constant 5120 : i32
        %dma_start3A_166 = arith.constant 0 : i32
        %dma_start3A_167 = tpu.memref_slice %arg18[%dma_start3A_165, %dma_start3A_166] : memref<5128x128xf32, #tpu.memory_space<vmem_shared>> -> memref<8x128xf32, #tpu.memory_space<vmem_shared>>
        %dma_start3A_168 = arith.constant 0 : i32
        %dma_start3A_169 = arith.constant 0 : i32
        %dma_start3A_170 = tpu.memref_slice %arg17[%dma_start3A_168, %dma_start3A_169] : memref<64x128xf32, #tpu.memory_space<vmem>> -> memref<8x128xf32, #tpu.memory_space<vmem>>
        tpu.enqueue_dma source(%dma_start3A_170 : memref<8x128xf32, #tpu.memory_space<vmem>>) target(%dma_start3A_167 : memref<8x128xf32, #tpu.memory_space<vmem_shared>>) target_semaphore(%run_scoped3A : memref<!tpu.dma_semaphore, #tpu.memory_space<semaphore_mem>>)
        %dma_wait3A = arith.constant 0 : i32
        %dma_wait3A_171 = arith.constant 0 : i32
        %dma_wait3A_172 = tpu.memref_slice %arg17[%dma_wait3A, %dma_wait3A_171] : memref<64x128xf32, #tpu.memory_space<vmem>> -> memref<8x128xf32, #tpu.memory_space<vmem>>
        %dma_wait3A_173 = arith.constant 5120 : i32
        %dma_wait3A_174 = arith.constant 0 : i32
        %dma_wait3A_175 = tpu.memref_slice %arg18[%dma_wait3A_173, %dma_wait3A_174] : memref<5128x128xf32, #tpu.memory_space<vmem_shared>> -> memref<8x128xf32, #tpu.memory_space<vmem_shared>>
        %dma_wait3A_176 = arith.constant 5120 : i32
        %dma_wait3A_177 = arith.constant 0 : i32
        %dma_wait3A_178 = tpu.memref_slice %arg18[%dma_wait3A_176, %dma_wait3A_177] : memref<5128x128xf32, #tpu.memory_space<vmem_shared>> -> memref<8x128xf32, #tpu.memory_space<vmem_shared>>
        %dma_wait3A_179 = arith.constant 0 : i32
        %dma_wait3A_180 = arith.constant 0 : i32
        %dma_wait3A_181 = tpu.memref_slice %arg17[%dma_wait3A_179, %dma_wait3A_180] : memref<64x128xf32, #tpu.memory_space<vmem>> -> memref<8x128xf32, #tpu.memory_space<vmem>>
        tpu.wait_dma2 semaphore(%run_scoped3A : memref<!tpu.dma_semaphore, #tpu.memory_space<semaphore_mem>>) src(%dma_wait3A_181 : memref<8x128xf32, #tpu.memory_space<vmem>>) dst(%dma_wait3A_178 : memref<8x128xf32, #tpu.memory_space<vmem_shared>>)
        tpu.yield
      }) : () -> ()
    } else {
    }
    %barrier3A = arith.constant 0 : index
    tpu.barrier barrier_id(%barrier3A)
    %scan3A_33 = arith.constant 0 : i32
    %scan3A_34 = arith.constant 0 : i32
    %scan3A_35 = arith.constant 250 : i32
    %scan3A_36 = arith.addi %scan3A_34, %scan3A_35 : i32
    %scan3A_37 = arith.constant 1 : i32
    scf.for %scan3A_160 = %scan3A_34 to %scan3A_36 step %scan3A_37  : i32 {
      %mul3A_161 = arith.constant 20000 : i32
      %mul3A_162 = arith.muli %arg1, %mul3A_161 : i32
      %mul3A_163 = arith.constant 80 : i32
      %mul3A_164 = arith.muli %scan3A_160, %mul3A_163 : i32
      %add3A_165 = arith.addi %mul3A_162, %mul3A_164 : i32
      %multiple_of3A = tpu.assume_multiple %add3A_165, 8 : i32
      "tpu.region"() ({
        %run_scoped3A = tpu.sem_alloc : memref<!tpu.dma_semaphore, #tpu.memory_space<semaphore_mem>>
        %dma_start3A_188 = tpu.memref_slice %arg4[%multiple_of3A] : memref<320000xi32, #tpu.memory_space<hbm>> -> memref<80xi32, #tpu.memory_space<hbm>>
        %dma_start3A_189 = tpu.memref_slice %arg4[%multiple_of3A] : memref<320000xi32, #tpu.memory_space<hbm>> -> memref<80xi32, #tpu.memory_space<hbm>>
        tpu.enqueue_dma source(%dma_start3A_189 : memref<80xi32, #tpu.memory_space<hbm>>) target(%arg9 : memref<80xi32, #tpu.memory_space<vmem>>) target_semaphore(%run_scoped3A : memref<!tpu.dma_semaphore, #tpu.memory_space<semaphore_mem>>)
        %dma_wait3A_190 = tpu.memref_slice %arg4[%multiple_of3A] : memref<320000xi32, #tpu.memory_space<hbm>> -> memref<80xi32, #tpu.memory_space<hbm>>
        %dma_wait3A_191 = tpu.memref_slice %arg4[%multiple_of3A] : memref<320000xi32, #tpu.memory_space<hbm>> -> memref<80xi32, #tpu.memory_space<hbm>>
        tpu.wait_dma2 semaphore(%run_scoped3A : memref<!tpu.dma_semaphore, #tpu.memory_space<semaphore_mem>>) src(%dma_wait3A_191 : memref<80xi32, #tpu.memory_space<hbm>>) dst(%arg9 : memref<80xi32, #tpu.memory_space<vmem>>)
        tpu.yield
      }) : () -> ()
      "tpu.region"() ({
        %run_scoped3A = tpu.sem_alloc : memref<!tpu.dma_semaphore, #tpu.memory_space<semaphore_mem>>
        %dma_start3A_188 = tpu.memref_slice %arg5[%multiple_of3A] : memref<320000xi32, #tpu.memory_space<hbm>> -> memref<80xi32, #tpu.memory_space<hbm>>
        %dma_start3A_189 = tpu.memref_slice %arg5[%multiple_of3A] : memref<320000xi32, #tpu.memory_space<hbm>> -> memref<80xi32, #tpu.memory_space<hbm>>
        tpu.enqueue_dma source(%dma_start3A_189 : memref<80xi32, #tpu.memory_space<hbm>>) target(%arg10 : memref<80xi32, #tpu.memory_space<vmem>>) target_semaphore(%run_scoped3A : memref<!tpu.dma_semaphore, #tpu.memory_space<semaphore_mem>>)
        %dma_wait3A_190 = tpu.memref_slice %arg5[%multiple_of3A] : memref<320000xi32, #tpu.memory_space<hbm>> -> memref<80xi32, #tpu.memory_space<hbm>>
        %dma_wait3A_191 = tpu.memref_slice %arg5[%multiple_of3A] : memref<320000xi32, #tpu.memory_space<hbm>> -> memref<80xi32, #tpu.memory_space<hbm>>
        tpu.wait_dma2 semaphore(%run_scoped3A : memref<!tpu.dma_semaphore, #tpu.memory_space<semaphore_mem>>) src(%dma_wait3A_191 : memref<80xi32, #tpu.memory_space<hbm>>) dst(%arg10 : memref<80xi32, #tpu.memory_space<vmem>>)
        tpu.yield
      }) : () -> ()
      %scan3A_166 = arith.constant 0 : i32
      %scan3A_167 = arith.constant 0 : i32
      %scan3A_168 = arith.constant 5 : i32
      %scan3A_169 = arith.addi %scan3A_167, %scan3A_168 : i32
      %scan3A_170 = arith.constant 1 : i32
      scf.for %scan3A_188 = %scan3A_167 to %scan3A_169 step %scan3A_170  : i32 {
        %mul3A_189 = arith.constant 16 : i32
        %mul3A_190 = arith.muli %scan3A_188, %mul3A_189 : i32
        %get3A = arith.index_cast %mul3A_190 : i32 to index
        %get3A_191 = tpu.vector_load %arg10[%get3A] {strides = array<i32>} : memref<80xi32, #tpu.memory_space<vmem>>, vector<16xi32>,
        %get3A_192 = vector.shape_cast %get3A_191 : vector<16xi32> to vector<16xi32>
        %sub3A = vector.broadcast %mul3A_0 : i32 to vector<16xi32>
        %sub3A_193 = arith.subi %get3A_192, %sub3A : vector<16xi32>
        %ge3A = arith.constant 0 : i32
        %ge3A_194 = vector.broadcast %ge3A : i32 to vector<16xi32>
        %ge3A_195 = arith.cmpi sge, %sub3A_193, %ge3A_194 : vector<16xi32>
        %lt3A = arith.constant 5120 : i32
        %lt3A_196 = vector.broadcast %lt3A : i32 to vector<16xi32>
        %lt3A_197 = arith.cmpi slt, %sub3A_193, %lt3A_196 : vector<16xi32>
        %and3A = arith.andi %ge3A_195, %lt3A_197 : vector<16xi1>
        %jit3A = arith.constant 5120 : i32
        %broadcast_in_dim3A = vector.broadcast %jit3A : i32 to vector<16xi32>
        %select_n3A = arith.select %and3A, %sub3A_193, %broadcast_in_dim3A : vector<16xi1>, vector<16xi32>
        %mul3A_198 = arith.constant 16 : i32
        %mul3A_199 = arith.muli %scan3A_188, %mul3A_198 : i32
        %swap3A = arith.index_cast %mul3A_199 : i32 to index
        %swap3A_200 = tpu.vector_load %arg11[%swap3A] {strides = array<i32>} : memref<80xi32, #tpu.memory_space<vmem>>, vector<16xi32>,
        %swap3A_201 = vector.shape_cast %swap3A_200 : vector<16xi32> to vector<16xi32>
        %swap3A_202 = vector.shape_cast %select_n3A : vector<16xi32> to vector<16xi32>
        tpu.vector_store %arg11[%swap3A], %swap3A_202 {strides = array<i32>} : memref<80xi32, #tpu.memory_space<vmem>>, vector<16xi32>,
      }
      %scan3A_171 = arith.constant 5 : i32
      %dma_start3A = arith.constant 0 : i32
      %dma_start3A_172 = arith.constant 0 : i32
      %dma_start3A_173 = tpu.memref_slice %arg2[%dma_start3A, %dma_start3A_172] : memref<10000x256xf32, #tpu.memory_space<hbm>> -> memref<10000x256xf32, #tpu.memory_space<hbm>>
      tpu.enqueue_indirect_dma source(%dma_start3A_173 : memref<10000x256xf32, #tpu.memory_space<hbm>>) target(%arg12 : memref<80x256xf32, #tpu.memory_space<vmem>>) offsets(%arg9 : memref<80xi32, #tpu.memory_space<vmem>>) semaphore(%arg19 : memref<!tpu.dma_semaphore, #tpu.memory_space<semaphore_mem>>)
      %dma_wait3A = arith.constant 0 : i32
      %dma_wait3A_174 = arith.constant 0 : i32
      %dma_wait3A_175 = tpu.memref_slice %arg2[%dma_wait3A, %dma_wait3A_174] : memref<10000x256xf32, #tpu.memory_space<hbm>> -> memref<10000x256xf32, #tpu.memory_space<hbm>>
      tpu.wait_indirect_dma semaphore(%arg19 : memref<!tpu.dma_semaphore, #tpu.memory_space<semaphore_mem>>) src(%dma_wait3A_175 : memref<10000x256xf32, #tpu.memory_space<hbm>>) dst(%arg12 : memref<80x256xf32, #tpu.memory_space<vmem>>)
      %dma_start3A_176 = arith.constant 0 : i32
      %dma_start3A_177 = arith.constant 0 : i32
      %dma_start3A_178 = tpu.memref_slice %arg3[%dma_start3A_176, %dma_start3A_177] : memref<10000x128xf32, #tpu.memory_space<hbm>> -> memref<10000x128xf32, #tpu.memory_space<hbm>>
      tpu.enqueue_indirect_dma source(%dma_start3A_178 : memref<10000x128xf32, #tpu.memory_space<hbm>>) target(%arg13 : memref<80x128xf32, #tpu.memory_space<vmem>>) offsets(%arg10 : memref<80xi32, #tpu.memory_space<vmem>>) semaphore(%arg19 : memref<!tpu.dma_semaphore, #tpu.memory_space<semaphore_mem>>)
      %dma_wait3A_179 = arith.constant 0 : i32
      %dma_wait3A_180 = arith.constant 0 : i32
      %dma_wait3A_181 = tpu.memref_slice %arg3[%dma_wait3A_179, %dma_wait3A_180] : memref<10000x128xf32, #tpu.memory_space<hbm>> -> memref<10000x128xf32, #tpu.memory_space<hbm>>
      tpu.wait_indirect_dma semaphore(%arg19 : memref<!tpu.dma_semaphore, #tpu.memory_space<semaphore_mem>>) src(%dma_wait3A_181 : memref<10000x128xf32, #tpu.memory_space<hbm>>) dst(%arg13 : memref<80x128xf32, #tpu.memory_space<vmem>>)
      %scan3A_182 = arith.constant 0 : i32
      %scan3A_183 = arith.constant 0 : i32
      %scan3A_184 = arith.constant 80 : i32
      %scan3A_185 = arith.addi %scan3A_183, %scan3A_184 : i32
      %scan3A_186 = arith.constant 1 : i32
      scf.for %scan3A_188 = %scan3A_183 to %scan3A_185 step %scan3A_186  : i32 {
        %get3A = arith.index_cast %scan3A_188 : i32 to index
        %get3A_189 = arith.constant 128 : index
        %get3A_190 = tpu.vector_load %arg12[%get3A, %get3A_189] {strides = array<i32>} : memref<80x256xf32, #tpu.memory_space<vmem>>, vector<1x16xf32>,
        %get3A_191 = vector.shape_cast %get3A_190 : vector<1x16xf32> to vector<16xf32>
        %get3A_192 = arith.index_cast %scan3A_188 : i32 to index
        %get3A_193 = arith.constant 0 : index
        %get3A_194 = tpu.vector_load %arg13[%get3A_192, %get3A_193] {strides = array<i32>} : memref<80x128xf32, #tpu.memory_space<vmem>>, vector<1x16xf32>,
        %get3A_195 = vector.shape_cast %get3A_194 : vector<1x16xf32> to vector<16xf32>
        %add3A_196 = arith.addf %get3A_191, %get3A_195 : vector<16xf32>
        %ge3A = arith.constant 0.000000e+00 : f32
        %ge3A_197 = vector.broadcast %ge3A : f32 to vector<16xf32>
        %ge3A_198 = arith.cmpf oge, %add3A_196, %ge3A_197 : vector<16xf32>
        %mul3A_199 = arith.constant 2.000000e-01 : f32
        %mul3A_200 = vector.broadcast %mul3A_199 : f32 to vector<16xf32>
        %mul3A_201 = arith.mulf %add3A_196, %mul3A_200 : vector<16xf32>
        %select_n3A = arith.select %ge3A_198, %add3A_196, %mul3A_201 : vector<16xi1>, vector<16xf32>
        %exp3A = math.exp %select_n3A : vector<16xf32>
        %lt3A = arith.constant 8 : i32
        %lt3A_202 = vector.broadcast %lt3A : i32 to vector<16xi32>
        %lt3A_203 = arith.cmpi slt, %iota3A, %lt3A_202 : vector<16xi32>
        %jit3A = arith.constant 0.000000e+00 : f32
        %broadcast_in_dim3A = vector.broadcast %jit3A : f32 to vector<16xf32>
        %select_n3A_204 = arith.select %lt3A_203, %exp3A, %broadcast_in_dim3A : vector<16xi1>, vector<16xf32>
        %swap3A = arith.index_cast %scan3A_188 : i32 to index
        %swap3A_205 = arith.constant 0 : index
        %swap3A_206 = tpu.vector_load %arg16[%swap3A, %swap3A_205] {strides = array<i32>} : memref<80x16xf32, #tpu.memory_space<vmem>>, vector<1x16xf32>,
        %swap3A_207 = vector.shape_cast %swap3A_206 : vector<1x16xf32> to vector<16xf32>
        %swap3A_208 = vector.shape_cast %select_n3A_204 : vector<16xf32> to vector<1x16xf32>
        tpu.vector_store %arg16[%swap3A, %swap3A_205], %swap3A_208 {strides = array<i32>} : memref<80x16xf32, #tpu.memory_space<vmem>>, vector<1x16xf32>,
        %slice3A = vector.extract_strided_slice %exp3A {offsets = [0], sizes = [1], strides = [1]} : vector<16xf32> to vector<1xf32>
        %squeeze3A = vector.extract %slice3A[0] : f32 from vector<1xf32>
        %get3A_209 = arith.index_cast %scan3A_188 : i32 to index
        %get3A_210 = arith.constant 0 : index
        %get3A_211 = tpu.vector_load %arg12[%get3A_209, %get3A_210] {strides = array<i32>} : memref<80x256xf32, #tpu.memory_space<vmem>>, vector<1x16xf32>,
        %get3A_212 = vector.shape_cast %get3A_211 : vector<1x16xf32> to vector<16xf32>
        %mul3A_213 = vector.broadcast %squeeze3A : f32 to vector<16xf32>
        %mul3A_214 = arith.mulf %get3A_212, %mul3A_213 : vector<16xf32>
        %swap3A_215 = arith.index_cast %scan3A_188 : i32 to index
        %swap3A_216 = arith.constant 0 : index
        %swap3A_217 = tpu.vector_load %arg14[%swap3A_215, %swap3A_216] {strides = array<i32>} : memref<80x128xf32, #tpu.memory_space<vmem>>, vector<1x16xf32>,
        %swap3A_218 = vector.shape_cast %swap3A_217 : vector<1x16xf32> to vector<16xf32>
        %swap3A_219 = vector.shape_cast %mul3A_214 : vector<16xf32> to vector<1x16xf32>
        tpu.vector_store %arg14[%swap3A_215, %swap3A_216], %swap3A_219 {strides = array<i32>} : memref<80x128xf32, #tpu.memory_space<vmem>>, vector<1x16xf32>,
        %slice3A_220 = vector.extract_strided_slice %exp3A {offsets = [1], sizes = [1], strides = [1]} : vector<16xf32> to vector<1xf32>
        %squeeze3A_221 = vector.extract %slice3A_220[0] : f32 from vector<1xf32>
        %get3A_222 = arith.index_cast %scan3A_188 : i32 to index
        %get3A_223 = arith.constant 16 : index
        %get3A_224 = tpu.vector_load %arg12[%get3A_222, %get3A_223] {strides = array<i32>} : memref<80x256xf32, #tpu.memory_space<vmem>>, vector<1x16xf32>,
        %get3A_225 = vector.shape_cast %get3A_224 : vector<1x16xf32> to vector<16xf32>
        %mul3A_226 = vector.broadcast %squeeze3A_221 : f32 to vector<16xf32>
        %mul3A_227 = arith.mulf %get3A_225, %mul3A_226 : vector<16xf32>
        %swap3A_228 = arith.index_cast %scan3A_188 : i32 to index
        %swap3A_229 = arith.constant 16 : index
        %swap3A_230 = tpu.vector_load %arg14[%swap3A_228, %swap3A_229] {strides = array<i32>} : memref<80x128xf32, #tpu.memory_space<vmem>>, vector<1x16xf32>,
        %swap3A_231 = vector.shape_cast %swap3A_230 : vector<1x16xf32> to vector<16xf32>
        %swap3A_232 = vector.shape_cast %mul3A_227 : vector<16xf32> to vector<1x16xf32>
        tpu.vector_store %arg14[%swap3A_228, %swap3A_229], %swap3A_232 {strides = array<i32>} : memref<80x128xf32, #tpu.memory_space<vmem>>, vector<1x16xf32>,
        %slice3A_233 = vector.extract_strided_slice %exp3A {offsets = [2], sizes = [1], strides = [1]} : vector<16xf32> to vector<1xf32>
        %squeeze3A_234 = vector.extract %slice3A_233[0] : f32 from vector<1xf32>
        %get3A_235 = arith.index_cast %scan3A_188 : i32 to index
        %get3A_236 = arith.constant 32 : index
        %get3A_237 = tpu.vector_load %arg12[%get3A_235, %get3A_236] {strides = array<i32>} : memref<80x256xf32, #tpu.memory_space<vmem>>, vector<1x16xf32>,
        %get3A_238 = vector.shape_cast %get3A_237 : vector<1x16xf32> to vector<16xf32>
        %mul3A_239 = vector.broadcast %squeeze3A_234 : f32 to vector<16xf32>
        %mul3A_240 = arith.mulf %get3A_238, %mul3A_239 : vector<16xf32>
        %swap3A_241 = arith.index_cast %scan3A_188 : i32 to index
        %swap3A_242 = arith.constant 32 : index
        %swap3A_243 = tpu.vector_load %arg14[%swap3A_241, %swap3A_242] {strides = array<i32>} : memref<80x128xf32, #tpu.memory_space<vmem>>, vector<1x16xf32>,
        %swap3A_244 = vector.shape_cast %swap3A_243 : vector<1x16xf32> to vector<16xf32>
        %swap3A_245 = vector.shape_cast %mul3A_240 : vector<16xf32> to vector<1x16xf32>
        tpu.vector_store %arg14[%swap3A_241, %swap3A_242], %swap3A_245 {strides = array<i32>} : memref<80x128xf32, #tpu.memory_space<vmem>>, vector<1x16xf32>,
        %slice3A_246 = vector.extract_strided_slice %exp3A {offsets = [3], sizes = [1], strides = [1]} : vector<16xf32> to vector<1xf32>
        %squeeze3A_247 = vector.extract %slice3A_246[0] : f32 from vector<1xf32>
        %get3A_248 = arith.index_cast %scan3A_188 : i32 to index
        %get3A_249 = arith.constant 48 : index
        %get3A_250 = tpu.vector_load %arg12[%get3A_248, %get3A_249] {strides = array<i32>} : memref<80x256xf32, #tpu.memory_space<vmem>>, vector<1x16xf32>,
        %get3A_251 = vector.shape_cast %get3A_250 : vector<1x16xf32> to vector<16xf32>
        %mul3A_252 = vector.broadcast %squeeze3A_247 : f32 to vector<16xf32>
        %mul3A_253 = arith.mulf %get3A_251, %mul3A_252 : vector<16xf32>
        %swap3A_254 = arith.index_cast %scan3A_188 : i32 to index
        %swap3A_255 = arith.constant 48 : index
        %swap3A_256 = tpu.vector_load %arg14[%swap3A_254, %swap3A_255] {strides = array<i32>} : memref<80x128xf32, #tpu.memory_space<vmem>>, vector<1x16xf32>,
        %swap3A_257 = vector.shape_cast %swap3A_256 : vector<1x16xf32> to vector<16xf32>
        %swap3A_258 = vector.shape_cast %mul3A_253 : vector<16xf32> to vector<1x16xf32>
        tpu.vector_store %arg14[%swap3A_254, %swap3A_255], %swap3A_258 {strides = array<i32>} : memref<80x128xf32, #tpu.memory_space<vmem>>, vector<1x16xf32>,
        %slice3A_259 = vector.extract_strided_slice %exp3A {offsets = [4], sizes = [1], strides = [1]} : vector<16xf32> to vector<1xf32>
        %squeeze3A_260 = vector.extract %slice3A_259[0] : f32 from vector<1xf32>
        %get3A_261 = arith.index_cast %scan3A_188 : i32 to index
        %get3A_262 = arith.constant 64 : index
        %get3A_263 = tpu.vector_load %arg12[%get3A_261, %get3A_262] {strides = array<i32>} : memref<80x256xf32, #tpu.memory_space<vmem>>, vector<1x16xf32>,
        %get3A_264 = vector.shape_cast %get3A_263 : vector<1x16xf32> to vector<16xf32>
        %mul3A_265 = vector.broadcast %squeeze3A_260 : f32 to vector<16xf32>
        %mul3A_266 = arith.mulf %get3A_264, %mul3A_265 : vector<16xf32>
        %swap3A_267 = arith.index_cast %scan3A_188 : i32 to index
        %swap3A_268 = arith.constant 64 : index
        %swap3A_269 = tpu.vector_load %arg14[%swap3A_267, %swap3A_268] {strides = array<i32>} : memref<80x128xf32, #tpu.memory_space<vmem>>, vector<1x16xf32>,
        %swap3A_270 = vector.shape_cast %swap3A_269 : vector<1x16xf32> to vector<16xf32>
        %swap3A_271 = vector.shape_cast %mul3A_266 : vector<16xf32> to vector<1x16xf32>
        tpu.vector_store %arg14[%swap3A_267, %swap3A_268], %swap3A_271 {strides = array<i32>} : memref<80x128xf32, #tpu.memory_space<vmem>>, vector<1x16xf32>,
        %slice3A_272 = vector.extract_strided_slice %exp3A {offsets = [5], sizes = [1], strides = [1]} : vector<16xf32> to vector<1xf32>
        %squeeze3A_273 = vector.extract %slice3A_272[0] : f32 from vector<1xf32>
        %get3A_274 = arith.index_cast %scan3A_188 : i32 to index
        %get3A_275 = arith.constant 80 : index
        %get3A_276 = tpu.vector_load %arg12[%get3A_274, %get3A_275] {strides = array<i32>} : memref<80x256xf32, #tpu.memory_space<vmem>>, vector<1x16xf32>,
        %get3A_277 = vector.shape_cast %get3A_276 : vector<1x16xf32> to vector<16xf32>
        %mul3A_278 = vector.broadcast %squeeze3A_273 : f32 to vector<16xf32>
        %mul3A_279 = arith.mulf %get3A_277, %mul3A_278 : vector<16xf32>
        %swap3A_280 = arith.index_cast %scan3A_188 : i32 to index
        %swap3A_281 = arith.constant 80 : index
        %swap3A_282 = tpu.vector_load %arg14[%swap3A_280, %swap3A_281] {strides = array<i32>} : memref<80x128xf32, #tpu.memory_space<vmem>>, vector<1x16xf32>,
        %swap3A_283 = vector.shape_cast %swap3A_282 : vector<1x16xf32> to vector<16xf32>
        %swap3A_284 = vector.shape_cast %mul3A_279 : vector<16xf32> to vector<1x16xf32>
        tpu.vector_store %arg14[%swap3A_280, %swap3A_281], %swap3A_284 {strides = array<i32>} : memref<80x128xf32, #tpu.memory_space<vmem>>, vector<1x16xf32>,
        %slice3A_285 = vector.extract_strided_slice %exp3A {offsets = [6], sizes = [1], strides = [1]} : vector<16xf32> to vector<1xf32>
        %squeeze3A_286 = vector.extract %slice3A_285[0] : f32 from vector<1xf32>
        %get3A_287 = arith.index_cast %scan3A_188 : i32 to index
        %get3A_288 = arith.constant 96 : index
        %get3A_289 = tpu.vector_load %arg12[%get3A_287, %get3A_288] {strides = array<i32>} : memref<80x256xf32, #tpu.memory_space<vmem>>, vector<1x16xf32>,
        %get3A_290 = vector.shape_cast %get3A_289 : vector<1x16xf32> to vector<16xf32>
        %mul3A_291 = vector.broadcast %squeeze3A_286 : f32 to vector<16xf32>
        %mul3A_292 = arith.mulf %get3A_290, %mul3A_291 : vector<16xf32>
        %swap3A_293 = arith.index_cast %scan3A_188 : i32 to index
        %swap3A_294 = arith.constant 96 : index
        %swap3A_295 = tpu.vector_load %arg14[%swap3A_293, %swap3A_294] {strides = array<i32>} : memref<80x128xf32, #tpu.memory_space<vmem>>, vector<1x16xf32>,
        %swap3A_296 = vector.shape_cast %swap3A_295 : vector<1x16xf32> to vector<16xf32>
        %swap3A_297 = vector.shape_cast %mul3A_292 : vector<16xf32> to vector<1x16xf32>
        tpu.vector_store %arg14[%swap3A_293, %swap3A_294], %swap3A_297 {strides = array<i32>} : memref<80x128xf32, #tpu.memory_space<vmem>>, vector<1x16xf32>,
        %slice3A_298 = vector.extract_strided_slice %exp3A {offsets = [7], sizes = [1], strides = [1]} : vector<16xf32> to vector<1xf32>
        %squeeze3A_299 = vector.extract %slice3A_298[0] : f32 from vector<1xf32>
        %get3A_300 = arith.index_cast %scan3A_188 : i32 to index
        %get3A_301 = arith.constant 112 : index
        %get3A_302 = tpu.vector_load %arg12[%get3A_300, %get3A_301] {strides = array<i32>} : memref<80x256xf32, #tpu.memory_space<vmem>>, vector<1x16xf32>,
        %get3A_303 = vector.shape_cast %get3A_302 : vector<1x16xf32> to vector<16xf32>
        %mul3A_304 = vector.broadcast %squeeze3A_299 : f32 to vector<16xf32>
        %mul3A_305 = arith.mulf %get3A_303, %mul3A_304 : vector<16xf32>
        %swap3A_306 = arith.index_cast %scan3A_188 : i32 to index
        %swap3A_307 = arith.constant 112 : index
        %swap3A_308 = tpu.vector_load %arg14[%swap3A_306, %swap3A_307] {strides = array<i32>} : memref<80x128xf32, #tpu.memory_space<vmem>>, vector<1x16xf32>,
        %swap3A_309 = vector.shape_cast %swap3A_308 : vector<1x16xf32> to vector<16xf32>
        %swap3A_310 = vector.shape_cast %mul3A_305 : vector<16xf32> to vector<1x16xf32>
        tpu.vector_store %arg14[%swap3A_306, %swap3A_307], %swap3A_310 {strides = array<i32>} : memref<80x128xf32, #tpu.memory_space<vmem>>, vector<1x16xf32>,
      }
      %scan3A_187 = arith.constant 80 : i32
      "tpu.region"() ({
        %run_scoped3A = tpu.sem_alloc : memref<!tpu.dma_semaphore, #tpu.memory_space<semaphore_mem>>
        %dma_start3A_188 = arith.constant 0 : i32
        %dma_start3A_189 = arith.constant 0 : i32
        %dma_start3A_190 = tpu.memref_slice %arg18[%dma_start3A_188, %dma_start3A_189] : memref<5128x128xf32, #tpu.memory_space<vmem_shared>> -> memref<5128x128xf32, #tpu.memory_space<vmem_shared>>
        tpu.enqueue_indirect_dma source(%arg14 : memref<80x128xf32, #tpu.memory_space<vmem>>) target(%dma_start3A_190 : memref<5128x128xf32, #tpu.memory_space<vmem_shared>>) offsets(%arg11 : memref<80xi32, #tpu.memory_space<vmem>>) semaphore(%run_scoped3A : memref<!tpu.dma_semaphore, #tpu.memory_space<semaphore_mem>>) {add = true}
        %dma_wait3A_191 = arith.constant 0 : i32
        %dma_wait3A_192 = arith.constant 0 : i32
        %dma_wait3A_193 = tpu.memref_slice %arg18[%dma_wait3A_191, %dma_wait3A_192] : memref<5128x128xf32, #tpu.memory_space<vmem_shared>> -> memref<5128x128xf32, #tpu.memory_space<vmem_shared>>
        tpu.wait_indirect_dma semaphore(%run_scoped3A : memref<!tpu.dma_semaphore, #tpu.memory_space<semaphore_mem>>) src(%arg14 : memref<80x128xf32, #tpu.memory_space<vmem>>) dst(%dma_wait3A_193 : memref<5128x128xf32, #tpu.memory_space<vmem_shared>>)
        tpu.yield
      }) : () -> ()
      "tpu.region"() ({
        %run_scoped3A = tpu.sem_alloc : memref<!tpu.dma_semaphore, #tpu.memory_space<semaphore_mem>>
        %dma_start3A_188 = arith.constant 0 : i32
        %dma_start3A_189 = tpu.memref_slice %arg7[%arg0, %multiple_of3A, %dma_start3A_188] : memref<2x320000x16xf32, #tpu.memory_space<hbm>> -> memref<1x80x16xf32, #tpu.memory_space<hbm>>
        %dma_start3A_190 = tpu.memref_squeeze %dma_start3A_189 : memref<1x80x16xf32, #tpu.memory_space<hbm>> -> memref<80x16xf32, #tpu.memory_space<hbm>>
        %dma_start3A_191 = arith.constant 0 : i32
        %dma_start3A_192 = tpu.memref_slice %arg7[%arg0, %multiple_of3A, %dma_start3A_191] : memref<2x320000x16xf32, #tpu.memory_space<hbm>> -> memref<1x80x16xf32, #tpu.memory_space<hbm>>
        %dma_start3A_193 = tpu.memref_squeeze %dma_start3A_192 : memref<1x80x16xf32, #tpu.memory_space<hbm>> -> memref<80x16xf32, #tpu.memory_space<hbm>>
        tpu.enqueue_dma source(%arg16 : memref<80x16xf32, #tpu.memory_space<vmem>>) target(%dma_start3A_193 : memref<80x16xf32, #tpu.memory_space<hbm>>) target_semaphore(%run_scoped3A : memref<!tpu.dma_semaphore, #tpu.memory_space<semaphore_mem>>)
        %dma_wait3A_194 = arith.constant 0 : i32
        %dma_wait3A_195 = tpu.memref_slice %arg7[%arg0, %multiple_of3A, %dma_wait3A_194] : memref<2x320000x16xf32, #tpu.memory_space<hbm>> -> memref<1x80x16xf32, #tpu.memory_space<hbm>>
        %dma_wait3A_196 = tpu.memref_squeeze %dma_wait3A_195 : memref<1x80x16xf32, #tpu.memory_space<hbm>> -> memref<80x16xf32, #tpu.memory_space<hbm>>
        %dma_wait3A_197 = arith.constant 0 : i32
        %dma_wait3A_198 = tpu.memref_slice %arg7[%arg0, %multiple_of3A, %dma_wait3A_197] : memref<2x320000x16xf32, #tpu.memory_space<hbm>> -> memref<1x80x16xf32, #tpu.memory_space<hbm>>
        %dma_wait3A_199 = tpu.memref_squeeze %dma_wait3A_198 : memref<1x80x16xf32, #tpu.memory_space<hbm>> -> memref<80x16xf32, #tpu.memory_space<hbm>>
        tpu.wait_dma2 semaphore(%run_scoped3A : memref<!tpu.dma_semaphore, #tpu.memory_space<semaphore_mem>>) src(%arg16 : memref<80x16xf32, #tpu.memory_space<vmem>>) dst(%dma_wait3A_199 : memref<80x16xf32, #tpu.memory_space<hbm>>)
        tpu.yield
      }) : () -> ()
    }
    %scan3A_38 = arith.constant 250 : i32
    %barrier3A_39 = arith.constant 0 : index
    tpu.barrier barrier_id(%barrier3A_39)
    %mul3A_40 = arith.constant 320 : i32
    %mul3A_41 = arith.muli %arg1, %mul3A_40 : i32
    %add3A_42 = arith.constant 0 : i32
    %add3A_43 = arith.addi %mul3A_41, %add3A_42 : i32
    "tpu.region"() ({
      %run_scoped3A = tpu.sem_alloc : memref<!tpu.dma_semaphore, #tpu.memory_space<semaphore_mem>>
      %dma_start3A = arith.constant 0 : i32
      %dma_start3A_160 = tpu.memref_slice %arg18[%add3A_43, %dma_start3A] : memref<5128x128xf32, #tpu.memory_space<vmem_shared>> -> memref<64x128xf32, #tpu.memory_space<vmem_shared>>
      %dma_start3A_161 = arith.constant 0 : i32
      %dma_start3A_162 = tpu.memref_slice %arg18[%add3A_43, %dma_start3A_161] : memref<5128x128xf32, #tpu.memory_space<vmem_shared>> -> memref<64x128xf32, #tpu.memory_space<vmem_shared>>
      tpu.enqueue_dma source(%dma_start3A_162 : memref<64x128xf32, #tpu.memory_space<vmem_shared>>) target(%arg17 : memref<64x128xf32, #tpu.memory_space<vmem>>) target_semaphore(%run_scoped3A : memref<!tpu.dma_semaphore, #tpu.memory_space<semaphore_mem>>)
      %dma_wait3A = arith.constant 0 : i32
      %dma_wait3A_163 = tpu.memref_slice %arg18[%add3A_43, %dma_wait3A] : memref<5128x128xf32, #tpu.memory_space<vmem_shared>> -> memref<64x128xf32, #tpu.memory_space<vmem_shared>>
      %dma_wait3A_164 = arith.constant 0 : i32
      %dma_wait3A_165 = tpu.memref_slice %arg18[%add3A_43, %dma_wait3A_164] : memref<5128x128xf32, #tpu.memory_space<vmem_shared>> -> memref<64x128xf32, #tpu.memory_space<vmem_shared>>
      tpu.wait_dma2 semaphore(%run_scoped3A : memref<!tpu.dma_semaphore, #tpu.memory_space<semaphore_mem>>) src(%dma_wait3A_165 : memref<64x128xf32, #tpu.memory_space<vmem_shared>>) dst(%arg17 : memref<64x128xf32, #tpu.memory_space<vmem>>)
      tpu.yield
    }) : () -> ()
    %mul3A_44 = arith.constant 320 : i32
    %mul3A_45 = arith.muli %arg1, %mul3A_44 : i32
    %add3A_46 = arith.constant 0 : i32
    %add3A_47 = arith.addi %mul3A_45, %add3A_46 : i32
    "tpu.region"() ({
      %run_scoped3A = tpu.sem_alloc : memref<!tpu.dma_semaphore, #tpu.memory_space<semaphore_mem>>
      %dma_start3A = arith.constant 0 : i32
      %dma_start3A_160 = tpu.memref_slice %arg6[%arg0, %add3A_47, %dma_start3A] : memref<2x5120x128xf32, #tpu.memory_space<hbm>> -> memref<1x64x128xf32, #tpu.memory_space<hbm>>
      %dma_start3A_161 = tpu.memref_squeeze %dma_start3A_160 : memref<1x64x128xf32, #tpu.memory_space<hbm>> -> memref<64x128xf32, #tpu.memory_space<hbm>>
      %dma_start3A_162 = arith.constant 0 : i32
      %dma_start3A_163 = tpu.memref_slice %arg6[%arg0, %add3A_47, %dma_start3A_162] : memref<2x5120x128xf32, #tpu.memory_space<hbm>> -> memref<1x64x128xf32, #tpu.memory_space<hbm>>
      %dma_start3A_164 = tpu.memref_squeeze %dma_start3A_163 : memref<1x64x128xf32, #tpu.memory_space<hbm>> -> memref<64x128xf32, #tpu.memory_space<hbm>>
      tpu.enqueue_dma source(%arg17 : memref<64x128xf32, #tpu.memory_space<vmem>>) target(%dma_start3A_164 : memref<64x128xf32, #tpu.memory_space<hbm>>) target_semaphore(%run_scoped3A : memref<!tpu.dma_semaphore, #tpu.memory_space<semaphore_mem>>)
      %dma_wait3A = arith.constant 0 : i32
      %dma_wait3A_165 = tpu.memref_slice %arg6[%arg0, %add3A_47, %dma_wait3A] : memref<2x5120x128xf32, #tpu.memory_space<hbm>> -> memref<1x64x128xf32, #tpu.memory_space<hbm>>
      %dma_wait3A_166 = tpu.memref_squeeze %dma_wait3A_165 : memref<1x64x128xf32, #tpu.memory_space<hbm>> -> memref<64x128xf32, #tpu.memory_space<hbm>>
      %dma_wait3A_167 = arith.constant 0 : i32
      %dma_wait3A_168 = tpu.memref_slice %arg6[%arg0, %add3A_47, %dma_wait3A_167] : memref<2x5120x128xf32, #tpu.memory_space<hbm>> -> memref<1x64x128xf32, #tpu.memory_space<hbm>>
      %dma_wait3A_169 = tpu.memref_squeeze %dma_wait3A_168 : memref<1x64x128xf32, #tpu.memory_space<hbm>> -> memref<64x128xf32, #tpu.memory_space<hbm>>
      tpu.wait_dma2 semaphore(%run_scoped3A : memref<!tpu.dma_semaphore, #tpu.memory_space<semaphore_mem>>) src(%arg17 : memref<64x128xf32, #tpu.memory_space<vmem>>) dst(%dma_wait3A_169 : memref<64x128xf32, #tpu.memory_space<hbm>>)
      tpu.yield
    }) : () -> ()
    %mul3A_48 = arith.constant 320 : i32
    %mul3A_49 = arith.muli %arg1, %mul3A_48 : i32
    %add3A_50 = arith.constant 64 : i32
    %add3A_51 = arith.addi %mul3A_49, %add3A_50 : i32
    "tpu.region"() ({
      %run_scoped3A = tpu.sem_alloc : memref<!tpu.dma_semaphore, #tpu.memory_space<semaphore_mem>>
      %dma_start3A = arith.constant 0 : i32
      %dma_start3A_160 = tpu.memref_slice %arg18[%add3A_51, %dma_start3A] : memref<5128x128xf32, #tpu.memory_space<vmem_shared>> -> memref<64x128xf32, #tpu.memory_space<vmem_shared>>
      %dma_start3A_161 = arith.constant 0 : i32
      %dma_start3A_162 = tpu.memref_slice %arg18[%add3A_51, %dma_start3A_161] : memref<5128x128xf32, #tpu.memory_space<vmem_shared>> -> memref<64x128xf32, #tpu.memory_space<vmem_shared>>
      tpu.enqueue_dma source(%dma_start3A_162 : memref<64x128xf32, #tpu.memory_space<vmem_shared>>) target(%arg17 : memref<64x128xf32, #tpu.memory_space<vmem>>) target_semaphore(%run_scoped3A : memref<!tpu.dma_semaphore, #tpu.memory_space<semaphore_mem>>)
      %dma_wait3A = arith.constant 0 : i32
      %dma_wait3A_163 = tpu.memref_slice %arg18[%add3A_51, %dma_wait3A] : memref<5128x128xf32, #tpu.memory_space<vmem_shared>> -> memref<64x128xf32, #tpu.memory_space<vmem_shared>>
      %dma_wait3A_164 = arith.constant 0 : i32
      %dma_wait3A_165 = tpu.memref_slice %arg18[%add3A_51, %dma_wait3A_164] : memref<5128x128xf32, #tpu.memory_space<vmem_shared>> -> memref<64x128xf32, #tpu.memory_space<vmem_shared>>
      tpu.wait_dma2 semaphore(%run_scoped3A : memref<!tpu.dma_semaphore, #tpu.memory_space<semaphore_mem>>) src(%dma_wait3A_165 : memref<64x128xf32, #tpu.memory_space<vmem_shared>>) dst(%arg17 : memref<64x128xf32, #tpu.memory_space<vmem>>)
      tpu.yield
    }) : () -> ()
    %mul3A_52 = arith.constant 320 : i32
    %mul3A_53 = arith.muli %arg1, %mul3A_52 : i32
    %add3A_54 = arith.constant 64 : i32
    %add3A_55 = arith.addi %mul3A_53, %add3A_54 : i32
    "tpu.region"() ({
      %run_scoped3A = tpu.sem_alloc : memref<!tpu.dma_semaphore, #tpu.memory_space<semaphore_mem>>
      %dma_start3A = arith.constant 0 : i32
      %dma_start3A_160 = tpu.memref_slice %arg6[%arg0, %add3A_55, %dma_start3A] : memref<2x5120x128xf32, #tpu.memory_space<hbm>> -> memref<1x64x128xf32, #tpu.memory_space<hbm>>
      %dma_start3A_161 = tpu.memref_squeeze %dma_start3A_160 : memref<1x64x128xf32, #tpu.memory_space<hbm>> -> memref<64x128xf32, #tpu.memory_space<hbm>>
      %dma_start3A_162 = arith.constant 0 : i32
      %dma_start3A_163 = tpu.memref_slice %arg6[%arg0, %add3A_55, %dma_start3A_162] : memref<2x5120x128xf32, #tpu.memory_space<hbm>> -> memref<1x64x128xf32, #tpu.memory_space<hbm>>
      %dma_start3A_164 = tpu.memref_squeeze %dma_start3A_163 : memref<1x64x128xf32, #tpu.memory_space<hbm>> -> memref<64x128xf32, #tpu.memory_space<hbm>>
      tpu.enqueue_dma source(%arg17 : memref<64x128xf32, #tpu.memory_space<vmem>>) target(%dma_start3A_164 : memref<64x128xf32, #tpu.memory_space<hbm>>) target_semaphore(%run_scoped3A : memref<!tpu.dma_semaphore, #tpu.memory_space<semaphore_mem>>)
      %dma_wait3A = arith.constant 0 : i32
      %dma_wait3A_165 = tpu.memref_slice %arg6[%arg0, %add3A_55, %dma_wait3A] : memref<2x5120x128xf32, #tpu.memory_space<hbm>> -> memref<1x64x128xf32, #tpu.memory_space<hbm>>
      %dma_wait3A_166 = tpu.memref_squeeze %dma_wait3A_165 : memref<1x64x128xf32, #tpu.memory_space<hbm>> -> memref<64x128xf32, #tpu.memory_space<hbm>>
      %dma_wait3A_167 = arith.constant 0 : i32
      %dma_wait3A_168 = tpu.memref_slice %arg6[%arg0, %add3A_55, %dma_wait3A_167] : memref<2x5120x128xf32, #tpu.memory_space<hbm>> -> memref<1x64x128xf32, #tpu.memory_space<hbm>>
      %dma_wait3A_169 = tpu.memref_squeeze %dma_wait3A_168 : memref<1x64x128xf32, #tpu.memory_space<hbm>> -> memref<64x128xf32, #tpu.memory_space<hbm>>
      tpu.wait_dma2 semaphore(%run_scoped3A : memref<!tpu.dma_semaphore, #tpu.memory_space<semaphore_mem>>) src(%arg17 : memref<64x128xf32, #tpu.memory_space<vmem>>) dst(%dma_wait3A_169 : memref<64x128xf32, #tpu.memory_space<hbm>>)
      tpu.yield
    }) : () -> ()
    %mul3A_56 = arith.constant 320 : i32
    %mul3A_57 = arith.muli %arg1, %mul3A_56 : i32
    %add3A_58 = arith.constant 128 : i32
    %add3A_59 = arith.addi %mul3A_57, %add3A_58 : i32
    "tpu.region"() ({
      %run_scoped3A = tpu.sem_alloc : memref<!tpu.dma_semaphore, #tpu.memory_space<semaphore_mem>>
      %dma_start3A = arith.constant 0 : i32
      %dma_start3A_160 = tpu.memref_slice %arg18[%add3A_59, %dma_start3A] : memref<5128x128xf32, #tpu.memory_space<vmem_shared>> -> memref<64x128xf32, #tpu.memory_space<vmem_shared>>
      %dma_start3A_161 = arith.constant 0 : i32
      %dma_start3A_162 = tpu.memref_slice %arg18[%add3A_59, %dma_start3A_161] : memref<5128x128xf32, #tpu.memory_space<vmem_shared>> -> memref<64x128xf32, #tpu.memory_space<vmem_shared>>
      tpu.enqueue_dma source(%dma_start3A_162 : memref<64x128xf32, #tpu.memory_space<vmem_shared>>) target(%arg17 : memref<64x128xf32, #tpu.memory_space<vmem>>) target_semaphore(%run_scoped3A : memref<!tpu.dma_semaphore, #tpu.memory_space<semaphore_mem>>)
      %dma_wait3A = arith.constant 0 : i32
      %dma_wait3A_163 = tpu.memref_slice %arg18[%add3A_59, %dma_wait3A] : memref<5128x128xf32, #tpu.memory_space<vmem_shared>> -> memref<64x128xf32, #tpu.memory_space<vmem_shared>>
      %dma_wait3A_164 = arith.constant 0 : i32
      %dma_wait3A_165 = tpu.memref_slice %arg18[%add3A_59, %dma_wait3A_164] : memref<5128x128xf32, #tpu.memory_space<vmem_shared>> -> memref<64x128xf32, #tpu.memory_space<vmem_shared>>
      tpu.wait_dma2 semaphore(%run_scoped3A : memref<!tpu.dma_semaphore, #tpu.memory_space<semaphore_mem>>) src(%dma_wait3A_165 : memref<64x128xf32, #tpu.memory_space<vmem_shared>>) dst(%arg17 : memref<64x128xf32, #tpu.memory_space<vmem>>)
      tpu.yield
    }) : () -> ()
    %mul3A_60 = arith.constant 320 : i32
    %mul3A_61 = arith.muli %arg1, %mul3A_60 : i32
    %add3A_62 = arith.constant 128 : i32
    %add3A_63 = arith.addi %mul3A_61, %add3A_62 : i32
    "tpu.region"() ({
      %run_scoped3A = tpu.sem_alloc : memref<!tpu.dma_semaphore, #tpu.memory_space<semaphore_mem>>
      %dma_start3A = arith.constant 0 : i32
      %dma_start3A_160 = tpu.memref_slice %arg6[%arg0, %add3A_63, %dma_start3A] : memref<2x5120x128xf32, #tpu.memory_space<hbm>> -> memref<1x64x128xf32, #tpu.memory_space<hbm>>
      %dma_start3A_161 = tpu.memref_squeeze %dma_start3A_160 : memref<1x64x128xf32, #tpu.memory_space<hbm>> -> memref<64x128xf32, #tpu.memory_space<hbm>>
      %dma_start3A_162 = arith.constant 0 : i32
      %dma_start3A_163 = tpu.memref_slice %arg6[%arg0, %add3A_63, %dma_start3A_162] : memref<2x5120x128xf32, #tpu.memory_space<hbm>> -> memref<1x64x128xf32, #tpu.memory_space<hbm>>
      %dma_start3A_164 = tpu.memref_squeeze %dma_start3A_163 : memref<1x64x128xf32, #tpu.memory_space<hbm>> -> memref<64x128xf32, #tpu.memory_space<hbm>>
      tpu.enqueue_dma source(%arg17 : memref<64x128xf32, #tpu.memory_space<vmem>>) target(%dma_start3A_164 : memref<64x128xf32, #tpu.memory_space<hbm>>) target_semaphore(%run_scoped3A : memref<!tpu.dma_semaphore, #tpu.memory_space<semaphore_mem>>)
      %dma_wait3A = arith.constant 0 : i32
      %dma_wait3A_165 = tpu.memref_slice %arg6[%arg0, %add3A_63, %dma_wait3A] : memref<2x5120x128xf32, #tpu.memory_space<hbm>> -> memref<1x64x128xf32, #tpu.memory_space<hbm>>
      %dma_wait3A_166 = tpu.memref_squeeze %dma_wait3A_165 : memref<1x64x128xf32, #tpu.memory_space<hbm>> -> memref<64x128xf32, #tpu.memory_space<hbm>>
      %dma_wait3A_167 = arith.constant 0 : i32
      %dma_wait3A_168 = tpu.memref_slice %arg6[%arg0, %add3A_63, %dma_wait3A_167] : memref<2x5120x128xf32, #tpu.memory_space<hbm>> -> memref<1x64x128xf32, #tpu.memory_space<hbm>>
      %dma_wait3A_169 = tpu.memref_squeeze %dma_wait3A_168 : memref<1x64x128xf32, #tpu.memory_space<hbm>> -> memref<64x128xf32, #tpu.memory_space<hbm>>
      tpu.wait_dma2 semaphore(%run_scoped3A : memref<!tpu.dma_semaphore, #tpu.memory_space<semaphore_mem>>) src(%arg17 : memref<64x128xf32, #tpu.memory_space<vmem>>) dst(%dma_wait3A_169 : memref<64x128xf32, #tpu.memory_space<hbm>>)
      tpu.yield
    }) : () -> ()
    %mul3A_64 = arith.constant 320 : i32
    %mul3A_65 = arith.muli %arg1, %mul3A_64 : i32
    %add3A_66 = arith.constant 192 : i32
    %add3A_67 = arith.addi %mul3A_65, %add3A_66 : i32
    "tpu.region"() ({
      %run_scoped3A = tpu.sem_alloc : memref<!tpu.dma_semaphore, #tpu.memory_space<semaphore_mem>>
      %dma_start3A = arith.constant 0 : i32
      %dma_start3A_160 = tpu.memref_slice %arg18[%add3A_67, %dma_start3A] : memref<5128x128xf32, #tpu.memory_space<vmem_shared>> -> memref<64x128xf32, #tpu.memory_space<vmem_shared>>
      %dma_start3A_161 = arith.constant 0 : i32
      %dma_start3A_162 = tpu.memref_slice %arg18[%add3A_67, %dma_start3A_161] : memref<5128x128xf32, #tpu.memory_space<vmem_shared>> -> memref<64x128xf32, #tpu.memory_space<vmem_shared>>
      tpu.enqueue_dma source(%dma_start3A_162 : memref<64x128xf32, #tpu.memory_space<vmem_shared>>) target(%arg17 : memref<64x128xf32, #tpu.memory_space<vmem>>) target_semaphore(%run_scoped3A : memref<!tpu.dma_semaphore, #tpu.memory_space<semaphore_mem>>)
      %dma_wait3A = arith.constant 0 : i32
      %dma_wait3A_163 = tpu.memref_slice %arg18[%add3A_67, %dma_wait3A] : memref<5128x128xf32, #tpu.memory_space<vmem_shared>> -> memref<64x128xf32, #tpu.memory_space<vmem_shared>>
      %dma_wait3A_164 = arith.constant 0 : i32
      %dma_wait3A_165 = tpu.memref_slice %arg18[%add3A_67, %dma_wait3A_164] : memref<5128x128xf32, #tpu.memory_space<vmem_shared>> -> memref<64x128xf32, #tpu.memory_space<vmem_shared>>
      tpu.wait_dma2 semaphore(%run_scoped3A : memref<!tpu.dma_semaphore, #tpu.memory_space<semaphore_mem>>) src(%dma_wait3A_165 : memref<64x128xf32, #tpu.memory_space<vmem_shared>>) dst(%arg17 : memref<64x128xf32, #tpu.memory_space<vmem>>)
      tpu.yield
    }) : () -> ()
    %mul3A_68 = arith.constant 320 : i32
    %mul3A_69 = arith.muli %arg1, %mul3A_68 : i32
    %add3A_70 = arith.constant 192 : i32
    %add3A_71 = arith.addi %mul3A_69, %add3A_70 : i32
    "tpu.region"() ({
      %run_scoped3A = tpu.sem_alloc : memref<!tpu.dma_semaphore, #tpu.memory_space<semaphore_mem>>
      %dma_start3A = arith.constant 0 : i32
      %dma_start3A_160 = tpu.memref_slice %arg6[%arg0, %add3A_71, %dma_start3A] : memref<2x5120x128xf32, #tpu.memory_space<hbm>> -> memref<1x64x128xf32, #tpu.memory_space<hbm>>
      %dma_start3A_161 = tpu.memref_squeeze %dma_start3A_160 : memref<1x64x128xf32, #tpu.memory_space<hbm>> -> memref<64x128xf32, #tpu.memory_space<hbm>>
      %dma_start3A_162 = arith.constant 0 : i32
      %dma_start3A_163 = tpu.memref_slice %arg6[%arg0, %add3A_71, %dma_start3A_162] : memref<2x5120x128xf32, #tpu.memory_space<hbm>> -> memref<1x64x128xf32, #tpu.memory_space<hbm>>
      %dma_start3A_164 = tpu.memref_squeeze %dma_start3A_163 : memref<1x64x128xf32, #tpu.memory_space<hbm>> -> memref<64x128xf32, #tpu.memory_space<hbm>>
      tpu.enqueue_dma source(%arg17 : memref<64x128xf32, #tpu.memory_space<vmem>>) target(%dma_start3A_164 : memref<64x128xf32, #tpu.memory_space<hbm>>) target_semaphore(%run_scoped3A : memref<!tpu.dma_semaphore, #tpu.memory_space<semaphore_mem>>)
      %dma_wait3A = arith.constant 0 : i32
      %dma_wait3A_165 = tpu.memref_slice %arg6[%arg0, %add3A_71, %dma_wait3A] : memref<2x5120x128xf32, #tpu.memory_space<hbm>> -> memref<1x64x128xf32, #tpu.memory_space<hbm>>
      %dma_wait3A_166 = tpu.memref_squeeze %dma_wait3A_165 : memref<1x64x128xf32, #tpu.memory_space<hbm>> -> memref<64x128xf32, #tpu.memory_space<hbm>>
      %dma_wait3A_167 = arith.constant 0 : i32
      %dma_wait3A_168 = tpu.memref_slice %arg6[%arg0, %add3A_71, %dma_wait3A_167] : memref<2x5120x128xf32, #tpu.memory_space<hbm>> -> memref<1x64x128xf32, #tpu.memory_space<hbm>>
      %dma_wait3A_169 = tpu.memref_squeeze %dma_wait3A_168 : memref<1x64x128xf32, #tpu.memory_space<hbm>> -> memref<64x128xf32, #tpu.memory_space<hbm>>
      tpu.wait_dma2 semaphore(%run_scoped3A : memref<!tpu.dma_semaphore, #tpu.memory_space<semaphore_mem>>) src(%arg17 : memref<64x128xf32, #tpu.memory_space<vmem>>) dst(%dma_wait3A_169 : memref<64x128xf32, #tpu.memory_space<hbm>>)
      tpu.yield
    }) : () -> ()
    %mul3A_72 = arith.constant 320 : i32
    %mul3A_73 = arith.muli %arg1, %mul3A_72 : i32
    %add3A_74 = arith.constant 256 : i32
    %add3A_75 = arith.addi %mul3A_73, %add3A_74 : i32
    "tpu.region"() ({
      %run_scoped3A = tpu.sem_alloc : memref<!tpu.dma_semaphore, #tpu.memory_space<semaphore_mem>>
      %dma_start3A = arith.constant 0 : i32
      %dma_start3A_160 = tpu.memref_slice %arg18[%add3A_75, %dma_start3A] : memref<5128x128xf32, #tpu.memory_space<vmem_shared>> -> memref<64x128xf32, #tpu.memory_space<vmem_shared>>
      %dma_start3A_161 = arith.constant 0 : i32
      %dma_start3A_162 = tpu.memref_slice %arg18[%add3A_75, %dma_start3A_161] : memref<5128x128xf32, #tpu.memory_space<vmem_shared>> -> memref<64x128xf32, #tpu.memory_space<vmem_shared>>
      tpu.enqueue_dma source(%dma_start3A_162 : memref<64x128xf32, #tpu.memory_space<vmem_shared>>) target(%arg17 : memref<64x128xf32, #tpu.memory_space<vmem>>) target_semaphore(%run_scoped3A : memref<!tpu.dma_semaphore, #tpu.memory_space<semaphore_mem>>)
      %dma_wait3A = arith.constant 0 : i32
      %dma_wait3A_163 = tpu.memref_slice %arg18[%add3A_75, %dma_wait3A] : memref<5128x128xf32, #tpu.memory_space<vmem_shared>> -> memref<64x128xf32, #tpu.memory_space<vmem_shared>>
      %dma_wait3A_164 = arith.constant 0 : i32
      %dma_wait3A_165 = tpu.memref_slice %arg18[%add3A_75, %dma_wait3A_164] : memref<5128x128xf32, #tpu.memory_space<vmem_shared>> -> memref<64x128xf32, #tpu.memory_space<vmem_shared>>
      tpu.wait_dma2 semaphore(%run_scoped3A : memref<!tpu.dma_semaphore, #tpu.memory_space<semaphore_mem>>) src(%dma_wait3A_165 : memref<64x128xf32, #tpu.memory_space<vmem_shared>>) dst(%arg17 : memref<64x128xf32, #tpu.memory_space<vmem>>)
      tpu.yield
    }) : () -> ()
    %mul3A_76 = arith.constant 320 : i32
    %mul3A_77 = arith.muli %arg1, %mul3A_76 : i32
    %add3A_78 = arith.constant 256 : i32
    %add3A_79 = arith.addi %mul3A_77, %add3A_78 : i32
    "tpu.region"() ({
      %run_scoped3A = tpu.sem_alloc : memref<!tpu.dma_semaphore, #tpu.memory_space<semaphore_mem>>
      %dma_start3A = arith.constant 0 : i32
      %dma_start3A_160 = tpu.memref_slice %arg6[%arg0, %add3A_79, %dma_start3A] : memref<2x5120x128xf32, #tpu.memory_space<hbm>> -> memref<1x64x128xf32, #tpu.memory_space<hbm>>
      %dma_start3A_161 = tpu.memref_squeeze %dma_start3A_160 : memref<1x64x128xf32, #tpu.memory_space<hbm>> -> memref<64x128xf32, #tpu.memory_space<hbm>>
      %dma_start3A_162 = arith.constant 0 : i32
      %dma_start3A_163 = tpu.memref_slice %arg6[%arg0, %add3A_79, %dma_start3A_162] : memref<2x5120x128xf32, #tpu.memory_space<hbm>> -> memref<1x64x128xf32, #tpu.memory_space<hbm>>
      %dma_start3A_164 = tpu.memref_squeeze %dma_start3A_163 : memref<1x64x128xf32, #tpu.memory_space<hbm>> -> memref<64x128xf32, #tpu.memory_space<hbm>>
      tpu.enqueue_dma source(%arg17 : memref<64x128xf32, #tpu.memory_space<vmem>>) target(%dma_start3A_164 : memref<64x128xf32, #tpu.memory_space<hbm>>) target_semaphore(%run_scoped3A : memref<!tpu.dma_semaphore, #tpu.memory_space<semaphore_mem>>)
      %dma_wait3A = arith.constant 0 : i32
      %dma_wait3A_165 = tpu.memref_slice %arg6[%arg0, %add3A_79, %dma_wait3A] : memref<2x5120x128xf32, #tpu.memory_space<hbm>> -> memref<1x64x128xf32, #tpu.memory_space<hbm>>
      %dma_wait3A_166 = tpu.memref_squeeze %dma_wait3A_165 : memref<1x64x128xf32, #tpu.memory_space<hbm>> -> memref<64x128xf32, #tpu.memory_space<hbm>>
      %dma_wait3A_167 = arith.constant 0 : i32
      %dma_wait3A_168 = tpu.memref_slice %arg6[%arg0, %add3A_79, %dma_wait3A_167] : memref<2x5120x128xf32, #tpu.memory_space<hbm>> -> memref<1x64x128xf32, #tpu.memory_space<hbm>>
      %dma_wait3A_169 = tpu.memref_squeeze %dma_wait3A_168 : memref<1x64x128xf32, #tpu.memory_space<hbm>> -> memref<64x128xf32, #tpu.memory_space<hbm>>
      tpu.wait_dma2 semaphore(%run_scoped3A : memref<!tpu.dma_semaphore, #tpu.memory_space<semaphore_mem>>) src(%arg17 : memref<64x128xf32, #tpu.memory_space<vmem>>) dst(%dma_wait3A_169 : memref<64x128xf32, #tpu.memory_space<hbm>>)
      tpu.yield
    }) : () -> ()
    %barrier3A_80 = arith.constant 0 : index
    tpu.barrier barrier_id(%barrier3A_80)
    %scan3A_81 = arith.constant 0 : i32
    %scan3A_82 = arith.constant 0 : i32
    %scan3A_83 = arith.constant 64 : i32
    %scan3A_84 = arith.addi %scan3A_82, %scan3A_83 : i32
    %scan3A_85 = arith.constant 1 : i32
    scf.for %scan3A_160 = %scan3A_82 to %scan3A_84 step %scan3A_85  : i32 {
      %broadcast_in_dim3A = arith.constant 0.000000e+00 : f32
      %broadcast_in_dim3A_161 = vector.broadcast %broadcast_in_dim3A : f32 to vector<16xf32>
      %swap3A = arith.index_cast %scan3A_160 : i32 to index
      %swap3A_162 = arith.constant 0 : index
      %swap3A_163 = tpu.vector_load %arg17[%swap3A, %swap3A_162] {strides = array<i32>} : memref<64x128xf32, #tpu.memory_space<vmem>>, vector<1x16xf32>,
      %swap3A_164 = vector.shape_cast %swap3A_163 : vector<1x16xf32> to vector<16xf32>
      %swap3A_165 = vector.shape_cast %broadcast_in_dim3A_161 : vector<16xf32> to vector<1x16xf32>
      tpu.vector_store %arg17[%swap3A, %swap3A_162], %swap3A_165 {strides = array<i32>} : memref<64x128xf32, #tpu.memory_space<vmem>>, vector<1x16xf32>,
      %broadcast_in_dim3A_166 = arith.constant 0.000000e+00 : f32
      %broadcast_in_dim3A_167 = vector.broadcast %broadcast_in_dim3A_166 : f32 to vector<16xf32>
      %swap3A_168 = arith.index_cast %scan3A_160 : i32 to index
      %swap3A_169 = arith.constant 16 : index
      %swap3A_170 = tpu.vector_load %arg17[%swap3A_168, %swap3A_169] {strides = array<i32>} : memref<64x128xf32, #tpu.memory_space<vmem>>, vector<1x16xf32>,
      %swap3A_171 = vector.shape_cast %swap3A_170 : vector<1x16xf32> to vector<16xf32>
      %swap3A_172 = vector.shape_cast %broadcast_in_dim3A_167 : vector<16xf32> to vector<1x16xf32>
      tpu.vector_store %arg17[%swap3A_168, %swap3A_169], %swap3A_172 {strides = array<i32>} : memref<64x128xf32, #tpu.memory_space<vmem>>, vector<1x16xf32>,
      %broadcast_in_dim3A_173 = arith.constant 0.000000e+00 : f32
      %broadcast_in_dim3A_174 = vector.broadcast %broadcast_in_dim3A_173 : f32 to vector<16xf32>
      %swap3A_175 = arith.index_cast %scan3A_160 : i32 to index
      %swap3A_176 = arith.constant 32 : index
      %swap3A_177 = tpu.vector_load %arg17[%swap3A_175, %swap3A_176] {strides = array<i32>} : memref<64x128xf32, #tpu.memory_space<vmem>>, vector<1x16xf32>,
      %swap3A_178 = vector.shape_cast %swap3A_177 : vector<1x16xf32> to vector<16xf32>
      %swap3A_179 = vector.shape_cast %broadcast_in_dim3A_174 : vector<16xf32> to vector<1x16xf32>
      tpu.vector_store %arg17[%swap3A_175, %swap3A_176], %swap3A_179 {strides = array<i32>} : memref<64x128xf32, #tpu.memory_space<vmem>>, vector<1x16xf32>,
      %broadcast_in_dim3A_180 = arith.constant 0.000000e+00 : f32
      %broadcast_in_dim3A_181 = vector.broadcast %broadcast_in_dim3A_180 : f32 to vector<16xf32>
      %swap3A_182 = arith.index_cast %scan3A_160 : i32 to index
      %swap3A_183 = arith.constant 48 : index
      %swap3A_184 = tpu.vector_load %arg17[%swap3A_182, %swap3A_183] {strides = array<i32>} : memref<64x128xf32, #tpu.memory_space<vmem>>, vector<1x16xf32>,
      %swap3A_185 = vector.shape_cast %swap3A_184 : vector<1x16xf32> to vector<16xf32>
      %swap3A_186 = vector.shape_cast %broadcast_in_dim3A_181 : vector<16xf32> to vector<1x16xf32>
      tpu.vector_store %arg17[%swap3A_182, %swap3A_183], %swap3A_186 {strides = array<i32>} : memref<64x128xf32, #tpu.memory_space<vmem>>, vector<1x16xf32>,
      %broadcast_in_dim3A_187 = arith.constant 0.000000e+00 : f32
      %broadcast_in_dim3A_188 = vector.broadcast %broadcast_in_dim3A_187 : f32 to vector<16xf32>
      %swap3A_189 = arith.index_cast %scan3A_160 : i32 to index
      %swap3A_190 = arith.constant 64 : index
      %swap3A_191 = tpu.vector_load %arg17[%swap3A_189, %swap3A_190] {strides = array<i32>} : memref<64x128xf32, #tpu.memory_space<vmem>>, vector<1x16xf32>,
      %swap3A_192 = vector.shape_cast %swap3A_191 : vector<1x16xf32> to vector<16xf32>
      %swap3A_193 = vector.shape_cast %broadcast_in_dim3A_188 : vector<16xf32> to vector<1x16xf32>
      tpu.vector_store %arg17[%swap3A_189, %swap3A_190], %swap3A_193 {strides = array<i32>} : memref<64x128xf32, #tpu.memory_space<vmem>>, vector<1x16xf32>,
      %broadcast_in_dim3A_194 = arith.constant 0.000000e+00 : f32
      %broadcast_in_dim3A_195 = vector.broadcast %broadcast_in_dim3A_194 : f32 to vector<16xf32>
      %swap3A_196 = arith.index_cast %scan3A_160 : i32 to index
      %swap3A_197 = arith.constant 80 : index
      %swap3A_198 = tpu.vector_load %arg17[%swap3A_196, %swap3A_197] {strides = array<i32>} : memref<64x128xf32, #tpu.memory_space<vmem>>, vector<1x16xf32>,
      %swap3A_199 = vector.shape_cast %swap3A_198 : vector<1x16xf32> to vector<16xf32>
      %swap3A_200 = vector.shape_cast %broadcast_in_dim3A_195 : vector<16xf32> to vector<1x16xf32>
      tpu.vector_store %arg17[%swap3A_196, %swap3A_197], %swap3A_200 {strides = array<i32>} : memref<64x128xf32, #tpu.memory_space<vmem>>, vector<1x16xf32>,
      %broadcast_in_dim3A_201 = arith.constant 0.000000e+00 : f32
      %broadcast_in_dim3A_202 = vector.broadcast %broadcast_in_dim3A_201 : f32 to vector<16xf32>
      %swap3A_203 = arith.index_cast %scan3A_160 : i32 to index
      %swap3A_204 = arith.constant 96 : index
      %swap3A_205 = tpu.vector_load %arg17[%swap3A_203, %swap3A_204] {strides = array<i32>} : memref<64x128xf32, #tpu.memory_space<vmem>>, vector<1x16xf32>,
      %swap3A_206 = vector.shape_cast %swap3A_205 : vector<1x16xf32> to vector<16xf32>
      %swap3A_207 = vector.shape_cast %broadcast_in_dim3A_202 : vector<16xf32> to vector<1x16xf32>
      tpu.vector_store %arg17[%swap3A_203, %swap3A_204], %swap3A_207 {strides = array<i32>} : memref<64x128xf32, #tpu.memory_space<vmem>>, vector<1x16xf32>,
      %broadcast_in_dim3A_208 = arith.constant 0.000000e+00 : f32
      %broadcast_in_dim3A_209 = vector.broadcast %broadcast_in_dim3A_208 : f32 to vector<16xf32>
      %swap3A_210 = arith.index_cast %scan3A_160 : i32 to index
      %swap3A_211 = arith.constant 112 : index
      %swap3A_212 = tpu.vector_load %arg17[%swap3A_210, %swap3A_211] {strides = array<i32>} : memref<64x128xf32, #tpu.memory_space<vmem>>, vector<1x16xf32>,
      %swap3A_213 = vector.shape_cast %swap3A_212 : vector<1x16xf32> to vector<16xf32>
      %swap3A_214 = vector.shape_cast %broadcast_in_dim3A_209 : vector<16xf32> to vector<1x16xf32>
      tpu.vector_store %arg17[%swap3A_210, %swap3A_211], %swap3A_214 {strides = array<i32>} : memref<64x128xf32, #tpu.memory_space<vmem>>, vector<1x16xf32>,
    }
    %scan3A_86 = arith.constant 64 : i32
    %mul3A_87 = arith.constant 320 : i32
    %mul3A_88 = arith.muli %arg1, %mul3A_87 : i32
    %add3A_89 = arith.constant 0 : i32
    %add3A_90 = arith.addi %mul3A_88, %add3A_89 : i32
    "tpu.region"() ({
      %run_scoped3A = tpu.sem_alloc : memref<!tpu.dma_semaphore, #tpu.memory_space<semaphore_mem>>
      %dma_start3A = arith.constant 0 : i32
      %dma_start3A_160 = tpu.memref_slice %arg18[%add3A_90, %dma_start3A] : memref<5128x128xf32, #tpu.memory_space<vmem_shared>> -> memref<64x128xf32, #tpu.memory_space<vmem_shared>>
      %dma_start3A_161 = arith.constant 0 : i32
      %dma_start3A_162 = tpu.memref_slice %arg18[%add3A_90, %dma_start3A_161] : memref<5128x128xf32, #tpu.memory_space<vmem_shared>> -> memref<64x128xf32, #tpu.memory_space<vmem_shared>>
      tpu.enqueue_dma source(%arg17 : memref<64x128xf32, #tpu.memory_space<vmem>>) target(%dma_start3A_162 : memref<64x128xf32, #tpu.memory_space<vmem_shared>>) target_semaphore(%run_scoped3A : memref<!tpu.dma_semaphore, #tpu.memory_space<semaphore_mem>>)
      %dma_wait3A = arith.constant 0 : i32
      %dma_wait3A_163 = tpu.memref_slice %arg18[%add3A_90, %dma_wait3A] : memref<5128x128xf32, #tpu.memory_space<vmem_shared>> -> memref<64x128xf32, #tpu.memory_space<vmem_shared>>
      %dma_wait3A_164 = arith.constant 0 : i32
      %dma_wait3A_165 = tpu.memref_slice %arg18[%add3A_90, %dma_wait3A_164] : memref<5128x128xf32, #tpu.memory_space<vmem_shared>> -> memref<64x128xf32, #tpu.memory_space<vmem_shared>>
      tpu.wait_dma2 semaphore(%run_scoped3A : memref<!tpu.dma_semaphore, #tpu.memory_space<semaphore_mem>>) src(%arg17 : memref<64x128xf32, #tpu.memory_space<vmem>>) dst(%dma_wait3A_165 : memref<64x128xf32, #tpu.memory_space<vmem_shared>>)
      tpu.yield
    }) : () -> ()
    %mul3A_91 = arith.constant 320 : i32
    %mul3A_92 = arith.muli %arg1, %mul3A_91 : i32
    %add3A_93 = arith.constant 64 : i32
    %add3A_94 = arith.addi %mul3A_92, %add3A_93 : i32
    "tpu.region"() ({
      %run_scoped3A = tpu.sem_alloc : memref<!tpu.dma_semaphore, #tpu.memory_space<semaphore_mem>>
      %dma_start3A = arith.constant 0 : i32
      %dma_start3A_160 = tpu.memref_slice %arg18[%add3A_94, %dma_start3A] : memref<5128x128xf32, #tpu.memory_space<vmem_shared>> -> memref<64x128xf32, #tpu.memory_space<vmem_shared>>
      %dma_start3A_161 = arith.constant 0 : i32
      %dma_start3A_162 = tpu.memref_slice %arg18[%add3A_94, %dma_start3A_161] : memref<5128x128xf32, #tpu.memory_space<vmem_shared>> -> memref<64x128xf32, #tpu.memory_space<vmem_shared>>
      tpu.enqueue_dma source(%arg17 : memref<64x128xf32, #tpu.memory_space<vmem>>) target(%dma_start3A_162 : memref<64x128xf32, #tpu.memory_space<vmem_shared>>) target_semaphore(%run_scoped3A : memref<!tpu.dma_semaphore, #tpu.memory_space<semaphore_mem>>)
      %dma_wait3A = arith.constant 0 : i32
      %dma_wait3A_163 = tpu.memref_slice %arg18[%add3A_94, %dma_wait3A] : memref<5128x128xf32, #tpu.memory_space<vmem_shared>> -> memref<64x128xf32, #tpu.memory_space<vmem_shared>>
      %dma_wait3A_164 = arith.constant 0 : i32
      %dma_wait3A_165 = tpu.memref_slice %arg18[%add3A_94, %dma_wait3A_164] : memref<5128x128xf32, #tpu.memory_space<vmem_shared>> -> memref<64x128xf32, #tpu.memory_space<vmem_shared>>
      tpu.wait_dma2 semaphore(%run_scoped3A : memref<!tpu.dma_semaphore, #tpu.memory_space<semaphore_mem>>) src(%arg17 : memref<64x128xf32, #tpu.memory_space<vmem>>) dst(%dma_wait3A_165 : memref<64x128xf32, #tpu.memory_space<vmem_shared>>)
      tpu.yield
    }) : () -> ()
    %mul3A_95 = arith.constant 320 : i32
    %mul3A_96 = arith.muli %arg1, %mul3A_95 : i32
    %add3A_97 = arith.constant 128 : i32
    %add3A_98 = arith.addi %mul3A_96, %add3A_97 : i32
    "tpu.region"() ({
      %run_scoped3A = tpu.sem_alloc : memref<!tpu.dma_semaphore, #tpu.memory_space<semaphore_mem>>
      %dma_start3A = arith.constant 0 : i32
      %dma_start3A_160 = tpu.memref_slice %arg18[%add3A_98, %dma_start3A] : memref<5128x128xf32, #tpu.memory_space<vmem_shared>> -> memref<64x128xf32, #tpu.memory_space<vmem_shared>>
      %dma_start3A_161 = arith.constant 0 : i32
      %dma_start3A_162 = tpu.memref_slice %arg18[%add3A_98, %dma_start3A_161] : memref<5128x128xf32, #tpu.memory_space<vmem_shared>> -> memref<64x128xf32, #tpu.memory_space<vmem_shared>>
      tpu.enqueue_dma source(%arg17 : memref<64x128xf32, #tpu.memory_space<vmem>>) target(%dma_start3A_162 : memref<64x128xf32, #tpu.memory_space<vmem_shared>>) target_semaphore(%run_scoped3A : memref<!tpu.dma_semaphore, #tpu.memory_space<semaphore_mem>>)
      %dma_wait3A = arith.constant 0 : i32
      %dma_wait3A_163 = tpu.memref_slice %arg18[%add3A_98, %dma_wait3A] : memref<5128x128xf32, #tpu.memory_space<vmem_shared>> -> memref<64x128xf32, #tpu.memory_space<vmem_shared>>
      %dma_wait3A_164 = arith.constant 0 : i32
      %dma_wait3A_165 = tpu.memref_slice %arg18[%add3A_98, %dma_wait3A_164] : memref<5128x128xf32, #tpu.memory_space<vmem_shared>> -> memref<64x128xf32, #tpu.memory_space<vmem_shared>>
      tpu.wait_dma2 semaphore(%run_scoped3A : memref<!tpu.dma_semaphore, #tpu.memory_space<semaphore_mem>>) src(%arg17 : memref<64x128xf32, #tpu.memory_space<vmem>>) dst(%dma_wait3A_165 : memref<64x128xf32, #tpu.memory_space<vmem_shared>>)
      tpu.yield
    }) : () -> ()
    %mul3A_99 = arith.constant 320 : i32
    %mul3A_100 = arith.muli %arg1, %mul3A_99 : i32
    %add3A_101 = arith.constant 192 : i32
    %add3A_102 = arith.addi %mul3A_100, %add3A_101 : i32
    "tpu.region"() ({
      %run_scoped3A = tpu.sem_alloc : memref<!tpu.dma_semaphore, #tpu.memory_space<semaphore_mem>>
      %dma_start3A = arith.constant 0 : i32
      %dma_start3A_160 = tpu.memref_slice %arg18[%add3A_102, %dma_start3A] : memref<5128x128xf32, #tpu.memory_space<vmem_shared>> -> memref<64x128xf32, #tpu.memory_space<vmem_shared>>
      %dma_start3A_161 = arith.constant 0 : i32
      %dma_start3A_162 = tpu.memref_slice %arg18[%add3A_102, %dma_start3A_161] : memref<5128x128xf32, #tpu.memory_space<vmem_shared>> -> memref<64x128xf32, #tpu.memory_space<vmem_shared>>
      tpu.enqueue_dma source(%arg17 : memref<64x128xf32, #tpu.memory_space<vmem>>) target(%dma_start3A_162 : memref<64x128xf32, #tpu.memory_space<vmem_shared>>) target_semaphore(%run_scoped3A : memref<!tpu.dma_semaphore, #tpu.memory_space<semaphore_mem>>)
      %dma_wait3A = arith.constant 0 : i32
      %dma_wait3A_163 = tpu.memref_slice %arg18[%add3A_102, %dma_wait3A] : memref<5128x128xf32, #tpu.memory_space<vmem_shared>> -> memref<64x128xf32, #tpu.memory_space<vmem_shared>>
      %dma_wait3A_164 = arith.constant 0 : i32
      %dma_wait3A_165 = tpu.memref_slice %arg18[%add3A_102, %dma_wait3A_164] : memref<5128x128xf32, #tpu.memory_space<vmem_shared>> -> memref<64x128xf32, #tpu.memory_space<vmem_shared>>
      tpu.wait_dma2 semaphore(%run_scoped3A : memref<!tpu.dma_semaphore, #tpu.memory_space<semaphore_mem>>) src(%arg17 : memref<64x128xf32, #tpu.memory_space<vmem>>) dst(%dma_wait3A_165 : memref<64x128xf32, #tpu.memory_space<vmem_shared>>)
      tpu.yield
    }) : () -> ()
    %mul3A_103 = arith.constant 320 : i32
    %mul3A_104 = arith.muli %arg1, %mul3A_103 : i32
    %add3A_105 = arith.constant 256 : i32
    %add3A_106 = arith.addi %mul3A_104, %add3A_105 : i32
    "tpu.region"() ({
      %run_scoped3A = tpu.sem_alloc : memref<!tpu.dma_semaphore, #tpu.memory_space<semaphore_mem>>
      %dma_start3A = arith.constant 0 : i32
      %dma_start3A_160 = tpu.memref_slice %arg18[%add3A_106, %dma_start3A] : memref<5128x128xf32, #tpu.memory_space<vmem_shared>> -> memref<64x128xf32, #tpu.memory_space<vmem_shared>>
      %dma_start3A_161 = arith.constant 0 : i32
      %dma_start3A_162 = tpu.memref_slice %arg18[%add3A_106, %dma_start3A_161] : memref<5128x128xf32, #tpu.memory_space<vmem_shared>> -> memref<64x128xf32, #tpu.memory_space<vmem_shared>>
      tpu.enqueue_dma source(%arg17 : memref<64x128xf32, #tpu.memory_space<vmem>>) target(%dma_start3A_162 : memref<64x128xf32, #tpu.memory_space<vmem_shared>>) target_semaphore(%run_scoped3A : memref<!tpu.dma_semaphore, #tpu.memory_space<semaphore_mem>>)
      %dma_wait3A = arith.constant 0 : i32
      %dma_wait3A_163 = tpu.memref_slice %arg18[%add3A_106, %dma_wait3A] : memref<5128x128xf32, #tpu.memory_space<vmem_shared>> -> memref<64x128xf32, #tpu.memory_space<vmem_shared>>
      %dma_wait3A_164 = arith.constant 0 : i32
      %dma_wait3A_165 = tpu.memref_slice %arg18[%add3A_106, %dma_wait3A_164] : memref<5128x128xf32, #tpu.memory_space<vmem_shared>> -> memref<64x128xf32, #tpu.memory_space<vmem_shared>>
      tpu.wait_dma2 semaphore(%run_scoped3A : memref<!tpu.dma_semaphore, #tpu.memory_space<semaphore_mem>>) src(%arg17 : memref<64x128xf32, #tpu.memory_space<vmem>>) dst(%dma_wait3A_165 : memref<64x128xf32, #tpu.memory_space<vmem_shared>>)
      tpu.yield
    }) : () -> ()
    %eq3A_107 = arith.constant 0 : i32
    %eq3A_108 = arith.cmpi eq, %arg1, %eq3A_107 : i32
    %convert_element_type3A_109 = arith.extui %eq3A_108 : i1 to i32
    %cond3A_110 = arith.constant 0 : i32
    %cond3A_111 = arith.cmpi ne, %convert_element_type3A_109, %cond3A_110 : i32
    scf.if %cond3A_111 {
      "tpu.region"() ({
        %run_scoped3A = tpu.sem_alloc : memref<!tpu.dma_semaphore, #tpu.memory_space<semaphore_mem>>
        %dma_start3A = arith.constant 0 : i32
        %dma_start3A_160 = arith.constant 0 : i32
        %dma_start3A_161 = tpu.memref_slice %arg17[%dma_start3A, %dma_start3A_160] : memref<64x128xf32, #tpu.memory_space<vmem>> -> memref<8x128xf32, #tpu.memory_space<vmem>>
        %dma_start3A_162 = arith.constant 5120 : i32
        %dma_start3A_163 = arith.constant 0 : i32
        %dma_start3A_164 = tpu.memref_slice %arg18[%dma_start3A_162, %dma_start3A_163] : memref<5128x128xf32, #tpu.memory_space<vmem_shared>> -> memref<8x128xf32, #tpu.memory_space<vmem_shared>>
        %dma_start3A_165 = arith.constant 5120 : i32
        %dma_start3A_166 = arith.constant 0 : i32
        %dma_start3A_167 = tpu.memref_slice %arg18[%dma_start3A_165, %dma_start3A_166] : memref<5128x128xf32, #tpu.memory_space<vmem_shared>> -> memref<8x128xf32, #tpu.memory_space<vmem_shared>>
        %dma_start3A_168 = arith.constant 0 : i32
        %dma_start3A_169 = arith.constant 0 : i32
        %dma_start3A_170 = tpu.memref_slice %arg17[%dma_start3A_168, %dma_start3A_169] : memref<64x128xf32, #tpu.memory_space<vmem>> -> memref<8x128xf32, #tpu.memory_space<vmem>>
        tpu.enqueue_dma source(%dma_start3A_170 : memref<8x128xf32, #tpu.memory_space<vmem>>) target(%dma_start3A_167 : memref<8x128xf32, #tpu.memory_space<vmem_shared>>) target_semaphore(%run_scoped3A : memref<!tpu.dma_semaphore, #tpu.memory_space<semaphore_mem>>)
        %dma_wait3A = arith.constant 0 : i32
        %dma_wait3A_171 = arith.constant 0 : i32
        %dma_wait3A_172 = tpu.memref_slice %arg17[%dma_wait3A, %dma_wait3A_171] : memref<64x128xf32, #tpu.memory_space<vmem>> -> memref<8x128xf32, #tpu.memory_space<vmem>>
        %dma_wait3A_173 = arith.constant 5120 : i32
        %dma_wait3A_174 = arith.constant 0 : i32
        %dma_wait3A_175 = tpu.memref_slice %arg18[%dma_wait3A_173, %dma_wait3A_174] : memref<5128x128xf32, #tpu.memory_space<vmem_shared>> -> memref<8x128xf32, #tpu.memory_space<vmem_shared>>
        %dma_wait3A_176 = arith.constant 5120 : i32
        %dma_wait3A_177 = arith.constant 0 : i32
        %dma_wait3A_178 = tpu.memref_slice %arg18[%dma_wait3A_176, %dma_wait3A_177] : memref<5128x128xf32, #tpu.memory_space<vmem_shared>> -> memref<8x128xf32, #tpu.memory_space<vmem_shared>>
        %dma_wait3A_179 = arith.constant 0 : i32
        %dma_wait3A_180 = arith.constant 0 : i32
        %dma_wait3A_181 = tpu.memref_slice %arg17[%dma_wait3A_179, %dma_wait3A_180] : memref<64x128xf32, #tpu.memory_space<vmem>> -> memref<8x128xf32, #tpu.memory_space<vmem>>
        tpu.wait_dma2 semaphore(%run_scoped3A : memref<!tpu.dma_semaphore, #tpu.memory_space<semaphore_mem>>) src(%dma_wait3A_181 : memref<8x128xf32, #tpu.memory_space<vmem>>) dst(%dma_wait3A_178 : memref<8x128xf32, #tpu.memory_space<vmem_shared>>)
        tpu.yield
      }) : () -> ()
    } else {
    }
    %barrier3A_112 = arith.constant 0 : index
    tpu.barrier barrier_id(%barrier3A_112)
    %scan3A_113 = arith.constant 0 : i32
    %scan3A_114 = arith.constant 0 : i32
    %scan3A_115 = arith.constant 250 : i32
    %scan3A_116 = arith.addi %scan3A_114, %scan3A_115 : i32
    %scan3A_117 = arith.constant 1 : i32
    scf.for %scan3A_160 = %scan3A_114 to %scan3A_116 step %scan3A_117  : i32 {
      %mul3A_161 = arith.constant 20000 : i32
      %mul3A_162 = arith.muli %arg1, %mul3A_161 : i32
      %mul3A_163 = arith.constant 80 : i32
      %mul3A_164 = arith.muli %scan3A_160, %mul3A_163 : i32
      %add3A_165 = arith.addi %mul3A_162, %mul3A_164 : i32
      %multiple_of3A = tpu.assume_multiple %add3A_165, 8 : i32
      "tpu.region"() ({
        %run_scoped3A = tpu.sem_alloc : memref<!tpu.dma_semaphore, #tpu.memory_space<semaphore_mem>>
        %dma_start3A = tpu.memref_slice %arg4[%multiple_of3A] : memref<320000xi32, #tpu.memory_space<hbm>> -> memref<80xi32, #tpu.memory_space<hbm>>
        %dma_start3A_178 = tpu.memref_slice %arg4[%multiple_of3A] : memref<320000xi32, #tpu.memory_space<hbm>> -> memref<80xi32, #tpu.memory_space<hbm>>
        tpu.enqueue_dma source(%dma_start3A_178 : memref<80xi32, #tpu.memory_space<hbm>>) target(%arg9 : memref<80xi32, #tpu.memory_space<vmem>>) target_semaphore(%run_scoped3A : memref<!tpu.dma_semaphore, #tpu.memory_space<semaphore_mem>>)
        %dma_wait3A = tpu.memref_slice %arg4[%multiple_of3A] : memref<320000xi32, #tpu.memory_space<hbm>> -> memref<80xi32, #tpu.memory_space<hbm>>
        %dma_wait3A_179 = tpu.memref_slice %arg4[%multiple_of3A] : memref<320000xi32, #tpu.memory_space<hbm>> -> memref<80xi32, #tpu.memory_space<hbm>>
        tpu.wait_dma2 semaphore(%run_scoped3A : memref<!tpu.dma_semaphore, #tpu.memory_space<semaphore_mem>>) src(%dma_wait3A_179 : memref<80xi32, #tpu.memory_space<hbm>>) dst(%arg9 : memref<80xi32, #tpu.memory_space<vmem>>)
        tpu.yield
      }) : () -> ()
      "tpu.region"() ({
        %run_scoped3A = tpu.sem_alloc : memref<!tpu.dma_semaphore, #tpu.memory_space<semaphore_mem>>
        %dma_start3A = tpu.memref_slice %arg5[%multiple_of3A] : memref<320000xi32, #tpu.memory_space<hbm>> -> memref<80xi32, #tpu.memory_space<hbm>>
        %dma_start3A_178 = tpu.memref_slice %arg5[%multiple_of3A] : memref<320000xi32, #tpu.memory_space<hbm>> -> memref<80xi32, #tpu.memory_space<hbm>>
        tpu.enqueue_dma source(%dma_start3A_178 : memref<80xi32, #tpu.memory_space<hbm>>) target(%arg10 : memref<80xi32, #tpu.memory_space<vmem>>) target_semaphore(%run_scoped3A : memref<!tpu.dma_semaphore, #tpu.memory_space<semaphore_mem>>)
        %dma_wait3A = tpu.memref_slice %arg5[%multiple_of3A] : memref<320000xi32, #tpu.memory_space<hbm>> -> memref<80xi32, #tpu.memory_space<hbm>>
        %dma_wait3A_179 = tpu.memref_slice %arg5[%multiple_of3A] : memref<320000xi32, #tpu.memory_space<hbm>> -> memref<80xi32, #tpu.memory_space<hbm>>
        tpu.wait_dma2 semaphore(%run_scoped3A : memref<!tpu.dma_semaphore, #tpu.memory_space<semaphore_mem>>) src(%dma_wait3A_179 : memref<80xi32, #tpu.memory_space<hbm>>) dst(%arg10 : memref<80xi32, #tpu.memory_space<vmem>>)
        tpu.yield
      }) : () -> ()
      %scan3A_166 = arith.constant 0 : i32
      %scan3A_167 = arith.constant 0 : i32
      %scan3A_168 = arith.constant 5 : i32
      %scan3A_169 = arith.addi %scan3A_167, %scan3A_168 : i32
      %scan3A_170 = arith.constant 1 : i32
      scf.for %scan3A_178 = %scan3A_167 to %scan3A_169 step %scan3A_170  : i32 {
        %mul3A_179 = arith.constant 16 : i32
        %mul3A_180 = arith.muli %scan3A_178, %mul3A_179 : i32
        %get3A = arith.index_cast %mul3A_180 : i32 to index
        %get3A_181 = tpu.vector_load %arg10[%get3A] {strides = array<i32>} : memref<80xi32, #tpu.memory_space<vmem>>, vector<16xi32>,
        %get3A_182 = vector.shape_cast %get3A_181 : vector<16xi32> to vector<16xi32>
        %sub3A = vector.broadcast %mul3A_0 : i32 to vector<16xi32>
        %sub3A_183 = arith.subi %get3A_182, %sub3A : vector<16xi32>
        %ge3A = arith.constant 0 : i32
        %ge3A_184 = vector.broadcast %ge3A : i32 to vector<16xi32>
        %ge3A_185 = arith.cmpi sge, %sub3A_183, %ge3A_184 : vector<16xi32>
        %lt3A = arith.constant 5120 : i32
        %lt3A_186 = vector.broadcast %lt3A : i32 to vector<16xi32>
        %lt3A_187 = arith.cmpi slt, %sub3A_183, %lt3A_186 : vector<16xi32>
        %and3A = arith.andi %ge3A_185, %lt3A_187 : vector<16xi1>
        %jit3A = arith.constant 5120 : i32
        %broadcast_in_dim3A = vector.broadcast %jit3A : i32 to vector<16xi32>
        %select_n3A = arith.select %and3A, %sub3A_183, %broadcast_in_dim3A : vector<16xi1>, vector<16xi32>
        %mul3A_188 = arith.constant 16 : i32
        %mul3A_189 = arith.muli %scan3A_178, %mul3A_188 : i32
        %swap3A = arith.index_cast %mul3A_189 : i32 to index
        %swap3A_190 = tpu.vector_load %arg11[%swap3A] {strides = array<i32>} : memref<80xi32, #tpu.memory_space<vmem>>, vector<16xi32>,
        %swap3A_191 = vector.shape_cast %swap3A_190 : vector<16xi32> to vector<16xi32>
        %swap3A_192 = vector.shape_cast %select_n3A : vector<16xi32> to vector<16xi32>
        tpu.vector_store %arg11[%swap3A], %swap3A_192 {strides = array<i32>} : memref<80xi32, #tpu.memory_space<vmem>>, vector<16xi32>,
      }
      %scan3A_171 = arith.constant 5 : i32
      "tpu.region"() ({
        %run_scoped3A = tpu.sem_alloc : memref<!tpu.dma_semaphore, #tpu.memory_space<semaphore_mem>>
        %dma_start3A = arith.constant 0 : i32
        %dma_start3A_178 = tpu.memref_slice %arg7[%arg0, %multiple_of3A, %dma_start3A] : memref<2x320000x16xf32, #tpu.memory_space<hbm>> -> memref<1x80x16xf32, #tpu.memory_space<hbm>>
        %dma_start3A_179 = tpu.memref_squeeze %dma_start3A_178 : memref<1x80x16xf32, #tpu.memory_space<hbm>> -> memref<80x16xf32, #tpu.memory_space<hbm>>
        %dma_start3A_180 = arith.constant 0 : i32
        %dma_start3A_181 = tpu.memref_slice %arg7[%arg0, %multiple_of3A, %dma_start3A_180] : memref<2x320000x16xf32, #tpu.memory_space<hbm>> -> memref<1x80x16xf32, #tpu.memory_space<hbm>>
        %dma_start3A_182 = tpu.memref_squeeze %dma_start3A_181 : memref<1x80x16xf32, #tpu.memory_space<hbm>> -> memref<80x16xf32, #tpu.memory_space<hbm>>
        tpu.enqueue_dma source(%dma_start3A_182 : memref<80x16xf32, #tpu.memory_space<hbm>>) target(%arg16 : memref<80x16xf32, #tpu.memory_space<vmem>>) target_semaphore(%run_scoped3A : memref<!tpu.dma_semaphore, #tpu.memory_space<semaphore_mem>>)
        %dma_wait3A = arith.constant 0 : i32
        %dma_wait3A_183 = tpu.memref_slice %arg7[%arg0, %multiple_of3A, %dma_wait3A] : memref<2x320000x16xf32, #tpu.memory_space<hbm>> -> memref<1x80x16xf32, #tpu.memory_space<hbm>>
        %dma_wait3A_184 = tpu.memref_squeeze %dma_wait3A_183 : memref<1x80x16xf32, #tpu.memory_space<hbm>> -> memref<80x16xf32, #tpu.memory_space<hbm>>
        %dma_wait3A_185 = arith.constant 0 : i32
        %dma_wait3A_186 = tpu.memref_slice %arg7[%arg0, %multiple_of3A, %dma_wait3A_185] : memref<2x320000x16xf32, #tpu.memory_space<hbm>> -> memref<1x80x16xf32, #tpu.memory_space<hbm>>
        %dma_wait3A_187 = tpu.memref_squeeze %dma_wait3A_186 : memref<1x80x16xf32, #tpu.memory_space<hbm>> -> memref<80x16xf32, #tpu.memory_space<hbm>>
        tpu.wait_dma2 semaphore(%run_scoped3A : memref<!tpu.dma_semaphore, #tpu.memory_space<semaphore_mem>>) src(%dma_wait3A_187 : memref<80x16xf32, #tpu.memory_space<hbm>>) dst(%arg16 : memref<80x16xf32, #tpu.memory_space<vmem>>)
        tpu.yield
      }) : () -> ()
      %scan3A_172 = arith.constant 0 : i32
      %scan3A_173 = arith.constant 0 : i32
      %scan3A_174 = arith.constant 80 : i32
      %scan3A_175 = arith.addi %scan3A_173, %scan3A_174 : i32
      %scan3A_176 = arith.constant 1 : i32
      scf.for %scan3A_178 = %scan3A_173 to %scan3A_175 step %scan3A_176  : i32 {
        %get3A = arith.index_cast %scan3A_178 : i32 to index
        %get3A_179 = arith.constant 0 : index
        %get3A_180 = tpu.vector_load %arg16[%get3A, %get3A_179] {strides = array<i32>} : memref<80x16xf32, #tpu.memory_space<vmem>>, vector<1x16xf32>,
        %get3A_181 = vector.shape_cast %get3A_180 : vector<1x16xf32> to vector<16xf32>
        %swap3A = arith.index_cast %scan3A_178 : i32 to index
        %swap3A_182 = arith.constant 0 : index
        %swap3A_183 = tpu.vector_load %arg15[%swap3A, %swap3A_182] {strides = array<i32>} : memref<80x128xf32, #tpu.memory_space<vmem>>, vector<1x16xf32>,
        %swap3A_184 = vector.shape_cast %swap3A_183 : vector<1x16xf32> to vector<16xf32>
        %swap3A_185 = vector.shape_cast %get3A_181 : vector<16xf32> to vector<1x16xf32>
        tpu.vector_store %arg15[%swap3A, %swap3A_182], %swap3A_185 {strides = array<i32>} : memref<80x128xf32, #tpu.memory_space<vmem>>, vector<1x16xf32>,
      }
      %scan3A_177 = arith.constant 80 : i32
      "tpu.region"() ({
        %run_scoped3A = tpu.sem_alloc : memref<!tpu.dma_semaphore, #tpu.memory_space<semaphore_mem>>
        %dma_start3A = arith.constant 0 : i32
        %dma_start3A_178 = arith.constant 0 : i32
        %dma_start3A_179 = tpu.memref_slice %arg18[%dma_start3A, %dma_start3A_178] : memref<5128x128xf32, #tpu.memory_space<vmem_shared>> -> memref<5128x128xf32, #tpu.memory_space<vmem_shared>>
        tpu.enqueue_indirect_dma source(%arg15 : memref<80x128xf32, #tpu.memory_space<vmem>>) target(%dma_start3A_179 : memref<5128x128xf32, #tpu.memory_space<vmem_shared>>) offsets(%arg11 : memref<80xi32, #tpu.memory_space<vmem>>) semaphore(%run_scoped3A : memref<!tpu.dma_semaphore, #tpu.memory_space<semaphore_mem>>) {add = true}
        %dma_wait3A = arith.constant 0 : i32
        %dma_wait3A_180 = arith.constant 0 : i32
        %dma_wait3A_181 = tpu.memref_slice %arg18[%dma_wait3A, %dma_wait3A_180] : memref<5128x128xf32, #tpu.memory_space<vmem_shared>> -> memref<5128x128xf32, #tpu.memory_space<vmem_shared>>
        tpu.wait_indirect_dma semaphore(%run_scoped3A : memref<!tpu.dma_semaphore, #tpu.memory_space<semaphore_mem>>) src(%arg15 : memref<80x128xf32, #tpu.memory_space<vmem>>) dst(%dma_wait3A_181 : memref<5128x128xf32, #tpu.memory_space<vmem_shared>>)
        tpu.yield
      }) : () -> ()
    }
    %scan3A_118 = arith.constant 250 : i32
    %barrier3A_119 = arith.constant 0 : index
    tpu.barrier barrier_id(%barrier3A_119)
    %mul3A_120 = arith.constant 320 : i32
    %mul3A_121 = arith.muli %arg1, %mul3A_120 : i32
    %add3A_122 = arith.constant 0 : i32
    %add3A_123 = arith.addi %mul3A_121, %add3A_122 : i32
    "tpu.region"() ({
      %run_scoped3A = tpu.sem_alloc : memref<!tpu.dma_semaphore, #tpu.memory_space<semaphore_mem>>
      %dma_start3A = arith.constant 0 : i32
      %dma_start3A_160 = tpu.memref_slice %arg18[%add3A_123, %dma_start3A] : memref<5128x128xf32, #tpu.memory_space<vmem_shared>> -> memref<64x128xf32, #tpu.memory_space<vmem_shared>>
      %dma_start3A_161 = arith.constant 0 : i32
      %dma_start3A_162 = tpu.memref_slice %arg18[%add3A_123, %dma_start3A_161] : memref<5128x128xf32, #tpu.memory_space<vmem_shared>> -> memref<64x128xf32, #tpu.memory_space<vmem_shared>>
      tpu.enqueue_dma source(%dma_start3A_162 : memref<64x128xf32, #tpu.memory_space<vmem_shared>>) target(%arg17 : memref<64x128xf32, #tpu.memory_space<vmem>>) target_semaphore(%run_scoped3A : memref<!tpu.dma_semaphore, #tpu.memory_space<semaphore_mem>>)
      %dma_wait3A = arith.constant 0 : i32
      %dma_wait3A_163 = tpu.memref_slice %arg18[%add3A_123, %dma_wait3A] : memref<5128x128xf32, #tpu.memory_space<vmem_shared>> -> memref<64x128xf32, #tpu.memory_space<vmem_shared>>
      %dma_wait3A_164 = arith.constant 0 : i32
      %dma_wait3A_165 = tpu.memref_slice %arg18[%add3A_123, %dma_wait3A_164] : memref<5128x128xf32, #tpu.memory_space<vmem_shared>> -> memref<64x128xf32, #tpu.memory_space<vmem_shared>>
      tpu.wait_dma2 semaphore(%run_scoped3A : memref<!tpu.dma_semaphore, #tpu.memory_space<semaphore_mem>>) src(%dma_wait3A_165 : memref<64x128xf32, #tpu.memory_space<vmem_shared>>) dst(%arg17 : memref<64x128xf32, #tpu.memory_space<vmem>>)
      tpu.yield
    }) : () -> ()
    %mul3A_124 = arith.constant 320 : i32
    %mul3A_125 = arith.muli %arg1, %mul3A_124 : i32
    %add3A_126 = arith.constant 0 : i32
    %add3A_127 = arith.addi %mul3A_125, %add3A_126 : i32
    "tpu.region"() ({
      %run_scoped3A = tpu.sem_alloc : memref<!tpu.dma_semaphore, #tpu.memory_space<semaphore_mem>>
      %dma_start3A = arith.constant 0 : i32
      %dma_start3A_160 = tpu.memref_slice %arg8[%arg0, %add3A_127, %dma_start3A] : memref<2x5120x128xf32, #tpu.memory_space<hbm>> -> memref<1x64x128xf32, #tpu.memory_space<hbm>>
      %dma_start3A_161 = tpu.memref_squeeze %dma_start3A_160 : memref<1x64x128xf32, #tpu.memory_space<hbm>> -> memref<64x128xf32, #tpu.memory_space<hbm>>
      %dma_start3A_162 = arith.constant 0 : i32
      %dma_start3A_163 = tpu.memref_slice %arg8[%arg0, %add3A_127, %dma_start3A_162] : memref<2x5120x128xf32, #tpu.memory_space<hbm>> -> memref<1x64x128xf32, #tpu.memory_space<hbm>>
      %dma_start3A_164 = tpu.memref_squeeze %dma_start3A_163 : memref<1x64x128xf32, #tpu.memory_space<hbm>> -> memref<64x128xf32, #tpu.memory_space<hbm>>
      tpu.enqueue_dma source(%arg17 : memref<64x128xf32, #tpu.memory_space<vmem>>) target(%dma_start3A_164 : memref<64x128xf32, #tpu.memory_space<hbm>>) target_semaphore(%run_scoped3A : memref<!tpu.dma_semaphore, #tpu.memory_space<semaphore_mem>>)
      %dma_wait3A = arith.constant 0 : i32
      %dma_wait3A_165 = tpu.memref_slice %arg8[%arg0, %add3A_127, %dma_wait3A] : memref<2x5120x128xf32, #tpu.memory_space<hbm>> -> memref<1x64x128xf32, #tpu.memory_space<hbm>>
      %dma_wait3A_166 = tpu.memref_squeeze %dma_wait3A_165 : memref<1x64x128xf32, #tpu.memory_space<hbm>> -> memref<64x128xf32, #tpu.memory_space<hbm>>
      %dma_wait3A_167 = arith.constant 0 : i32
      %dma_wait3A_168 = tpu.memref_slice %arg8[%arg0, %add3A_127, %dma_wait3A_167] : memref<2x5120x128xf32, #tpu.memory_space<hbm>> -> memref<1x64x128xf32, #tpu.memory_space<hbm>>
      %dma_wait3A_169 = tpu.memref_squeeze %dma_wait3A_168 : memref<1x64x128xf32, #tpu.memory_space<hbm>> -> memref<64x128xf32, #tpu.memory_space<hbm>>
      tpu.wait_dma2 semaphore(%run_scoped3A : memref<!tpu.dma_semaphore, #tpu.memory_space<semaphore_mem>>) src(%arg17 : memref<64x128xf32, #tpu.memory_space<vmem>>) dst(%dma_wait3A_169 : memref<64x128xf32, #tpu.memory_space<hbm>>)
      tpu.yield
    }) : () -> ()
    %mul3A_128 = arith.constant 320 : i32
    %mul3A_129 = arith.muli %arg1, %mul3A_128 : i32
    %add3A_130 = arith.constant 64 : i32
    %add3A_131 = arith.addi %mul3A_129, %add3A_130 : i32
    "tpu.region"() ({
      %run_scoped3A = tpu.sem_alloc : memref<!tpu.dma_semaphore, #tpu.memory_space<semaphore_mem>>
      %dma_start3A = arith.constant 0 : i32
      %dma_start3A_160 = tpu.memref_slice %arg18[%add3A_131, %dma_start3A] : memref<5128x128xf32, #tpu.memory_space<vmem_shared>> -> memref<64x128xf32, #tpu.memory_space<vmem_shared>>
      %dma_start3A_161 = arith.constant 0 : i32
      %dma_start3A_162 = tpu.memref_slice %arg18[%add3A_131, %dma_start3A_161] : memref<5128x128xf32, #tpu.memory_space<vmem_shared>> -> memref<64x128xf32, #tpu.memory_space<vmem_shared>>
      tpu.enqueue_dma source(%dma_start3A_162 : memref<64x128xf32, #tpu.memory_space<vmem_shared>>) target(%arg17 : memref<64x128xf32, #tpu.memory_space<vmem>>) target_semaphore(%run_scoped3A : memref<!tpu.dma_semaphore, #tpu.memory_space<semaphore_mem>>)
      %dma_wait3A = arith.constant 0 : i32
      %dma_wait3A_163 = tpu.memref_slice %arg18[%add3A_131, %dma_wait3A] : memref<5128x128xf32, #tpu.memory_space<vmem_shared>> -> memref<64x128xf32, #tpu.memory_space<vmem_shared>>
      %dma_wait3A_164 = arith.constant 0 : i32
      %dma_wait3A_165 = tpu.memref_slice %arg18[%add3A_131, %dma_wait3A_164] : memref<5128x128xf32, #tpu.memory_space<vmem_shared>> -> memref<64x128xf32, #tpu.memory_space<vmem_shared>>
      tpu.wait_dma2 semaphore(%run_scoped3A : memref<!tpu.dma_semaphore, #tpu.memory_space<semaphore_mem>>) src(%dma_wait3A_165 : memref<64x128xf32, #tpu.memory_space<vmem_shared>>) dst(%arg17 : memref<64x128xf32, #tpu.memory_space<vmem>>)
      tpu.yield
    }) : () -> ()
    %mul3A_132 = arith.constant 320 : i32
    %mul3A_133 = arith.muli %arg1, %mul3A_132 : i32
    %add3A_134 = arith.constant 64 : i32
    %add3A_135 = arith.addi %mul3A_133, %add3A_134 : i32
    "tpu.region"() ({
      %run_scoped3A = tpu.sem_alloc : memref<!tpu.dma_semaphore, #tpu.memory_space<semaphore_mem>>
      %dma_start3A = arith.constant 0 : i32
      %dma_start3A_160 = tpu.memref_slice %arg8[%arg0, %add3A_135, %dma_start3A] : memref<2x5120x128xf32, #tpu.memory_space<hbm>> -> memref<1x64x128xf32, #tpu.memory_space<hbm>>
      %dma_start3A_161 = tpu.memref_squeeze %dma_start3A_160 : memref<1x64x128xf32, #tpu.memory_space<hbm>> -> memref<64x128xf32, #tpu.memory_space<hbm>>
      %dma_start3A_162 = arith.constant 0 : i32
      %dma_start3A_163 = tpu.memref_slice %arg8[%arg0, %add3A_135, %dma_start3A_162] : memref<2x5120x128xf32, #tpu.memory_space<hbm>> -> memref<1x64x128xf32, #tpu.memory_space<hbm>>
      %dma_start3A_164 = tpu.memref_squeeze %dma_start3A_163 : memref<1x64x128xf32, #tpu.memory_space<hbm>> -> memref<64x128xf32, #tpu.memory_space<hbm>>
      tpu.enqueue_dma source(%arg17 : memref<64x128xf32, #tpu.memory_space<vmem>>) target(%dma_start3A_164 : memref<64x128xf32, #tpu.memory_space<hbm>>) target_semaphore(%run_scoped3A : memref<!tpu.dma_semaphore, #tpu.memory_space<semaphore_mem>>)
      %dma_wait3A = arith.constant 0 : i32
      %dma_wait3A_165 = tpu.memref_slice %arg8[%arg0, %add3A_135, %dma_wait3A] : memref<2x5120x128xf32, #tpu.memory_space<hbm>> -> memref<1x64x128xf32, #tpu.memory_space<hbm>>
      %dma_wait3A_166 = tpu.memref_squeeze %dma_wait3A_165 : memref<1x64x128xf32, #tpu.memory_space<hbm>> -> memref<64x128xf32, #tpu.memory_space<hbm>>
      %dma_wait3A_167 = arith.constant 0 : i32
      %dma_wait3A_168 = tpu.memref_slice %arg8[%arg0, %add3A_135, %dma_wait3A_167] : memref<2x5120x128xf32, #tpu.memory_space<hbm>> -> memref<1x64x128xf32, #tpu.memory_space<hbm>>
      %dma_wait3A_169 = tpu.memref_squeeze %dma_wait3A_168 : memref<1x64x128xf32, #tpu.memory_space<hbm>> -> memref<64x128xf32, #tpu.memory_space<hbm>>
      tpu.wait_dma2 semaphore(%run_scoped3A : memref<!tpu.dma_semaphore, #tpu.memory_space<semaphore_mem>>) src(%arg17 : memref<64x128xf32, #tpu.memory_space<vmem>>) dst(%dma_wait3A_169 : memref<64x128xf32, #tpu.memory_space<hbm>>)
      tpu.yield
    }) : () -> ()
    %mul3A_136 = arith.constant 320 : i32
    %mul3A_137 = arith.muli %arg1, %mul3A_136 : i32
    %add3A_138 = arith.constant 128 : i32
    %add3A_139 = arith.addi %mul3A_137, %add3A_138 : i32
    "tpu.region"() ({
      %run_scoped3A = tpu.sem_alloc : memref<!tpu.dma_semaphore, #tpu.memory_space<semaphore_mem>>
      %dma_start3A = arith.constant 0 : i32
      %dma_start3A_160 = tpu.memref_slice %arg18[%add3A_139, %dma_start3A] : memref<5128x128xf32, #tpu.memory_space<vmem_shared>> -> memref<64x128xf32, #tpu.memory_space<vmem_shared>>
      %dma_start3A_161 = arith.constant 0 : i32
      %dma_start3A_162 = tpu.memref_slice %arg18[%add3A_139, %dma_start3A_161] : memref<5128x128xf32, #tpu.memory_space<vmem_shared>> -> memref<64x128xf32, #tpu.memory_space<vmem_shared>>
      tpu.enqueue_dma source(%dma_start3A_162 : memref<64x128xf32, #tpu.memory_space<vmem_shared>>) target(%arg17 : memref<64x128xf32, #tpu.memory_space<vmem>>) target_semaphore(%run_scoped3A : memref<!tpu.dma_semaphore, #tpu.memory_space<semaphore_mem>>)
      %dma_wait3A = arith.constant 0 : i32
      %dma_wait3A_163 = tpu.memref_slice %arg18[%add3A_139, %dma_wait3A] : memref<5128x128xf32, #tpu.memory_space<vmem_shared>> -> memref<64x128xf32, #tpu.memory_space<vmem_shared>>
      %dma_wait3A_164 = arith.constant 0 : i32
      %dma_wait3A_165 = tpu.memref_slice %arg18[%add3A_139, %dma_wait3A_164] : memref<5128x128xf32, #tpu.memory_space<vmem_shared>> -> memref<64x128xf32, #tpu.memory_space<vmem_shared>>
      tpu.wait_dma2 semaphore(%run_scoped3A : memref<!tpu.dma_semaphore, #tpu.memory_space<semaphore_mem>>) src(%dma_wait3A_165 : memref<64x128xf32, #tpu.memory_space<vmem_shared>>) dst(%arg17 : memref<64x128xf32, #tpu.memory_space<vmem>>)
      tpu.yield
    }) : () -> ()
    %mul3A_140 = arith.constant 320 : i32
    %mul3A_141 = arith.muli %arg1, %mul3A_140 : i32
    %add3A_142 = arith.constant 128 : i32
    %add3A_143 = arith.addi %mul3A_141, %add3A_142 : i32
    "tpu.region"() ({
      %run_scoped3A = tpu.sem_alloc : memref<!tpu.dma_semaphore, #tpu.memory_space<semaphore_mem>>
      %dma_start3A = arith.constant 0 : i32
      %dma_start3A_160 = tpu.memref_slice %arg8[%arg0, %add3A_143, %dma_start3A] : memref<2x5120x128xf32, #tpu.memory_space<hbm>> -> memref<1x64x128xf32, #tpu.memory_space<hbm>>
      %dma_start3A_161 = tpu.memref_squeeze %dma_start3A_160 : memref<1x64x128xf32, #tpu.memory_space<hbm>> -> memref<64x128xf32, #tpu.memory_space<hbm>>
      %dma_start3A_162 = arith.constant 0 : i32
      %dma_start3A_163 = tpu.memref_slice %arg8[%arg0, %add3A_143, %dma_start3A_162] : memref<2x5120x128xf32, #tpu.memory_space<hbm>> -> memref<1x64x128xf32, #tpu.memory_space<hbm>>
      %dma_start3A_164 = tpu.memref_squeeze %dma_start3A_163 : memref<1x64x128xf32, #tpu.memory_space<hbm>> -> memref<64x128xf32, #tpu.memory_space<hbm>>
      tpu.enqueue_dma source(%arg17 : memref<64x128xf32, #tpu.memory_space<vmem>>) target(%dma_start3A_164 : memref<64x128xf32, #tpu.memory_space<hbm>>) target_semaphore(%run_scoped3A : memref<!tpu.dma_semaphore, #tpu.memory_space<semaphore_mem>>)
      %dma_wait3A = arith.constant 0 : i32
      %dma_wait3A_165 = tpu.memref_slice %arg8[%arg0, %add3A_143, %dma_wait3A] : memref<2x5120x128xf32, #tpu.memory_space<hbm>> -> memref<1x64x128xf32, #tpu.memory_space<hbm>>
      %dma_wait3A_166 = tpu.memref_squeeze %dma_wait3A_165 : memref<1x64x128xf32, #tpu.memory_space<hbm>> -> memref<64x128xf32, #tpu.memory_space<hbm>>
      %dma_wait3A_167 = arith.constant 0 : i32
      %dma_wait3A_168 = tpu.memref_slice %arg8[%arg0, %add3A_143, %dma_wait3A_167] : memref<2x5120x128xf32, #tpu.memory_space<hbm>> -> memref<1x64x128xf32, #tpu.memory_space<hbm>>
      %dma_wait3A_169 = tpu.memref_squeeze %dma_wait3A_168 : memref<1x64x128xf32, #tpu.memory_space<hbm>> -> memref<64x128xf32, #tpu.memory_space<hbm>>
      tpu.wait_dma2 semaphore(%run_scoped3A : memref<!tpu.dma_semaphore, #tpu.memory_space<semaphore_mem>>) src(%arg17 : memref<64x128xf32, #tpu.memory_space<vmem>>) dst(%dma_wait3A_169 : memref<64x128xf32, #tpu.memory_space<hbm>>)
      tpu.yield
    }) : () -> ()
    %mul3A_144 = arith.constant 320 : i32
    %mul3A_145 = arith.muli %arg1, %mul3A_144 : i32
    %add3A_146 = arith.constant 192 : i32
    %add3A_147 = arith.addi %mul3A_145, %add3A_146 : i32
    "tpu.region"() ({
      %run_scoped3A = tpu.sem_alloc : memref<!tpu.dma_semaphore, #tpu.memory_space<semaphore_mem>>
      %dma_start3A = arith.constant 0 : i32
      %dma_start3A_160 = tpu.memref_slice %arg18[%add3A_147, %dma_start3A] : memref<5128x128xf32, #tpu.memory_space<vmem_shared>> -> memref<64x128xf32, #tpu.memory_space<vmem_shared>>
      %dma_start3A_161 = arith.constant 0 : i32
      %dma_start3A_162 = tpu.memref_slice %arg18[%add3A_147, %dma_start3A_161] : memref<5128x128xf32, #tpu.memory_space<vmem_shared>> -> memref<64x128xf32, #tpu.memory_space<vmem_shared>>
      tpu.enqueue_dma source(%dma_start3A_162 : memref<64x128xf32, #tpu.memory_space<vmem_shared>>) target(%arg17 : memref<64x128xf32, #tpu.memory_space<vmem>>) target_semaphore(%run_scoped3A : memref<!tpu.dma_semaphore, #tpu.memory_space<semaphore_mem>>)
      %dma_wait3A = arith.constant 0 : i32
      %dma_wait3A_163 = tpu.memref_slice %arg18[%add3A_147, %dma_wait3A] : memref<5128x128xf32, #tpu.memory_space<vmem_shared>> -> memref<64x128xf32, #tpu.memory_space<vmem_shared>>
      %dma_wait3A_164 = arith.constant 0 : i32
      %dma_wait3A_165 = tpu.memref_slice %arg18[%add3A_147, %dma_wait3A_164] : memref<5128x128xf32, #tpu.memory_space<vmem_shared>> -> memref<64x128xf32, #tpu.memory_space<vmem_shared>>
      tpu.wait_dma2 semaphore(%run_scoped3A : memref<!tpu.dma_semaphore, #tpu.memory_space<semaphore_mem>>) src(%dma_wait3A_165 : memref<64x128xf32, #tpu.memory_space<vmem_shared>>) dst(%arg17 : memref<64x128xf32, #tpu.memory_space<vmem>>)
      tpu.yield
    }) : () -> ()
    %mul3A_148 = arith.constant 320 : i32
    %mul3A_149 = arith.muli %arg1, %mul3A_148 : i32
    %add3A_150 = arith.constant 192 : i32
    %add3A_151 = arith.addi %mul3A_149, %add3A_150 : i32
    "tpu.region"() ({
      %run_scoped3A = tpu.sem_alloc : memref<!tpu.dma_semaphore, #tpu.memory_space<semaphore_mem>>
      %dma_start3A = arith.constant 0 : i32
      %dma_start3A_160 = tpu.memref_slice %arg8[%arg0, %add3A_151, %dma_start3A] : memref<2x5120x128xf32, #tpu.memory_space<hbm>> -> memref<1x64x128xf32, #tpu.memory_space<hbm>>
      %dma_start3A_161 = tpu.memref_squeeze %dma_start3A_160 : memref<1x64x128xf32, #tpu.memory_space<hbm>> -> memref<64x128xf32, #tpu.memory_space<hbm>>
      %dma_start3A_162 = arith.constant 0 : i32
      %dma_start3A_163 = tpu.memref_slice %arg8[%arg0, %add3A_151, %dma_start3A_162] : memref<2x5120x128xf32, #tpu.memory_space<hbm>> -> memref<1x64x128xf32, #tpu.memory_space<hbm>>
      %dma_start3A_164 = tpu.memref_squeeze %dma_start3A_163 : memref<1x64x128xf32, #tpu.memory_space<hbm>> -> memref<64x128xf32, #tpu.memory_space<hbm>>
      tpu.enqueue_dma source(%arg17 : memref<64x128xf32, #tpu.memory_space<vmem>>) target(%dma_start3A_164 : memref<64x128xf32, #tpu.memory_space<hbm>>) target_semaphore(%run_scoped3A : memref<!tpu.dma_semaphore, #tpu.memory_space<semaphore_mem>>)
      %dma_wait3A = arith.constant 0 : i32
      %dma_wait3A_165 = tpu.memref_slice %arg8[%arg0, %add3A_151, %dma_wait3A] : memref<2x5120x128xf32, #tpu.memory_space<hbm>> -> memref<1x64x128xf32, #tpu.memory_space<hbm>>
      %dma_wait3A_166 = tpu.memref_squeeze %dma_wait3A_165 : memref<1x64x128xf32, #tpu.memory_space<hbm>> -> memref<64x128xf32, #tpu.memory_space<hbm>>
      %dma_wait3A_167 = arith.constant 0 : i32
      %dma_wait3A_168 = tpu.memref_slice %arg8[%arg0, %add3A_151, %dma_wait3A_167] : memref<2x5120x128xf32, #tpu.memory_space<hbm>> -> memref<1x64x128xf32, #tpu.memory_space<hbm>>
      %dma_wait3A_169 = tpu.memref_squeeze %dma_wait3A_168 : memref<1x64x128xf32, #tpu.memory_space<hbm>> -> memref<64x128xf32, #tpu.memory_space<hbm>>
      tpu.wait_dma2 semaphore(%run_scoped3A : memref<!tpu.dma_semaphore, #tpu.memory_space<semaphore_mem>>) src(%arg17 : memref<64x128xf32, #tpu.memory_space<vmem>>) dst(%dma_wait3A_169 : memref<64x128xf32, #tpu.memory_space<hbm>>)
      tpu.yield
    }) : () -> ()
    %mul3A_152 = arith.constant 320 : i32
    %mul3A_153 = arith.muli %arg1, %mul3A_152 : i32
    %add3A_154 = arith.constant 256 : i32
    %add3A_155 = arith.addi %mul3A_153, %add3A_154 : i32
    "tpu.region"() ({
      %run_scoped3A = tpu.sem_alloc : memref<!tpu.dma_semaphore, #tpu.memory_space<semaphore_mem>>
      %dma_start3A = arith.constant 0 : i32
      %dma_start3A_160 = tpu.memref_slice %arg18[%add3A_155, %dma_start3A] : memref<5128x128xf32, #tpu.memory_space<vmem_shared>> -> memref<64x128xf32, #tpu.memory_space<vmem_shared>>
      %dma_start3A_161 = arith.constant 0 : i32
      %dma_start3A_162 = tpu.memref_slice %arg18[%add3A_155, %dma_start3A_161] : memref<5128x128xf32, #tpu.memory_space<vmem_shared>> -> memref<64x128xf32, #tpu.memory_space<vmem_shared>>
      tpu.enqueue_dma source(%dma_start3A_162 : memref<64x128xf32, #tpu.memory_space<vmem_shared>>) target(%arg17 : memref<64x128xf32, #tpu.memory_space<vmem>>) target_semaphore(%run_scoped3A : memref<!tpu.dma_semaphore, #tpu.memory_space<semaphore_mem>>)
      %dma_wait3A = arith.constant 0 : i32
      %dma_wait3A_163 = tpu.memref_slice %arg18[%add3A_155, %dma_wait3A] : memref<5128x128xf32, #tpu.memory_space<vmem_shared>> -> memref<64x128xf32, #tpu.memory_space<vmem_shared>>
      %dma_wait3A_164 = arith.constant 0 : i32
      %dma_wait3A_165 = tpu.memref_slice %arg18[%add3A_155, %dma_wait3A_164] : memref<5128x128xf32, #tpu.memory_space<vmem_shared>> -> memref<64x128xf32, #tpu.memory_space<vmem_shared>>
      tpu.wait_dma2 semaphore(%run_scoped3A : memref<!tpu.dma_semaphore, #tpu.memory_space<semaphore_mem>>) src(%dma_wait3A_165 : memref<64x128xf32, #tpu.memory_space<vmem_shared>>) dst(%arg17 : memref<64x128xf32, #tpu.memory_space<vmem>>)
      tpu.yield
    }) : () -> ()
    %mul3A_156 = arith.constant 320 : i32
    %mul3A_157 = arith.muli %arg1, %mul3A_156 : i32
    %add3A_158 = arith.constant 256 : i32
    %add3A_159 = arith.addi %mul3A_157, %add3A_158 : i32
    "tpu.region"() ({
      %run_scoped3A = tpu.sem_alloc : memref<!tpu.dma_semaphore, #tpu.memory_space<semaphore_mem>>
      %dma_start3A = arith.constant 0 : i32
      %dma_start3A_160 = tpu.memref_slice %arg8[%arg0, %add3A_159, %dma_start3A] : memref<2x5120x128xf32, #tpu.memory_space<hbm>> -> memref<1x64x128xf32, #tpu.memory_space<hbm>>
      %dma_start3A_161 = tpu.memref_squeeze %dma_start3A_160 : memref<1x64x128xf32, #tpu.memory_space<hbm>> -> memref<64x128xf32, #tpu.memory_space<hbm>>
      %dma_start3A_162 = arith.constant 0 : i32
      %dma_start3A_163 = tpu.memref_slice %arg8[%arg0, %add3A_159, %dma_start3A_162] : memref<2x5120x128xf32, #tpu.memory_space<hbm>> -> memref<1x64x128xf32, #tpu.memory_space<hbm>>
      %dma_start3A_164 = tpu.memref_squeeze %dma_start3A_163 : memref<1x64x128xf32, #tpu.memory_space<hbm>> -> memref<64x128xf32, #tpu.memory_space<hbm>>
      tpu.enqueue_dma source(%arg17 : memref<64x128xf32, #tpu.memory_space<vmem>>) target(%dma_start3A_164 : memref<64x128xf32, #tpu.memory_space<hbm>>) target_semaphore(%run_scoped3A : memref<!tpu.dma_semaphore, #tpu.memory_space<semaphore_mem>>)
      %dma_wait3A = arith.constant 0 : i32
      %dma_wait3A_165 = tpu.memref_slice %arg8[%arg0, %add3A_159, %dma_wait3A] : memref<2x5120x128xf32, #tpu.memory_space<hbm>> -> memref<1x64x128xf32, #tpu.memory_space<hbm>>
      %dma_wait3A_166 = tpu.memref_squeeze %dma_wait3A_165 : memref<1x64x128xf32, #tpu.memory_space<hbm>> -> memref<64x128xf32, #tpu.memory_space<hbm>>
      %dma_wait3A_167 = arith.constant 0 : i32
      %dma_wait3A_168 = tpu.memref_slice %arg8[%arg0, %add3A_159, %dma_wait3A_167] : memref<2x5120x128xf32, #tpu.memory_space<hbm>> -> memref<1x64x128xf32, #tpu.memory_space<hbm>>
      %dma_wait3A_169 = tpu.memref_squeeze %dma_wait3A_168 : memref<1x64x128xf32, #tpu.memory_space<hbm>> -> memref<64x128xf32, #tpu.memory_space<hbm>>
      tpu.wait_dma2 semaphore(%run_scoped3A : memref<!tpu.dma_semaphore, #tpu.memory_space<semaphore_mem>>) src(%arg17 : memref<64x128xf32, #tpu.memory_space<vmem>>) dst(%dma_wait3A_169 : memref<64x128xf32, #tpu.memory_space<hbm>>)
      tpu.yield
    }) : () -> ()
    return
  }
}

module attributes {stable_mosaic.version = 14 : i64} {
  func.func @_tc1_body(%arg0: i32, %arg1: memref<1000x128xf32, #tpu.memory_space<vmem>>, %arg2: memref<1000x128xf32, #tpu.memory_space<vmem>>, %arg3: memref<128x128xf32, #tpu.memory_space<vmem>>, %arg4: memref<1x64xf32, #tpu.memory_space<vmem>>, %arg5: memref<64x256xf32, #tpu.memory_space<vmem>>, %arg6: memref<1x64xf32, #tpu.memory_space<vmem>>, %arg7: memref<64x256xf32, #tpu.memory_space<vmem>>, %arg8: memref<64x64xf32, #tpu.memory_space<vmem>>, %arg9: memref<1x64xf32, #tpu.memory_space<vmem>>, %arg10: memref<64x64xf32, #tpu.memory_space<vmem>>, %arg11: memref<1x64xf32, #tpu.memory_space<vmem>>, %arg12: memref<1000x256xf32, #tpu.memory_space<vmem>>, %arg13: memref<1000x128xf32, #tpu.memory_space<vmem>>, %arg14: memref<1000x256xf32, #tpu.memory_space<vmem>>, %arg15: memref<1000x128xf32, #tpu.memory_space<vmem>>, %arg16: memref<1x64xf32, #tpu.memory_space<vmem>>, %arg17: memref<1x64xf32, #tpu.memory_space<vmem>>) attributes {dimension_semantics = [#tpu.dimension_semantics<arbitrary>], iteration_bounds = array<i64: 10>, scalar_prefetch = 0 : i64, scratch_operands = 0 : i64, tpu.core_type = #tpu.core_type<tc>, window_params = [{transform_indices = @transform_0, window_bounds = array<i64: 1000, 128>}, {transform_indices = @transform_1, window_bounds = array<i64: 1000, 128>}, {pipeline_mode = #tpu.pipeline_mode<synchronous>, transform_indices = @transform_2, window_bounds = array<i64: 128, 128>}, {pipeline_mode = #tpu.pipeline_mode<synchronous>, transform_indices = @transform_3, window_bounds = array<i64: 1, 64>}, {pipeline_mode = #tpu.pipeline_mode<synchronous>, transform_indices = @transform_4, window_bounds = array<i64: 64, 256>}, {pipeline_mode = #tpu.pipeline_mode<synchronous>, transform_indices = @transform_5, window_bounds = array<i64: 1, 64>}, {pipeline_mode = #tpu.pipeline_mode<synchronous>, transform_indices = @transform_6, window_bounds = array<i64: 64, 256>}, {pipeline_mode = #tpu.pipeline_mode<synchronous>, transform_indices = @transform_7, window_bounds = array<i64: 64, 64>}, {pipeline_mode = #tpu.pipeline_mode<synchronous>, transform_indices = @transform_8, window_bounds = array<i64: 1, 64>}, {pipeline_mode = #tpu.pipeline_mode<synchronous>, transform_indices = @transform_9, window_bounds = array<i64: 64, 64>}, {pipeline_mode = #tpu.pipeline_mode<synchronous>, transform_indices = @transform_10, window_bounds = array<i64: 1, 64>}, {transform_indices = @transform_11, window_bounds = array<i64: 1000, 256>}, {transform_indices = @transform_12, window_bounds = array<i64: 1000, 128>}, {transform_indices = @transform_13, window_bounds = array<i64: 1000, 256>}, {transform_indices = @transform_14, window_bounds = array<i64: 1000, 128>}, {pipeline_mode = #tpu.pipeline_mode<synchronous>, transform_indices = @transform_15, window_bounds = array<i64: 1, 64>}, {pipeline_mode = #tpu.pipeline_mode<synchronous>, transform_indices = @transform_16, window_bounds = array<i64: 1, 64>}]} {
    %get3A = arith.constant 0 : index
    %get3A_0 = arith.constant 0 : index
    %get3A_1 = vector.load %arg1[%get3A, %get3A_0] : memref<1000x128xf32, #tpu.memory_space<vmem>>, vector<1000x128xf32>
    %get3A_2 = arith.constant 0 : index
    %get3A_3 = arith.constant 0 : index
    %get3A_4 = vector.load %arg3[%get3A_2, %get3A_3] : memref<128x128xf32, #tpu.memory_space<vmem>>, vector<128x128xf32>
    %dot_general3A = arith.constant dense<0.000000e+00> : vector<1000x128xf32>
    %dot_general3A_5 = tpu.matmul %get3A_1, %get3A_4, %dot_general3A {dimension_numbers = #tpu.dot_dimension_numbers<[1], [0], [0], [1], [0, 0, 1, 1], [], []>, transpose_lhs_hint = false} : vector<1000x128xf32>, vector<128x128xf32>, vector<1000x128xf32> -> vector<1000x128xf32>
    %get3A_6 = arith.constant 0 : index
    %get3A_7 = arith.constant 0 : index
    %get3A_8 = vector.load %arg2[%get3A_6, %get3A_7] : memref<1000x128xf32, #tpu.memory_space<vmem>>, vector<1000x128xf32>
    %get3A_9 = arith.constant 0 : index
    %get3A_10 = arith.constant 0 : index
    %get3A_11 = vector.load %arg3[%get3A_9, %get3A_10] : memref<128x128xf32, #tpu.memory_space<vmem>>, vector<128x128xf32>
    %dot_general3A_12 = arith.constant dense<0.000000e+00> : vector<1000x128xf32>
    %dot_general3A_13 = tpu.matmul %get3A_8, %get3A_11, %dot_general3A_12 {dimension_numbers = #tpu.dot_dimension_numbers<[1], [0], [0], [1], [0, 0, 1, 1], [], []>, transpose_lhs_hint = false} : vector<1000x128xf32>, vector<128x128xf32>, vector<1000x128xf32> -> vector<1000x128xf32>
    %iota3A = tpu.iota {dimensions = array<i32: 0>} : vector<256x128xi32>
    %iota3A_14 = tpu.iota {dimensions = array<i32: 1>} : vector<256x128xi32>
    %jit3A = arith.constant 16 : i32
    %div3A = vector.broadcast %jit3A : i32 to vector<256x128xi32>
    %div3A_15 = arith.divsi %iota3A_14, %div3A : vector<256x128xi32>
    %sign3A = arith.constant 0 : i32
    %sign3A_16 = vector.broadcast %sign3A : i32 to vector<256x128xi32>
    %sign3A_17 = arith.cmpi sgt, %iota3A_14, %sign3A_16 : vector<256x128xi32>
    %sign3A_18 = arith.extui %sign3A_17 : vector<256x128xi1> to vector<256x128xi32>
    %sign3A_19 = arith.constant 0 : i32
    %sign3A_20 = vector.broadcast %sign3A_19 : i32 to vector<256x128xi32>
    %sign3A_21 = arith.cmpi slt, %iota3A_14, %sign3A_20 : vector<256x128xi32>
    %sign3A_22 = arith.extui %sign3A_21 : vector<256x128xi1> to vector<256x128xi32>
    %sign3A_23 = arith.subi %sign3A_18, %sign3A_22 : vector<256x128xi32>
    %sign3A_24 = arith.constant 0 : i32
    %sign3A_25 = arith.cmpi sgt, %jit3A, %sign3A_24 : i32
    %sign3A_26 = arith.extui %sign3A_25 : i1 to i32
    %sign3A_27 = arith.constant 0 : i32
    %sign3A_28 = arith.cmpi slt, %jit3A, %sign3A_27 : i32
    %sign3A_29 = arith.extui %sign3A_28 : i1 to i32
    %sign3A_30 = arith.subi %sign3A_26, %sign3A_29 : i32
    %ne3A = vector.broadcast %sign3A_30 : i32 to vector<256x128xi32>
    %ne3A_31 = arith.cmpi ne, %sign3A_23, %ne3A : vector<256x128xi32>
    %rem3A = vector.broadcast %jit3A : i32 to vector<256x128xi32>
    %rem3A_32 = arith.remsi %iota3A_14, %rem3A : vector<256x128xi32>
    %ne3A_33 = arith.constant 0 : i32
    %ne3A_34 = vector.broadcast %ne3A_33 : i32 to vector<256x128xi32>
    %ne3A_35 = arith.cmpi ne, %rem3A_32, %ne3A_34 : vector<256x128xi32>
    %and3A = arith.andi %ne3A_31, %ne3A_35 : vector<256x128xi1>
    %sub3A = arith.constant 1 : i32
    %sub3A_36 = vector.broadcast %sub3A : i32 to vector<256x128xi32>
    %sub3A_37 = arith.subi %div3A_15, %sub3A_36 : vector<256x128xi32>
    %select_n3A = arith.select %and3A, %sub3A_37, %div3A_15 : vector<256x128xi1>, vector<256x128xi32>
    %mul3A = arith.constant 32 : i32
    %mul3A_38 = vector.broadcast %mul3A : i32 to vector<256x128xi32>
    %mul3A_39 = arith.muli %select_n3A, %mul3A_38 : vector<256x128xi32>
    %jit3A_40 = arith.constant 16 : i32
    %eq3A = arith.constant 0 : i32
    %eq3A_41 = arith.cmpi eq, %jit3A_40, %eq3A : i32
    %jit3A_42 = arith.constant 1 : i32
    %select_n3A_43 = arith.select %eq3A_41, %jit3A_42, %jit3A_40 : i32
    %rem3A_44 = vector.broadcast %select_n3A_43 : i32 to vector<256x128xi32>
    %rem3A_45 = arith.remsi %iota3A_14, %rem3A_44 : vector<256x128xi32>
    %ne3A_46 = arith.constant 0 : i32
    %ne3A_47 = vector.broadcast %ne3A_46 : i32 to vector<256x128xi32>
    %ne3A_48 = arith.cmpi ne, %rem3A_45, %ne3A_47 : vector<256x128xi32>
    %lt3A = arith.constant 0 : i32
    %lt3A_49 = vector.broadcast %lt3A : i32 to vector<256x128xi32>
    %lt3A_50 = arith.cmpi slt, %rem3A_45, %lt3A_49 : vector<256x128xi32>
    %lt3A_51 = arith.constant 0 : i32
    %lt3A_52 = arith.cmpi slt, %select_n3A_43, %lt3A_51 : i32
    %ne3A_53 = vector.broadcast %lt3A_52 : i1 to vector<256x128xi1>
    %ne3A_54 = vector.broadcast %ne3A_53 : vector<256x128xi1> to vector<256x128xi1>
    %ne3A_55 = arith.xori %lt3A_50, %ne3A_54 : vector<256x128xi1>
    %and3A_56 = arith.andi %ne3A_55, %ne3A_48 : vector<256x128xi1>
    %add3A = vector.broadcast %select_n3A_43 : i32 to vector<256x128xi32>
    %add3A_57 = arith.addi %rem3A_45, %add3A : vector<256x128xi32>
    %select_n3A_58 = arith.select %and3A_56, %add3A_57, %rem3A_45 : vector<256x128xi1>, vector<256x128xi32>
    %add3A_59 = arith.addi %mul3A_39, %select_n3A_58 : vector<256x128xi32>
    %eq3A_60 = arith.cmpi eq, %iota3A, %add3A_59 : vector<256x128xi32>
    %convert_element_type3A = arith.extui %eq3A_60 : vector<256x128xi1> to vector<256x128xi32>
    %convert_element_type3A_61 = arith.sitofp %convert_element_type3A : vector<256x128xi32> to vector<256x128xf32>
    %add3A_62 = arith.constant 16 : i32
    %add3A_63 = vector.broadcast %add3A_62 : i32 to vector<256x128xi32>
    %add3A_64 = arith.addi %add3A_59, %add3A_63 : vector<256x128xi32>
    %eq3A_65 = arith.cmpi eq, %iota3A, %add3A_64 : vector<256x128xi32>
    %convert_element_type3A_66 = arith.extui %eq3A_65 : vector<256x128xi1> to vector<256x128xi32>
    %convert_element_type3A_67 = arith.sitofp %convert_element_type3A_66 : vector<256x128xi32> to vector<256x128xf32>
    %iota3A_68 = tpu.iota {dimensions = array<i32: 0>} : vector<128x8xi32>
    %iota3A_69 = tpu.iota {dimensions = array<i32: 1>} : vector<128x8xi32>
    %jit3A_70 = arith.constant 16 : i32
    %div3A_71 = vector.broadcast %jit3A_70 : i32 to vector<128x8xi32>
    %div3A_72 = arith.divsi %iota3A_68, %div3A_71 : vector<128x8xi32>
    %sign3A_73 = arith.constant 0 : i32
    %sign3A_74 = vector.broadcast %sign3A_73 : i32 to vector<128x8xi32>
    %sign3A_75 = arith.cmpi sgt, %iota3A_68, %sign3A_74 : vector<128x8xi32>
    %sign3A_76 = arith.extui %sign3A_75 : vector<128x8xi1> to vector<128x8xi32>
    %sign3A_77 = arith.constant 0 : i32
    %sign3A_78 = vector.broadcast %sign3A_77 : i32 to vector<128x8xi32>
    %sign3A_79 = arith.cmpi slt, %iota3A_68, %sign3A_78 : vector<128x8xi32>
    %sign3A_80 = arith.extui %sign3A_79 : vector<128x8xi1> to vector<128x8xi32>
    %sign3A_81 = arith.subi %sign3A_76, %sign3A_80 : vector<128x8xi32>
    %sign3A_82 = arith.constant 0 : i32
    %sign3A_83 = arith.cmpi sgt, %jit3A_70, %sign3A_82 : i32
    %sign3A_84 = arith.extui %sign3A_83 : i1 to i32
    %sign3A_85 = arith.constant 0 : i32
    %sign3A_86 = arith.cmpi slt, %jit3A_70, %sign3A_85 : i32
    %sign3A_87 = arith.extui %sign3A_86 : i1 to i32
    %sign3A_88 = arith.subi %sign3A_84, %sign3A_87 : i32
    %ne3A_89 = vector.broadcast %sign3A_88 : i32 to vector<128x8xi32>
    %ne3A_90 = arith.cmpi ne, %sign3A_81, %ne3A_89 : vector<128x8xi32>
    %rem3A_91 = vector.broadcast %jit3A_70 : i32 to vector<128x8xi32>
    %rem3A_92 = arith.remsi %iota3A_68, %rem3A_91 : vector<128x8xi32>
    %ne3A_93 = arith.constant 0 : i32
    %ne3A_94 = vector.broadcast %ne3A_93 : i32 to vector<128x8xi32>
    %ne3A_95 = arith.cmpi ne, %rem3A_92, %ne3A_94 : vector<128x8xi32>
    %and3A_96 = arith.andi %ne3A_90, %ne3A_95 : vector<128x8xi1>
    %sub3A_97 = arith.constant 1 : i32
    %sub3A_98 = vector.broadcast %sub3A_97 : i32 to vector<128x8xi32>
    %sub3A_99 = arith.subi %div3A_72, %sub3A_98 : vector<128x8xi32>
    %select_n3A_100 = arith.select %and3A_96, %sub3A_99, %div3A_72 : vector<128x8xi1>, vector<128x8xi32>
    %eq3A_101 = arith.cmpi eq, %select_n3A_100, %iota3A_69 : vector<128x8xi32>
    %convert_element_type3A_102 = arith.extui %eq3A_101 : vector<128x8xi1> to vector<128x8xi32>
    %convert_element_type3A_103 = arith.sitofp %convert_element_type3A_102 : vector<128x8xi32> to vector<128x8xf32>
    %get3A_104 = arith.constant 0 : index
    %get3A_105 = arith.constant 0 : index
    %get3A_106 = vector.load %arg4[%get3A_104, %get3A_105] : memref<1x64xf32, #tpu.memory_space<vmem>>, vector<1x64xf32>
    %get3A_107 = arith.constant 0 : index
    %get3A_108 = arith.constant 0 : index
    %get3A_109 = vector.load %arg5[%get3A_107, %get3A_108] : memref<64x256xf32, #tpu.memory_space<vmem>>, vector<64x256xf32>
    %dot_general3A_110 = arith.constant dense<0.000000e+00> : vector<1x256xf32>
    %dot_general3A_111 = tpu.matmul %get3A_106, %get3A_109, %dot_general3A_110 {dimension_numbers = #tpu.dot_dimension_numbers<[1], [0], [0], [1], [0, 0, 1, 1], [], []>, transpose_lhs_hint = false} : vector<1x64xf32>, vector<64x256xf32>, vector<1x256xf32> -> vector<1x256xf32>
    %get3A_112 = arith.constant 0 : index
    %get3A_113 = arith.constant 0 : index
    %get3A_114 = vector.load %arg6[%get3A_112, %get3A_113] : memref<1x64xf32, #tpu.memory_space<vmem>>, vector<1x64xf32>
    %get3A_115 = arith.constant 0 : index
    %get3A_116 = arith.constant 0 : index
    %get3A_117 = vector.load %arg7[%get3A_115, %get3A_116] : memref<64x256xf32, #tpu.memory_space<vmem>>, vector<64x256xf32>
    %dot_general3A_118 = arith.constant dense<0.000000e+00> : vector<1x256xf32>
    %dot_general3A_119 = tpu.matmul %get3A_114, %get3A_117, %dot_general3A_118 {dimension_numbers = #tpu.dot_dimension_numbers<[1], [0], [0], [1], [0, 0, 1, 1], [], []>, transpose_lhs_hint = false} : vector<1x64xf32>, vector<64x256xf32>, vector<1x256xf32> -> vector<1x256xf32>
    %dot_general3A_120 = arith.constant dense<0.000000e+00> : vector<1x128xf32>
    %dot_general3A_121 = tpu.matmul %dot_general3A_111, %convert_element_type3A_61, %dot_general3A_120 {dimension_numbers = #tpu.dot_dimension_numbers<[1], [0], [0], [1], [0, 0, 1, 1], [], []>, transpose_lhs_hint = false} : vector<1x256xf32>, vector<256x128xf32>, vector<1x128xf32> -> vector<1x128xf32>
    %dot_general3A_122 = arith.constant dense<0.000000e+00> : vector<1x128xf32>
    %dot_general3A_123 = tpu.matmul %dot_general3A_111, %convert_element_type3A_67, %dot_general3A_122 {dimension_numbers = #tpu.dot_dimension_numbers<[1], [0], [0], [1], [0, 0, 1, 1], [], []>, transpose_lhs_hint = false} : vector<1x256xf32>, vector<256x128xf32>, vector<1x128xf32> -> vector<1x128xf32>
    %dot_general3A_124 = arith.constant dense<0.000000e+00> : vector<1x128xf32>
    %dot_general3A_125 = tpu.matmul %dot_general3A_119, %convert_element_type3A_61, %dot_general3A_124 {dimension_numbers = #tpu.dot_dimension_numbers<[1], [0], [0], [1], [0, 0, 1, 1], [], []>, transpose_lhs_hint = false} : vector<1x256xf32>, vector<256x128xf32>, vector<1x128xf32> -> vector<1x128xf32>
    %dot_general3A_126 = arith.constant dense<0.000000e+00> : vector<1x128xf32>
    %dot_general3A_127 = tpu.matmul %dot_general3A_119, %convert_element_type3A_67, %dot_general3A_126 {dimension_numbers = #tpu.dot_dimension_numbers<[1], [0], [0], [1], [0, 0, 1, 1], [], []>, transpose_lhs_hint = false} : vector<1x256xf32>, vector<256x128xf32>, vector<1x128xf32> -> vector<1x128xf32>
    %broadcast_in_dim3A = arith.constant 0.000000e+00 : f32
    %broadcast_in_dim3A_128 = vector.broadcast %broadcast_in_dim3A : f32 to vector<1000x120xf32>
    %broadcast_in_dim3A_129 = arith.constant 0.000000e+00 : f32
    %broadcast_in_dim3A_130 = vector.broadcast %broadcast_in_dim3A_129 : f32 to vector<1000x120xf32>
    %mul3A_131 = vector.broadcast %dot_general3A_121 : vector<1x128xf32> to vector<1000x128xf32>
    %mul3A_132 = arith.mulf %dot_general3A_13, %mul3A_131 : vector<1000x128xf32>
    %dot_general3A_133 = arith.constant dense<0.000000e+00> : vector<1000x8xf32>
    %dot_general3A_134 = tpu.matmul %mul3A_132, %convert_element_type3A_103, %dot_general3A_133 {dimension_numbers = #tpu.dot_dimension_numbers<[1], [0], [0], [1], [0, 0, 1, 1], [], []>, transpose_lhs_hint = false} : vector<1000x128xf32>, vector<128x8xf32>, vector<1000x8xf32> -> vector<1000x8xf32>
    %mul3A_135 = vector.broadcast %dot_general3A_123 : vector<1x128xf32> to vector<1000x128xf32>
    %mul3A_136 = arith.mulf %dot_general3A_5, %mul3A_135 : vector<1000x128xf32>
    %dot_general3A_137 = arith.constant dense<0.000000e+00> : vector<1000x8xf32>
    %dot_general3A_138 = tpu.matmul %mul3A_136, %convert_element_type3A_103, %dot_general3A_137 {dimension_numbers = #tpu.dot_dimension_numbers<[1], [0], [0], [1], [0, 0, 1, 1], [], []>, transpose_lhs_hint = false} : vector<1000x128xf32>, vector<128x8xf32>, vector<1000x8xf32> -> vector<1000x8xf32>
    %concatenate3A = tpu.concatenate %dot_general3A_13, %dot_general3A_134, %broadcast_in_dim3A_128 in 1 : vector<1000x128xf32>, vector<1000x8xf32>, vector<1000x120xf32> -> vector<1000x256xf32>
    %swap3A = arith.constant 0 : index
    %swap3A_139 = arith.constant 0 : index
    %swap3A_140 = vector.load %arg12[%swap3A, %swap3A_139] : memref<1000x256xf32, #tpu.memory_space<vmem>>, vector<1000x256xf32>
    tpu.vector_store %arg12[%swap3A, %swap3A_139], %concatenate3A {strides = array<i32>} : memref<1000x256xf32, #tpu.memory_space<vmem>>, vector<1000x256xf32>,
    %concatenate3A_141 = tpu.concatenate %dot_general3A_138, %broadcast_in_dim3A_130 in 1 : vector<1000x8xf32>, vector<1000x120xf32> -> vector<1000x128xf32>
    %swap3A_142 = arith.constant 0 : index
    %swap3A_143 = arith.constant 0 : index
    %swap3A_144 = vector.load %arg13[%swap3A_142, %swap3A_143] : memref<1000x128xf32, #tpu.memory_space<vmem>>, vector<1000x128xf32>
    tpu.vector_store %arg13[%swap3A_142, %swap3A_143], %concatenate3A_141 {strides = array<i32>} : memref<1000x128xf32, #tpu.memory_space<vmem>>, vector<1000x128xf32>,
    %mul3A_145 = vector.broadcast %dot_general3A_125 : vector<1x128xf32> to vector<1000x128xf32>
    %mul3A_146 = arith.mulf %dot_general3A_5, %mul3A_145 : vector<1000x128xf32>
    %dot_general3A_147 = arith.constant dense<0.000000e+00> : vector<1000x8xf32>
    %dot_general3A_148 = tpu.matmul %mul3A_146, %convert_element_type3A_103, %dot_general3A_147 {dimension_numbers = #tpu.dot_dimension_numbers<[1], [0], [0], [1], [0, 0, 1, 1], [], []>, transpose_lhs_hint = false} : vector<1000x128xf32>, vector<128x8xf32>, vector<1000x8xf32> -> vector<1000x8xf32>
    %mul3A_149 = vector.broadcast %dot_general3A_127 : vector<1x128xf32> to vector<1000x128xf32>
    %mul3A_150 = arith.mulf %dot_general3A_13, %mul3A_149 : vector<1000x128xf32>
    %dot_general3A_151 = arith.constant dense<0.000000e+00> : vector<1000x8xf32>
    %dot_general3A_152 = tpu.matmul %mul3A_150, %convert_element_type3A_103, %dot_general3A_151 {dimension_numbers = #tpu.dot_dimension_numbers<[1], [0], [0], [1], [0, 0, 1, 1], [], []>, transpose_lhs_hint = false} : vector<1000x128xf32>, vector<128x8xf32>, vector<1000x8xf32> -> vector<1000x8xf32>
    %concatenate3A_153 = tpu.concatenate %dot_general3A_5, %dot_general3A_148, %broadcast_in_dim3A_128 in 1 : vector<1000x128xf32>, vector<1000x8xf32>, vector<1000x120xf32> -> vector<1000x256xf32>
    %swap3A_154 = arith.constant 0 : index
    %swap3A_155 = arith.constant 0 : index
    %swap3A_156 = vector.load %arg14[%swap3A_154, %swap3A_155] : memref<1000x256xf32, #tpu.memory_space<vmem>>, vector<1000x256xf32>
    tpu.vector_store %arg14[%swap3A_154, %swap3A_155], %concatenate3A_153 {strides = array<i32>} : memref<1000x256xf32, #tpu.memory_space<vmem>>, vector<1000x256xf32>,
    %concatenate3A_157 = tpu.concatenate %dot_general3A_152, %broadcast_in_dim3A_130 in 1 : vector<1000x8xf32>, vector<1000x120xf32> -> vector<1000x128xf32>
    %swap3A_158 = arith.constant 0 : index
    %swap3A_159 = arith.constant 0 : index
    %swap3A_160 = vector.load %arg15[%swap3A_158, %swap3A_159] : memref<1000x128xf32, #tpu.memory_space<vmem>>, vector<1000x128xf32>
    tpu.vector_store %arg15[%swap3A_158, %swap3A_159], %concatenate3A_157 {strides = array<i32>} : memref<1000x128xf32, #tpu.memory_space<vmem>>, vector<1000x128xf32>,
    %eq3A_161 = arith.constant 0 : i32
    %eq3A_162 = arith.cmpi eq, %arg0, %eq3A_161 : i32
    %convert_element_type3A_163 = arith.extui %eq3A_162 : i1 to i32
    %cond3A = arith.constant 0 : i32
    %cond3A_164 = arith.cmpi ne, %convert_element_type3A_163, %cond3A : i32
    scf.if %cond3A_164 {
      %get3A_165 = arith.constant 0 : index
      %get3A_166 = arith.constant 0 : index
      %get3A_167 = vector.load %arg4[%get3A_165, %get3A_166] : memref<1x64xf32, #tpu.memory_space<vmem>>, vector<1x64xf32>
      %get3A_168 = arith.constant 0 : index
      %get3A_169 = arith.constant 0 : index
      %get3A_170 = vector.load %arg8[%get3A_168, %get3A_169] : memref<64x64xf32, #tpu.memory_space<vmem>>, vector<64x64xf32>
      %dot_general3A_171 = arith.constant dense<0.000000e+00> : vector<1x64xf32>
      %dot_general3A_172 = tpu.matmul %get3A_167, %get3A_170, %dot_general3A_171 {dimension_numbers = #tpu.dot_dimension_numbers<[1], [0], [0], [1], [0, 0, 1, 1], [], []>, transpose_lhs_hint = false} : vector<1x64xf32>, vector<64x64xf32>, vector<1x64xf32> -> vector<1x64xf32>
      %get3A_173 = arith.constant 0 : index
      %get3A_174 = arith.constant 0 : index
      %get3A_175 = vector.load %arg9[%get3A_173, %get3A_174] : memref<1x64xf32, #tpu.memory_space<vmem>>, vector<1x64xf32>
      %add3A_176 = arith.addf %dot_general3A_172, %get3A_175 : vector<1x64xf32>
      %swap3A_177 = arith.constant 0 : index
      %swap3A_178 = arith.constant 0 : index
      %swap3A_179 = vector.load %arg16[%swap3A_177, %swap3A_178] : memref<1x64xf32, #tpu.memory_space<vmem>>, vector<1x64xf32>
      tpu.vector_store %arg16[%swap3A_177, %swap3A_178], %add3A_176 {strides = array<i32>} : memref<1x64xf32, #tpu.memory_space<vmem>>, vector<1x64xf32>,
      %get3A_180 = arith.constant 0 : index
      %get3A_181 = arith.constant 0 : index
      %get3A_182 = vector.load %arg6[%get3A_180, %get3A_181] : memref<1x64xf32, #tpu.memory_space<vmem>>, vector<1x64xf32>
      %get3A_183 = arith.constant 0 : index
      %get3A_184 = arith.constant 0 : index
      %get3A_185 = vector.load %arg10[%get3A_183, %get3A_184] : memref<64x64xf32, #tpu.memory_space<vmem>>, vector<64x64xf32>
      %dot_general3A_186 = arith.constant dense<0.000000e+00> : vector<1x64xf32>
      %dot_general3A_187 = tpu.matmul %get3A_182, %get3A_185, %dot_general3A_186 {dimension_numbers = #tpu.dot_dimension_numbers<[1], [0], [0], [1], [0, 0, 1, 1], [], []>, transpose_lhs_hint = false} : vector<1x64xf32>, vector<64x64xf32>, vector<1x64xf32> -> vector<1x64xf32>
      %get3A_188 = arith.constant 0 : index
      %get3A_189 = arith.constant 0 : index
      %get3A_190 = vector.load %arg11[%get3A_188, %get3A_189] : memref<1x64xf32, #tpu.memory_space<vmem>>, vector<1x64xf32>
      %add3A_191 = arith.addf %dot_general3A_187, %get3A_190 : vector<1x64xf32>
      %swap3A_192 = arith.constant 0 : index
      %swap3A_193 = arith.constant 0 : index
      %swap3A_194 = vector.load %arg17[%swap3A_192, %swap3A_193] : memref<1x64xf32, #tpu.memory_space<vmem>>, vector<1x64xf32>
      tpu.vector_store %arg17[%swap3A_192, %swap3A_193], %add3A_191 {strides = array<i32>} : memref<1x64xf32, #tpu.memory_space<vmem>>, vector<1x64xf32>,
    } else {
    }
    return
  }
  func.func @transform_0(%arg0: i32) -> (i32, i32) {
    %c0_i32 = arith.constant 0 : i32
    %c0_i32_0 = arith.constant 0 : i32
    return %arg0, %c0_i32 : i32, i32
  }
  func.func @transform_1(%arg0: i32) -> (i32, i32) {
    %c0_i32 = arith.constant 0 : i32
    %c0_i32_0 = arith.constant 0 : i32
    return %arg0, %c0_i32 : i32, i32
  }
  func.func @transform_2(%arg0: i32) -> (i32, i32) {
    %c0_i32 = arith.constant 0 : i32
    %c0_i32_0 = arith.constant 0 : i32
    %c0_i32_1 = arith.constant 0 : i32
    return %c0_i32, %c0_i32_0 : i32, i32
  }
  func.func @transform_3(%arg0: i32) -> (i32, i32) {
    %c0_i32 = arith.constant 0 : i32
    %c0_i32_0 = arith.constant 0 : i32
    %c0_i32_1 = arith.constant 0 : i32
    return %c0_i32, %c0_i32_0 : i32, i32
  }
  func.func @transform_4(%arg0: i32) -> (i32, i32) {
    %c0_i32 = arith.constant 0 : i32
    %c0_i32_0 = arith.constant 0 : i32
    %c0_i32_1 = arith.constant 0 : i32
    return %c0_i32, %c0_i32_0 : i32, i32
  }
  func.func @transform_5(%arg0: i32) -> (i32, i32) {
    %c0_i32 = arith.constant 0 : i32
    %c0_i32_0 = arith.constant 0 : i32
    %c0_i32_1 = arith.constant 0 : i32
    return %c0_i32, %c0_i32_0 : i32, i32
  }
  func.func @transform_6(%arg0: i32) -> (i32, i32) {
    %c0_i32 = arith.constant 0 : i32
    %c0_i32_0 = arith.constant 0 : i32
    %c0_i32_1 = arith.constant 0 : i32
    return %c0_i32, %c0_i32_0 : i32, i32
  }
  func.func @transform_7(%arg0: i32) -> (i32, i32) {
    %c0_i32 = arith.constant 0 : i32
    %c0_i32_0 = arith.constant 0 : i32
    %c0_i32_1 = arith.constant 0 : i32
    return %c0_i32, %c0_i32_0 : i32, i32
  }
  func.func @transform_8(%arg0: i32) -> (i32, i32) {
    %c0_i32 = arith.constant 0 : i32
    %c0_i32_0 = arith.constant 0 : i32
    %c0_i32_1 = arith.constant 0 : i32
    return %c0_i32, %c0_i32_0 : i32, i32
  }
  func.func @transform_9(%arg0: i32) -> (i32, i32) {
    %c0_i32 = arith.constant 0 : i32
    %c0_i32_0 = arith.constant 0 : i32
    %c0_i32_1 = arith.constant 0 : i32
    return %c0_i32, %c0_i32_0 : i32, i32
  }
  func.func @transform_10(%arg0: i32) -> (i32, i32) {
    %c0_i32 = arith.constant 0 : i32
    %c0_i32_0 = arith.constant 0 : i32
    %c0_i32_1 = arith.constant 0 : i32
    return %c0_i32, %c0_i32_0 : i32, i32
  }
  func.func @transform_11(%arg0: i32) -> (i32, i32) {
    %c0_i32 = arith.constant 0 : i32
    %c0_i32_0 = arith.constant 0 : i32
    return %arg0, %c0_i32 : i32, i32
  }
  func.func @transform_12(%arg0: i32) -> (i32, i32) {
    %c0_i32 = arith.constant 0 : i32
    %c0_i32_0 = arith.constant 0 : i32
    return %arg0, %c0_i32 : i32, i32
  }
  func.func @transform_13(%arg0: i32) -> (i32, i32) {
    %c0_i32 = arith.constant 0 : i32
    %c0_i32_0 = arith.constant 0 : i32
    return %arg0, %c0_i32 : i32, i32
  }
  func.func @transform_14(%arg0: i32) -> (i32, i32) {
    %c0_i32 = arith.constant 0 : i32
    %c0_i32_0 = arith.constant 0 : i32
    return %arg0, %c0_i32 : i32, i32
  }
  func.func @transform_15(%arg0: i32) -> (i32, i32) {
    %c0_i32 = arith.constant 0 : i32
    %c0_i32_0 = arith.constant 0 : i32
    %c0_i32_1 = arith.constant 0 : i32
    return %c0_i32, %c0_i32_0 : i32, i32
  }
  func.func @transform_16(%arg0: i32) -> (i32, i32) {
    %c0_i32 = arith.constant 0 : i32
    %c0_i32_0 = arith.constant 0 : i32
    %c0_i32_1 = arith.constant 0 : i32
    return %c0_i32, %c0_i32_0 : i32, i32
  }
}

module attributes {stable_mosaic.version = 14 : i64} {
  func.func @_tc2_body(%arg0: i32, %arg1: memref<512x128xf32, #tpu.memory_space<vmem>>, %arg2: memref<512x128xf32, #tpu.memory_space<vmem>>, %arg3: memref<512x8xf32, #tpu.memory_space<vmem>>, %arg4: memref<512x8xf32, #tpu.memory_space<vmem>>, %arg5: memref<512x128xf32, #tpu.memory_space<vmem>>, %arg6: memref<512x128xf32, #tpu.memory_space<vmem>>, %arg7: memref<128x128xf32, #tpu.memory_space<vmem>>, %arg8: memref<1x128xf32, #tpu.memory_space<vmem>>, %arg9: memref<1x1xf32, #tpu.memory_space<vmem>>, %arg10: memref<1x128xf32, #tpu.memory_space<vmem>>, %arg11: memref<1x128xf32, #tpu.memory_space<vmem>>, %arg12: memref<512x128xf32, #tpu.memory_space<vmem>>, %arg13: memref<512x128xf32, #tpu.memory_space<vmem>>) attributes {dimension_semantics = [#tpu.dimension_semantics<arbitrary>], iteration_bounds = array<i64: 20>, scalar_prefetch = 0 : i64, scratch_operands = 0 : i64, tpu.core_type = #tpu.core_type<tc>, window_params = [{transform_indices = @transform_0, window_bounds = array<i64: 512, 128>}, {transform_indices = @transform_1, window_bounds = array<i64: 512, 128>}, {transform_indices = @transform_2, window_bounds = array<i64: 512, 8>}, {transform_indices = @transform_3, window_bounds = array<i64: 512, 8>}, {transform_indices = @transform_4, window_bounds = array<i64: 512, 128>}, {transform_indices = @transform_5, window_bounds = array<i64: 512, 128>}, {pipeline_mode = #tpu.pipeline_mode<synchronous>, transform_indices = @transform_6, window_bounds = array<i64: 128, 128>}, {pipeline_mode = #tpu.pipeline_mode<synchronous>, transform_indices = @transform_7, window_bounds = array<i64: 1, 128>}, {pipeline_mode = #tpu.pipeline_mode<synchronous>, transform_indices = @transform_8, window_bounds = array<i64: 1, 1>}, {pipeline_mode = #tpu.pipeline_mode<synchronous>, transform_indices = @transform_9, window_bounds = array<i64: 1, 128>}, {pipeline_mode = #tpu.pipeline_mode<synchronous>, transform_indices = @transform_10, window_bounds = array<i64: 1, 128>}, {transform_indices = @transform_11, window_bounds = array<i64: 512, 128>}, {transform_indices = @transform_12, window_bounds = array<i64: 512, 128>}]} {
    %iota3A = tpu.iota {dimensions = array<i32: 0>} : vector<128x8xi32>
    %iota3A_0 = tpu.iota {dimensions = array<i32: 1>} : vector<128x8xi32>
    %jit3A = arith.constant 16 : i32
    %div3A = vector.broadcast %jit3A : i32 to vector<128x8xi32>
    %div3A_1 = arith.divsi %iota3A, %div3A : vector<128x8xi32>
    %sign3A = arith.constant 0 : i32
    %sign3A_2 = vector.broadcast %sign3A : i32 to vector<128x8xi32>
    %sign3A_3 = arith.cmpi sgt, %iota3A, %sign3A_2 : vector<128x8xi32>
    %sign3A_4 = arith.extui %sign3A_3 : vector<128x8xi1> to vector<128x8xi32>
    %sign3A_5 = arith.constant 0 : i32
    %sign3A_6 = vector.broadcast %sign3A_5 : i32 to vector<128x8xi32>
    %sign3A_7 = arith.cmpi slt, %iota3A, %sign3A_6 : vector<128x8xi32>
    %sign3A_8 = arith.extui %sign3A_7 : vector<128x8xi1> to vector<128x8xi32>
    %sign3A_9 = arith.subi %sign3A_4, %sign3A_8 : vector<128x8xi32>
    %sign3A_10 = arith.constant 0 : i32
    %sign3A_11 = arith.cmpi sgt, %jit3A, %sign3A_10 : i32
    %sign3A_12 = arith.extui %sign3A_11 : i1 to i32
    %sign3A_13 = arith.constant 0 : i32
    %sign3A_14 = arith.cmpi slt, %jit3A, %sign3A_13 : i32
    %sign3A_15 = arith.extui %sign3A_14 : i1 to i32
    %sign3A_16 = arith.subi %sign3A_12, %sign3A_15 : i32
    %ne3A = vector.broadcast %sign3A_16 : i32 to vector<128x8xi32>
    %ne3A_17 = arith.cmpi ne, %sign3A_9, %ne3A : vector<128x8xi32>
    %rem3A = vector.broadcast %jit3A : i32 to vector<128x8xi32>
    %rem3A_18 = arith.remsi %iota3A, %rem3A : vector<128x8xi32>
    %ne3A_19 = arith.constant 0 : i32
    %ne3A_20 = vector.broadcast %ne3A_19 : i32 to vector<128x8xi32>
    %ne3A_21 = arith.cmpi ne, %rem3A_18, %ne3A_20 : vector<128x8xi32>
    %and3A = arith.andi %ne3A_17, %ne3A_21 : vector<128x8xi1>
    %sub3A = arith.constant 1 : i32
    %sub3A_22 = vector.broadcast %sub3A : i32 to vector<128x8xi32>
    %sub3A_23 = arith.subi %div3A_1, %sub3A_22 : vector<128x8xi32>
    %select_n3A = arith.select %and3A, %sub3A_23, %div3A_1 : vector<128x8xi1>, vector<128x8xi32>
    %eq3A = arith.cmpi eq, %select_n3A, %iota3A_0 : vector<128x8xi32>
    %convert_element_type3A = arith.extui %eq3A : vector<128x8xi1> to vector<128x8xi32>
    %convert_element_type3A_24 = arith.sitofp %convert_element_type3A : vector<128x8xi32> to vector<128x8xf32>
    %iota3A_25 = tpu.iota {dimensions = array<i32: 0>} : vector<8x128xi32>
    %iota3A_26 = tpu.iota {dimensions = array<i32: 1>} : vector<8x128xi32>
    %jit3A_27 = arith.constant 16 : i32
    %div3A_28 = vector.broadcast %jit3A_27 : i32 to vector<8x128xi32>
    %div3A_29 = arith.divsi %iota3A_26, %div3A_28 : vector<8x128xi32>
    %sign3A_30 = arith.constant 0 : i32
    %sign3A_31 = vector.broadcast %sign3A_30 : i32 to vector<8x128xi32>
    %sign3A_32 = arith.cmpi sgt, %iota3A_26, %sign3A_31 : vector<8x128xi32>
    %sign3A_33 = arith.extui %sign3A_32 : vector<8x128xi1> to vector<8x128xi32>
    %sign3A_34 = arith.constant 0 : i32
    %sign3A_35 = vector.broadcast %sign3A_34 : i32 to vector<8x128xi32>
    %sign3A_36 = arith.cmpi slt, %iota3A_26, %sign3A_35 : vector<8x128xi32>
    %sign3A_37 = arith.extui %sign3A_36 : vector<8x128xi1> to vector<8x128xi32>
    %sign3A_38 = arith.subi %sign3A_33, %sign3A_37 : vector<8x128xi32>
    %sign3A_39 = arith.constant 0 : i32
    %sign3A_40 = arith.cmpi sgt, %jit3A_27, %sign3A_39 : i32
    %sign3A_41 = arith.extui %sign3A_40 : i1 to i32
    %sign3A_42 = arith.constant 0 : i32
    %sign3A_43 = arith.cmpi slt, %jit3A_27, %sign3A_42 : i32
    %sign3A_44 = arith.extui %sign3A_43 : i1 to i32
    %sign3A_45 = arith.subi %sign3A_41, %sign3A_44 : i32
    %ne3A_46 = vector.broadcast %sign3A_45 : i32 to vector<8x128xi32>
    %ne3A_47 = arith.cmpi ne, %sign3A_38, %ne3A_46 : vector<8x128xi32>
    %rem3A_48 = vector.broadcast %jit3A_27 : i32 to vector<8x128xi32>
    %rem3A_49 = arith.remsi %iota3A_26, %rem3A_48 : vector<8x128xi32>
    %ne3A_50 = arith.constant 0 : i32
    %ne3A_51 = vector.broadcast %ne3A_50 : i32 to vector<8x128xi32>
    %ne3A_52 = arith.cmpi ne, %rem3A_49, %ne3A_51 : vector<8x128xi32>
    %and3A_53 = arith.andi %ne3A_47, %ne3A_52 : vector<8x128xi1>
    %sub3A_54 = arith.constant 1 : i32
    %sub3A_55 = vector.broadcast %sub3A_54 : i32 to vector<8x128xi32>
    %sub3A_56 = arith.subi %div3A_29, %sub3A_55 : vector<8x128xi32>
    %select_n3A_57 = arith.select %and3A_53, %sub3A_56, %div3A_29 : vector<8x128xi1>, vector<8x128xi32>
    %eq3A_58 = arith.cmpi eq, %select_n3A_57, %iota3A_25 : vector<8x128xi32>
    %convert_element_type3A_59 = arith.extui %eq3A_58 : vector<8x128xi1> to vector<8x128xi32>
    %convert_element_type3A_60 = arith.sitofp %convert_element_type3A_59 : vector<8x128xi32> to vector<8x128xf32>
    %get3A = arith.constant 0 : index
    %get3A_61 = arith.constant 0 : index
    %get3A_62 = vector.load %arg9[%get3A, %get3A_61] : memref<1x1xf32, #tpu.memory_space<vmem>>, vector<1x1xf32>
    %get3A_63 = vector.extract %get3A_62[0, 0] : f32 from vector<1x1xf32>
    %logistic3A = arith.negf %get3A_63 : f32
    %logistic3A_64 = math.exp %logistic3A : f32
    %logistic3A_65 = arith.constant 1.000000e+00 : f32
    %logistic3A_66 = arith.addf %logistic3A_65, %logistic3A_64 : f32
    %logistic3A_67 = arith.divf %logistic3A_65, %logistic3A_66 : f32
    %get3A_68 = arith.constant 0 : index
    %get3A_69 = arith.constant 0 : index
    %get3A_70 = vector.load %arg1[%get3A_68, %get3A_69] : memref<512x128xf32, #tpu.memory_space<vmem>>, vector<512x128xf32>
    %get3A_71 = arith.constant 0 : index
    %get3A_72 = arith.constant 0 : index
    %get3A_73 = vector.load %arg3[%get3A_71, %get3A_72] : memref<512x8xf32, #tpu.memory_space<vmem>>, vector<512x8xf32>
    %dot_general3A = arith.constant dense<0.000000e+00> : vector<512x128xf32>
    %dot_general3A_74 = tpu.matmul %get3A_73, %convert_element_type3A_60, %dot_general3A {dimension_numbers = #tpu.dot_dimension_numbers<[1], [0], [0], [1], [0, 0, 1, 1], [], []>, transpose_lhs_hint = false} : vector<512x8xf32>, vector<8x128xf32>, vector<512x128xf32> -> vector<512x128xf32>
    %add3A = arith.constant 1.000000e-16 : f32
    %add3A_75 = vector.broadcast %add3A : f32 to vector<512x128xf32>
    %add3A_76 = arith.addf %dot_general3A_74, %add3A_75 : vector<512x128xf32>
    %div3A_77 = arith.divf %get3A_70, %add3A_76 : vector<512x128xf32>
    %max3A = arith.constant 0.000000e+00 : f32
    %max3A_78 = vector.broadcast %max3A : f32 to vector<512x128xf32>
    %max3A_79 = arith.maximumf %div3A_77, %max3A_78 : vector<512x128xf32>
    %get3A_80 = arith.constant 0 : index
    %get3A_81 = arith.constant 0 : index
    %get3A_82 = vector.load %arg5[%get3A_80, %get3A_81] : memref<512x128xf32, #tpu.memory_space<vmem>>, vector<512x128xf32>
    %get3A_83 = arith.constant 0 : index
    %get3A_84 = arith.constant 0 : index
    %get3A_85 = vector.load %arg7[%get3A_83, %get3A_84] : memref<128x128xf32, #tpu.memory_space<vmem>>, vector<128x128xf32>
    %dot_general3A_86 = arith.constant dense<0.000000e+00> : vector<512x128xf32>
    %dot_general3A_87 = tpu.matmul %get3A_82, %get3A_85, %dot_general3A_86 {dimension_numbers = #tpu.dot_dimension_numbers<[1], [0], [0], [1], [0, 0, 1, 1], [], []>, transpose_lhs_hint = false} : vector<512x128xf32>, vector<128x128xf32>, vector<512x128xf32> -> vector<512x128xf32>
    %get3A_88 = arith.constant 0 : index
    %get3A_89 = arith.constant 0 : index
    %get3A_90 = vector.load %arg8[%get3A_88, %get3A_89] : memref<1x128xf32, #tpu.memory_space<vmem>>, vector<1x128xf32>
    %add3A_91 = vector.broadcast %get3A_90 : vector<1x128xf32> to vector<512x128xf32>
    %add3A_92 = arith.addf %dot_general3A_87, %add3A_91 : vector<512x128xf32>
    %mul3A = vector.broadcast %logistic3A_67 : f32 to vector<512x128xf32>
    %mul3A_93 = arith.mulf %max3A_79, %mul3A : vector<512x128xf32>
    %sub3A_94 = arith.constant 1.000000e+00 : f32
    %sub3A_95 = arith.subf %sub3A_94, %logistic3A_67 : f32
    %mul3A_96 = vector.broadcast %sub3A_95 : f32 to vector<512x128xf32>
    %mul3A_97 = arith.mulf %add3A_92, %mul3A_96 : vector<512x128xf32>
    %add3A_98 = arith.addf %mul3A_93, %mul3A_97 : vector<512x128xf32>
    %get3A_99 = arith.constant 0 : index
    %get3A_100 = arith.constant 0 : index
    %get3A_101 = vector.load %arg2[%get3A_99, %get3A_100] : memref<512x128xf32, #tpu.memory_space<vmem>>, vector<512x128xf32>
    %get3A_102 = arith.constant 0 : index
    %get3A_103 = arith.constant 0 : index
    %get3A_104 = vector.load %arg4[%get3A_102, %get3A_103] : memref<512x8xf32, #tpu.memory_space<vmem>>, vector<512x8xf32>
    %dot_general3A_105 = arith.constant dense<0.000000e+00> : vector<512x128xf32>
    %dot_general3A_106 = tpu.matmul %get3A_104, %convert_element_type3A_60, %dot_general3A_105 {dimension_numbers = #tpu.dot_dimension_numbers<[1], [0], [0], [1], [0, 0, 1, 1], [], []>, transpose_lhs_hint = false} : vector<512x8xf32>, vector<8x128xf32>, vector<512x128xf32> -> vector<512x128xf32>
    %add3A_107 = arith.constant 1.000000e-16 : f32
    %add3A_108 = vector.broadcast %add3A_107 : f32 to vector<512x128xf32>
    %add3A_109 = arith.addf %dot_general3A_106, %add3A_108 : vector<512x128xf32>
    %div3A_110 = arith.divf %get3A_101, %add3A_109 : vector<512x128xf32>
    %max3A_111 = arith.constant 0.000000e+00 : f32
    %max3A_112 = vector.broadcast %max3A_111 : f32 to vector<512x128xf32>
    %max3A_113 = arith.maximumf %div3A_110, %max3A_112 : vector<512x128xf32>
    %get3A_114 = arith.constant 0 : index
    %get3A_115 = arith.constant 0 : index
    %get3A_116 = vector.load %arg6[%get3A_114, %get3A_115] : memref<512x128xf32, #tpu.memory_space<vmem>>, vector<512x128xf32>
    %get3A_117 = arith.constant 0 : index
    %get3A_118 = arith.constant 0 : index
    %get3A_119 = vector.load %arg7[%get3A_117, %get3A_118] : memref<128x128xf32, #tpu.memory_space<vmem>>, vector<128x128xf32>
    %dot_general3A_120 = arith.constant dense<0.000000e+00> : vector<512x128xf32>
    %dot_general3A_121 = tpu.matmul %get3A_116, %get3A_119, %dot_general3A_120 {dimension_numbers = #tpu.dot_dimension_numbers<[1], [0], [0], [1], [0, 0, 1, 1], [], []>, transpose_lhs_hint = false} : vector<512x128xf32>, vector<128x128xf32>, vector<512x128xf32> -> vector<512x128xf32>
    %get3A_122 = arith.constant 0 : index
    %get3A_123 = arith.constant 0 : index
    %get3A_124 = vector.load %arg8[%get3A_122, %get3A_123] : memref<1x128xf32, #tpu.memory_space<vmem>>, vector<1x128xf32>
    %add3A_125 = vector.broadcast %get3A_124 : vector<1x128xf32> to vector<512x128xf32>
    %add3A_126 = arith.addf %dot_general3A_121, %add3A_125 : vector<512x128xf32>
    %mul3A_127 = vector.broadcast %logistic3A_67 : f32 to vector<512x128xf32>
    %mul3A_128 = arith.mulf %max3A_113, %mul3A_127 : vector<512x128xf32>
    %sub3A_129 = arith.constant 1.000000e+00 : f32
    %sub3A_130 = arith.subf %sub3A_129, %logistic3A_67 : f32
    %mul3A_131 = vector.broadcast %sub3A_130 : f32 to vector<512x128xf32>
    %mul3A_132 = arith.mulf %add3A_126, %mul3A_131 : vector<512x128xf32>
    %add3A_133 = arith.addf %mul3A_128, %mul3A_132 : vector<512x128xf32>
    %get3A_134 = arith.constant 0 : index
    %get3A_135 = arith.constant 0 : index
    %get3A_136 = vector.load %arg10[%get3A_134, %get3A_135] : memref<1x128xf32, #tpu.memory_space<vmem>>, vector<1x128xf32>
    %mul3A_137 = vector.broadcast %get3A_136 : vector<1x128xf32> to vector<512x128xf32>
    %mul3A_138 = arith.mulf %add3A_98, %mul3A_137 : vector<512x128xf32>
    %dot_general3A_139 = arith.constant dense<0.000000e+00> : vector<512x8xf32>
    %dot_general3A_140 = tpu.matmul %mul3A_138, %convert_element_type3A_24, %dot_general3A_139 {dimension_numbers = #tpu.dot_dimension_numbers<[1], [0], [0], [1], [0, 0, 1, 1], [], []>, transpose_lhs_hint = false} : vector<512x128xf32>, vector<128x8xf32>, vector<512x8xf32> -> vector<512x8xf32>
    %mul3A_141 = vector.broadcast %get3A_136 : vector<1x128xf32> to vector<512x128xf32>
    %mul3A_142 = arith.mulf %add3A_133, %mul3A_141 : vector<512x128xf32>
    %dot_general3A_143 = arith.constant dense<0.000000e+00> : vector<512x8xf32>
    %dot_general3A_144 = tpu.matmul %mul3A_142, %convert_element_type3A_24, %dot_general3A_143 {dimension_numbers = #tpu.dot_dimension_numbers<[1], [0], [0], [1], [0, 0, 1, 1], [], []>, transpose_lhs_hint = false} : vector<512x128xf32>, vector<128x8xf32>, vector<512x8xf32> -> vector<512x8xf32>
    %ge3A = arith.constant 0.000000e+00 : f32
    %ge3A_145 = vector.broadcast %ge3A : f32 to vector<512x8xf32>
    %ge3A_146 = arith.cmpf oge, %dot_general3A_140, %ge3A_145 : vector<512x8xf32>
    %mul3A_147 = arith.constant 2.000000e-01 : f32
    %mul3A_148 = vector.broadcast %mul3A_147 : f32 to vector<512x8xf32>
    %mul3A_149 = arith.mulf %dot_general3A_140, %mul3A_148 : vector<512x8xf32>
    %select_n3A_150 = arith.select %ge3A_146, %dot_general3A_140, %mul3A_149 : vector<512x8xi1>, vector<512x8xf32>
    %ge3A_151 = arith.constant 0.000000e+00 : f32
    %ge3A_152 = vector.broadcast %ge3A_151 : f32 to vector<512x8xf32>
    %ge3A_153 = arith.cmpf oge, %dot_general3A_144, %ge3A_152 : vector<512x8xf32>
    %mul3A_154 = arith.constant 2.000000e-01 : f32
    %mul3A_155 = vector.broadcast %mul3A_154 : f32 to vector<512x8xf32>
    %mul3A_156 = arith.mulf %dot_general3A_144, %mul3A_155 : vector<512x8xf32>
    %select_n3A_157 = arith.select %ge3A_153, %dot_general3A_144, %mul3A_156 : vector<512x8xi1>, vector<512x8xf32>
    %exp3A = math.exp %select_n3A_150 : vector<512x8xf32>
    %exp3A_158 = math.exp %select_n3A_157 : vector<512x8xf32>
    %add3A_159 = arith.addf %exp3A, %exp3A_158 : vector<512x8xf32>
    %div3A_160 = arith.divf %exp3A, %add3A_159 : vector<512x8xf32>
    %dot_general3A_161 = arith.constant dense<0.000000e+00> : vector<512x128xf32>
    %dot_general3A_162 = tpu.matmul %div3A_160, %convert_element_type3A_60, %dot_general3A_161 {dimension_numbers = #tpu.dot_dimension_numbers<[1], [0], [0], [1], [0, 0, 1, 1], [], []>, transpose_lhs_hint = false} : vector<512x8xf32>, vector<8x128xf32>, vector<512x128xf32> -> vector<512x128xf32>
    %div3A_163 = arith.divf %exp3A_158, %add3A_159 : vector<512x8xf32>
    %dot_general3A_164 = arith.constant dense<0.000000e+00> : vector<512x128xf32>
    %dot_general3A_165 = tpu.matmul %div3A_163, %convert_element_type3A_60, %dot_general3A_164 {dimension_numbers = #tpu.dot_dimension_numbers<[1], [0], [0], [1], [0, 0, 1, 1], [], []>, transpose_lhs_hint = false} : vector<512x8xf32>, vector<8x128xf32>, vector<512x128xf32> -> vector<512x128xf32>
    %mul3A_166 = arith.mulf %add3A_98, %dot_general3A_162 : vector<512x128xf32>
    %mul3A_167 = arith.mulf %add3A_133, %dot_general3A_165 : vector<512x128xf32>
    %add3A_168 = arith.addf %mul3A_166, %mul3A_167 : vector<512x128xf32>
    %swap3A = arith.constant 0 : index
    %swap3A_169 = arith.constant 0 : index
    %swap3A_170 = vector.load %arg12[%swap3A, %swap3A_169] : memref<512x128xf32, #tpu.memory_space<vmem>>, vector<512x128xf32>
    tpu.vector_store %arg12[%swap3A, %swap3A_169], %add3A_168 {strides = array<i32>} : memref<512x128xf32, #tpu.memory_space<vmem>>, vector<512x128xf32>,
    %get3A_171 = arith.constant 0 : index
    %get3A_172 = arith.constant 0 : index
    %get3A_173 = vector.load %arg11[%get3A_171, %get3A_172] : memref<1x128xf32, #tpu.memory_space<vmem>>, vector<1x128xf32>
    %mul3A_174 = vector.broadcast %get3A_173 : vector<1x128xf32> to vector<512x128xf32>
    %mul3A_175 = arith.mulf %add3A_98, %mul3A_174 : vector<512x128xf32>
    %dot_general3A_176 = arith.constant dense<0.000000e+00> : vector<512x8xf32>
    %dot_general3A_177 = tpu.matmul %mul3A_175, %convert_element_type3A_24, %dot_general3A_176 {dimension_numbers = #tpu.dot_dimension_numbers<[1], [0], [0], [1], [0, 0, 1, 1], [], []>, transpose_lhs_hint = false} : vector<512x128xf32>, vector<128x8xf32>, vector<512x8xf32> -> vector<512x8xf32>
    %mul3A_178 = vector.broadcast %get3A_173 : vector<1x128xf32> to vector<512x128xf32>
    %mul3A_179 = arith.mulf %add3A_133, %mul3A_178 : vector<512x128xf32>
    %dot_general3A_180 = arith.constant dense<0.000000e+00> : vector<512x8xf32>
    %dot_general3A_181 = tpu.matmul %mul3A_179, %convert_element_type3A_24, %dot_general3A_180 {dimension_numbers = #tpu.dot_dimension_numbers<[1], [0], [0], [1], [0, 0, 1, 1], [], []>, transpose_lhs_hint = false} : vector<512x128xf32>, vector<128x8xf32>, vector<512x8xf32> -> vector<512x8xf32>
    %ge3A_182 = arith.constant 0.000000e+00 : f32
    %ge3A_183 = vector.broadcast %ge3A_182 : f32 to vector<512x8xf32>
    %ge3A_184 = arith.cmpf oge, %dot_general3A_177, %ge3A_183 : vector<512x8xf32>
    %mul3A_185 = arith.constant 2.000000e-01 : f32
    %mul3A_186 = vector.broadcast %mul3A_185 : f32 to vector<512x8xf32>
    %mul3A_187 = arith.mulf %dot_general3A_177, %mul3A_186 : vector<512x8xf32>
    %select_n3A_188 = arith.select %ge3A_184, %dot_general3A_177, %mul3A_187 : vector<512x8xi1>, vector<512x8xf32>
    %ge3A_189 = arith.constant 0.000000e+00 : f32
    %ge3A_190 = vector.broadcast %ge3A_189 : f32 to vector<512x8xf32>
    %ge3A_191 = arith.cmpf oge, %dot_general3A_181, %ge3A_190 : vector<512x8xf32>
    %mul3A_192 = arith.constant 2.000000e-01 : f32
    %mul3A_193 = vector.broadcast %mul3A_192 : f32 to vector<512x8xf32>
    %mul3A_194 = arith.mulf %dot_general3A_181, %mul3A_193 : vector<512x8xf32>
    %select_n3A_195 = arith.select %ge3A_191, %dot_general3A_181, %mul3A_194 : vector<512x8xi1>, vector<512x8xf32>
    %exp3A_196 = math.exp %select_n3A_188 : vector<512x8xf32>
    %exp3A_197 = math.exp %select_n3A_195 : vector<512x8xf32>
    %add3A_198 = arith.addf %exp3A_196, %exp3A_197 : vector<512x8xf32>
    %div3A_199 = arith.divf %exp3A_196, %add3A_198 : vector<512x8xf32>
    %dot_general3A_200 = arith.constant dense<0.000000e+00> : vector<512x128xf32>
    %dot_general3A_201 = tpu.matmul %div3A_199, %convert_element_type3A_60, %dot_general3A_200 {dimension_numbers = #tpu.dot_dimension_numbers<[1], [0], [0], [1], [0, 0, 1, 1], [], []>, transpose_lhs_hint = false} : vector<512x8xf32>, vector<8x128xf32>, vector<512x128xf32> -> vector<512x128xf32>
    %div3A_202 = arith.divf %exp3A_197, %add3A_198 : vector<512x8xf32>
    %dot_general3A_203 = arith.constant dense<0.000000e+00> : vector<512x128xf32>
    %dot_general3A_204 = tpu.matmul %div3A_202, %convert_element_type3A_60, %dot_general3A_203 {dimension_numbers = #tpu.dot_dimension_numbers<[1], [0], [0], [1], [0, 0, 1, 1], [], []>, transpose_lhs_hint = false} : vector<512x8xf32>, vector<8x128xf32>, vector<512x128xf32> -> vector<512x128xf32>
    %mul3A_205 = arith.mulf %add3A_98, %dot_general3A_201 : vector<512x128xf32>
    %mul3A_206 = arith.mulf %add3A_133, %dot_general3A_204 : vector<512x128xf32>
    %add3A_207 = arith.addf %mul3A_205, %mul3A_206 : vector<512x128xf32>
    %swap3A_208 = arith.constant 0 : index
    %swap3A_209 = arith.constant 0 : index
    %swap3A_210 = vector.load %arg13[%swap3A_208, %swap3A_209] : memref<512x128xf32, #tpu.memory_space<vmem>>, vector<512x128xf32>
    tpu.vector_store %arg13[%swap3A_208, %swap3A_209], %add3A_207 {strides = array<i32>} : memref<512x128xf32, #tpu.memory_space<vmem>>, vector<512x128xf32>,
    return
  }
  func.func @transform_0(%arg0: i32) -> (i32, i32) {
    %c0_i32 = arith.constant 0 : i32
    %c0_i32_0 = arith.constant 0 : i32
    return %arg0, %c0_i32 : i32, i32
  }
  func.func @transform_1(%arg0: i32) -> (i32, i32) {
    %c0_i32 = arith.constant 0 : i32
    %c0_i32_0 = arith.constant 0 : i32
    return %arg0, %c0_i32 : i32, i32
  }
  func.func @transform_2(%arg0: i32) -> (i32, i32) {
    %c0_i32 = arith.constant 0 : i32
    %c0_i32_0 = arith.constant 0 : i32
    return %arg0, %c0_i32 : i32, i32
  }
  func.func @transform_3(%arg0: i32) -> (i32, i32) {
    %c0_i32 = arith.constant 0 : i32
    %c0_i32_0 = arith.constant 0 : i32
    return %arg0, %c0_i32 : i32, i32
  }
  func.func @transform_4(%arg0: i32) -> (i32, i32) {
    %c0_i32 = arith.constant 0 : i32
    %c0_i32_0 = arith.constant 0 : i32
    return %arg0, %c0_i32 : i32, i32
  }
  func.func @transform_5(%arg0: i32) -> (i32, i32) {
    %c0_i32 = arith.constant 0 : i32
    %c0_i32_0 = arith.constant 0 : i32
    return %arg0, %c0_i32 : i32, i32
  }
  func.func @transform_6(%arg0: i32) -> (i32, i32) {
    %c0_i32 = arith.constant 0 : i32
    %c0_i32_0 = arith.constant 0 : i32
    %c0_i32_1 = arith.constant 0 : i32
    return %c0_i32, %c0_i32_0 : i32, i32
  }
  func.func @transform_7(%arg0: i32) -> (i32, i32) {
    %c0_i32 = arith.constant 0 : i32
    %c0_i32_0 = arith.constant 0 : i32
    %c0_i32_1 = arith.constant 0 : i32
    return %c0_i32, %c0_i32_0 : i32, i32
  }
  func.func @transform_8(%arg0: i32) -> (i32, i32) {
    %c0_i32 = arith.constant 0 : i32
    %c0_i32_0 = arith.constant 0 : i32
    %c0_i32_1 = arith.constant 0 : i32
    return %c0_i32, %c0_i32_0 : i32, i32
  }
  func.func @transform_9(%arg0: i32) -> (i32, i32) {
    %c0_i32 = arith.constant 0 : i32
    %c0_i32_0 = arith.constant 0 : i32
    %c0_i32_1 = arith.constant 0 : i32
    return %c0_i32, %c0_i32_0 : i32, i32
  }
  func.func @transform_10(%arg0: i32) -> (i32, i32) {
    %c0_i32 = arith.constant 0 : i32
    %c0_i32_0 = arith.constant 0 : i32
    %c0_i32_1 = arith.constant 0 : i32
    return %c0_i32, %c0_i32_0 : i32, i32
  }
  func.func @transform_11(%arg0: i32) -> (i32, i32) {
    %c0_i32 = arith.constant 0 : i32
    %c0_i32_0 = arith.constant 0 : i32
    return %arg0, %c0_i32 : i32, i32
  }
  func.func @transform_12(%arg0: i32) -> (i32, i32) {
    %c0_i32 = arith.constant 0 : i32
    %c0_i32_0 = arith.constant 0 : i32
    return %arg0, %c0_i32 : i32, i32
  }
}

</mosaic_0001>

<sc_bundles>
// kernel: kernel.6.cloned.1.call-start
scs
__scs_entry_jumppad:
0x0: {  	(pc) =	sbr.rel $0x88, $3  }
0x1: {  	(tag) =	ssettag $0x0;
	lr =	simm.s32 $0x1  }
0x2: {  	[smem:$0x3F8F] =	sst lr;
	_ =	strace $0xD0000000  }
0x3: {  	_ = 	snop  }
0x4: {  	_ = 	snop  }
0x5: {  	_ = 	snop  }
0x6: {  	_ = 	snop  }
0x7: {  	_ = 	snop  }
__scs_overlays_trampoline_lowered:
0x8: {  	[smem:$0x3F9E] =	sst s0  }
0x9: {  	[smem:$0x3F9F] =	sst s1  }
0xa: {  	[smem:$0x3FA0] =	sst s2  }
0xb: {  	[smem:$0x3FA1] =	sst s3  }
0xc: {  	[smem:$0x3FA2] =	sst s4  }
0xd: {  	[smem:$0x3FA3] =	sst s5  }
0xe: {  	[smem:$0x3FA4] =	sst s6  }
0xf: {  	[smem:$0x3FA5] =	sst s7  }
0x10: {  	[smem:$0x3FA6] =	sst s8  }
0x11: {  	[smem:$0x3FA7] =	sst s9;
	s0 =	simm.s32 @!p0 $0x0  }
0x12: {  	s1 =	sld [smem:$0x3F8D];
	s0 =	simm.s32 @p0 $0x1  }
0x13: {  	[smem:$0x3FA8] =	sst s0;
	s0 =	simm.s32 @!p1 $0x0  }
0x14: {  	s2 =	sld [smem:$0x3F8C];
	s0 =	simm.s32 @p1 $0x1  }
0x15: {  	[smem:$0x3FA9] =	sst s0;
	s0 =	simm.s32 @!p2 $0x0  }
0x16: {  	s3 =	sld [smem:$0x3FDB];
	s0 =	simm.s32 @p2 $0x1  }
0x17: {  	s4 =	simm.s32 $0x1BF5;
	[smem:$0x3FAB] =	sst s0  }
0x18: {  	s0 =	sld [smem:$0x3F8E];
	_ =	swait.ge [sflag:s4], $0x0  }
0x19: {  	s7 =	sld [smem:$0x3F8F]  }
0x1a: {  	s8 =	sadd.s32 $0xFFFFE003, lr  }
0x1b: {  	s9 =	sadd.s32 $0xFFFFFEF7, lr;
	s5 =	simm.s32 $0xFFFFFFFF;
	p2 =	slt.u32 s8, $0xFFFFF086  }
0x1c: {  	p1 =	slt.u32 s9, $0xF7A;
	s5 =	simm.s32 @!p2 $0x0  }
0x1d: {  	s5 =	simm.s32 @p1 $0x1;
	p0 =	seq.s32 s7, s2  }
0x1e: {  	s7 =	smul.u32 @!p0 $0xF7A, s2;
	p2 =	seq.s32 @!p0 s5, $0x0  }
0x1f: {  	s9 =	smul.u32 $0xF7A, s1;
	s8 =	simm.s32 @!p0 $0x1BF5;
	p2 =	por !p2, p0  }
0x20: {  	[sflag:s8] =	ssyncset.s32 @!p0 $0xFFFFF086;
	s6 =	sadd.s32 @!p0 s3, s7;
	s7 =	simm.s32 @!p0 $0x108  }
0x21: {  	s3 =	sadd.s32 s3, s9;
	s6 =	sadd.s32 @!p0 $0x88, s6;
	s7 =	simm.s32 @p2 $0x1082  }
0x22: {  	[simem:s7], [sflag:s8] =	dma.local @!p0 [hbm:s6], $0xF7A  }
0x23: {  	s9 =	sor.u32 $0xD0000000, s2;
	s6 =	simm.s32 $0x108;
	_ =	swait.ge @!p0 [sflag:s8], $0x0  }
0x24: {  	s3 =	sadd.s32 $0x88, s3;
	s6 =	simm.s32 @!p1 $0x1082;
	[sflag:s4] =	ssyncset.s32 $0xFFFFF086  }
0x25: {  	[simem:s6], [sflag:s4] =	dma.local [hbm:s3], $0xF7A  }
0x26: {  	[smem:$0x3F8F] =	sst s1;
	(tag) =	ssettag s2;
	_ =	strace s9  }
0x27: {  	s1 =	sld [smem:$0x3F9F]  }
0x28: {  	s2 =	sld [smem:$0x3FA0]  }
0x29: {  	s4 =	sld [smem:$0x3FA2]  }
0x2a: {  	p0 =	seq.s32 s5, $0x0;
	s5 =	sld [smem:$0x3FA3]  }
0x2b: {  	s6 =	sld [smem:$0x3FA4]  }
0x2c: {  	s7 =	sld [smem:$0x3FA5]  }
0x2d: {  	s3 =	simm.s32 $0x108;
	s8 =	sld [smem:$0x3FA6]  }
0x2e: {  	s3 =	simm.s32 @!p0 $0x1082;
	s9 =	sld [smem:$0x3FA7]  }
0x2f: {  	lr =	sadd.s32 s0, s3;
	s0 =	sld [smem:$0x3F9E]  }
0x30: {  	s3 =	sld [smem:$0x3FA1]  }
0x31: {  	[smem:$0x3FAA] =	sst s10  }
0x32: {  	s10 =	sld [smem:$0x3FA8];
	_ =	sdelay $0x3  }
0x33: {  	p0 =	seq.s32 s10, $0x1;
	s10 =	sld [smem:$0x3FAA];
	_ =	sdelay $0x3  }
0x34: {  	[smem:$0x3FAA] =	sst s10  }
0x35: {  	s10 =	sld [smem:$0x3FA9];
	_ =	sdelay $0x3  }
0x36: {  	p1 =	seq.s32 s10, $0x1;
	s10 =	sld [smem:$0x3FAA];
	_ =	sdelay $0x3  }
0x37: {  	[smem:$0x3FAA] =	sst s10  }
0x38: {  	s10 =	sld [smem:$0x3FAB]  }
0x39: {  	_ = 	snop;
	(pc) =	sbr.ind lr, $3  }
0x3a: {  	_ = 	snop  }
0x3b: {  	_ = 	snop  }
0x3c: {  	p2 =	seq.s32 s10, $0x1;
	s10 =	sld [smem:$0x3FAA]  }
0x3d: {  	_ =	shalt  }
0x3e: {  	_ =	shalt  }
0x3f: {  	_ =	shalt  }
0x40: {  	_ =	shalt  }
0x41: {  	_ =	shalt  }
0x42: {  	_ =	shalt  }
0x43: {  	_ =	shalt  }
0x44: {  	_ =	shalt  }
0x45: {  	_ =	shalt  }
0x46: {  	_ =	shalt  }
0x47: {  	_ =	shalt  }
0x48: {  	_ =	shalt  }
0x49: {  	_ =	shalt  }
0x4a: {  	_ =	shalt  }
0x4b: {  	_ =	shalt  }
0x4c: {  	_ =	shalt  }
0x4d: {  	_ =	shalt  }
0x4e: {  	_ =	shalt  }
0x4f: {  	_ =	shalt  }
0x50: {  	_ =	shalt  }
0x51: {  	_ =	shalt  }
0x52: {  	_ =	shalt  }
0x53: {  	_ =	shalt  }
0x54: {  	_ =	shalt  }
0x55: {  	_ =	shalt  }
0x56: {  	_ =	shalt  }
0x57: {  	_ =	shalt  }
0x58: {  	_ =	shalt  }
0x59: {  	_ =	shalt  }
0x5a: {  	_ =	shalt  }
0x5b: {  	_ =	shalt  }
0x5c: {  	_ =	shalt  }
0x5d: {  	_ =	shalt  }
0x5e: {  	_ =	shalt  }
0x5f: {  	_ =	shalt  }
0x60: {  	_ =	shalt  }
0x61: {  	_ =	shalt  }
0x62: {  	_ =	shalt  }
0x63: {  	_ =	shalt  }
0x64: {  	_ =	shalt  }
0x65: {  	_ =	shalt  }
0x66: {  	_ =	shalt  }
0x67: {  	_ =	shalt  }
0x68: {  	_ =	shalt  }
0x69: {  	_ =	shalt  }
0x6a: {  	_ =	shalt  }
0x6b: {  	_ =	shalt  }
0x6c: {  	_ =	shalt  }
0x6d: {  	_ =	shalt  }
0x6e: {  	_ =	shalt  }
0x6f: {  	_ =	shalt  }
0x70: {  	_ =	shalt  }
0x71: {  	_ =	shalt  }
0x72: {  	_ =	shalt  }
0x73: {  	_ =	shalt  }
0x74: {  	_ =	shalt  }
0x75: {  	_ =	shalt  }
0x76: {  	_ =	shalt  }
0x77: {  	_ =	shalt  }
0x78: {  	_ =	shalt  }
0x79: {  	_ =	shalt  }
0x7a: {  	_ =	shalt  }
0x7b: {  	_ =	shalt  }
0x7c: {  	_ =	shalt  }
0x7d: {  	_ =	shalt  }
0x7e: {  	_ =	shalt  }
0x7f: {  	_ =	shalt  }
0x80: {  	_ =	shalt  }
0x81: {  	_ =	shalt  }
0x82: {  	_ =	shalt  }
0x83: {  	_ =	shalt  }
0x84: {  	_ =	shalt  }
0x85: {  	_ =	shalt  }
0x86: {  	_ =	shalt  }
0x87: {  	_ =	shalt  }
.Lfunc_end0:
.L_simem_size_0:
called_computation_lowered:
.L_overlay_start_0:
0x88: {  	s2 =	sld [smem:$0x3FD9]  }
0x89: {  	s3 =	sld [smem:$0x3FFE];
	_ =	sdelay $0x1  }
0x8a: {  	s1 =	srdreg.scid  }
0x8b: {  	s0 =	sand.u32 $0x1, s1  }
0x8c: {  	s15 =	sshll.u32 s0, $0xA;
	s2 =	sadd.s32 s3, s2  }
0x8d: {  	s2 =	sadd.s32 s2, s15  }
0x8e: {  	[smem:$0x3FB6] =	sst s2  }
0x8f: {  	_ = 	snop  }
0x90: {  	s2 =	sld [smem:$0x3FD0];
	_ =	sdelay $0x2  }
0x91: {  	s16 =	simm.s32 $0xB;
	s4 =	simm.s32 $0x10  }
0x92: {  	[smem:s4], [sflag:s16] =	dma.local [hbm:s2], $0x1  }
0x93: {  	_ =	swait.eq [sflag:s16], $0x1  }
0x94: {  	[sflag:s16] =	ssyncset.done $0x0  }
0x95: {  	[sflag:s16] =	ssyncadd.s32 $0xFFFFFFFF  }
0x96: {  	s17 =	sld [smem:$0x11];
	(tm) =	ssettm $0x1  }
0x97: {  	s18 =	sld [smem:$0x3FFB];
	_ =	sdelay $0x3  }
0x98: {  	_ =	strace s18  }
0x99: {  	s2 =	sld [smem:$0x3FFC];
	_ =	sdelay $0x3  }
0x9a: {  	_ =	strace s2  }
0x9b: {  	s2 =	sld [smem:$0x3FFD];
	_ =	sdelay $0x3  }
0x9c: {  	_ =	strace s2  }
0x9d: {  	_ =	strace $0x8FFFFFFF  }
0x9e: {  	s19 =	sld [smem:$0x3FDB];
	_ =	sdelay $0x1  }
0x9f: {  	s20 =	simm.s32 $_scs_section_size  }
0xa0: {  	s5 =	simm.s32 $_size__tile_overlayer_lowered;
	s6 =	simm.s32 $_tile_overlayer_lowered  }
0xa1: {  	s7 =	simm.s32 $0x1BFF;
	s21 =	sshll.u32 s6, $0x1;
	s4 =	sadd.s32 s20, s19  }
0xa2: {  	s22 =	simm.s32 $0x0;
	s5 =	sshll.u32 s5, $0x1;
	s6 =	sadd.s32 s21, s4  }
0xa3: {  	[timem:s22], [sflag:s7] =	dma.local [hbm:s6], s5  }
0xa4: {  	_ =	swait.ge [sflag:s7], s5  }
0xa5: {  	s5 =	ssub.s32 $0x0, s5;
	[sflag:s7] =	ssyncset.done $0x0  }
0xa6: {  	[sflag:s7] =	ssyncadd.s32 s5;
	_ =	sdelay $0x1  }
0xa7: {  	s23 =	simm.s32 $0x1B8B  }
0xa8: {  	_ =	swait.ge [sflag:s23], $0x1  }
0xa9: {  	[sflag:s23] =	ssyncset.done $0x0  }
0xaa: {  	[sflag:s23] =	ssyncadd.s32 $0xFFFFFFFF  }
0xab: {  	s5 =	sld [smem:$0x0]  }
0xac: {  	s6 =	sand.u32 $0xFFFFFFFE, s1  }
0xad: {  	p0 =	sne.s32 s1, s6  }
0xae: {  	s6 =	sshll.u32 @p0 s6, $0xE  }
0xaf: {  	s6 =	sadd.s32 @p0 $0x11B8D, s6;
	s7 =	sshll.u32 @p0 s5, $0x11  }
0xb0: {  	s6 =	sor.u32 @p0 s7, s6  }
0xb1: {  	[sflag:s6] =	ssyncadd.remote.s32 @p0 $0x1;
	_ =	sdelay $0x1  }
0xb2: {  	s6 =	simm.s32 @p0 $0x1B8D  }
0xb3: {  	_ =	swait.eq @p0 [sflag:s6], $0x1  }
0xb4: {  	[sflag:s6] =	ssyncadd.s32 @p0 $0xFFFFFFFF  }
0xb5: {  	s7 =	sshll.u32 @!p0 s1, $0xE  }
0xb6: {  	s7 =	sor.u32 @!p0 $0x4000, s7;
	s6 =	simm.s32 @!p0 $0x1B8D  }
0xb7: {  	s5 =	sshll.u32 @!p0 s5, $0x11;
	s7 =	sadd.s32 @!p0 $0x11B8D, s7;
	_ =	swait.eq @!p0 [sflag:s6], $0x1  }
0xb8: {  	s5 =	sor.u32 @!p0 s5, s7;
	[sflag:s6] =	ssyncadd.s32 @!p0 $0xFFFFFFFF  }
0xb9: {  	s25 =	simm.s32 $0x1B8E;
	s24 =	sld [smem:$0x3FFE];
	[sflag:s5] =	ssyncadd.remote.s32 @!p0 $0x1  }
0xba: {  	s26 =	simm.s32 $execute0_lowered;
	[smem:$0x3FD2] =	sst s25  }
0xbb: {  	s6 =	sshll.u32 s26, $0x1;
	_ =	strace $0x80000049;
	[dreg:$0x1] =	wrdreg $0xFFFFFFFF  }
0xbc: {  	s28 =	simm.s32 $_size_execute0_lowered;
	s4 =	sadd.s32 s4, s6;
	[dreg:$0x0] =	wrdreg $0x0  }
0xbd: {  	s6 =	sshll.u32 s28, $0x1;
	[dreg:$0x2] =	wrdreg s4  }
0xbe: {  	[dreg:$0x3] =	wrdreg s6  }
0xbf: {  	[dreg:$0x4] =	wrdreg $0xC0  }
0xc0: {  	_ =	task [dreg:s22], $0x5FFFF  }
0xc1: {  	[dreg:$0x1] =	wrdreg $0xFFFFFFFF  }
0xc2: {  	[dreg:$0x0] =	wrdreg $0x60  }
0xc3: {  	[dreg:$0x2] =	wrdreg s24  }
0xc4: {  	[dreg:$0x3] =	wrdreg s17  }
0xc5: {  	[dreg:$0x4] =	wrdreg $0x111800  }
0xc6: {  	[dreg:$0x5] =	wrdreg $0x9  }
0xc7: {  	_ =	task.clear_ibuf [dreg:s22], $0x6FFFF;
	_ =	strace $0x90000049  }
0xc8: {  	s29 =	simm.s32 $0x9;
	_ =	strace $0x8000004B  }
0xc9: {  	_ =	swait.ge [sflag:s29], $0x1  }
0xca: {  	[sflag:s29] =	ssyncadd.s32 $0xFFFFFFFF  }
0xcb: {  	_ =	strace $0x9000004B  }
0xcc: {  	_ =	sfence  }
0xcd: {  	s30 =	sld [smem:$0x0];
	_ =	sdelay $0x2  }
0xce: {  	s31 =	sshll.u32 s1, $0xD;
	s1 =	sshrl.u32 s1, $0x2  }
0xcf: {  	s4 =	sand.u32 $0x4000, s31;
	s1 =	sadd.s32 s1, s30  }
0xd0: {  	s0 =	sor.u32 s4, s0;
	s1 =	sshll.u32 s1, $0x11  }
0xd1: {  	s0 =	sor.u32 s1, s0  }
0xd2: {  	s0 =	sadd.s32 $0x8F2B, s0  }
0xd3: {  	[sflag:s0] =	ssyncadd.remote.s32 $0x1  }
0xd4: {  	_ =	sfence.sel $0xFFFF  }
0xd5: {  	[dreg:$0x0] =	wrdreg $0xFFFFFFFF;
	(pc) =	sbr.abs _section_cstart, $3  }
0xd6: {  	[dreg:$0x1] =	wrdreg $0xFFFFFFFF  }
0xd7: {  	_ =	task.clear_ibuf [dreg:s22], $0x2FFFF;
	_ =	strace $0x9FFFFFFF  }
0xd8: {  	(tm) =	ssettm $0x7FFFFFFF  }
0xd9: {  	_ =	shalt  }
tec
execute0_lowered:
.L_overlay_start_1:
0x0: {  	(tag) =	ssettag $0x1  }
0x1: {  	s0 =	rddreg [dreg:$0x0]  }
0x2: {  	s2 =	rddreg [dreg:$0x2];
	s3 =	simm.s32 $0x0;
	s1 =	srdreg.scid  }
0x3: {  	s6 =	stileid.u32;
	s28 =	simm.s32 $0xF180;
	s29 =	simm.s32 $0x2  }
0x4: {  	s30 =	simm.s32 $0x80;
	[smem:$0x7FF] =	sst s3;
	s7 =	smul.u32 $0x28000, s6  }
0x5: {  	s4 =	sadd.s32 $0x66000, s0;
	s5 =	sadd.s32 $0xAD2000, s0;
	s9 =	smul.u32 $0xA000, s6  }
0x6: {  	s1 =	sand.u32 $0x1, s1;
	s10 =	sadd.s32 $0x14C7E00, s0;
	s13 =	sadd.s32 $0x149FE00, s0  }
0x7: {  	p0 =	sne.s32 s6, $0x0;
	_ =	strace $0x8000004A;
	s8 =	ssub.s32 $0x2, s1  }
0x8: {  	s12 =	smul.u32 $0xA0000, s1;
	s11 =	sshrl.u32 s8, $0x1;
	s7 =	sshrl.u32 s7, $0x2  }
0x9: {  	s14 =	sadd.s32 $0x4000, s9;
	s18 =	sadd.s32 $0x6000, s9;
	s8 =	ssub.s32 s8, s11  }
0xa: {  	s11 =	sadd.s32 $0x2000, s9;
	s15 =	sadd.s32 s9, s12;
	s9 =	sadd.s32 $0x8000, s9  }
0xb: {  	s26 =	sadd.s32 s12, s14;
	s19 =	sadd.s32 s12, s18;
	s15 =	sshrl.u32 s15, $0x3  }
0xc: {  	s16 =	sadd.s32 s12, s11;
	s19 =	sshrl.u32 s19, $0x3;
	s11 =	sadd.s32 s11, s2  }
0xd: {  	s12 =	sadd.s32 s12, s9;
	s9 =	sadd.s32 s9, s2;
	[dreg:$0xf] =	wrdreg s11  }
0xe: {  	s17 =	sadd.s32 s10, s15;
	s16 =	sshrl.u32 s16, $0x3;
	[dreg:$0x12] =	wrdreg s9  }
0xf: {  	s31 =	sadd.s32 s10, s19;
	s12 =	sshrl.u32 s12, $0x3;
	[dreg:$0x4] =	wrdreg s17  }
0x10: {  	s21 =	sadd.s32 s13, s15;
	s24 =	sadd.s32 s13, s19;
	[dreg:$0x7] =	wrdreg s31  }
0x11: {  	s15 =	simm.s32 $0x50;
	s19 =	simm.s32 $0xA180;
	[dreg:$0x9] =	wrdreg s21  }
0x12: {  	s25 =	sadd.s32 s10, s16;
	s17 =	sshrl.u32 s26, $0x3;
	[dreg:$0xc] =	wrdreg s24  }
0x13: {  	s22 =	sadd.s32 s13, s16;
	s16 =	sadd.s32 $0xAC8200, s0;
	[dreg:$0x5] =	wrdreg s25  }
0x14: {  	s26 =	smul.u32 $0x1400, s1;
	s31 =	smax.u32 s8, $0x1;
	[dreg:$0xa] =	wrdreg s22  }
0x15: {  	s21 =	sadd.s32 s14, s2;
	s24 =	smul.u32 $0x2710000, s1;
	[dreg:$0x13] =	wrdreg s31  }
0x16: {  	s14 =	simm.s32 $0x1;
	s20 =	sadd.s32 s10, s17;
	[dreg:$0x10] =	wrdreg s21  }
0x17: {  	s1 =	simm.s32 $0x0;
	s10 =	sadd.s32 s10, s12;
	[dreg:$0x6] =	wrdreg s20  }
0x18: {  	s23 =	sadd.s32 s13, s17;
	s25 =	sadd.s32 s13, s12;
	[dreg:$0x8] =	wrdreg s10  }
0x19: {  	s17 =	sadd.s32 $0xADBE00, s0;
	s22 =	sadd.s32 s18, s2;
	[dreg:$0xb] =	wrdreg s23  }
0x1a: {  	s12 =	simm.s32 $0x4180;
	s13 =	simm.s32 $0x4980;
	[dreg:$0xd] =	wrdreg s25  }
0x1b: {  	v4 =	vlaneseq.u32;
	v1 =	vimm.f32 $0.0e+00;
	vm0 =	vmmov $0xffff;
	s18 =	simm.s32 $0xC980;
	s10 =	sadd.s32 s7, s2;
	[dreg:$0x11] =	wrdreg s22  }
0x1c: {  	vm1 =	vmmov $0xff;
	v3 =	vshrl.u32 v4, $0x3;
	v2 =	vand.u32 $0x7, v4;
	s20 =	smul.u32 $0x4E20, s6;
	s23 =	sadd.s32 $0xA0000, s2;
	[dreg:$0xe] =	wrdreg s10  }
0x1d: {  	v4 =	vor.u32 $0x8, v4;
	v3 =	vmul.u32 $0x8, v3;
	v0 =	vmov s26;
	s25 =	simm.s32 $0x100;
	s26 =	simm.s32 $0x7980;
	[dreg:$0x14] =	wrdreg s23  }
.LBB2_1:
0x1e: {  	[dreg:$0x15] =	wrdreg s1;
	s0 =	simm.s32 $0x0;
	s1 =	simm.s32 $0x200  }
.LBB2_2:
0x1f: {  	p1 =	sne.s32 s1, $0x7E00;
	[tilespmem:s0+$0xF1F0] =	vst v1  }
0x20: {  	[tilespmem:s0+$0xF180] =	vst v1  }
0x21: {  	[tilespmem:s0+$0xF190] =	vst v1  }
.Ltmp0:
0x22: {  	[tilespmem:s0+$0xF1A0] =	vst v1;
	(pc) =	sbr.rel @p1 .LBB2_2-.Ltmp0, $4  }
0x23: {  	[tilespmem:s0+$0xF1B0] =	vst v1  }
0x24: {  	[tilespmem:s0+$0xF1C0] =	vst v1  }
0x25: {  	[tilespmem:s0+$0xF1D0] =	vst v1  }
0x26: {  	[tilespmem:s0+$0xF1E0] =	vst v1;
	s0 =	sshra.s32 s1, $0x2;
	s1 =	sadd.s32 $0x200, s1  }
0x27: {  	[tilespmem:s0+$0xF1F0] =	vst v1  }
0x28: {  	[tilespmem:s0+$0xF180] =	vst v1  }
0x29: {  	[tilespmem:s0+$0xF190] =	vst v1  }
0x2a: {  	[tilespmem:s0+$0xF1A0] =	vst v1  }
0x2b: {  	[tilespmem:s0+$0xF1B0] =	vst v1  }
0x2c: {  	[tilespmem:s0+$0xF1C0] =	vst v1  }
0x2d: {  	[tilespmem:s0+$0xF1D0] =	vst v1  }
0x2e: {  	[tilespmem:s0+$0xF1E0] =	vst v1;
	s0 =	simm.s32 $0x0;
	s1 =	simm.s32 $0x200  }
.LBB2_4:
0x2f: {  	p1 =	sne.s32 s1, $0x9E00;
	[tilespmem:s0+$0xA1F0] =	vst v1  }
0x30: {  	[tilespmem:s0+$0xA180] =	vst v1  }
0x31: {  	[tilespmem:s0+$0xA190] =	vst v1  }
.Ltmp1:
0x32: {  	[tilespmem:s0+$0xA1A0] =	vst v1;
	(pc) =	sbr.rel @p1 .LBB2_4-.Ltmp1, $4  }
0x33: {  	[tilespmem:s0+$0xA1B0] =	vst v1  }
0x34: {  	[tilespmem:s0+$0xA1C0] =	vst v1  }
0x35: {  	[tilespmem:s0+$0xA1D0] =	vst v1  }
0x36: {  	[tilespmem:s0+$0xA1E0] =	vst v1;
	s0 =	sshra.s32 s1, $0x2;
	s1 =	sadd.s32 $0x200, s1  }
0x37: {  	[tilespmem:s0+$0xA1F0] =	vst v1  }
0x38: {  	[tilespmem:s0+$0xA180] =	vst v1  }
0x39: {  	[tilespmem:s0+$0xA190] =	vst v1  }
0x3a: {  	[tilespmem:s0+$0xA1A0] =	vst v1  }
0x3b: {  	[tilespmem:s0+$0xA1B0] =	vst v1  }
0x3c: {  	[tilespmem:s0+$0xA1C0] =	vst v1  }
0x3d: {  	[tilespmem:s0+$0xA1D0] =	vst v1  }
0x3e: {  	[tilespmem:s0+$0xA1E0] =	vst v1  }
0x3f: {  	[spmem:s10] =	stream.linear.scatter [tilespmem:s28], [sflag:$0x2], $0x2000, $0x38;
	[tilespmem:$0x1B1C0] =	vst v63  }
0x40: {  	_ =	swait.ge [sflag:s29], $0x2000  }
0x41: {  	[sflag:s29] =	ssyncset.done $0x0  }
0x42: {  	[sflag:s29] =	ssyncadd.s32 $0xFFFFE000  }
0x43: {  	[spmem:s11] =	stream.linear.scatter [tilespmem:s28], [sflag:$0x2], $0x2000, $0x38;
	[tilespmem:$0x1B1C0] =	vst v63  }
0x44: {  	_ =	swait.ge [sflag:s29], $0x2000  }
0x45: {  	[sflag:s29] =	ssyncset.done $0x0  }
0x46: {  	[sflag:s29] =	ssyncadd.s32 $0xFFFFE000  }
0x47: {  	[spmem:s21] =	stream.linear.scatter [tilespmem:s28], [sflag:$0x2], $0x2000, $0x38;
	[tilespmem:$0x1B1C0] =	vst v63  }
0x48: {  	_ =	swait.ge [sflag:s29], $0x2000  }
0x49: {  	[sflag:s29] =	ssyncset.done $0x0  }
0x4a: {  	[sflag:s29] =	ssyncadd.s32 $0xFFFFE000  }
0x4b: {  	[spmem:s22] =	stream.linear.scatter [tilespmem:s28], [sflag:$0x2], $0x2000, $0x38;
	[tilespmem:$0x1B1C0] =	vst v63  }
0x4c: {  	_ =	swait.ge [sflag:s29], $0x2000  }
0x4d: {  	[sflag:s29] =	ssyncset.done $0x0  }
0x4e: {  	[sflag:s29] =	ssyncadd.s32 $0xFFFFE000  }
0x4f: {  	[spmem:s9] =	stream.linear.scatter [tilespmem:s28], [sflag:$0x2], $0x2000, $0x38;
	[tilespmem:$0x1B1C0] =	vst v63  }
0x50: {  	_ =	swait.ge [sflag:s29], $0x2000  }
0x51: {  	[sflag:s29] =	ssyncset.done $0x0  }
0x52: {  	s0 =	simm.s32 @!p0 $0xF180;
	[sflag:s29] =	ssyncadd.s32 $0xFFFFE000  }
0x53: {  	[spmem:s23] =	stream.linear.scatter @!p0 [tilespmem:s0], [sflag:$0x2], $0x400, $0x38;
	[tilespmem:$0x1B1C0] =	vst v63  }
0x54: {  	s0 =	simm.s32 @!p0 $0x2  }
0x55: {  	_ =	swait.ge @!p0 [sflag:s0], $0x400  }
0x56: {  	[sflag:s0] =	ssyncset.done @!p0 $0x0  }
0x57: {  	[sflag:s0] =	ssyncadd.s32 @!p0 $0xFFFFFC00  }
0x58: {  	s22 =	simm.s32 $0x0;
	s23 =	simm.s32 $0x0;
	[bflag:$0x0] =	sbarrier.arrive $0xFFFF  }
.LBB2_6:
0x59: {  	s0 =	smul.u32 $0x50, s23;
	_ =	sdelay $0x1  }
0x5a: {  	s21 =	sadd.s32 s20, s0  }
0x5b: {  	s0 =	sshrl.u32 s21, $0x3  }
0x5c: {  	s1 =	sadd.s32 s5, s0  }
0x5d: {  	[tilespmem:s22], [sflag:$0x2] =	stream.linear.gather [hbm4b:s1+s22], $0x50, $0x38;
	[tilespmem:$0x1B1C0] =	vst v63  }
0x5e: {  	_ =	swait.ge [sflag:s29], $0x50  }
0x5f: {  	[sflag:s29] =	ssyncset.done $0x0  }
0x60: {  	s0 =	sadd.s32 s16, s0;
	[sflag:s29] =	ssyncadd.s32 $0xFFFFFFB0  }
0x61: {  	[tilespmem:s30], [sflag:$0x2] =	stream.linear.gather [hbm4b:s0+s22], $0x50, $0x38;
	[tilespmem:$0x1B1C0] =	vst v63  }
0x62: {  	_ =	swait.ge [sflag:s29], $0x50  }
0x63: {  	[sflag:s29] =	ssyncset.done $0x0  }
0x64: {  	[sflag:s29] =	ssyncadd.s32 $0xFFFFFFB0  }
0x65: {  	v5 =	vld [tilespmem:$0x0];
	_ =	sdelay $0x1  }
0x66: {  	v6 =	vld [tilespmem:$0x80]  }
0x67: {  	v7 =	vld [tilespmem:$0x90];
	_ =	sdelay $0x1  }
0x68: {  	v8 =	vld [tilespmem:$0xA0];
	v9 =	vshll.u32 v5, $0x1  }
0x69: {  	v10 =	vld [tilespmem:$0xB0];
	v5 =	vand.u32 $0x7, v5;
	v9 =	vand.u32 $0xFFFFFFF0, v9  }
0x6a: {  	v11 =	vld [tilespmem:$0xC0];
	v5 =	vor.u32 v5, v9  }
0x6b: {  	v6 =	vsub.s32 v6, v0;
	v7 =	vsub.s32 v7, v0;
	v9 =	vperm.xlane v5, v2  }
0x6c: {  	v6 =	vmin.u32 v6, $0x1400;
	v7 =	vmin.u32 v7, $0x1400  }
0x6d: {  	[tilespmem:$0x100] =	vst v6;
	v6 =	vsub.s32 v8, v0;
	v5 =	vperm.xlane v5, v4;
	v63 =	vadd.s32 v3, v9  }
0x6e: {  	[tilespmem:$0x110] =	vst v7;
	v7 =	vsub.s32 v10, v0;
	v6 =	vmin.u32 v6, $0x1400  }
0x6f: {  	[tilespmem:$0x120] =	vst v6;
	v6 =	vmin.u32 v7, $0x1400;
	v7 =	vsub.s32 v11, v0;
	v5 =	vadd.s32 v3, v5  }
0x70: {  	[tilespmem:$0x130] =	vst v6;
	v6 =	vmin.u32 v7, $0x1400  }
0x71: {  	s6 =	simm.s32 $0x180;
	[tilespmem:$0x140] =	vst v6  }
0x72: {  	[tilespmem:s6], [sflag:$0x1] =	stream.indirect_vreg.gather [hbm4b:s4+s22], $0x80, v63, vm0, $0xb8;
	[tilespmem:$0x1B1C0] =	vst v63  }
0x73: {  	s7 =	simm.s32 $0x980  }
0x74: {  	[tilespmem:s7], [sflag:$0x1] =	stream.indirect_vreg.gather [hbm4b:s4+s22], $0x80, v5, vm0, $0xb8;
	[tilespmem:$0x1B1C0] =	vst v63  }
0x75: {  	v5 =	vld [tilespmem:$0x10];
	_ =	sdelay $0x4  }
0x76: {  	v6 =	vshll.u32 v5, $0x1  }
0x77: {  	v5 =	vand.u32 $0x7, v5;
	v6 =	vand.u32 $0xFFFFFFF0, v6  }
0x78: {  	v5 =	vor.u32 v5, v6  }
0x79: {  	v6 =	vperm.xlane v5, v2;
	_ =	sdelay $0x1  }
0x7a: {  	v5 =	vperm.xlane v5, v4;
	v6 =	vadd.s32 v3, v6;
	_ =	sdelay $0x1  }
0x7b: {  	v5 =	vadd.s32 v3, v5;
	_ =	sdelay $0x1  }
0x7c: {  	s8 =	simm.s32 $0x1180  }
0x7d: {  	[tilespmem:s8], [sflag:$0x1] =	stream.indirect_vreg.gather [hbm4b:s4+s22], $0x80, v6, vm0, $0xb8;
	[tilespmem:$0x1B1C0] =	vst v63  }
0x7e: {  	s9 =	simm.s32 $0x1980  }
0x7f: {  	[tilespmem:s9], [sflag:$0x1] =	stream.indirect_vreg.gather [hbm4b:s4+s22], $0x80, v5, vm0, $0xb8;
	[tilespmem:$0x1B1C0] =	vst v63  }
0x80: {  	v5 =	vld [tilespmem:$0x20];
	_ =	sdelay $0x4  }
0x81: {  	v6 =	vshll.u32 v5, $0x1  }
0x82: {  	v5 =	vand.u32 $0x7, v5;
	v6 =	vand.u32 $0xFFFFFFF0, v6  }
0x83: {  	v5 =	vor.u32 v5, v6  }
0x84: {  	v6 =	vperm.xlane v5, v2;
	_ =	sdelay $0x1  }
0x85: {  	v5 =	vperm.xlane v5, v4;
	v6 =	vadd.s32 v3, v6;
	_ =	sdelay $0x1  }
0x86: {  	v5 =	vadd.s32 v3, v5;
	_ =	sdelay $0x1  }
0x87: {  	s10 =	simm.s32 $0x2180  }
0x88: {  	[tilespmem:s10], [sflag:$0x1] =	stream.indirect_vreg.gather [hbm4b:s4+s22], $0x80, v6, vm0, $0xb8;
	[tilespmem:$0x1B1C0] =	vst v63  }
0x89: {  	s11 =	simm.s32 $0x2980  }
0x8a: {  	[tilespmem:s11], [sflag:$0x1] =	stream.indirect_vreg.gather [hbm4b:s4+s22], $0x80, v5, vm0, $0xb8;
	[tilespmem:$0x1B1C0] =	vst v63  }
0x8b: {  	v5 =	vld [tilespmem:$0x30];
	_ =	sdelay $0x4  }
0x8c: {  	v6 =	vshll.u32 v5, $0x1  }
0x8d: {  	v5 =	vand.u32 $0x7, v5;
	v6 =	vand.u32 $0xFFFFFFF0, v6  }
0x8e: {  	v5 =	vor.u32 v5, v6  }
0x8f: {  	v6 =	vperm.xlane v5, v2;
	_ =	sdelay $0x1  }
0x90: {  	v5 =	vperm.xlane v5, v4;
	v6 =	vadd.s32 v3, v6;
	_ =	sdelay $0x1  }
0x91: {  	v5 =	vadd.s32 v3, v5;
	_ =	sdelay $0x1  }
0x92: {  	s1 =	simm.s32 $0x3180  }
0x93: {  	[tilespmem:s1], [sflag:$0x1] =	stream.indirect_vreg.gather [hbm4b:s4+s22], $0x80, v6, vm0, $0xb8;
	[tilespmem:$0x1B1C0] =	vst v63  }
0x94: {  	s6 =	simm.s32 $0x3980  }
0x95: {  	[tilespmem:s6], [sflag:$0x1] =	stream.indirect_vreg.gather [hbm4b:s4+s22], $0x80, v5, vm0, $0xb8;
	[tilespmem:$0x1B1C0] =	vst v63  }
0x96: {  	v5 =	vld [tilespmem:$0x40];
	_ =	sdelay $0x4  }
0x97: {  	v6 =	vshll.u32 v5, $0x1  }
0x98: {  	v5 =	vand.u32 $0x7, v5;
	v6 =	vand.u32 $0xFFFFFFF0, v6  }
0x99: {  	v5 =	vor.u32 v5, v6  }
0x9a: {  	v6 =	vperm.xlane v5, v2;
	_ =	sdelay $0x1  }
0x9b: {  	v5 =	vperm.xlane v5, v4;
	v6 =	vadd.s32 v3, v6;
	_ =	sdelay $0x1  }
0x9c: {  	v5 =	vadd.s32 v3, v5;
	_ =	sdelay $0x2  }
0x9d: {  	[tilespmem:s12], [sflag:$0x1] =	stream.indirect_vreg.gather [hbm4b:s4+s22], $0x80, v6, vm0, $0xb8;
	[tilespmem:$0x1B1C0] =	vst v63  }
0x9e: {  	_ = 	snop  }
0x9f: {  	[tilespmem:s13], [sflag:$0x1] =	stream.indirect_vreg.gather [hbm4b:s4+s22], $0x80, v5, vm0, $0xb8;
	[tilespmem:$0x1B1C0] =	vst v63  }
0xa0: {  	_ =	swait.ge [sflag:s14], $0x5000  }
0xa1: {  	[sflag:s14] =	ssyncset.done $0x0  }
0xa2: {  	[sflag:s14] =	ssyncadd.s32 $0xFFFFB000  }
0xa3: {  	s7 =	simm.s32 $0x5180;
	s8 =	rddreg [dreg:$0x1]  }
0xa4: {  	[tilespmem:s7], [sflag:$0x1] =	stream.indirect.gather [hbm4b:s8+s15], $0x80, s30, s15, $0xb8;
	[tilespmem:$0x1B1C0] =	vst v63  }
0xa5: {  	_ =	swait.ge [sflag:s14], $0x2800  }
0xa6: {  	[sflag:s14] =	ssyncset.done $0x0  }
0xa7: {  	s9 =	sand.u32 $0x7800, s22;
	s6 =	sand.u32 $0x380, s22;
	[sflag:s14] =	ssyncadd.s32 $0xFFFFD800  }
0xa8: {  	s1 =	sor.u32 s6, s9;
	v5 =	vld [tilespmem:s7+$0x0]  }
0xa9: {  	v6 =	vld [tilespmem:s1+$0x580];
	_ =	sdelay $0x4  }
0xaa: {  	v5 =	vadd.f32 v5, v6;
	_ =	sdelay $0x1  }
0xab: {  	v6 =	vmul.f32 $2.000000030e-01, v5  }
0xac: {  	vm2 =	vge.f32 v5, $0.0e+00  }
0xad: {  	v5 =	vsel vm2, v5, v6  }
0xae: {  	v5 =	vmul.f32 $1.442695020e+00, v5;
	_ =	sdelay $0x1  }
0xaf: {  	(erf) = vpow2.f32 v5;
	_ =	sdelay $0x8  }
0xb0: {  	v5 =	vpop (erf)  }
0xb1: {  	s10 =	simm.s32 $0xC980;
	v6 =	vnsel vm1, $0x0, v5  }
0xb2: {  	[tilespmem:s10+$0x0] =	vst v6  }
0xb3: {  	v6 =	vld [tilespmem:s1+$0x180];
	_ =	sdelay $0x2  }
0xb4: {  	v7 =	vbroadcast v5, $0x0;
	_ =	sdelay $0x1  }
0xb5: {  	v6 =	vmul.f32 v7, v6  }
0xb6: {  	s28 =	simm.s32 $0x79C0  }
0xb7: {  	[tilespmem:s28+$0xFFFFFFC0] =	vst v6  }
0xb8: {  	v6 =	vld [tilespmem:s1+$0x190];
	_ =	sdelay $0x2  }
0xb9: {  	v7 =	vbroadcast v5, $0x1;
	_ =	sdelay $0x1  }
0xba: {  	v6 =	vmul.f32 v7, v6;
	_ =	sdelay $0x1  }
0xbb: {  	[tilespmem:s28+$0xFFFFFFD0] =	vst v6  }
0xbc: {  	v6 =	vld [tilespmem:s1+$0x1A0];
	_ =	sdelay $0x2  }
0xbd: {  	v7 =	vbroadcast v5, $0x2;
	_ =	sdelay $0x1  }
0xbe: {  	v6 =	vmul.f32 v7, v6;
	_ =	sdelay $0x1  }
0xbf: {  	[tilespmem:s28+$0xFFFFFFE0] =	vst v6  }
0xc0: {  	v6 =	vld [tilespmem:s1+$0x1B0];
	_ =	sdelay $0x2  }
0xc1: {  	v7 =	vbroadcast v5, $0x3;
	_ =	sdelay $0x1  }
0xc2: {  	v6 =	vmul.f32 v6, v7;
	_ =	sdelay $0x1  }
0xc3: {  	[tilespmem:s28+$0xFFFFFFF0] =	vst v6  }
0xc4: {  	v6 =	vld [tilespmem:s1+$0x1C0];
	_ =	sdelay $0x2  }
0xc5: {  	v7 =	vbroadcast v5, $0x4;
	_ =	sdelay $0x1  }
0xc6: {  	v6 =	vmul.f32 v6, v7;
	_ =	sdelay $0x1  }
0xc7: {  	[tilespmem:s28+$0x0] =	vst v6  }
0xc8: {  	v6 =	vld [tilespmem:s1+$0x1D0];
	_ =	sdelay $0x2  }
0xc9: {  	v7 =	vbroadcast v5, $0x5;
	_ =	sdelay $0x1  }
0xca: {  	v6 =	vmul.f32 v6, v7;
	_ =	sdelay $0x1  }
0xcb: {  	[tilespmem:s28+$0x10] =	vst v6  }
0xcc: {  	v6 =	vld [tilespmem:s1+$0x1E0];
	_ =	sdelay $0x2  }
0xcd: {  	v7 =	vbroadcast v5, $0x6;
	_ =	sdelay $0x1  }
0xce: {  	v6 =	vmul.f32 v6, v7;
	_ =	sdelay $0x1  }
0xcf: {  	[tilespmem:s28+$0x20] =	vst v6  }
0xd0: {  	v6 =	vld [tilespmem:s1+$0x1F0];
	_ =	sdelay $0x2  }
0xd1: {  	s11 =	simm.s32 $0x100;
	v5 =	vbroadcast v5, $0x7  }
0xd2: {  	s31 =	simm.s32 $0xCA00;
	s0 =	sand.u32 $0x7800, s11;
	s9 =	simm.s32 $0x200  }
0xd3: {  	s6 =	simm.s32 $0x5200;
	s7 =	simm.s32 $0x80;
	s1 =	simm.s32 $0x7A40;
	v5 =	vmul.f32 v6, v5  }
.LBB2_7:
0xd4: {  	s10 =	sand.u32 $0x7800, s9;
	s8 =	smov.u32 s9  }
0xd5: {  	s11 =	sand.u32 $0x380, s7;
	[tilespmem:s28+$0x30] =	vst v5;
	s28 =	smov.u32 s1;
	s8 =	sadd.s32 $0x100, s9  }
0xd6: {  	p1 =	sne.s32 s9, $0x4F00;
	s9 =	sor.u32 s11, s0;
	s0 =	smov.u32 s10;
	v5 =	vld [tilespmem:s6+$0x0]  }
0xd7: {  	v6 =	vld [tilespmem:s9+$0x580];
	_ =	sdelay $0x4  }
0xd8: {  	v5 =	vadd.f32 v5, v6;
	_ =	sdelay $0x1  }
0xd9: {  	vm2 =	vge.f32 v5, $0.0e+00;
	v6 =	vmul.f32 $2.000000030e-01, v5;
	_ =	sdelay $0x1  }
0xda: {  	v5 =	vsel vm2, v5, v6  }
0xdb: {  	v5 =	vmul.f32 $1.442695020e+00, v5;
	_ =	sdelay $0x1  }
0xdc: {  	(erf) = vpow2.f32 v5;
	_ =	sdelay $0x8  }
0xdd: {  	v5 =	vpop (erf)  }
0xde: {  	v6 =	vnsel vm1, $0x0, v5;
	v7 =	vbroadcast v5, $0x0;
	v8 =	vbroadcast v5, $0x1  }
0xdf: {  	[tilespmem:s31+$0x0] =	vst v6;
	v6 =	vbroadcast v5, $0x6  }
0xe0: {  	v9 =	vld [tilespmem:s9+$0x180];
	_ =	sdelay $0x4  }
0xe1: {  	v7 =	vmul.f32 v7, v9;
	_ =	sdelay $0x1  }
0xe2: {  	[tilespmem:s1+$0xFFFFFFC0] =	vst v7  }
0xe3: {  	v7 =	vld [tilespmem:s9+$0x190];
	_ =	sdelay $0x4  }
0xe4: {  	v7 =	vmul.f32 v8, v7;
	_ =	sdelay $0x1  }
0xe5: {  	[tilespmem:s1+$0xFFFFFFD0] =	vst v7  }
0xe6: {  	v7 =	vld [tilespmem:s9+$0x1A0];
	_ =	sdelay $0x2  }
0xe7: {  	v8 =	vbroadcast v5, $0x2;
	_ =	sdelay $0x1  }
0xe8: {  	v7 =	vmul.f32 v8, v7;
	_ =	sdelay $0x1  }
0xe9: {  	[tilespmem:s1+$0xFFFFFFE0] =	vst v7  }
0xea: {  	v7 =	vld [tilespmem:s9+$0x1B0];
	_ =	sdelay $0x2  }
0xeb: {  	v8 =	vbroadcast v5, $0x3;
	_ =	sdelay $0x1  }
0xec: {  	v7 =	vmul.f32 v7, v8;
	_ =	sdelay $0x1  }
0xed: {  	[tilespmem:s1+$0xFFFFFFF0] =	vst v7  }
0xee: {  	v7 =	vld [tilespmem:s9+$0x1C0];
	_ =	sdelay $0x2  }
0xef: {  	v8 =	vbroadcast v5, $0x4;
	_ =	sdelay $0x1  }
0xf0: {  	v7 =	vmul.f32 v7, v8;
	_ =	sdelay $0x1  }
0xf1: {  	[tilespmem:s1+$0x0] =	vst v7  }
0xf2: {  	v7 =	vld [tilespmem:s9+$0x1D0];
	_ =	sdelay $0x2  }
0xf3: {  	v8 =	vbroadcast v5, $0x5;
	_ =	sdelay $0x1  }
0xf4: {  	v7 =	vmul.f32 v7, v8;
	_ =	sdelay $0x1  }
0xf5: {  	[tilespmem:s1+$0x10] =	vst v7  }
0xf6: {  	v7 =	vld [tilespmem:s9+$0x1E0];
	_ =	sdelay $0x4  }
0xf7: {  	v6 =	vmul.f32 v7, v6;
	_ =	sdelay $0x1  }
0xf8: {  	[tilespmem:s1+$0x20] =	vst v6  }
0xf9: {  	v6 =	vld [tilespmem:s9+$0x1F0];
	_ =	sdelay $0x1  }
.Ltmp2:
0xfa: {  	(pc) =	sbr.rel @p1 .LBB2_7-.Ltmp2, $3  }
0xfb: {  	v5 =	vbroadcast v5, $0x7;
	_ =	sdelay $0x1  }
0xfc: {  	s7 =	sadd.s32 $0x80, s7;
	s1 =	sadd.s32 $0x80, s1;
	v5 =	vmul.f32 v6, v5  }
0xfd: {  	s6 =	sadd.s32 $0x80, s6;
	s31 =	sadd.s32 $0x80, s31;
	s9 =	smov.u32 s8  }
0xfe: {  	s7 =	sand.u32 $0x380, s7;
	[tilespmem:s28+$0x30] =	vst v5  }
0xff: {  	s0 =	sor.u32 s7, s0;
	v5 =	vld [tilespmem:s6+$0x0]  }
0x100: {  	v6 =	vld [tilespmem:s0+$0x580];
	_ =	sdelay $0x4  }
0x101: {  	v5 =	vadd.f32 v5, v6;
	_ =	sdelay $0x1  }
0x102: {  	v6 =	vmul.f32 $2.000000030e-01, v5  }
0x103: {  	vm2 =	vge.f32 v5, $0.0e+00  }
0x104: {  	v5 =	vsel vm2, v5, v6  }
0x105: {  	v5 =	vmul.f32 $1.442695020e+00, v5;
	_ =	sdelay $0x1  }
0x106: {  	(erf) = vpow2.f32 v5;
	_ =	sdelay $0x8  }
0x107: {  	v5 =	vpop (erf)  }
0x108: {  	v6 =	vnsel vm1, $0x0, v5  }
0x109: {  	[tilespmem:s31+$0x0] =	vst v6  }
0x10a: {  	v6 =	vld [tilespmem:s0+$0x180];
	_ =	sdelay $0x2  }
0x10b: {  	v7 =	vbroadcast v5, $0x0;
	_ =	sdelay $0x1  }
0x10c: {  	v6 =	vmul.f32 v7, v6;
	_ =	sdelay $0x1  }
0x10d: {  	[tilespmem:s1+$0xFFFFFFC0] =	vst v6  }
0x10e: {  	v6 =	vld [tilespmem:s0+$0x190];
	_ =	sdelay $0x2  }
0x10f: {  	v7 =	vbroadcast v5, $0x1;
	_ =	sdelay $0x1  }
0x110: {  	v6 =	vmul.f32 v7, v6;
	_ =	sdelay $0x1  }
0x111: {  	[tilespmem:s1+$0xFFFFFFD0] =	vst v6  }
0x112: {  	v6 =	vld [tilespmem:s0+$0x1A0];
	_ =	sdelay $0x2  }
0x113: {  	v7 =	vbroadcast v5, $0x2;
	_ =	sdelay $0x1  }
0x114: {  	v6 =	vmul.f32 v7, v6;
	_ =	sdelay $0x1  }
0x115: {  	[tilespmem:s1+$0xFFFFFFE0] =	vst v6  }
0x116: {  	v6 =	vld [tilespmem:s0+$0x1B0];
	_ =	sdelay $0x2  }
0x117: {  	v7 =	vbroadcast v5, $0x3;
	_ =	sdelay $0x1  }
0x118: {  	v6 =	vmul.f32 v6, v7;
	_ =	sdelay $0x1  }
0x119: {  	[tilespmem:s1+$0xFFFFFFF0] =	vst v6  }
0x11a: {  	v6 =	vld [tilespmem:s0+$0x1C0];
	_ =	sdelay $0x2  }
0x11b: {  	v7 =	vbroadcast v5, $0x4;
	_ =	sdelay $0x1  }
0x11c: {  	v6 =	vmul.f32 v6, v7;
	_ =	sdelay $0x1  }
0x11d: {  	[tilespmem:s1+$0x0] =	vst v6  }
0x11e: {  	v6 =	vld [tilespmem:s0+$0x1D0];
	_ =	sdelay $0x2  }
0x11f: {  	v7 =	vbroadcast v5, $0x5;
	_ =	sdelay $0x1  }
0x120: {  	v6 =	vmul.f32 v6, v7;
	_ =	sdelay $0x1  }
0x121: {  	[tilespmem:s1+$0x10] =	vst v6  }
0x122: {  	v6 =	vld [tilespmem:s0+$0x1E0];
	_ =	sdelay $0x2  }
0x123: {  	v7 =	vbroadcast v5, $0x6;
	_ =	sdelay $0x1  }
0x124: {  	v6 =	vmul.f32 v6, v7;
	_ =	sdelay $0x1  }
0x125: {  	[tilespmem:s1+$0x20] =	vst v6  }
0x126: {  	v6 =	vld [tilespmem:s0+$0x1F0];
	_ =	sdelay $0x2  }
0x127: {  	v5 =	vbroadcast v5, $0x7;
	_ =	sdelay $0x1  }
0x128: {  	v5 =	vmul.f32 v6, v5;
	_ =	sdelay $0x1  }
0x129: {  	s31 =	sshll.u32 s21, $0x7;
	[tilespmem:s1+$0x30] =	vst v5  }
0x12a: {  	[spmem:s2] =	stream.indirect.scatter.add.f32 [tilespmem:s26], [sflag:$0x2], $0x80, s25, s15, $0xb8;
	[tilespmem:$0x1B1C0] =	vst v63  }
0x12b: {  	s23 =	sadd.s32 $0x1, s23;
	s0 =	sadd.s32 s24, s31;
	_ =	swait.ge [sflag:s29], $0x2800  }
0x12c: {  	p1 =	sne.s32 s23, $0xFA;
	s0 =	sshrl.u32 s0, $0x3;
	[sflag:s29] =	ssyncset.done $0x0  }
.Ltmp3:
0x12d: {  	s0 =	sadd.s32 s17, s0;
	[sflag:s29] =	ssyncadd.s32 $0xFFFFD800;
	(pc) =	sbr.rel @p1 .LBB2_6-.Ltmp3, $4  }
0x12e: {  	[hbm4b:s0+s3] =	stream.linear.scatter [tilespmem:s18], [sflag:$0x2], $0x2800, $0x38;
	[tilespmem:$0x1B1C0] =	vst v63  }
0x12f: {  	_ =	swait.ge [sflag:s29], $0x2800  }
0x130: {  	[sflag:s29] =	ssyncset.done $0x0  }
0x131: {  	[sflag:s29] =	ssyncadd.s32 $0xFFFFD800  }
0x132: {  	[bflag:$0x0] =	sbarrier.arrive $0xFFFF  }
0x133: {  	s28 =	simm.s32 $0xF180;
	s10 =	rddreg [dreg:$0xe]  }
0x134: {  	[tilespmem:s28], [sflag:$0x2] =	stream.linear.gather [spmem:s10], $0x2000, $0x38;
	[tilespmem:$0x1B1C0] =	vst v63  }
0x135: {  	_ =	swait.ge [sflag:s29], $0x2000  }
0x136: {  	[sflag:s29] =	ssyncset.done $0x0  }
0x137: {  	s0 =	simm.s32 $0x0;
	s1 =	rddreg [dreg:$0x4];
	[sflag:s29] =	ssyncadd.s32 $0xFFFFE000  }
0x138: {  	[hbm4b:s1+s0] =	stream.linear.scatter [tilespmem:s28], [sflag:$0x2], $0x2000, $0x38;
	[tilespmem:$0x1B1C0] =	vst v63  }
0x139: {  	_ =	swait.ge [sflag:s29], $0x2000  }
0x13a: {  	[sflag:s29] =	ssyncset.done $0x0  }
0x13b: {  	s11 =	rddreg [dreg:$0xf];
	[sflag:s29] =	ssyncadd.s32 $0xFFFFE000  }
0x13c: {  	[tilespmem:s28], [sflag:$0x2] =	stream.linear.gather [spmem:s11], $0x2000, $0x38;
	[tilespmem:$0x1B1C0] =	vst v63  }
0x13d: {  	_ =	swait.ge [sflag:s29], $0x2000  }
0x13e: {  	[sflag:s29] =	ssyncset.done $0x0  }
0x13f: {  	s21 =	rddreg [dreg:$0x5];
	[sflag:s29] =	ssyncadd.s32 $0xFFFFE000  }
0x140: {  	[hbm4b:s21+s0] =	stream.linear.scatter [tilespmem:s28], [sflag:$0x2], $0x2000, $0x38;
	[tilespmem:$0x1B1C0] =	vst v63  }
0x141: {  	_ =	swait.ge [sflag:s29], $0x2000  }
0x142: {  	[sflag:s29] =	ssyncset.done $0x0  }
0x143: {  	s21 =	rddreg [dreg:$0x10];
	[sflag:s29] =	ssyncadd.s32 $0xFFFFE000  }
0x144: {  	[tilespmem:s28], [sflag:$0x2] =	stream.linear.gather [spmem:s21], $0x2000, $0x38;
	[tilespmem:$0x1B1C0] =	vst v63  }
0x145: {  	_ =	swait.ge [sflag:s29], $0x2000  }
0x146: {  	[sflag:s29] =	ssyncset.done $0x0  }
0x147: {  	s22 =	rddreg [dreg:$0x6];
	[sflag:s29] =	ssyncadd.s32 $0xFFFFE000  }
0x148: {  	[hbm4b:s22+s0] =	stream.linear.scatter [tilespmem:s28], [sflag:$0x2], $0x2000, $0x38;
	[tilespmem:$0x1B1C0] =	vst v63  }
0x149: {  	_ =	swait.ge [sflag:s29], $0x2000  }
0x14a: {  	[sflag:s29] =	ssyncset.done $0x0  }
0x14b: {  	s22 =	rddreg [dreg:$0x11];
	[sflag:s29] =	ssyncadd.s32 $0xFFFFE000  }
0x14c: {  	[tilespmem:s28], [sflag:$0x2] =	stream.linear.gather [spmem:s22], $0x2000, $0x38;
	[tilespmem:$0x1B1C0] =	vst v63  }
0x14d: {  	_ =	swait.ge [sflag:s29], $0x2000  }
0x14e: {  	[sflag:s29] =	ssyncset.done $0x0  }
0x14f: {  	s23 =	rddreg [dreg:$0x7];
	[sflag:s29] =	ssyncadd.s32 $0xFFFFE000  }
0x150: {  	[hbm4b:s23+s0] =	stream.linear.scatter [tilespmem:s28], [sflag:$0x2], $0x2000, $0x38;
	[tilespmem:$0x1B1C0] =	vst v63  }
0x151: {  	_ =	swait.ge [sflag:s29], $0x2000  }
0x152: {  	[sflag:s29] =	ssyncset.done $0x0  }
0x153: {  	s9 =	rddreg [dreg:$0x12];
	[sflag:s29] =	ssyncadd.s32 $0xFFFFE000  }
0x154: {  	[tilespmem:s28], [sflag:$0x2] =	stream.linear.gather [spmem:s9], $0x2000, $0x38;
	[tilespmem:$0x1B1C0] =	vst v63  }
0x155: {  	_ =	swait.ge [sflag:s29], $0x2000  }
0x156: {  	[sflag:s29] =	ssyncset.done $0x0  }
0x157: {  	s31 =	rddreg [dreg:$0x8];
	[sflag:s29] =	ssyncadd.s32 $0xFFFFE000  }
0x158: {  	[hbm4b:s31+s0] =	stream.linear.scatter [tilespmem:s28], [sflag:$0x2], $0x2000, $0x38;
	[tilespmem:$0x1B1C0] =	vst v63  }
0x159: {  	_ =	swait.ge [sflag:s29], $0x2000  }
0x15a: {  	[sflag:s29] =	ssyncset.done $0x0  }
0x15b: {  	[sflag:s29] =	ssyncadd.s32 $0xFFFFE000  }
0x15c: {  	s1 =	simm.s32 $0x200;
	s0 =	simm.s32 $0x0;
	[bflag:$0x0] =	sbarrier.arrive $0xFFFF  }
.LBB2_10:
0x15d: {  	p1 =	sne.s32 s1, $0x7E00;
	[tilespmem:s0+$0xF1F0] =	vst v1  }
0x15e: {  	[tilespmem:s0+$0xF180] =	vst v1  }
0x15f: {  	[tilespmem:s0+$0xF190] =	vst v1  }
.Ltmp4:
0x160: {  	[tilespmem:s0+$0xF1A0] =	vst v1;
	(pc) =	sbr.rel @p1 .LBB2_10-.Ltmp4, $4  }
0x161: {  	[tilespmem:s0+$0xF1B0] =	vst v1  }
0x162: {  	[tilespmem:s0+$0xF1C0] =	vst v1  }
0x163: {  	[tilespmem:s0+$0xF1D0] =	vst v1  }
0x164: {  	[tilespmem:s0+$0xF1E0] =	vst v1;
	s0 =	sshra.s32 s1, $0x2;
	s1 =	sadd.s32 $0x200, s1  }
0x165: {  	[tilespmem:s0+$0xF1F0] =	vst v1  }
0x166: {  	[tilespmem:s0+$0xF180] =	vst v1  }
0x167: {  	[tilespmem:s0+$0xF190] =	vst v1  }
0x168: {  	[tilespmem:s0+$0xF1A0] =	vst v1  }
0x169: {  	[tilespmem:s0+$0xF1B0] =	vst v1  }
0x16a: {  	[tilespmem:s0+$0xF1C0] =	vst v1  }
0x16b: {  	[tilespmem:s0+$0xF1D0] =	vst v1  }
0x16c: {  	[tilespmem:s0+$0xF1E0] =	vst v1  }
0x16d: {  	[spmem:s10] =	stream.linear.scatter [tilespmem:s28], [sflag:$0x2], $0x2000, $0x38;
	[tilespmem:$0x1B1C0] =	vst v63  }
0x16e: {  	_ =	swait.ge [sflag:s29], $0x2000  }
0x16f: {  	[sflag:s29] =	ssyncset.done $0x0  }
0x170: {  	[sflag:s29] =	ssyncadd.s32 $0xFFFFE000  }
0x171: {  	[spmem:s11] =	stream.linear.scatter [tilespmem:s28], [sflag:$0x2], $0x2000, $0x38;
	[tilespmem:$0x1B1C0] =	vst v63  }
0x172: {  	_ =	swait.ge [sflag:s29], $0x2000  }
0x173: {  	[sflag:s29] =	ssyncset.done $0x0  }
0x174: {  	[sflag:s29] =	ssyncadd.s32 $0xFFFFE000  }
0x175: {  	[spmem:s21] =	stream.linear.scatter [tilespmem:s28], [sflag:$0x2], $0x2000, $0x38;
	[tilespmem:$0x1B1C0] =	vst v63  }
0x176: {  	_ =	swait.ge [sflag:s29], $0x2000  }
0x177: {  	[sflag:s29] =	ssyncset.done $0x0  }
0x178: {  	[sflag:s29] =	ssyncadd.s32 $0xFFFFE000  }
0x179: {  	[spmem:s22] =	stream.linear.scatter [tilespmem:s28], [sflag:$0x2], $0x2000, $0x38;
	[tilespmem:$0x1B1C0] =	vst v63  }
0x17a: {  	_ =	swait.ge [sflag:s29], $0x2000  }
0x17b: {  	[sflag:s29] =	ssyncset.done $0x0  }
0x17c: {  	[sflag:s29] =	ssyncadd.s32 $0xFFFFE000  }
0x17d: {  	[spmem:s9] =	stream.linear.scatter [tilespmem:s28], [sflag:$0x2], $0x2000, $0x38;
	[tilespmem:$0x1B1C0] =	vst v63  }
0x17e: {  	_ =	swait.ge [sflag:s29], $0x2000  }
0x17f: {  	[sflag:s29] =	ssyncset.done $0x0  }
0x180: {  	s0 =	simm.s32 @!p0 $0xF180;
	s23 =	rddreg [dreg:$0x14];
	[sflag:s29] =	ssyncadd.s32 $0xFFFFE000  }
0x181: {  	[spmem:s23] =	stream.linear.scatter @!p0 [tilespmem:s0], [sflag:$0x2], $0x400, $0x38;
	[tilespmem:$0x1B1C0] =	vst v63  }
0x182: {  	s0 =	simm.s32 @!p0 $0x2  }
0x183: {  	_ =	swait.ge @!p0 [sflag:s0], $0x400  }
0x184: {  	[sflag:s0] =	ssyncset.done @!p0 $0x0  }
0x185: {  	[sflag:s0] =	ssyncadd.s32 @!p0 $0xFFFFFC00  }
0x186: {  	s1 =	simm.s32 $0x0;
	s0 =	simm.s32 $0x0;
	[bflag:$0x0] =	sbarrier.arrive $0xFFFF  }
.LBB2_12:
0x187: {  	s6 =	smul.u32 $0x50, s1;
	_ =	sdelay $0x1  }
0x188: {  	s6 =	sadd.s32 s20, s6  }
0x189: {  	s7 =	sshrl.u32 s6, $0x3  }
0x18a: {  	s8 =	sadd.s32 s5, s7  }
0x18b: {  	[tilespmem:s0], [sflag:$0x2] =	stream.linear.gather [hbm4b:s8+s0], $0x50, $0x38;
	[tilespmem:$0x1B1C0] =	vst v63  }
0x18c: {  	_ =	swait.ge [sflag:s29], $0x50  }
0x18d: {  	[sflag:s29] =	ssyncset.done $0x0  }
0x18e: {  	s7 =	sadd.s32 s16, s7;
	[sflag:s29] =	ssyncadd.s32 $0xFFFFFFB0  }
0x18f: {  	[tilespmem:s30], [sflag:$0x2] =	stream.linear.gather [hbm4b:s7+s0], $0x50, $0x38;
	[tilespmem:$0x1B1C0] =	vst v63  }
0x190: {  	_ =	swait.ge [sflag:s29], $0x50  }
0x191: {  	[sflag:s29] =	ssyncset.done $0x0  }
0x192: {  	[sflag:s29] =	ssyncadd.s32 $0xFFFFFFB0  }
0x193: {  	v5 =	vld [tilespmem:$0x80]  }
0x194: {  	v6 =	vld [tilespmem:$0x90]  }
0x195: {  	v7 =	vld [tilespmem:$0xA0]  }
0x196: {  	v8 =	vld [tilespmem:$0xB0]  }
0x197: {  	v9 =	vld [tilespmem:$0xC0]  }
0x198: {  	v5 =	vsub.s32 v5, v0  }
0x199: {  	v6 =	vsub.s32 v6, v0;
	v5 =	vmin.u32 v5, $0x1400  }
0x19a: {  	[tilespmem:$0x100] =	vst v5;
	v5 =	vmin.u32 v6, $0x1400;
	v6 =	vsub.s32 v7, v0  }
0x19b: {  	s6 =	sshll.u32 s6, $0x7;
	[tilespmem:$0x110] =	vst v5;
	v5 =	vmin.u32 v6, $0x1400;
	v6 =	vsub.s32 v8, v0  }
0x19c: {  	s6 =	sadd.s32 s24, s6;
	[tilespmem:$0x120] =	vst v5;
	v5 =	vmin.u32 v6, $0x1400;
	v6 =	vsub.s32 v9, v0  }
0x19d: {  	s6 =	sshrl.u32 s6, $0x3;
	[tilespmem:$0x130] =	vst v5;
	v5 =	vmin.u32 v6, $0x1400  }
0x19e: {  	s6 =	sadd.s32 s17, s6;
	[tilespmem:$0x140] =	vst v5  }
0x19f: {  	[tilespmem:s18], [sflag:$0x2] =	stream.linear.gather [hbm4b:s6+s0], $0x2800, $0x38;
	[tilespmem:$0x1B1C0] =	vst v63  }
0x1a0: {  	_ =	swait.ge [sflag:s29], $0x2800  }
0x1a1: {  	[sflag:s29] =	ssyncset.done $0x0  }
0x1a2: {  	s6 =	simm.s32 $0x0;
	[sflag:s29] =	ssyncadd.s32 $0xFFFFD800  }
0x1a3: {  	s7 =	simm.s32 $0x200;
	v5 =	vld [tilespmem:s6+$0xC980]  }
.LBB2_13:
0x1a4: {  	p1 =	sne.s32 s7, $0x9E00  }
.Ltmp5:
0x1a5: {  	_ = 	snop;
	(pc) =	sbr.rel @p1 .LBB2_13-.Ltmp5, $3  }
0x1a6: {  	_ =	sdelay $0x1  }
0x1a7: {  	[tilespmem:s6+$0xA180] =	vst v5;
	s6 =	sshra.s32 s7, $0x2;
	s7 =	sadd.s32 $0x200, s7  }
0x1a8: {  	v5 =	vld [tilespmem:s6+$0xC980]  }
0x1a9: {  	_ =	sdelay $0x1  }
0x1aa: {  	s1 =	sadd.s32 $0x1, s1  }
0x1ab: {  	p1 =	sne.s32 s1, $0xFA  }
.Ltmp6:
0x1ac: {  	[tilespmem:s6+$0xA180] =	vst v5;
	(pc) =	sbr.rel @p1 .LBB2_12-.Ltmp6, $4  }
0x1ad: {  	[spmem:s2] =	stream.indirect.scatter.add.f32 [tilespmem:s19], [sflag:$0x2], $0x80, s25, s15, $0xb8;
	[tilespmem:$0x1B1C0] =	vst v63  }
0x1ae: {  	_ =	swait.ge [sflag:s29], $0x2800  }
0x1af: {  	[sflag:s29] =	ssyncset.done $0x0  }
0x1b0: {  	[sflag:s29] =	ssyncadd.s32 $0xFFFFD800  }
0x1b1: {  	[bflag:$0x0] =	sbarrier.arrive $0xFFFF  }
0x1b2: {  	[tilespmem:s28], [sflag:$0x2] =	stream.linear.gather [spmem:s10], $0x2000, $0x38;
	[tilespmem:$0x1B1C0] =	vst v63  }
0x1b3: {  	_ =	swait.ge [sflag:s29], $0x2000  }
0x1b4: {  	[sflag:s29] =	ssyncset.done $0x0  }
0x1b5: {  	s0 =	rddreg [dreg:$0x9];
	[sflag:s29] =	ssyncadd.s32 $0xFFFFE000  }
0x1b6: {  	[hbm4b:s0+s3] =	stream.linear.scatter [tilespmem:s28], [sflag:$0x2], $0x2000, $0x38;
	[tilespmem:$0x1B1C0] =	vst v63  }
0x1b7: {  	_ =	swait.ge [sflag:s29], $0x2000  }
0x1b8: {  	[sflag:s29] =	ssyncset.done $0x0  }
0x1b9: {  	[sflag:s29] =	ssyncadd.s32 $0xFFFFE000  }
0x1ba: {  	[tilespmem:s28], [sflag:$0x2] =	stream.linear.gather [spmem:s11], $0x2000, $0x38;
	[tilespmem:$0x1B1C0] =	vst v63  }
0x1bb: {  	_ =	swait.ge [sflag:s29], $0x2000  }
0x1bc: {  	[sflag:s29] =	ssyncset.done $0x0  }
0x1bd: {  	s1 =	rddreg [dreg:$0xa];
	[sflag:s29] =	ssyncadd.s32 $0xFFFFE000  }
0x1be: {  	[hbm4b:s1+s3] =	stream.linear.scatter [tilespmem:s28], [sflag:$0x2], $0x2000, $0x38;
	[tilespmem:$0x1B1C0] =	vst v63  }
0x1bf: {  	_ =	swait.ge [sflag:s29], $0x2000  }
0x1c0: {  	[sflag:s29] =	ssyncset.done $0x0  }
0x1c1: {  	[sflag:s29] =	ssyncadd.s32 $0xFFFFE000  }
0x1c2: {  	[tilespmem:s28], [sflag:$0x2] =	stream.linear.gather [spmem:s21], $0x2000, $0x38;
	[tilespmem:$0x1B1C0] =	vst v63  }
0x1c3: {  	_ =	swait.ge [sflag:s29], $0x2000  }
0x1c4: {  	[sflag:s29] =	ssyncset.done $0x0  }
0x1c5: {  	s6 =	rddreg [dreg:$0xb];
	[sflag:s29] =	ssyncadd.s32 $0xFFFFE000  }
0x1c6: {  	[hbm4b:s6+s3] =	stream.linear.scatter [tilespmem:s28], [sflag:$0x2], $0x2000, $0x38;
	[tilespmem:$0x1B1C0] =	vst v63  }
0x1c7: {  	_ =	swait.ge [sflag:s29], $0x2000  }
0x1c8: {  	[sflag:s29] =	ssyncset.done $0x0  }
0x1c9: {  	[sflag:s29] =	ssyncadd.s32 $0xFFFFE000  }
0x1ca: {  	[tilespmem:s28], [sflag:$0x2] =	stream.linear.gather [spmem:s22], $0x2000, $0x38;
	[tilespmem:$0x1B1C0] =	vst v63  }
0x1cb: {  	_ =	swait.ge [sflag:s29], $0x2000  }
0x1cc: {  	[sflag:s29] =	ssyncset.done $0x0  }
0x1cd: {  	s7 =	rddreg [dreg:$0xc];
	[sflag:s29] =	ssyncadd.s32 $0xFFFFE000  }
0x1ce: {  	[hbm4b:s7+s3] =	stream.linear.scatter [tilespmem:s28], [sflag:$0x2], $0x2000, $0x38;
	[tilespmem:$0x1B1C0] =	vst v63  }
0x1cf: {  	_ =	swait.ge [sflag:s29], $0x2000  }
0x1d0: {  	[sflag:s29] =	ssyncset.done $0x0  }
0x1d1: {  	[sflag:s29] =	ssyncadd.s32 $0xFFFFE000  }
0x1d2: {  	[tilespmem:s28], [sflag:$0x2] =	stream.linear.gather [spmem:s9], $0x2000, $0x38;
	[tilespmem:$0x1B1C0] =	vst v63  }
0x1d3: {  	_ =	swait.ge [sflag:s29], $0x2000  }
0x1d4: {  	[sflag:s29] =	ssyncset.done $0x0  }
0x1d5: {  	s8 =	rddreg [dreg:$0xd];
	[sflag:s29] =	ssyncadd.s32 $0xFFFFE000  }
0x1d6: {  	[hbm4b:s8+s3] =	stream.linear.scatter [tilespmem:s28], [sflag:$0x2], $0x2000, $0x38;
	[tilespmem:$0x1B1C0] =	vst v63  }
0x1d7: {  	_ =	swait.ge [sflag:s29], $0x2000  }
0x1d8: {  	s1 =	rddreg [dreg:$0x15]  }
0x1d9: {  	s31 =	rddreg [dreg:$0x13];
	s1 =	sadd.s32 $0x1, s1  }
0x1da: {  	p1 =	sne.s32 s1, s31  }
.Ltmp7:
0x1db: {  	_ = 	snop;
	(pc) =	sbr.rel @p1 .LBB2_1-.Ltmp7, $3  }
0x1dc: {  	_ =	sdelay $0x1  }
0x1dd: {  	[sflag:s29] =	ssyncset.done $0x0  }
0x1de: {  	[sflag:s29] =	ssyncadd.s32 $0xFFFFE000  }
0x1df: {  	_ =	sfence.sel $0x180000  }
0x1e0: {  	[bflag:$0x0] =	sbarrier.arrive $0xFFFF  }
0x1e1: {  	_ =	strace $0x9000004A  }
0x1e2: {  	[bflag:$0x2] =	sbarrier.arrive $0xFFFF  }
0x1e3: {  	s0 =	rddreg [dreg:$0x3]  }
0x1e4: {  	s0 =	sadd.s32 @!p0 $0x100000, s0  }
0x1e5: {  	[sflag:s0] =	ssyncadd.tile.s32 @!p0 $0x1;
	_ =	shalt  }
.Lfunc_end2:
_tile_overlayer_lowered:
.L_overlay_start_2:
0x1e6: {  	(tag) =	ssettag $0x2  }
0x1e7: {  	s0 =	rddreg [dreg:$0x0];
	s2 =	stileid.u32  }
0x1e8: {  	s1 =	rddreg [dreg:$0x1];
	p0 =	sne.s32 s2, $0x0  }
0x1e9: {  	s3 =	rddreg [dreg:$0x2];
	[bflag:$0x3] =	sbarrier.arrive $0xFFFF;
	s2 =	simm.s32 @!p0 $0x1C02  }
0x1ea: {  	[timem:s3], [sflag:s2] =	dma.local @!p0 [hbm:s0], s1  }
0x1eb: {  	s0 =	simm.s32 @!p0 $0x2  }
0x1ec: {  	_ =	swait.ge @!p0 [sflag:s0], s1  }
0x1ed: {  	s1 =	ssub.s32 @!p0 $0x0, s1;
	[sflag:s0] =	ssyncset.done @!p0 $0x0  }
0x1ee: {  	[sflag:s0] =	ssyncadd.s32 @!p0 s1  }
0x1ef: {  	[bflag:$0x3] =	sbarrier.arrive $0xFFFF  }
0x1f0: {  	_ =	shalt  }

// kernel: kernel.9.cloned.1.call-start
scs
__scs_entry_jumppad:
0x0: {  	(pc) =	sbr.rel $0x88, $3  }
0x1: {  	(tag) =	ssettag $0x0;
	lr =	simm.s32 $0x1  }
0x2: {  	[smem:$0x3F8F] =	sst lr;
	_ =	strace $0xD0000000  }
0x3: {  	_ = 	snop  }
0x4: {  	_ = 	snop  }
0x5: {  	_ = 	snop  }
0x6: {  	_ = 	snop  }
0x7: {  	_ = 	snop  }
__scs_overlays_trampoline_lowered:
0x8: {  	[smem:$0x3F9E] =	sst s0  }
0x9: {  	[smem:$0x3F9F] =	sst s1  }
0xa: {  	[smem:$0x3FA0] =	sst s2  }
0xb: {  	[smem:$0x3FA1] =	sst s3  }
0xc: {  	[smem:$0x3FA2] =	sst s4  }
0xd: {  	[smem:$0x3FA3] =	sst s5  }
0xe: {  	[smem:$0x3FA4] =	sst s6  }
0xf: {  	[smem:$0x3FA5] =	sst s7  }
0x10: {  	[smem:$0x3FA6] =	sst s8  }
0x11: {  	[smem:$0x3FA7] =	sst s9;
	s0 =	simm.s32 @!p0 $0x0  }
0x12: {  	s1 =	sld [smem:$0x3F8D];
	s0 =	simm.s32 @p0 $0x1  }
0x13: {  	[smem:$0x3FA8] =	sst s0;
	s0 =	simm.s32 @!p1 $0x0  }
0x14: {  	s2 =	sld [smem:$0x3F8C];
	s0 =	simm.s32 @p1 $0x1  }
0x15: {  	[smem:$0x3FA9] =	sst s0;
	s0 =	simm.s32 @!p2 $0x0  }
0x16: {  	s3 =	sld [smem:$0x3FDB];
	s0 =	simm.s32 @p2 $0x1  }
0x17: {  	s4 =	simm.s32 $0x1BF5;
	[smem:$0x3FAB] =	sst s0  }
0x18: {  	s0 =	sld [smem:$0x3F8E];
	_ =	swait.ge [sflag:s4], $0x0  }
0x19: {  	s7 =	sld [smem:$0x3F8F]  }
0x1a: {  	s8 =	sadd.s32 $0xFFFFE003, lr  }
0x1b: {  	s9 =	sadd.s32 $0xFFFFFEF7, lr;
	s5 =	simm.s32 $0xFFFFFFFF;
	p2 =	slt.u32 s8, $0xFFFFF086  }
0x1c: {  	p1 =	slt.u32 s9, $0xF7A;
	s5 =	simm.s32 @!p2 $0x0  }
0x1d: {  	s5 =	simm.s32 @p1 $0x1;
	p0 =	seq.s32 s7, s2  }
0x1e: {  	s7 =	smul.u32 @!p0 $0xF7A, s2;
	p2 =	seq.s32 @!p0 s5, $0x0  }
0x1f: {  	s9 =	smul.u32 $0xF7A, s1;
	s8 =	simm.s32 @!p0 $0x1BF5;
	p2 =	por !p2, p0  }
0x20: {  	[sflag:s8] =	ssyncset.s32 @!p0 $0xFFFFF086;
	s6 =	sadd.s32 @!p0 s3, s7;
	s7 =	simm.s32 @!p0 $0x108  }
0x21: {  	s3 =	sadd.s32 s3, s9;
	s6 =	sadd.s32 @!p0 $0x88, s6;
	s7 =	simm.s32 @p2 $0x1082  }
0x22: {  	[simem:s7], [sflag:s8] =	dma.local @!p0 [hbm:s6], $0xF7A  }
0x23: {  	s9 =	sor.u32 $0xD0000000, s2;
	s6 =	simm.s32 $0x108;
	_ =	swait.ge @!p0 [sflag:s8], $0x0  }
0x24: {  	s3 =	sadd.s32 $0x88, s3;
	s6 =	simm.s32 @!p1 $0x1082;
	[sflag:s4] =	ssyncset.s32 $0xFFFFF086  }
0x25: {  	[simem:s6], [sflag:s4] =	dma.local [hbm:s3], $0xF7A  }
0x26: {  	[smem:$0x3F8F] =	sst s1;
	(tag) =	ssettag s2;
	_ =	strace s9  }
0x27: {  	s1 =	sld [smem:$0x3F9F]  }
0x28: {  	s2 =	sld [smem:$0x3FA0]  }
0x29: {  	s4 =	sld [smem:$0x3FA2]  }
0x2a: {  	p0 =	seq.s32 s5, $0x0;
	s5 =	sld [smem:$0x3FA3]  }
0x2b: {  	s6 =	sld [smem:$0x3FA4]  }
0x2c: {  	s7 =	sld [smem:$0x3FA5]  }
0x2d: {  	s3 =	simm.s32 $0x108;
	s8 =	sld [smem:$0x3FA6]  }
0x2e: {  	s3 =	simm.s32 @!p0 $0x1082;
	s9 =	sld [smem:$0x3FA7]  }
0x2f: {  	lr =	sadd.s32 s0, s3;
	s0 =	sld [smem:$0x3F9E]  }
0x30: {  	s3 =	sld [smem:$0x3FA1]  }
0x31: {  	[smem:$0x3FAA] =	sst s10  }
0x32: {  	s10 =	sld [smem:$0x3FA8];
	_ =	sdelay $0x3  }
0x33: {  	p0 =	seq.s32 s10, $0x1;
	s10 =	sld [smem:$0x3FAA];
	_ =	sdelay $0x3  }
0x34: {  	[smem:$0x3FAA] =	sst s10  }
0x35: {  	s10 =	sld [smem:$0x3FA9];
	_ =	sdelay $0x3  }
0x36: {  	p1 =	seq.s32 s10, $0x1;
	s10 =	sld [smem:$0x3FAA];
	_ =	sdelay $0x3  }
0x37: {  	[smem:$0x3FAA] =	sst s10  }
0x38: {  	s10 =	sld [smem:$0x3FAB]  }
0x39: {  	_ = 	snop;
	(pc) =	sbr.ind lr, $3  }
0x3a: {  	_ = 	snop  }
0x3b: {  	_ = 	snop  }
0x3c: {  	p2 =	seq.s32 s10, $0x1;
	s10 =	sld [smem:$0x3FAA]  }
0x3d: {  	_ =	shalt  }
0x3e: {  	_ =	shalt  }
0x3f: {  	_ =	shalt  }
0x40: {  	_ =	shalt  }
0x41: {  	_ =	shalt  }
0x42: {  	_ =	shalt  }
0x43: {  	_ =	shalt  }
0x44: {  	_ =	shalt  }
0x45: {  	_ =	shalt  }
0x46: {  	_ =	shalt  }
0x47: {  	_ =	shalt  }
0x48: {  	_ =	shalt  }
0x49: {  	_ =	shalt  }
0x4a: {  	_ =	shalt  }
0x4b: {  	_ =	shalt  }
0x4c: {  	_ =	shalt  }
0x4d: {  	_ =	shalt  }
0x4e: {  	_ =	shalt  }
0x4f: {  	_ =	shalt  }
0x50: {  	_ =	shalt  }
0x51: {  	_ =	shalt  }
0x52: {  	_ =	shalt  }
0x53: {  	_ =	shalt  }
0x54: {  	_ =	shalt  }
0x55: {  	_ =	shalt  }
0x56: {  	_ =	shalt  }
0x57: {  	_ =	shalt  }
0x58: {  	_ =	shalt  }
0x59: {  	_ =	shalt  }
0x5a: {  	_ =	shalt  }
0x5b: {  	_ =	shalt  }
0x5c: {  	_ =	shalt  }
0x5d: {  	_ =	shalt  }
0x5e: {  	_ =	shalt  }
0x5f: {  	_ =	shalt  }
0x60: {  	_ =	shalt  }
0x61: {  	_ =	shalt  }
0x62: {  	_ =	shalt  }
0x63: {  	_ =	shalt  }
0x64: {  	_ =	shalt  }
0x65: {  	_ =	shalt  }
0x66: {  	_ =	shalt  }
0x67: {  	_ =	shalt  }
0x68: {  	_ =	shalt  }
0x69: {  	_ =	shalt  }
0x6a: {  	_ =	shalt  }
0x6b: {  	_ =	shalt  }
0x6c: {  	_ =	shalt  }
0x6d: {  	_ =	shalt  }
0x6e: {  	_ =	shalt  }
0x6f: {  	_ =	shalt  }
0x70: {  	_ =	shalt  }
0x71: {  	_ =	shalt  }
0x72: {  	_ =	shalt  }
0x73: {  	_ =	shalt  }
0x74: {  	_ =	shalt  }
0x75: {  	_ =	shalt  }
0x76: {  	_ =	shalt  }
0x77: {  	_ =	shalt  }
0x78: {  	_ =	shalt  }
0x79: {  	_ =	shalt  }
0x7a: {  	_ =	shalt  }
0x7b: {  	_ =	shalt  }
0x7c: {  	_ =	shalt  }
0x7d: {  	_ =	shalt  }
0x7e: {  	_ =	shalt  }
0x7f: {  	_ =	shalt  }
0x80: {  	_ =	shalt  }
0x81: {  	_ =	shalt  }
0x82: {  	_ =	shalt  }
0x83: {  	_ =	shalt  }
0x84: {  	_ =	shalt  }
0x85: {  	_ =	shalt  }
0x86: {  	_ =	shalt  }
0x87: {  	_ =	shalt  }
.Lfunc_end0:
.L_simem_size_0:
called_computation.1_lowered:
.L_overlay_start_0:
0x88: {  	s2 =	sld [smem:$0x3FD9]  }
0x89: {  	s3 =	sld [smem:$0x3FFE];
	_ =	sdelay $0x1  }
0x8a: {  	s1 =	srdreg.scid  }
0x8b: {  	s0 =	sand.u32 $0x1, s1  }
0x8c: {  	s14 =	sshll.u32 s0, $0xA;
	s2 =	sadd.s32 s3, s2  }
0x8d: {  	s2 =	sadd.s32 s2, s14  }
0x8e: {  	[smem:$0x3FB6] =	sst s2  }
0x8f: {  	_ = 	snop  }
0x90: {  	s2 =	sld [smem:$0x3FD0];
	_ =	sdelay $0x2  }
0x91: {  	s15 =	simm.s32 $0xB;
	s4 =	simm.s32 $0x10  }
0x92: {  	[smem:s4], [sflag:s15] =	dma.local [hbm:s2], $0x1  }
0x93: {  	_ =	swait.eq [sflag:s15], $0x1  }
0x94: {  	[sflag:s15] =	ssyncset.done $0x0  }
0x95: {  	[sflag:s15] =	ssyncadd.s32 $0xFFFFFFFF  }
0x96: {  	s16 =	sld [smem:$0x10];
	(tm) =	ssettm $0x1  }
0x97: {  	s17 =	sld [smem:$0x3FFB];
	_ =	sdelay $0x3  }
0x98: {  	_ =	strace s17  }
0x99: {  	s3 =	sld [smem:$0x3FFC];
	_ =	sdelay $0x3  }
0x9a: {  	_ =	strace s3  }
0x9b: {  	s3 =	sld [smem:$0x3FFD];
	_ =	sdelay $0x3  }
0x9c: {  	_ =	strace s3  }
0x9d: {  	_ =	strace $0x8FFFFFFF  }
0x9e: {  	s18 =	sld [smem:$0x3FDB];
	_ =	sdelay $0x1  }
0x9f: {  	s19 =	simm.s32 $_scs_section_size  }
0xa0: {  	s5 =	simm.s32 $_size__tile_overlayer_lowered;
	s6 =	simm.s32 $_tile_overlayer_lowered  }
0xa1: {  	s22 =	simm.s32 $0x1BFF;
	s21 =	sshll.u32 s6, $0x1;
	s3 =	sadd.s32 s19, s18  }
0xa2: {  	s7 =	simm.s32 $0x0;
	s20 =	sshll.u32 s5, $0x1;
	s5 =	sadd.s32 s21, s3  }
0xa3: {  	[timem:s7], [sflag:s22] =	dma.local [hbm:s5], s20  }
0xa4: {  	_ =	swait.ge [sflag:s22], s20  }
0xa5: {  	s4 =	ssub.s32 $0x0, s20;
	[sflag:s22] =	ssyncset.done $0x0  }
0xa6: {  	[sflag:s22] =	ssyncadd.s32 s4;
	_ =	sdelay $0x1  }
0xa7: {  	s23 =	simm.s32 $0x1B8B  }
0xa8: {  	_ =	swait.ge [sflag:s23], $0x1  }
0xa9: {  	[sflag:s23] =	ssyncset.done $0x0  }
0xaa: {  	s25 =	simm.s32 $0x1B8E;
	s24 =	sld [smem:$0x3FFE];
	[sflag:s23] =	ssyncadd.s32 $0xFFFFFFFF  }
0xab: {  	s26 =	simm.s32 $execute0_lowered;
	[smem:$0x3FD2] =	sst s25  }
0xac: {  	s5 =	sshll.u32 s26, $0x1;
	_ =	strace $0x80000046;
	[dreg:$0x1] =	wrdreg $0xFFFFFFFF  }
0xad: {  	s28 =	simm.s32 $_size_execute0_lowered;
	s3 =	sadd.s32 s3, s5;
	[dreg:$0x0] =	wrdreg $0x0  }
0xae: {  	s5 =	sshll.u32 s28, $0x1;
	[dreg:$0x2] =	wrdreg s3  }
0xaf: {  	[dreg:$0x3] =	wrdreg s5  }
0xb0: {  	[dreg:$0x4] =	wrdreg $0xC0  }
0xb1: {  	_ =	task [dreg:s7], $0x5FFFF  }
0xb2: {  	[dreg:$0x1] =	wrdreg $0xFFFFFFFF  }
0xb3: {  	[dreg:$0x0] =	wrdreg $0x60  }
0xb4: {  	[dreg:$0x2] =	wrdreg s24  }
0xb5: {  	[dreg:$0x3] =	wrdreg s16  }
0xb6: {  	[dreg:$0x4] =	wrdreg $0x111800  }
0xb7: {  	[dreg:$0x5] =	wrdreg $0xA  }
0xb8: {  	_ =	task.clear_ibuf [dreg:s7], $0x6FFFF;
	_ =	strace $0x90000046  }
0xb9: {  	s29 =	simm.s32 $0xA;
	_ =	strace $0x80000048  }
0xba: {  	_ =	swait.ge [sflag:s29], $0x1  }
0xbb: {  	[sflag:s29] =	ssyncadd.s32 $0xFFFFFFFF  }
0xbc: {  	_ =	strace $0x90000048  }
0xbd: {  	_ =	sfence  }
0xbe: {  	s30 =	sld [smem:$0x0];
	_ =	sdelay $0x2  }
0xbf: {  	s31 =	sshll.u32 s1, $0xD;
	s1 =	sshrl.u32 s1, $0x2  }
0xc0: {  	s3 =	sand.u32 $0x4000, s31;
	s1 =	sadd.s32 s1, s30  }
0xc1: {  	s0 =	sor.u32 s3, s0;
	s1 =	sshll.u32 s1, $0x11  }
0xc2: {  	s0 =	sor.u32 s1, s0  }
0xc3: {  	s0 =	sadd.s32 $0x8F2B, s0  }
0xc4: {  	[sflag:s0] =	ssyncadd.remote.s32 $0x1  }
0xc5: {  	_ =	sfence.sel $0xFFFF  }
0xc6: {  	[dreg:$0x0] =	wrdreg $0xFFFFFFFF;
	(pc) =	sbr.abs _section_cstart, $3  }
0xc7: {  	[dreg:$0x1] =	wrdreg $0xFFFFFFFF  }
0xc8: {  	_ =	task.clear_ibuf [dreg:s7], $0x2FFFF;
	_ =	strace $0x9FFFFFFF  }
0xc9: {  	(tm) =	ssettm $0x7FFFFFFF  }
tec
execute0_lowered:
.L_overlay_start_1:
0x0: {  	(tag) =	ssettag $0x1  }
0x1: {  	s0 =	rddreg [dreg:$0x0]  }
0x2: {  	s2 =	rddreg [dreg:$0x2];
	s3 =	simm.s32 $0x0;
	s1 =	srdreg.scid  }
0x3: {  	s6 =	stileid.u32;
	s28 =	simm.s32 $0xF180;
	s29 =	simm.s32 $0x2  }
0x4: {  	s30 =	simm.s32 $0x80;
	[smem:$0x7FF] =	sst s3;
	s7 =	smul.u32 $0x28000, s6  }
0x5: {  	s4 =	sadd.s32 $0x17E00, s0;
	s5 =	sadd.s32 $0xE000, s0;
	s9 =	smul.u32 $0xA000, s6  }
0x6: {  	s1 =	sand.u32 $0x1, s1;
	s10 =	sadd.s32 $0xAA0200, s0;
	s13 =	sadd.s32 $0xA78200, s0  }
0x7: {  	p0 =	sne.s32 s6, $0x0;
	_ =	strace $0x80000047;
	s8 =	ssub.s32 $0x2, s1  }
0x8: {  	s12 =	smul.u32 $0xA0000, s1;
	s11 =	sshrl.u32 s8, $0x1;
	s7 =	sshrl.u32 s7, $0x2  }
0x9: {  	s14 =	sadd.s32 $0x4000, s9;
	s18 =	sadd.s32 $0x6000, s9;
	s8 =	ssub.s32 s8, s11  }
0xa: {  	s11 =	sadd.s32 $0x2000, s9;
	s15 =	sadd.s32 s9, s12;
	s9 =	sadd.s32 $0x8000, s9  }
0xb: {  	s26 =	sadd.s32 s12, s14;
	s19 =	sadd.s32 s12, s18;
	s15 =	sshrl.u32 s15, $0x3  }
0xc: {  	s16 =	sadd.s32 s12, s11;
	s19 =	sshrl.u32 s19, $0x3;
	s11 =	sadd.s32 s11, s2  }
0xd: {  	s12 =	sadd.s32 s12, s9;
	s9 =	sadd.s32 s9, s2;
	[dreg:$0xf] =	wrdreg s11  }
0xe: {  	s17 =	sadd.s32 s10, s15;
	s16 =	sshrl.u32 s16, $0x3;
	[dreg:$0x12] =	wrdreg s9  }
0xf: {  	s31 =	sadd.s32 s10, s19;
	s12 =	sshrl.u32 s12, $0x3;
	[dreg:$0x4] =	wrdreg s17  }
0x10: {  	s21 =	sadd.s32 s13, s15;
	s24 =	sadd.s32 s13, s19;
	[dreg:$0x7] =	wrdreg s31  }
0x11: {  	s15 =	simm.s32 $0x50;
	s19 =	simm.s32 $0xA180;
	[dreg:$0x9] =	wrdreg s21  }
0x12: {  	s25 =	sadd.s32 s10, s16;
	s17 =	sshrl.u32 s26, $0x3;
	[dreg:$0xc] =	wrdreg s24  }
0x13: {  	s22 =	sadd.s32 s13, s16;
	s16 =	sadd.s32 $0x4200, s0;
	[dreg:$0x5] =	wrdreg s25  }
0x14: {  	s26 =	smul.u32 $0x1400, s1;
	s31 =	smax.u32 s8, $0x1;
	[dreg:$0xa] =	wrdreg s22  }
0x15: {  	s21 =	sadd.s32 s14, s2;
	s24 =	smul.u32 $0x2710000, s1;
	[dreg:$0x13] =	wrdreg s31  }
0x16: {  	s14 =	simm.s32 $0x1;
	s20 =	sadd.s32 s10, s17;
	[dreg:$0x10] =	wrdreg s21  }
0x17: {  	s1 =	simm.s32 $0x0;
	s10 =	sadd.s32 s10, s12;
	[dreg:$0x6] =	wrdreg s20  }
0x18: {  	s23 =	sadd.s32 s13, s17;
	s25 =	sadd.s32 s13, s12;
	[dreg:$0x8] =	wrdreg s10  }
0x19: {  	s17 =	sadd.s32 $0xB4200, s0;
	s22 =	sadd.s32 s18, s2;
	[dreg:$0xb] =	wrdreg s23  }
0x1a: {  	s12 =	simm.s32 $0x4180;
	s13 =	simm.s32 $0x4980;
	[dreg:$0xd] =	wrdreg s25  }
0x1b: {  	v4 =	vlaneseq.u32;
	v1 =	vimm.f32 $0.0e+00;
	vm0 =	vmmov $0xffff;
	s18 =	simm.s32 $0xC980;
	s10 =	sadd.s32 s7, s2;
	[dreg:$0x11] =	wrdreg s22  }
0x1c: {  	vm1 =	vmmov $0xff;
	v3 =	vshrl.u32 v4, $0x3;
	v2 =	vand.u32 $0x7, v4;
	s20 =	smul.u32 $0x4E20, s6;
	s23 =	sadd.s32 $0xA0000, s2;
	[dreg:$0xe] =	wrdreg s10  }
0x1d: {  	v4 =	vor.u32 $0x8, v4;
	v3 =	vmul.u32 $0x8, v3;
	v0 =	vmov s26;
	s25 =	simm.s32 $0x100;
	s26 =	simm.s32 $0x7980;
	[dreg:$0x14] =	wrdreg s23  }
.LBB2_1:
0x1e: {  	[dreg:$0x15] =	wrdreg s1;
	s0 =	simm.s32 $0x0;
	s1 =	simm.s32 $0x200  }
.LBB2_2:
0x1f: {  	p1 =	sne.s32 s1, $0x7E00;
	[tilespmem:s0+$0xF1F0] =	vst v1  }
0x20: {  	[tilespmem:s0+$0xF180] =	vst v1  }
0x21: {  	[tilespmem:s0+$0xF190] =	vst v1  }
.Ltmp0:
0x22: {  	[tilespmem:s0+$0xF1A0] =	vst v1;
	(pc) =	sbr.rel @p1 .LBB2_2-.Ltmp0, $4  }
0x23: {  	[tilespmem:s0+$0xF1B0] =	vst v1  }
0x24: {  	[tilespmem:s0+$0xF1C0] =	vst v1  }
0x25: {  	[tilespmem:s0+$0xF1D0] =	vst v1  }
0x26: {  	[tilespmem:s0+$0xF1E0] =	vst v1;
	s0 =	sshra.s32 s1, $0x2;
	s1 =	sadd.s32 $0x200, s1  }
0x27: {  	[tilespmem:s0+$0xF1F0] =	vst v1  }
0x28: {  	[tilespmem:s0+$0xF180] =	vst v1  }
0x29: {  	[tilespmem:s0+$0xF190] =	vst v1  }
0x2a: {  	[tilespmem:s0+$0xF1A0] =	vst v1  }
0x2b: {  	[tilespmem:s0+$0xF1B0] =	vst v1  }
0x2c: {  	[tilespmem:s0+$0xF1C0] =	vst v1  }
0x2d: {  	[tilespmem:s0+$0xF1D0] =	vst v1  }
0x2e: {  	[tilespmem:s0+$0xF1E0] =	vst v1;
	s0 =	simm.s32 $0x0;
	s1 =	simm.s32 $0x200  }
.LBB2_4:
0x2f: {  	p1 =	sne.s32 s1, $0x9E00;
	[tilespmem:s0+$0xA1F0] =	vst v1  }
0x30: {  	[tilespmem:s0+$0xA180] =	vst v1  }
0x31: {  	[tilespmem:s0+$0xA190] =	vst v1  }
.Ltmp1:
0x32: {  	[tilespmem:s0+$0xA1A0] =	vst v1;
	(pc) =	sbr.rel @p1 .LBB2_4-.Ltmp1, $4  }
0x33: {  	[tilespmem:s0+$0xA1B0] =	vst v1  }
0x34: {  	[tilespmem:s0+$0xA1C0] =	vst v1  }
0x35: {  	[tilespmem:s0+$0xA1D0] =	vst v1  }
0x36: {  	[tilespmem:s0+$0xA1E0] =	vst v1;
	s0 =	sshra.s32 s1, $0x2;
	s1 =	sadd.s32 $0x200, s1  }
0x37: {  	[tilespmem:s0+$0xA1F0] =	vst v1  }
0x38: {  	[tilespmem:s0+$0xA180] =	vst v1  }
0x39: {  	[tilespmem:s0+$0xA190] =	vst v1  }
0x3a: {  	[tilespmem:s0+$0xA1A0] =	vst v1  }
0x3b: {  	[tilespmem:s0+$0xA1B0] =	vst v1  }
0x3c: {  	[tilespmem:s0+$0xA1C0] =	vst v1  }
0x3d: {  	[tilespmem:s0+$0xA1D0] =	vst v1  }
0x3e: {  	[tilespmem:s0+$0xA1E0] =	vst v1  }
0x3f: {  	[spmem:s10] =	stream.linear.scatter [tilespmem:s28], [sflag:$0x2], $0x2000, $0x38;
	[tilespmem:$0x1B1C0] =	vst v63  }
0x40: {  	_ =	swait.ge [sflag:s29], $0x2000  }
0x41: {  	[sflag:s29] =	ssyncset.done $0x0  }
0x42: {  	[sflag:s29] =	ssyncadd.s32 $0xFFFFE000  }
0x43: {  	[spmem:s11] =	stream.linear.scatter [tilespmem:s28], [sflag:$0x2], $0x2000, $0x38;
	[tilespmem:$0x1B1C0] =	vst v63  }
0x44: {  	_ =	swait.ge [sflag:s29], $0x2000  }
0x45: {  	[sflag:s29] =	ssyncset.done $0x0  }
0x46: {  	[sflag:s29] =	ssyncadd.s32 $0xFFFFE000  }
0x47: {  	[spmem:s21] =	stream.linear.scatter [tilespmem:s28], [sflag:$0x2], $0x2000, $0x38;
	[tilespmem:$0x1B1C0] =	vst v63  }
0x48: {  	_ =	swait.ge [sflag:s29], $0x2000  }
0x49: {  	[sflag:s29] =	ssyncset.done $0x0  }
0x4a: {  	[sflag:s29] =	ssyncadd.s32 $0xFFFFE000  }
0x4b: {  	[spmem:s22] =	stream.linear.scatter [tilespmem:s28], [sflag:$0x2], $0x2000, $0x38;
	[tilespmem:$0x1B1C0] =	vst v63  }
0x4c: {  	_ =	swait.ge [sflag:s29], $0x2000  }
0x4d: {  	[sflag:s29] =	ssyncset.done $0x0  }
0x4e: {  	[sflag:s29] =	ssyncadd.s32 $0xFFFFE000  }
0x4f: {  	[spmem:s9] =	stream.linear.scatter [tilespmem:s28], [sflag:$0x2], $0x2000, $0x38;
	[tilespmem:$0x1B1C0] =	vst v63  }
0x50: {  	_ =	swait.ge [sflag:s29], $0x2000  }
0x51: {  	[sflag:s29] =	ssyncset.done $0x0  }
0x52: {  	s0 =	simm.s32 @!p0 $0xF180;
	[sflag:s29] =	ssyncadd.s32 $0xFFFFE000  }
0x53: {  	[spmem:s23] =	stream.linear.scatter @!p0 [tilespmem:s0], [sflag:$0x2], $0x400, $0x38;
	[tilespmem:$0x1B1C0] =	vst v63  }
0x54: {  	s0 =	simm.s32 @!p0 $0x2  }
0x55: {  	_ =	swait.ge @!p0 [sflag:s0], $0x400  }
0x56: {  	[sflag:s0] =	ssyncset.done @!p0 $0x0  }
0x57: {  	[sflag:s0] =	ssyncadd.s32 @!p0 $0xFFFFFC00  }
0x58: {  	s22 =	simm.s32 $0x0;
	s23 =	simm.s32 $0x0;
	[bflag:$0x0] =	sbarrier.arrive $0xFFFF  }
.LBB2_6:
0x59: {  	s0 =	smul.u32 $0x50, s23;
	_ =	sdelay $0x1  }
0x5a: {  	s21 =	sadd.s32 s20, s0  }
0x5b: {  	s0 =	sshrl.u32 s21, $0x3  }
0x5c: {  	s1 =	sadd.s32 s5, s0  }
0x5d: {  	[tilespmem:s22], [sflag:$0x2] =	stream.linear.gather [hbm4b:s1+s22], $0x50, $0x38;
	[tilespmem:$0x1B1C0] =	vst v63  }
0x5e: {  	_ =	swait.ge [sflag:s29], $0x50  }
0x5f: {  	[sflag:s29] =	ssyncset.done $0x0  }
0x60: {  	s0 =	sadd.s32 s16, s0;
	[sflag:s29] =	ssyncadd.s32 $0xFFFFFFB0  }
0x61: {  	[tilespmem:s30], [sflag:$0x2] =	stream.linear.gather [hbm4b:s0+s22], $0x50, $0x38;
	[tilespmem:$0x1B1C0] =	vst v63  }
0x62: {  	_ =	swait.ge [sflag:s29], $0x50  }
0x63: {  	[sflag:s29] =	ssyncset.done $0x0  }
0x64: {  	[sflag:s29] =	ssyncadd.s32 $0xFFFFFFB0  }
0x65: {  	v5 =	vld [tilespmem:$0x0];
	_ =	sdelay $0x1  }
0x66: {  	v6 =	vld [tilespmem:$0x80]  }
0x67: {  	v7 =	vld [tilespmem:$0x90];
	_ =	sdelay $0x1  }
0x68: {  	v8 =	vld [tilespmem:$0xA0];
	v9 =	vshll.u32 v5, $0x1  }
0x69: {  	v10 =	vld [tilespmem:$0xB0];
	v5 =	vand.u32 $0x7, v5;
	v9 =	vand.u32 $0xFFFFFFF0, v9  }
0x6a: {  	v11 =	vld [tilespmem:$0xC0];
	v5 =	vor.u32 v5, v9  }
0x6b: {  	v6 =	vsub.s32 v6, v0;
	v7 =	vsub.s32 v7, v0;
	v9 =	vperm.xlane v5, v2  }
0x6c: {  	v6 =	vmin.u32 v6, $0x1400;
	v7 =	vmin.u32 v7, $0x1400  }
0x6d: {  	[tilespmem:$0x100] =	vst v6;
	v6 =	vsub.s32 v8, v0;
	v5 =	vperm.xlane v5, v4;
	v63 =	vadd.s32 v3, v9  }
0x6e: {  	[tilespmem:$0x110] =	vst v7;
	v7 =	vsub.s32 v10, v0;
	v6 =	vmin.u32 v6, $0x1400  }
0x6f: {  	[tilespmem:$0x120] =	vst v6;
	v6 =	vmin.u32 v7, $0x1400;
	v7 =	vsub.s32 v11, v0;
	v5 =	vadd.s32 v3, v5  }
0x70: {  	[tilespmem:$0x130] =	vst v6;
	v6 =	vmin.u32 v7, $0x1400  }
0x71: {  	s6 =	simm.s32 $0x180;
	[tilespmem:$0x140] =	vst v6  }
0x72: {  	[tilespmem:s6], [sflag:$0x1] =	stream.indirect_vreg.gather [hbm4b:s4+s22], $0x80, v63, vm0, $0xb8;
	[tilespmem:$0x1B1C0] =	vst v63  }
0x73: {  	s7 =	simm.s32 $0x980  }
0x74: {  	[tilespmem:s7], [sflag:$0x1] =	stream.indirect_vreg.gather [hbm4b:s4+s22], $0x80, v5, vm0, $0xb8;
	[tilespmem:$0x1B1C0] =	vst v63  }
0x75: {  	v5 =	vld [tilespmem:$0x10];
	_ =	sdelay $0x4  }
0x76: {  	v6 =	vshll.u32 v5, $0x1  }
0x77: {  	v5 =	vand.u32 $0x7, v5;
	v6 =	vand.u32 $0xFFFFFFF0, v6  }
0x78: {  	v5 =	vor.u32 v5, v6  }
0x79: {  	v6 =	vperm.xlane v5, v2;
	_ =	sdelay $0x1  }
0x7a: {  	v5 =	vperm.xlane v5, v4;
	v6 =	vadd.s32 v3, v6;
	_ =	sdelay $0x1  }
0x7b: {  	v5 =	vadd.s32 v3, v5;
	_ =	sdelay $0x1  }
0x7c: {  	s8 =	simm.s32 $0x1180  }
0x7d: {  	[tilespmem:s8], [sflag:$0x1] =	stream.indirect_vreg.gather [hbm4b:s4+s22], $0x80, v6, vm0, $0xb8;
	[tilespmem:$0x1B1C0] =	vst v63  }
0x7e: {  	s9 =	simm.s32 $0x1980  }
0x7f: {  	[tilespmem:s9], [sflag:$0x1] =	stream.indirect_vreg.gather [hbm4b:s4+s22], $0x80, v5, vm0, $0xb8;
	[tilespmem:$0x1B1C0] =	vst v63  }
0x80: {  	v5 =	vld [tilespmem:$0x20];
	_ =	sdelay $0x4  }
0x81: {  	v6 =	vshll.u32 v5, $0x1  }
0x82: {  	v5 =	vand.u32 $0x7, v5;
	v6 =	vand.u32 $0xFFFFFFF0, v6  }
0x83: {  	v5 =	vor.u32 v5, v6  }
0x84: {  	v6 =	vperm.xlane v5, v2;
	_ =	sdelay $0x1  }
0x85: {  	v5 =	vperm.xlane v5, v4;
	v6 =	vadd.s32 v3, v6;
	_ =	sdelay $0x1  }
0x86: {  	v5 =	vadd.s32 v3, v5;
	_ =	sdelay $0x1  }
0x87: {  	s10 =	simm.s32 $0x2180  }
0x88: {  	[tilespmem:s10], [sflag:$0x1] =	stream.indirect_vreg.gather [hbm4b:s4+s22], $0x80, v6, vm0, $0xb8;
	[tilespmem:$0x1B1C0] =	vst v63  }
0x89: {  	s11 =	simm.s32 $0x2980  }
0x8a: {  	[tilespmem:s11], [sflag:$0x1] =	stream.indirect_vreg.gather [hbm4b:s4+s22], $0x80, v5, vm0, $0xb8;
	[tilespmem:$0x1B1C0] =	vst v63  }
0x8b: {  	v5 =	vld [tilespmem:$0x30];
	_ =	sdelay $0x4  }
0x8c: {  	v6 =	vshll.u32 v5, $0x1  }
0x8d: {  	v5 =	vand.u32 $0x7, v5;
	v6 =	vand.u32 $0xFFFFFFF0, v6  }
0x8e: {  	v5 =	vor.u32 v5, v6  }
0x8f: {  	v6 =	vperm.xlane v5, v2;
	_ =	sdelay $0x1  }
0x90: {  	v5 =	vperm.xlane v5, v4;
	v6 =	vadd.s32 v3, v6;
	_ =	sdelay $0x1  }
0x91: {  	v5 =	vadd.s32 v3, v5;
	_ =	sdelay $0x1  }
0x92: {  	s1 =	simm.s32 $0x3180  }
0x93: {  	[tilespmem:s1], [sflag:$0x1] =	stream.indirect_vreg.gather [hbm4b:s4+s22], $0x80, v6, vm0, $0xb8;
	[tilespmem:$0x1B1C0] =	vst v63  }
0x94: {  	s6 =	simm.s32 $0x3980  }
0x95: {  	[tilespmem:s6], [sflag:$0x1] =	stream.indirect_vreg.gather [hbm4b:s4+s22], $0x80, v5, vm0, $0xb8;
	[tilespmem:$0x1B1C0] =	vst v63  }
0x96: {  	v5 =	vld [tilespmem:$0x40];
	_ =	sdelay $0x4  }
0x97: {  	v6 =	vshll.u32 v5, $0x1  }
0x98: {  	v5 =	vand.u32 $0x7, v5;
	v6 =	vand.u32 $0xFFFFFFF0, v6  }
0x99: {  	v5 =	vor.u32 v5, v6  }
0x9a: {  	v6 =	vperm.xlane v5, v2;
	_ =	sdelay $0x1  }
0x9b: {  	v5 =	vperm.xlane v5, v4;
	v6 =	vadd.s32 v3, v6;
	_ =	sdelay $0x1  }
0x9c: {  	v5 =	vadd.s32 v3, v5;
	_ =	sdelay $0x2  }
0x9d: {  	[tilespmem:s12], [sflag:$0x1] =	stream.indirect_vreg.gather [hbm4b:s4+s22], $0x80, v6, vm0, $0xb8;
	[tilespmem:$0x1B1C0] =	vst v63  }
0x9e: {  	_ = 	snop  }
0x9f: {  	[tilespmem:s13], [sflag:$0x1] =	stream.indirect_vreg.gather [hbm4b:s4+s22], $0x80, v5, vm0, $0xb8;
	[tilespmem:$0x1B1C0] =	vst v63  }
0xa0: {  	_ =	swait.ge [sflag:s14], $0x5000  }
0xa1: {  	[sflag:s14] =	ssyncset.done $0x0  }
0xa2: {  	[sflag:s14] =	ssyncadd.s32 $0xFFFFB000  }
0xa3: {  	s7 =	simm.s32 $0x5180;
	s8 =	rddreg [dreg:$0x1]  }
0xa4: {  	[tilespmem:s7], [sflag:$0x1] =	stream.indirect.gather [hbm4b:s8+s15], $0x80, s30, s15, $0xb8;
	[tilespmem:$0x1B1C0] =	vst v63  }
0xa5: {  	_ =	swait.ge [sflag:s14], $0x2800  }
0xa6: {  	[sflag:s14] =	ssyncset.done $0x0  }
0xa7: {  	s9 =	sand.u32 $0x7800, s22;
	s6 =	sand.u32 $0x380, s22;
	[sflag:s14] =	ssyncadd.s32 $0xFFFFD800  }
0xa8: {  	s1 =	sor.u32 s6, s9;
	v5 =	vld [tilespmem:s7+$0x0]  }
0xa9: {  	v6 =	vld [tilespmem:s1+$0x580];
	_ =	sdelay $0x4  }
0xaa: {  	v5 =	vadd.f32 v5, v6;
	_ =	sdelay $0x1  }
0xab: {  	v6 =	vmul.f32 $2.000000030e-01, v5  }
0xac: {  	vm2 =	vge.f32 v5, $0.0e+00  }
0xad: {  	v5 =	vsel vm2, v5, v6  }
0xae: {  	v5 =	vmul.f32 $1.442695020e+00, v5;
	_ =	sdelay $0x1  }
0xaf: {  	(erf) = vpow2.f32 v5;
	_ =	sdelay $0x8  }
0xb0: {  	v5 =	vpop (erf)  }
0xb1: {  	s10 =	simm.s32 $0xC980;
	v6 =	vnsel vm1, $0x0, v5  }
0xb2: {  	[tilespmem:s10+$0x0] =	vst v6  }
0xb3: {  	v6 =	vld [tilespmem:s1+$0x180];
	_ =	sdelay $0x2  }
0xb4: {  	v7 =	vbroadcast v5, $0x0;
	_ =	sdelay $0x1  }
0xb5: {  	v6 =	vmul.f32 v7, v6  }
0xb6: {  	s28 =	simm.s32 $0x79C0  }
0xb7: {  	[tilespmem:s28+$0xFFFFFFC0] =	vst v6  }
0xb8: {  	v6 =	vld [tilespmem:s1+$0x190];
	_ =	sdelay $0x2  }
0xb9: {  	v7 =	vbroadcast v5, $0x1;
	_ =	sdelay $0x1  }
0xba: {  	v6 =	vmul.f32 v7, v6;
	_ =	sdelay $0x1  }
0xbb: {  	[tilespmem:s28+$0xFFFFFFD0] =	vst v6  }
0xbc: {  	v6 =	vld [tilespmem:s1+$0x1A0];
	_ =	sdelay $0x2  }
0xbd: {  	v7 =	vbroadcast v5, $0x2;
	_ =	sdelay $0x1  }
0xbe: {  	v6 =	vmul.f32 v7, v6;
	_ =	sdelay $0x1  }
0xbf: {  	[tilespmem:s28+$0xFFFFFFE0] =	vst v6  }
0xc0: {  	v6 =	vld [tilespmem:s1+$0x1B0];
	_ =	sdelay $0x2  }
0xc1: {  	v7 =	vbroadcast v5, $0x3;
	_ =	sdelay $0x1  }
0xc2: {  	v6 =	vmul.f32 v6, v7;
	_ =	sdelay $0x1  }
0xc3: {  	[tilespmem:s28+$0xFFFFFFF0] =	vst v6  }
0xc4: {  	v6 =	vld [tilespmem:s1+$0x1C0];
	_ =	sdelay $0x2  }
0xc5: {  	v7 =	vbroadcast v5, $0x4;
	_ =	sdelay $0x1  }
0xc6: {  	v6 =	vmul.f32 v6, v7;
	_ =	sdelay $0x1  }
0xc7: {  	[tilespmem:s28+$0x0] =	vst v6  }
0xc8: {  	v6 =	vld [tilespmem:s1+$0x1D0];
	_ =	sdelay $0x2  }
0xc9: {  	v7 =	vbroadcast v5, $0x5;
	_ =	sdelay $0x1  }
0xca: {  	v6 =	vmul.f32 v6, v7;
	_ =	sdelay $0x1  }
0xcb: {  	[tilespmem:s28+$0x10] =	vst v6  }
0xcc: {  	v6 =	vld [tilespmem:s1+$0x1E0];
	_ =	sdelay $0x2  }
0xcd: {  	v7 =	vbroadcast v5, $0x6;
	_ =	sdelay $0x1  }
0xce: {  	v6 =	vmul.f32 v6, v7;
	_ =	sdelay $0x1  }
0xcf: {  	[tilespmem:s28+$0x20] =	vst v6  }
0xd0: {  	v6 =	vld [tilespmem:s1+$0x1F0];
	_ =	sdelay $0x2  }
0xd1: {  	s11 =	simm.s32 $0x100;
	v5 =	vbroadcast v5, $0x7  }
0xd2: {  	s31 =	simm.s32 $0xCA00;
	s0 =	sand.u32 $0x7800, s11;
	s9 =	simm.s32 $0x200  }
0xd3: {  	s6 =	simm.s32 $0x5200;
	s7 =	simm.s32 $0x80;
	s1 =	simm.s32 $0x7A40;
	v5 =	vmul.f32 v6, v5  }
.LBB2_7:
0xd4: {  	s10 =	sand.u32 $0x7800, s9;
	s8 =	smov.u32 s9  }
0xd5: {  	s11 =	sand.u32 $0x380, s7;
	[tilespmem:s28+$0x30] =	vst v5;
	s28 =	smov.u32 s1;
	s8 =	sadd.s32 $0x100, s9  }
0xd6: {  	p1 =	sne.s32 s9, $0x4F00;
	s9 =	sor.u32 s11, s0;
	s0 =	smov.u32 s10;
	v5 =	vld [tilespmem:s6+$0x0]  }
0xd7: {  	v6 =	vld [tilespmem:s9+$0x580];
	_ =	sdelay $0x4  }
0xd8: {  	v5 =	vadd.f32 v5, v6;
	_ =	sdelay $0x1  }
0xd9: {  	vm2 =	vge.f32 v5, $0.0e+00;
	v6 =	vmul.f32 $2.000000030e-01, v5;
	_ =	sdelay $0x1  }
0xda: {  	v5 =	vsel vm2, v5, v6  }
0xdb: {  	v5 =	vmul.f32 $1.442695020e+00, v5;
	_ =	sdelay $0x1  }
0xdc: {  	(erf) = vpow2.f32 v5;
	_ =	sdelay $0x8  }
0xdd: {  	v5 =	vpop (erf)  }
0xde: {  	v6 =	vnsel vm1, $0x0, v5;
	v7 =	vbroadcast v5, $0x0;
	v8 =	vbroadcast v5, $0x1  }
0xdf: {  	[tilespmem:s31+$0x0] =	vst v6;
	v6 =	vbroadcast v5, $0x6  }
0xe0: {  	v9 =	vld [tilespmem:s9+$0x180];
	_ =	sdelay $0x4  }
0xe1: {  	v7 =	vmul.f32 v7, v9;
	_ =	sdelay $0x1  }
0xe2: {  	[tilespmem:s1+$0xFFFFFFC0] =	vst v7  }
0xe3: {  	v7 =	vld [tilespmem:s9+$0x190];
	_ =	sdelay $0x4  }
0xe4: {  	v7 =	vmul.f32 v8, v7;
	_ =	sdelay $0x1  }
0xe5: {  	[tilespmem:s1+$0xFFFFFFD0] =	vst v7  }
0xe6: {  	v7 =	vld [tilespmem:s9+$0x1A0];
	_ =	sdelay $0x2  }
0xe7: {  	v8 =	vbroadcast v5, $0x2;
	_ =	sdelay $0x1  }
0xe8: {  	v7 =	vmul.f32 v8, v7;
	_ =	sdelay $0x1  }
0xe9: {  	[tilespmem:s1+$0xFFFFFFE0] =	vst v7  }
0xea: {  	v7 =	vld [tilespmem:s9+$0x1B0];
	_ =	sdelay $0x2  }
0xeb: {  	v8 =	vbroadcast v5, $0x3;
	_ =	sdelay $0x1  }
0xec: {  	v7 =	vmul.f32 v7, v8;
	_ =	sdelay $0x1  }
0xed: {  	[tilespmem:s1+$0xFFFFFFF0] =	vst v7  }
0xee: {  	v7 =	vld [tilespmem:s9+$0x1C0];
	_ =	sdelay $0x2  }
0xef: {  	v8 =	vbroadcast v5, $0x4;
	_ =	sdelay $0x1  }
0xf0: {  	v7 =	vmul.f32 v7, v8;
	_ =	sdelay $0x1  }
0xf1: {  	[tilespmem:s1+$0x0] =	vst v7  }
0xf2: {  	v7 =	vld [tilespmem:s9+$0x1D0];
	_ =	sdelay $0x2  }
0xf3: {  	v8 =	vbroadcast v5, $0x5;
	_ =	sdelay $0x1  }
0xf4: {  	v7 =	vmul.f32 v7, v8;
	_ =	sdelay $0x1  }
0xf5: {  	[tilespmem:s1+$0x10] =	vst v7  }
0xf6: {  	v7 =	vld [tilespmem:s9+$0x1E0];
	_ =	sdelay $0x4  }
0xf7: {  	v6 =	vmul.f32 v7, v6;
	_ =	sdelay $0x1  }
0xf8: {  	[tilespmem:s1+$0x20] =	vst v6  }
0xf9: {  	v6 =	vld [tilespmem:s9+$0x1F0];
	_ =	sdelay $0x1  }
.Ltmp2:
0xfa: {  	(pc) =	sbr.rel @p1 .LBB2_7-.Ltmp2, $3  }
0xfb: {  	v5 =	vbroadcast v5, $0x7;
	_ =	sdelay $0x1  }
0xfc: {  	s7 =	sadd.s32 $0x80, s7;
	s1 =	sadd.s32 $0x80, s1;
	v5 =	vmul.f32 v6, v5  }
0xfd: {  	s6 =	sadd.s32 $0x80, s6;
	s31 =	sadd.s32 $0x80, s31;
	s9 =	smov.u32 s8  }
0xfe: {  	s7 =	sand.u32 $0x380, s7;
	[tilespmem:s28+$0x30] =	vst v5  }
0xff: {  	s0 =	sor.u32 s7, s0;
	v5 =	vld [tilespmem:s6+$0x0]  }
0x100: {  	v6 =	vld [tilespmem:s0+$0x580];
	_ =	sdelay $0x4  }
0x101: {  	v5 =	vadd.f32 v5, v6;
	_ =	sdelay $0x1  }
0x102: {  	v6 =	vmul.f32 $2.000000030e-01, v5  }
0x103: {  	vm2 =	vge.f32 v5, $0.0e+00  }
0x104: {  	v5 =	vsel vm2, v5, v6  }
0x105: {  	v5 =	vmul.f32 $1.442695020e+00, v5;
	_ =	sdelay $0x1  }
0x106: {  	(erf) = vpow2.f32 v5;
	_ =	sdelay $0x8  }
0x107: {  	v5 =	vpop (erf)  }
0x108: {  	v6 =	vnsel vm1, $0x0, v5  }
0x109: {  	[tilespmem:s31+$0x0] =	vst v6  }
0x10a: {  	v6 =	vld [tilespmem:s0+$0x180];
	_ =	sdelay $0x2  }
0x10b: {  	v7 =	vbroadcast v5, $0x0;
	_ =	sdelay $0x1  }
0x10c: {  	v6 =	vmul.f32 v7, v6;
	_ =	sdelay $0x1  }
0x10d: {  	[tilespmem:s1+$0xFFFFFFC0] =	vst v6  }
0x10e: {  	v6 =	vld [tilespmem:s0+$0x190];
	_ =	sdelay $0x2  }
0x10f: {  	v7 =	vbroadcast v5, $0x1;
	_ =	sdelay $0x1  }
0x110: {  	v6 =	vmul.f32 v7, v6;
	_ =	sdelay $0x1  }
0x111: {  	[tilespmem:s1+$0xFFFFFFD0] =	vst v6  }
0x112: {  	v6 =	vld [tilespmem:s0+$0x1A0];
	_ =	sdelay $0x2  }
0x113: {  	v7 =	vbroadcast v5, $0x2;
	_ =	sdelay $0x1  }
0x114: {  	v6 =	vmul.f32 v7, v6;
	_ =	sdelay $0x1  }
0x115: {  	[tilespmem:s1+$0xFFFFFFE0] =	vst v6  }
0x116: {  	v6 =	vld [tilespmem:s0+$0x1B0];
	_ =	sdelay $0x2  }
0x117: {  	v7 =	vbroadcast v5, $0x3;
	_ =	sdelay $0x1  }
0x118: {  	v6 =	vmul.f32 v6, v7;
	_ =	sdelay $0x1  }
0x119: {  	[tilespmem:s1+$0xFFFFFFF0] =	vst v6  }
0x11a: {  	v6 =	vld [tilespmem:s0+$0x1C0];
	_ =	sdelay $0x2  }
0x11b: {  	v7 =	vbroadcast v5, $0x4;
	_ =	sdelay $0x1  }
0x11c: {  	v6 =	vmul.f32 v6, v7;
	_ =	sdelay $0x1  }
0x11d: {  	[tilespmem:s1+$0x0] =	vst v6  }
0x11e: {  	v6 =	vld [tilespmem:s0+$0x1D0];
	_ =	sdelay $0x2  }
0x11f: {  	v7 =	vbroadcast v5, $0x5;
	_ =	sdelay $0x1  }
0x120: {  	v6 =	vmul.f32 v6, v7;
	_ =	sdelay $0x1  }
0x121: {  	[tilespmem:s1+$0x10] =	vst v6  }
0x122: {  	v6 =	vld [tilespmem:s0+$0x1E0];
	_ =	sdelay $0x2  }
0x123: {  	v7 =	vbroadcast v5, $0x6;
	_ =	sdelay $0x1  }
0x124: {  	v6 =	vmul.f32 v6, v7;
	_ =	sdelay $0x1  }
0x125: {  	[tilespmem:s1+$0x20] =	vst v6  }
0x126: {  	v6 =	vld [tilespmem:s0+$0x1F0];
	_ =	sdelay $0x2  }
0x127: {  	v5 =	vbroadcast v5, $0x7;
	_ =	sdelay $0x1  }
0x128: {  	v5 =	vmul.f32 v6, v5;
	_ =	sdelay $0x1  }
0x129: {  	s31 =	sshll.u32 s21, $0x7;
	[tilespmem:s1+$0x30] =	vst v5  }
0x12a: {  	[spmem:s2] =	stream.indirect.scatter.add.f32 [tilespmem:s26], [sflag:$0x2], $0x80, s25, s15, $0xb8;
	[tilespmem:$0x1B1C0] =	vst v63  }
0x12b: {  	s23 =	sadd.s32 $0x1, s23;
	s0 =	sadd.s32 s24, s31;
	_ =	swait.ge [sflag:s29], $0x2800  }
0x12c: {  	p1 =	sne.s32 s23, $0xFA;
	s0 =	sshrl.u32 s0, $0x3;
	[sflag:s29] =	ssyncset.done $0x0  }
.Ltmp3:
0x12d: {  	s0 =	sadd.s32 s17, s0;
	[sflag:s29] =	ssyncadd.s32 $0xFFFFD800;
	(pc) =	sbr.rel @p1 .LBB2_6-.Ltmp3, $4  }
0x12e: {  	[hbm4b:s0+s3] =	stream.linear.scatter [tilespmem:s18], [sflag:$0x2], $0x2800, $0x38;
	[tilespmem:$0x1B1C0] =	vst v63  }
0x12f: {  	_ =	swait.ge [sflag:s29], $0x2800  }
0x130: {  	[sflag:s29] =	ssyncset.done $0x0  }
0x131: {  	[sflag:s29] =	ssyncadd.s32 $0xFFFFD800  }
0x132: {  	[bflag:$0x0] =	sbarrier.arrive $0xFFFF  }
0x133: {  	s28 =	simm.s32 $0xF180;
	s10 =	rddreg [dreg:$0xe]  }
0x134: {  	[tilespmem:s28], [sflag:$0x2] =	stream.linear.gather [spmem:s10], $0x2000, $0x38;
	[tilespmem:$0x1B1C0] =	vst v63  }
0x135: {  	_ =	swait.ge [sflag:s29], $0x2000  }
0x136: {  	[sflag:s29] =	ssyncset.done $0x0  }
0x137: {  	s0 =	simm.s32 $0x0;
	s1 =	rddreg [dreg:$0x4];
	[sflag:s29] =	ssyncadd.s32 $0xFFFFE000  }
0x138: {  	[hbm4b:s1+s0] =	stream.linear.scatter [tilespmem:s28], [sflag:$0x2], $0x2000, $0x38;
	[tilespmem:$0x1B1C0] =	vst v63  }
0x139: {  	_ =	swait.ge [sflag:s29], $0x2000  }
0x13a: {  	[sflag:s29] =	ssyncset.done $0x0  }
0x13b: {  	s11 =	rddreg [dreg:$0xf];
	[sflag:s29] =	ssyncadd.s32 $0xFFFFE000  }
0x13c: {  	[tilespmem:s28], [sflag:$0x2] =	stream.linear.gather [spmem:s11], $0x2000, $0x38;
	[tilespmem:$0x1B1C0] =	vst v63  }
0x13d: {  	_ =	swait.ge [sflag:s29], $0x2000  }
0x13e: {  	[sflag:s29] =	ssyncset.done $0x0  }
0x13f: {  	s21 =	rddreg [dreg:$0x5];
	[sflag:s29] =	ssyncadd.s32 $0xFFFFE000  }
0x140: {  	[hbm4b:s21+s0] =	stream.linear.scatter [tilespmem:s28], [sflag:$0x2], $0x2000, $0x38;
	[tilespmem:$0x1B1C0] =	vst v63  }
0x141: {  	_ =	swait.ge [sflag:s29], $0x2000  }
0x142: {  	[sflag:s29] =	ssyncset.done $0x0  }
0x143: {  	s21 =	rddreg [dreg:$0x10];
	[sflag:s29] =	ssyncadd.s32 $0xFFFFE000  }
0x144: {  	[tilespmem:s28], [sflag:$0x2] =	stream.linear.gather [spmem:s21], $0x2000, $0x38;
	[tilespmem:$0x1B1C0] =	vst v63  }
0x145: {  	_ =	swait.ge [sflag:s29], $0x2000  }
0x146: {  	[sflag:s29] =	ssyncset.done $0x0  }
0x147: {  	s22 =	rddreg [dreg:$0x6];
	[sflag:s29] =	ssyncadd.s32 $0xFFFFE000  }
0x148: {  	[hbm4b:s22+s0] =	stream.linear.scatter [tilespmem:s28], [sflag:$0x2], $0x2000, $0x38;
	[tilespmem:$0x1B1C0] =	vst v63  }
0x149: {  	_ =	swait.ge [sflag:s29], $0x2000  }
0x14a: {  	[sflag:s29] =	ssyncset.done $0x0  }
0x14b: {  	s22 =	rddreg [dreg:$0x11];
	[sflag:s29] =	ssyncadd.s32 $0xFFFFE000  }
0x14c: {  	[tilespmem:s28], [sflag:$0x2] =	stream.linear.gather [spmem:s22], $0x2000, $0x38;
	[tilespmem:$0x1B1C0] =	vst v63  }
0x14d: {  	_ =	swait.ge [sflag:s29], $0x2000  }
0x14e: {  	[sflag:s29] =	ssyncset.done $0x0  }
0x14f: {  	s23 =	rddreg [dreg:$0x7];
	[sflag:s29] =	ssyncadd.s32 $0xFFFFE000  }
0x150: {  	[hbm4b:s23+s0] =	stream.linear.scatter [tilespmem:s28], [sflag:$0x2], $0x2000, $0x38;
	[tilespmem:$0x1B1C0] =	vst v63  }
0x151: {  	_ =	swait.ge [sflag:s29], $0x2000  }
0x152: {  	[sflag:s29] =	ssyncset.done $0x0  }
0x153: {  	s9 =	rddreg [dreg:$0x12];
	[sflag:s29] =	ssyncadd.s32 $0xFFFFE000  }
0x154: {  	[tilespmem:s28], [sflag:$0x2] =	stream.linear.gather [spmem:s9], $0x2000, $0x38;
	[tilespmem:$0x1B1C0] =	vst v63  }
0x155: {  	_ =	swait.ge [sflag:s29], $0x2000  }
0x156: {  	[sflag:s29] =	ssyncset.done $0x0  }
0x157: {  	s31 =	rddreg [dreg:$0x8];
	[sflag:s29] =	ssyncadd.s32 $0xFFFFE000  }
0x158: {  	[hbm4b:s31+s0] =	stream.linear.scatter [tilespmem:s28], [sflag:$0x2], $0x2000, $0x38;
	[tilespmem:$0x1B1C0] =	vst v63  }
0x159: {  	_ =	swait.ge [sflag:s29], $0x2000  }
0x15a: {  	[sflag:s29] =	ssyncset.done $0x0  }
0x15b: {  	[sflag:s29] =	ssyncadd.s32 $0xFFFFE000  }
0x15c: {  	s1 =	simm.s32 $0x200;
	s0 =	simm.s32 $0x0;
	[bflag:$0x0] =	sbarrier.arrive $0xFFFF  }
.LBB2_10:
0x15d: {  	p1 =	sne.s32 s1, $0x7E00;
	[tilespmem:s0+$0xF1F0] =	vst v1  }
0x15e: {  	[tilespmem:s0+$0xF180] =	vst v1  }
0x15f: {  	[tilespmem:s0+$0xF190] =	vst v1  }
.Ltmp4:
0x160: {  	[tilespmem:s0+$0xF1A0] =	vst v1;
	(pc) =	sbr.rel @p1 .LBB2_10-.Ltmp4, $4  }
0x161: {  	[tilespmem:s0+$0xF1B0] =	vst v1  }
0x162: {  	[tilespmem:s0+$0xF1C0] =	vst v1  }
0x163: {  	[tilespmem:s0+$0xF1D0] =	vst v1  }
0x164: {  	[tilespmem:s0+$0xF1E0] =	vst v1;
	s0 =	sshra.s32 s1, $0x2;
	s1 =	sadd.s32 $0x200, s1  }
0x165: {  	[tilespmem:s0+$0xF1F0] =	vst v1  }
0x166: {  	[tilespmem:s0+$0xF180] =	vst v1  }
0x167: {  	[tilespmem:s0+$0xF190] =	vst v1  }
0x168: {  	[tilespmem:s0+$0xF1A0] =	vst v1  }
0x169: {  	[tilespmem:s0+$0xF1B0] =	vst v1  }
0x16a: {  	[tilespmem:s0+$0xF1C0] =	vst v1  }
0x16b: {  	[tilespmem:s0+$0xF1D0] =	vst v1  }
0x16c: {  	[tilespmem:s0+$0xF1E0] =	vst v1  }
0x16d: {  	[spmem:s10] =	stream.linear.scatter [tilespmem:s28], [sflag:$0x2], $0x2000, $0x38;
	[tilespmem:$0x1B1C0] =	vst v63  }
0x16e: {  	_ =	swait.ge [sflag:s29], $0x2000  }
0x16f: {  	[sflag:s29] =	ssyncset.done $0x0  }
0x170: {  	[sflag:s29] =	ssyncadd.s32 $0xFFFFE000  }
0x171: {  	[spmem:s11] =	stream.linear.scatter [tilespmem:s28], [sflag:$0x2], $0x2000, $0x38;
	[tilespmem:$0x1B1C0] =	vst v63  }
0x172: {  	_ =	swait.ge [sflag:s29], $0x2000  }
0x173: {  	[sflag:s29] =	ssyncset.done $0x0  }
0x174: {  	[sflag:s29] =	ssyncadd.s32 $0xFFFFE000  }
0x175: {  	[spmem:s21] =	stream.linear.scatter [tilespmem:s28], [sflag:$0x2], $0x2000, $0x38;
	[tilespmem:$0x1B1C0] =	vst v63  }
0x176: {  	_ =	swait.ge [sflag:s29], $0x2000  }
0x177: {  	[sflag:s29] =	ssyncset.done $0x0  }
0x178: {  	[sflag:s29] =	ssyncadd.s32 $0xFFFFE000  }
0x179: {  	[spmem:s22] =	stream.linear.scatter [tilespmem:s28], [sflag:$0x2], $0x2000, $0x38;
	[tilespmem:$0x1B1C0] =	vst v63  }
0x17a: {  	_ =	swait.ge [sflag:s29], $0x2000  }
0x17b: {  	[sflag:s29] =	ssyncset.done $0x0  }
0x17c: {  	[sflag:s29] =	ssyncadd.s32 $0xFFFFE000  }
0x17d: {  	[spmem:s9] =	stream.linear.scatter [tilespmem:s28], [sflag:$0x2], $0x2000, $0x38;
	[tilespmem:$0x1B1C0] =	vst v63  }
0x17e: {  	_ =	swait.ge [sflag:s29], $0x2000  }
0x17f: {  	[sflag:s29] =	ssyncset.done $0x0  }
0x180: {  	s0 =	simm.s32 @!p0 $0xF180;
	s23 =	rddreg [dreg:$0x14];
	[sflag:s29] =	ssyncadd.s32 $0xFFFFE000  }
0x181: {  	[spmem:s23] =	stream.linear.scatter @!p0 [tilespmem:s0], [sflag:$0x2], $0x400, $0x38;
	[tilespmem:$0x1B1C0] =	vst v63  }
0x182: {  	s0 =	simm.s32 @!p0 $0x2  }
0x183: {  	_ =	swait.ge @!p0 [sflag:s0], $0x400  }
0x184: {  	[sflag:s0] =	ssyncset.done @!p0 $0x0  }
0x185: {  	[sflag:s0] =	ssyncadd.s32 @!p0 $0xFFFFFC00  }
0x186: {  	s1 =	simm.s32 $0x0;
	s0 =	simm.s32 $0x0;
	[bflag:$0x0] =	sbarrier.arrive $0xFFFF  }
.LBB2_12:
0x187: {  	s6 =	smul.u32 $0x50, s1;
	_ =	sdelay $0x1  }
0x188: {  	s6 =	sadd.s32 s20, s6  }
0x189: {  	s7 =	sshrl.u32 s6, $0x3  }
0x18a: {  	s8 =	sadd.s32 s5, s7  }
0x18b: {  	[tilespmem:s0], [sflag:$0x2] =	stream.linear.gather [hbm4b:s8+s0], $0x50, $0x38;
	[tilespmem:$0x1B1C0] =	vst v63  }
0x18c: {  	_ =	swait.ge [sflag:s29], $0x50  }
0x18d: {  	[sflag:s29] =	ssyncset.done $0x0  }
0x18e: {  	s7 =	sadd.s32 s16, s7;
	[sflag:s29] =	ssyncadd.s32 $0xFFFFFFB0  }
0x18f: {  	[tilespmem:s30], [sflag:$0x2] =	stream.linear.gather [hbm4b:s7+s0], $0x50, $0x38;
	[tilespmem:$0x1B1C0] =	vst v63  }
0x190: {  	_ =	swait.ge [sflag:s29], $0x50  }
0x191: {  	[sflag:s29] =	ssyncset.done $0x0  }
0x192: {  	[sflag:s29] =	ssyncadd.s32 $0xFFFFFFB0  }
0x193: {  	v5 =	vld [tilespmem:$0x80]  }
0x194: {  	v6 =	vld [tilespmem:$0x90]  }
0x195: {  	v7 =	vld [tilespmem:$0xA0]  }
0x196: {  	v8 =	vld [tilespmem:$0xB0]  }
0x197: {  	v9 =	vld [tilespmem:$0xC0]  }
0x198: {  	v5 =	vsub.s32 v5, v0  }
0x199: {  	v6 =	vsub.s32 v6, v0;
	v5 =	vmin.u32 v5, $0x1400  }
0x19a: {  	[tilespmem:$0x100] =	vst v5;
	v5 =	vmin.u32 v6, $0x1400;
	v6 =	vsub.s32 v7, v0  }
0x19b: {  	s6 =	sshll.u32 s6, $0x7;
	[tilespmem:$0x110] =	vst v5;
	v5 =	vmin.u32 v6, $0x1400;
	v6 =	vsub.s32 v8, v0  }
0x19c: {  	s6 =	sadd.s32 s24, s6;
	[tilespmem:$0x120] =	vst v5;
	v5 =	vmin.u32 v6, $0x1400;
	v6 =	vsub.s32 v9, v0  }
0x19d: {  	s6 =	sshrl.u32 s6, $0x3;
	[tilespmem:$0x130] =	vst v5;
	v5 =	vmin.u32 v6, $0x1400  }
0x19e: {  	s6 =	sadd.s32 s17, s6;
	[tilespmem:$0x140] =	vst v5  }
0x19f: {  	[tilespmem:s18], [sflag:$0x2] =	stream.linear.gather [hbm4b:s6+s0], $0x2800, $0x38;
	[tilespmem:$0x1B1C0] =	vst v63  }
0x1a0: {  	_ =	swait.ge [sflag:s29], $0x2800  }
0x1a1: {  	[sflag:s29] =	ssyncset.done $0x0  }
0x1a2: {  	s6 =	simm.s32 $0x0;
	[sflag:s29] =	ssyncadd.s32 $0xFFFFD800  }
0x1a3: {  	s7 =	simm.s32 $0x200;
	v5 =	vld [tilespmem:s6+$0xC980]  }
.LBB2_13:
0x1a4: {  	p1 =	sne.s32 s7, $0x9E00  }
.Ltmp5:
0x1a5: {  	_ = 	snop;
	(pc) =	sbr.rel @p1 .LBB2_13-.Ltmp5, $3  }
0x1a6: {  	_ =	sdelay $0x1  }
0x1a7: {  	[tilespmem:s6+$0xA180] =	vst v5;
	s6 =	sshra.s32 s7, $0x2;
	s7 =	sadd.s32 $0x200, s7  }
0x1a8: {  	v5 =	vld [tilespmem:s6+$0xC980]  }
0x1a9: {  	_ =	sdelay $0x1  }
0x1aa: {  	s1 =	sadd.s32 $0x1, s1  }
0x1ab: {  	p1 =	sne.s32 s1, $0xFA  }
.Ltmp6:
0x1ac: {  	[tilespmem:s6+$0xA180] =	vst v5;
	(pc) =	sbr.rel @p1 .LBB2_12-.Ltmp6, $4  }
0x1ad: {  	[spmem:s2] =	stream.indirect.scatter.add.f32 [tilespmem:s19], [sflag:$0x2], $0x80, s25, s15, $0xb8;
	[tilespmem:$0x1B1C0] =	vst v63  }
0x1ae: {  	_ =	swait.ge [sflag:s29], $0x2800  }
0x1af: {  	[sflag:s29] =	ssyncset.done $0x0  }
0x1b0: {  	[sflag:s29] =	ssyncadd.s32 $0xFFFFD800  }
0x1b1: {  	[bflag:$0x0] =	sbarrier.arrive $0xFFFF  }
0x1b2: {  	[tilespmem:s28], [sflag:$0x2] =	stream.linear.gather [spmem:s10], $0x2000, $0x38;
	[tilespmem:$0x1B1C0] =	vst v63  }
0x1b3: {  	_ =	swait.ge [sflag:s29], $0x2000  }
0x1b4: {  	[sflag:s29] =	ssyncset.done $0x0  }
0x1b5: {  	s0 =	rddreg [dreg:$0x9];
	[sflag:s29] =	ssyncadd.s32 $0xFFFFE000  }
0x1b6: {  	[hbm4b:s0+s3] =	stream.linear.scatter [tilespmem:s28], [sflag:$0x2], $0x2000, $0x38;
	[tilespmem:$0x1B1C0] =	vst v63  }
0x1b7: {  	_ =	swait.ge [sflag:s29], $0x2000  }
0x1b8: {  	[sflag:s29] =	ssyncset.done $0x0  }
0x1b9: {  	[sflag:s29] =	ssyncadd.s32 $0xFFFFE000  }
0x1ba: {  	[tilespmem:s28], [sflag:$0x2] =	stream.linear.gather [spmem:s11], $0x2000, $0x38;
	[tilespmem:$0x1B1C0] =	vst v63  }
0x1bb: {  	_ =	swait.ge [sflag:s29], $0x2000  }
0x1bc: {  	[sflag:s29] =	ssyncset.done $0x0  }
0x1bd: {  	s1 =	rddreg [dreg:$0xa];
	[sflag:s29] =	ssyncadd.s32 $0xFFFFE000  }
0x1be: {  	[hbm4b:s1+s3] =	stream.linear.scatter [tilespmem:s28], [sflag:$0x2], $0x2000, $0x38;
	[tilespmem:$0x1B1C0] =	vst v63  }
0x1bf: {  	_ =	swait.ge [sflag:s29], $0x2000  }
0x1c0: {  	[sflag:s29] =	ssyncset.done $0x0  }
0x1c1: {  	[sflag:s29] =	ssyncadd.s32 $0xFFFFE000  }
0x1c2: {  	[tilespmem:s28], [sflag:$0x2] =	stream.linear.gather [spmem:s21], $0x2000, $0x38;
	[tilespmem:$0x1B1C0] =	vst v63  }
0x1c3: {  	_ =	swait.ge [sflag:s29], $0x2000  }
0x1c4: {  	[sflag:s29] =	ssyncset.done $0x0  }
0x1c5: {  	s6 =	rddreg [dreg:$0xb];
	[sflag:s29] =	ssyncadd.s32 $0xFFFFE000  }
0x1c6: {  	[hbm4b:s6+s3] =	stream.linear.scatter [tilespmem:s28], [sflag:$0x2], $0x2000, $0x38;
	[tilespmem:$0x1B1C0] =	vst v63  }
0x1c7: {  	_ =	swait.ge [sflag:s29], $0x2000  }
0x1c8: {  	[sflag:s29] =	ssyncset.done $0x0  }
0x1c9: {  	[sflag:s29] =	ssyncadd.s32 $0xFFFFE000  }
0x1ca: {  	[tilespmem:s28], [sflag:$0x2] =	stream.linear.gather [spmem:s22], $0x2000, $0x38;
	[tilespmem:$0x1B1C0] =	vst v63  }
0x1cb: {  	_ =	swait.ge [sflag:s29], $0x2000  }
0x1cc: {  	[sflag:s29] =	ssyncset.done $0x0  }
0x1cd: {  	s7 =	rddreg [dreg:$0xc];
	[sflag:s29] =	ssyncadd.s32 $0xFFFFE000  }
0x1ce: {  	[hbm4b:s7+s3] =	stream.linear.scatter [tilespmem:s28], [sflag:$0x2], $0x2000, $0x38;
	[tilespmem:$0x1B1C0] =	vst v63  }
0x1cf: {  	_ =	swait.ge [sflag:s29], $0x2000  }
0x1d0: {  	[sflag:s29] =	ssyncset.done $0x0  }
0x1d1: {  	[sflag:s29] =	ssyncadd.s32 $0xFFFFE000  }
0x1d2: {  	[tilespmem:s28], [sflag:$0x2] =	stream.linear.gather [spmem:s9], $0x2000, $0x38;
	[tilespmem:$0x1B1C0] =	vst v63  }
0x1d3: {  	_ =	swait.ge [sflag:s29], $0x2000  }
0x1d4: {  	[sflag:s29] =	ssyncset.done $0x0  }
0x1d5: {  	s8 =	rddreg [dreg:$0xd];
	[sflag:s29] =	ssyncadd.s32 $0xFFFFE000  }
0x1d6: {  	[hbm4b:s8+s3] =	stream.linear.scatter [tilespmem:s28], [sflag:$0x2], $0x2000, $0x38;
	[tilespmem:$0x1B1C0] =	vst v63  }
0x1d7: {  	_ =	swait.ge [sflag:s29], $0x2000  }
0x1d8: {  	s1 =	rddreg [dreg:$0x15]  }
0x1d9: {  	s31 =	rddreg [dreg:$0x13];
	s1 =	sadd.s32 $0x1, s1  }
0x1da: {  	p1 =	sne.s32 s1, s31  }
.Ltmp7:
0x1db: {  	_ = 	snop;
	(pc) =	sbr.rel @p1 .LBB2_1-.Ltmp7, $3  }
0x1dc: {  	_ =	sdelay $0x1  }
0x1dd: {  	[sflag:s29] =	ssyncset.done $0x0  }
0x1de: {  	[sflag:s29] =	ssyncadd.s32 $0xFFFFE000  }
0x1df: {  	_ =	sfence.sel $0x180000  }
0x1e0: {  	[bflag:$0x0] =	sbarrier.arrive $0xFFFF  }
0x1e1: {  	_ =	strace $0x90000047  }
0x1e2: {  	[bflag:$0x2] =	sbarrier.arrive $0xFFFF  }
0x1e3: {  	s0 =	rddreg [dreg:$0x3]  }
0x1e4: {  	s0 =	sadd.s32 @!p0 $0x100000, s0  }
0x1e5: {  	[sflag:s0] =	ssyncadd.tile.s32 @!p0 $0x1;
	_ =	shalt  }
.Lfunc_end2:
_tile_overlayer_lowered:
.L_overlay_start_2:
0x1e6: {  	(tag) =	ssettag $0x2  }
0x1e7: {  	s0 =	rddreg [dreg:$0x0];
	s2 =	stileid.u32  }
0x1e8: {  	s1 =	rddreg [dreg:$0x1];
	p0 =	sne.s32 s2, $0x0  }
0x1e9: {  	s3 =	rddreg [dreg:$0x2];
	[bflag:$0x3] =	sbarrier.arrive $0xFFFF;
	s2 =	simm.s32 @!p0 $0x1C02  }
0x1ea: {  	[timem:s3], [sflag:s2] =	dma.local @!p0 [hbm:s0], s1  }
0x1eb: {  	s0 =	simm.s32 @!p0 $0x2  }
0x1ec: {  	_ =	swait.ge @!p0 [sflag:s0], s1  }
0x1ed: {  	s1 =	ssub.s32 @!p0 $0x0, s1;
	[sflag:s0] =	ssyncset.done @!p0 $0x0  }
0x1ee: {  	[sflag:s0] =	ssyncadd.s32 @!p0 s1  }
0x1ef: {  	[bflag:$0x3] =	sbarrier.arrive $0xFFFF  }
0x1f0: {  	_ =	shalt  }

</sc_bundles>
